<compile_context>
chip_gen: v7x
topology: tpu7x:2x2x1
jax: 0.10.2.dev20260603
libtpu: 0.0.44.dev20260713+nightly
codegen_flags: <defaults>
</compile_context>

<pallas_src>
import jax
import jax.numpy as jnp
from jax import lax
from jax.experimental import pallas as pl
from jax.experimental.pallas import tpu as pltpu
from jax.experimental.pallas import tpu_sc as plsc

N = 50000
E = 800000
D = 64
H = 32
NP = 50176
EC = E // 16
K = 512
B = 2048
NBLK = EC // B
REM = EC - NBLK * B
TAIL = REM - K
PAD_CNT = float(16 * (K - TAIL))
ROWS_PER_TILE = NP // 16
ZCOL = 392


def _proj_body(x_ref, bd0_ref, bd1_ref, y_ref):
    x = x_ref[...]
    y_ref[0] = jnp.dot(x, bd0_ref[...], preferred_element_type=jnp.float32)
    y_ref[1] = jnp.dot(x, bd1_ref[...], preferred_element_type=jnp.float32)


def _project(xp, bd0, bd1):
    return pl.pallas_call(
        _proj_body,
        grid=(NP // 1024,),
        in_specs=[
            pl.BlockSpec((256, 4 * D), lambda i: (i, 0)),
            pl.BlockSpec((4 * D, 128), lambda i: (0, 0)),
            pl.BlockSpec((4 * D, 128), lambda i: (0, 0)),
        ],
        out_specs=pl.BlockSpec((2, 256, 128), lambda i: (0, i, 0)),
        out_shape=jax.ShapeDtypeStruct((2, NP * H // 128, 128), jnp.float32),
    )(xp, bd0, bd1)


def _sc_body(y_hbm, edge_hbm, b1_hbm, s_hbm,
             acc, histsp, srcbuf, dstbuf, msg, ones, degbuf, b1buf,
             semg, sems):
    c = lax.axis_index("c")
    s = lax.axis_index("s")
    z16 = jnp.zeros((16,), jnp.float32)
    one16 = jnp.full((16,), 1.0, jnp.float32)

    for k in range(8):
        ones[pl.ds(k * 16, 16)] = one16

    def zero_deg(r, _):
        degbuf[pl.ds(r * 16, 16)] = z16
        return _
    lax.fori_loop(0, ROWS_PER_TILE // 16, zero_deg, None)

    def zero_msg(r, _):
        msg[r, pl.ds(0, 16)] = z16
        msg[r, pl.ds(16, 16)] = z16
        return _
    lax.fori_loop(0, K, zero_msg, None)

    for k in range(6):
        pltpu.sync_copy(msg, acc.at[pl.ds(s * ROWS_PER_TILE + k * K, K)])
    pltpu.sync_copy(msg.at[pl.ds(0, ROWS_PER_TILE - 6 * K)],
                    acc.at[pl.ds(s * ROWS_PER_TILE + 6 * K,
                                 ROWS_PER_TILE - 6 * K)])
    pltpu.sync_copy(degbuf, histsp.at[pl.ds(s * ROWS_PER_TILE, ROWS_PER_TILE)])
    plsc.subcore_barrier()

    ebase = s * EC
    CK = 256
    UPB = B // CK

    def issue_gathers(u):
        slot = u % 2
        return [pltpu.async_copy(
                    y_hbm.at[c].at[srcbuf.at[pl.ds(u * CK + j * 128, 128)]],
                    msg.at[pl.ds(slot * CK + j * 128, 128)], semg[slot])
                for j in range(2)]

    def issue_scatters(u):
        slot = u % 2
        return [pltpu.async_copy(
                    msg.at[pl.ds(slot * CK + j * 128, 128)],
                    acc.at[dstbuf.at[pl.ds(u * CK + j * 128, 128)]],
                    sems[slot], add=True)
                for j in range(2)]

    def do_hist(u):
        for j in range(2):
            pltpu.sync_copy(
                ones, histsp.at[srcbuf.at[pl.ds(u * CK + j * 128, 128)]],
                add=True)

    def block(b, _):
        off = ebase + b * B
        pltpu.sync_copy(edge_hbm.at[0, pl.ds(off, B)], srcbuf)
        pltpu.sync_copy(edge_hbm.at[1, pl.ds(off, B)], dstbuf)
        g_cps = issue_gathers(0)
        s_cps = [None, None]
        for u in range(UPB):
            if u + 1 < UPB:
                if s_cps[(u + 1) % 2] is not None:
                    for cp in s_cps[(u + 1) % 2]:
                        cp.wait()
                ng = issue_gathers(u + 1)
            for cp in g_cps:
                cp.wait()
            s_cps[u % 2] = issue_scatters(u)
            do_hist(u)
            if u + 1 < UPB:
                g_cps = ng
        for slot in range(2):
            for cp in s_cps[slot]:
                cp.wait()
        return _
    lax.fori_loop(0, NBLK, block, None)

    def fill_tail(r, _):
        srcbuf[pl.ds(REM + r * 16, 16)] = jnp.zeros((16,), jnp.int32)
        dstbuf[pl.ds(REM + r * 16, 16)] = jnp.full((16,), N, jnp.int32)
        return _
    lax.fori_loop(0, (4 * CK - REM) // 16, fill_tail, None)
    roff = ebase + NBLK * B
    pltpu.sync_copy(edge_hbm.at[0, pl.ds(roff, REM)], srcbuf.at[pl.ds(0, REM)])
    pltpu.sync_copy(edge_hbm.at[1, pl.ds(roff, REM)], dstbuf.at[pl.ds(0, REM)])
    for u in range(4):
        for cp in issue_gathers(u):
            cp.wait()
        for cp in issue_scatters(u):
            cp.wait()
        do_hist(u)

    plsc.subcore_barrier()

    pltpu.sync_copy(histsp.at[pl.ds(s * ROWS_PER_TILE, ROWS_PER_TILE)], degbuf)
    pltpu.sync_copy(b1_hbm.at[c], b1buf)

    @pl.when(s == 0)
    def _():
        v = degbuf[pl.ds(0, 16)]
        lane = lax.iota(jnp.int32, 16)
        degbuf[pl.ds(0, 16)] = v - jnp.where(lane == 0, PAD_CNT, 0.0)

    b1lo = b1buf[pl.ds(0, 16)]
    b1hi = b1buf[pl.ds(16, 16)]
    nrows = jnp.minimum(ROWS_PER_TILE, N - s * ROWS_PER_TILE)

    def weigh_rows(carry_chunk):
        k, nch = carry_chunk
        rcount = jnp.clip(nrows - k * 512, 0, nch)

        def row(r, sacc):
            a0, a1 = sacc
            dj = plsc.load_gather(degbuf, [jnp.full((16,), k * 512 + r,
                                                    jnp.int32)])
            m0 = msg[r, pl.ds(0, 16)]
            m1 = msg[r, pl.ds(16, 16)]
            a0 = a0 + dj * jnp.maximum(m0 + b1lo, 0.0)
            a1 = a1 + dj * jnp.maximum(m1 + b1hi, 0.0)
            return (a0, a1)
        return rcount, row

    acc0 = jnp.zeros((16,), jnp.float32)
    acc1 = jnp.zeros((16,), jnp.float32)
    for k in range(7):
        nch = 512 if k < 6 else 64
        pltpu.sync_copy(acc.at[pl.ds(s * ROWS_PER_TILE + k * 512, nch)],
                        msg.at[pl.ds(0, nch)])
        rcount, row = weigh_rows((k, nch))
        acc0, acc1 = lax.fori_loop(0, rcount, row, (acc0, acc1))

    ones[pl.ds(0, 16)] = acc0
    ones[pl.ds(16, 16)] = acc1
    pltpu.sync_copy(ones.at[pl.ds(0, 32)], s_hbm.at[c, s])


def _sc_aggregate(y, edge_index, b1):
    mesh = plsc.VectorSubcoreMesh(core_axis_name="c", subcore_axis_name="s")
    fn = pl.kernel(
        _sc_body,
        out_type=jax.ShapeDtypeStruct((2, 16, H), jnp.float32),
        mesh=mesh,
        compiler_params=pltpu.CompilerParams(
            needs_layout_passes=False, use_tc_tiling_on_sc=False),
        scratch_types=[
            pltpu.VMEM_SHARED((NP, H), jnp.float32),
            pltpu.VMEM_SHARED((NP,), jnp.float32),
            pltpu.VMEM((B,), jnp.int32),
            pltpu.VMEM((B,), jnp.int32),
            pltpu.VMEM((K, H), jnp.float32),
            pltpu.VMEM((128,), jnp.float32),
            pltpu.VMEM((ROWS_PER_TILE,), jnp.float32),
            pltpu.VMEM((H,), jnp.float32),
            [pltpu.SemaphoreType.DMA] * 2,
            [pltpu.SemaphoreType.DMA] * 2,
        ],
    )
    return fn(y, edge_index, b1)


def _finish_body(s_ref, w2a_ref, w2b_ref, b2_ref, out_ref):
    s0 = jnp.sum(s_ref[0], axis=0, keepdims=True)
    s1 = jnp.sum(s_ref[1], axis=0, keepdims=True)
    out = (jnp.dot(s0, w2a_ref[...], preferred_element_type=jnp.float32)
           + jnp.dot(s1, w2b_ref[...], preferred_element_type=jnp.float32))
    out_ref[...] = out * (1.0 / N) + b2_ref[...]


def _finish(sp, w2a, w2b, b2):
    return pl.pallas_call(
        _finish_body,
        out_shape=jax.ShapeDtypeStruct((1, D), jnp.float32),
    )(sp, w2a, w2b, b2)


@jax.jit
def kernel(feats, edge_index, W1, b1, W2, b2):
    xp = feats.reshape(N // 4, 4 * D)
    z = jnp.zeros((4 * D, 128), jnp.float32)
    bd0 = z
    bd1 = z
    for k in range(4):
        bd0 = bd0.at[k * D:(k + 1) * D, k * H:(k + 1) * H].set(W1[:, :H])
        bd1 = bd1.at[k * D:(k + 1) * D, k * H:(k + 1) * H].set(W1[:, H:])
    y = _project(xp, bd0, bd1).reshape(2, NP, H)
    sp = _sc_aggregate(y, edge_index, b1.reshape(2, H))
    return _finish(sp, W2[:H, :], W2[H:, :], b2.reshape(1, D))

# --- scband reference (transcript-rebuilt; emitter-appended) ---
"""Pipeline reference for scband-unsupervised-gcn-11398843204159 (READ-ONLY COPY).

The authoritative reference and input builder live on the scoring server;
editing this copy changes nothing except your own understanding.
"""

import jax, jax.numpy as jnp
import numpy as np

N_NODES = 50000
N_EDGES = 800000
D = 64


def setup_inputs(seed: int = 0) -> dict:
    key = jax.random.key(seed)
    k1, k2, k3, k4, k5, k6 = jax.random.split(key, 6)
    feats = jax.random.normal(k1, (N_NODES, D), dtype=jnp.float32)
    edge_index = jax.random.randint(k2, (2, N_EDGES), 0, N_NODES, dtype=jnp.int32)
    # GraphConv (norm='none') weights for 2 GCN layers, hidden_size=64
    W1 = jax.random.normal(k3, (D, D), dtype=jnp.float32) * 0.1
    b1 = jnp.zeros((D,), dtype=jnp.float32)
    W2 = jax.random.normal(k4, (D, D), dtype=jnp.float32) * 0.1
    b2 = jnp.zeros((D,), dtype=jnp.float32)
    return {"feats": feats, "edge_index": edge_index, "W1": W1, "b1": b1, "W2": W2, "b2": b2}


def reference(feats, edge_index, W1, b1, W2, b2):
    # UnsupervisedGCN with num_layer=2, readout='avg', residual=False, batchnorm=False, dropout=0
    # GraphConv(norm='none'): h = segment_sum_over_dst((X @ W)[src]) + b, then activation
    src = edge_index[0]
    dst = edge_index[1]

    def gcn_layer(x, W, b, use_act):
        h = x @ W                      # project first (in_feats == out_feats)
        msg = jnp.take(h, src, axis=0) # gather source-node messages
        agg = jax.ops.segment_sum(msg, dst, num_segments=N_NODES)  # scatter-add to dst
        out = agg + b
        if use_act:
            out = jax.nn.relu(out)
        return out

    h = gcn_layer(feats, W1, b1, True)   # layer 1: activation=relu
    h = gcn_layer(h, W2, b2, False)      # layer 2: activation=None (last layer)
    # AvgPooling readout over the (single batched) graph -> [1, D]
    out = jnp.mean(h, axis=0, keepdims=True)
    return out

if __name__ == "__main__":
    import jax
    _d = setup_inputs()
    print(jax.jit(kernel)(*tuple(_d.values())))

</pallas_src>

<mosaic_0001>
#map = affine_map<(d0, d1) -> (0, 0, 0)>
#map1 = affine_map<(d0, d1) -> (0, 0)>
module attributes {stable_mosaic.version = 14 : i64} {
  func.func @_sc_body(%arg0: i32, %arg1: i32, %arg2: memref<2x50176x32xf32, #tpu.memory_space<hbm>>, %arg3: memref<2x800000xi32, #tpu.memory_space<hbm>>, %arg4: memref<2x32xf32, #tpu.memory_space<hbm>>, %arg5: memref<2x16x32xf32, #tpu.memory_space<hbm>>, %arg6: memref<50176x32xf32, #tpu.memory_space<vmem_shared>>, %arg7: memref<50176xf32, #tpu.memory_space<vmem_shared>>, %arg8: memref<2048xi32, #tpu.memory_space<vmem>>, %arg9: memref<2048xi32, #tpu.memory_space<vmem>>, %arg10: memref<512x32xf32, #tpu.memory_space<vmem>>, %arg11: memref<128xf32, #tpu.memory_space<vmem>>, %arg12: memref<3136xf32, #tpu.memory_space<vmem>>, %arg13: memref<32xf32, #tpu.memory_space<vmem>>, %arg14: memref<!tpu.dma_semaphore, #tpu.memory_space<semaphore_mem>>, %arg15: memref<!tpu.dma_semaphore, #tpu.memory_space<semaphore_mem>>, %arg16: memref<!tpu.dma_semaphore, #tpu.memory_space<semaphore_mem>>, %arg17: memref<!tpu.dma_semaphore, #tpu.memory_space<semaphore_mem>>) attributes {dimension_semantics = [#tpu.dimension_semantics<core_parallel>, #tpu.dimension_semantics<subcore_parallel>], iteration_bounds = array<i64: 2, 16>, scalar_prefetch = 0 : i64, scratch_operands = 12 : i64, tpu.core_type = #tpu.core_type<sc_vector_subcore>, window_params = [{transform_indices = #map}, {transform_indices = #map1}, {transform_indices = #map1}, {transform_indices = #map}]} {
    %broadcast_in_dim3A = arith.constant 0.000000e+00 : f32
    %broadcast_in_dim3A_0 = vector.broadcast %broadcast_in_dim3A : f32 to vector<16xf32>
    %broadcast_in_dim3A_1 = arith.constant 1.000000e+00 : f32
    %broadcast_in_dim3A_2 = vector.broadcast %broadcast_in_dim3A_1 : f32 to vector<16xf32>
    %swap3A = arith.constant 0 : index
    %swap3A_3 = tpu.vector_load %arg11[%swap3A] {strides = array<i32>} : memref<128xf32, #tpu.memory_space<vmem>>, vector<16xf32>,
    tpu.vector_store %arg11[%swap3A], %broadcast_in_dim3A_2 {strides = array<i32>} : memref<128xf32, #tpu.memory_space<vmem>>, vector<16xf32>,
    %swap3A_4 = arith.constant 16 : index
    %swap3A_5 = tpu.vector_load %arg11[%swap3A_4] {strides = array<i32>} : memref<128xf32, #tpu.memory_space<vmem>>, vector<16xf32>,
    tpu.vector_store %arg11[%swap3A_4], %broadcast_in_dim3A_2 {strides = array<i32>} : memref<128xf32, #tpu.memory_space<vmem>>, vector<16xf32>,
    %swap3A_6 = arith.constant 32 : index
    %swap3A_7 = tpu.vector_load %arg11[%swap3A_6] {strides = array<i32>} : memref<128xf32, #tpu.memory_space<vmem>>, vector<16xf32>,
    tpu.vector_store %arg11[%swap3A_6], %broadcast_in_dim3A_2 {strides = array<i32>} : memref<128xf32, #tpu.memory_space<vmem>>, vector<16xf32>,
    %swap3A_8 = arith.constant 48 : index
    %swap3A_9 = tpu.vector_load %arg11[%swap3A_8] {strides = array<i32>} : memref<128xf32, #tpu.memory_space<vmem>>, vector<16xf32>,
    tpu.vector_store %arg11[%swap3A_8], %broadcast_in_dim3A_2 {strides = array<i32>} : memref<128xf32, #tpu.memory_space<vmem>>, vector<16xf32>,
    %swap3A_10 = arith.constant 64 : index
    %swap3A_11 = tpu.vector_load %arg11[%swap3A_10] {strides = array<i32>} : memref<128xf32, #tpu.memory_space<vmem>>, vector<16xf32>,
    tpu.vector_store %arg11[%swap3A_10], %broadcast_in_dim3A_2 {strides = array<i32>} : memref<128xf32, #tpu.memory_space<vmem>>, vector<16xf32>,
    %swap3A_12 = arith.constant 80 : index
    %swap3A_13 = tpu.vector_load %arg11[%swap3A_12] {strides = array<i32>} : memref<128xf32, #tpu.memory_space<vmem>>, vector<16xf32>,
    tpu.vector_store %arg11[%swap3A_12], %broadcast_in_dim3A_2 {strides = array<i32>} : memref<128xf32, #tpu.memory_space<vmem>>, vector<16xf32>,
    %swap3A_14 = arith.constant 96 : index
    %swap3A_15 = tpu.vector_load %arg11[%swap3A_14] {strides = array<i32>} : memref<128xf32, #tpu.memory_space<vmem>>, vector<16xf32>,
    tpu.vector_store %arg11[%swap3A_14], %broadcast_in_dim3A_2 {strides = array<i32>} : memref<128xf32, #tpu.memory_space<vmem>>, vector<16xf32>,
    %swap3A_16 = arith.constant 112 : index
    %swap3A_17 = tpu.vector_load %arg11[%swap3A_16] {strides = array<i32>} : memref<128xf32, #tpu.memory_space<vmem>>, vector<16xf32>,
    tpu.vector_store %arg11[%swap3A_16], %broadcast_in_dim3A_2 {strides = array<i32>} : memref<128xf32, #tpu.memory_space<vmem>>, vector<16xf32>,
    %scan3A = arith.constant 0 : i32
    %scan3A_18 = arith.constant 196 : i32
    %scan3A_19 = arith.addi %scan3A, %scan3A_18 : i32
    %scan3A_20 = arith.constant 1 : i32
    scf.for %scan3A_552 = %scan3A to %scan3A_19 step %scan3A_20  : i32 {
      %mul3A_553 = arith.constant 16 : i32
      %mul3A_554 = arith.muli %scan3A_552, %mul3A_553 : i32
      %swap3A_555 = arith.index_cast %mul3A_554 : i32 to index
      %swap3A_556 = tpu.vector_load %arg12[%swap3A_555] {strides = array<i32>} : memref<3136xf32, #tpu.memory_space<vmem>>, vector<16xf32>,
      tpu.vector_store %arg12[%swap3A_555], %broadcast_in_dim3A_0 {strides = array<i32>} : memref<3136xf32, #tpu.memory_space<vmem>>, vector<16xf32>,
    }
    %scan3A_21 = arith.constant 196 : i32
    %scan3A_22 = arith.constant 0 : i32
    %scan3A_23 = arith.constant 512 : i32
    %scan3A_24 = arith.addi %scan3A_22, %scan3A_23 : i32
    %scan3A_25 = arith.constant 1 : i32
    scf.for %scan3A_552 = %scan3A_22 to %scan3A_24 step %scan3A_25  : i32 {
      %swap3A_553 = arith.index_cast %scan3A_552 : i32 to index
      %swap3A_554 = arith.constant 0 : index
      %swap3A_555 = tpu.vector_load %arg10[%swap3A_553, %swap3A_554] {strides = array<i32>} : memref<512x32xf32, #tpu.memory_space<vmem>>, vector<16xf32>,
      tpu.vector_store %arg10[%swap3A_553, %swap3A_554], %broadcast_in_dim3A_0 {strides = array<i32>} : memref<512x32xf32, #tpu.memory_space<vmem>>, vector<16xf32>,
      %swap3A_556 = arith.index_cast %scan3A_552 : i32 to index
      %swap3A_557 = arith.constant 16 : index
      %swap3A_558 = tpu.vector_load %arg10[%swap3A_556, %swap3A_557] {strides = array<i32>} : memref<512x32xf32, #tpu.memory_space<vmem>>, vector<16xf32>,
      tpu.vector_store %arg10[%swap3A_556, %swap3A_557], %broadcast_in_dim3A_0 {strides = array<i32>} : memref<512x32xf32, #tpu.memory_space<vmem>>, vector<16xf32>,
    }
    %scan3A_26 = arith.constant 512 : i32
    %mul3A = arith.constant 3136 : i32
    %mul3A_27 = arith.muli %arg1, %mul3A : i32
    %add3A = arith.constant 0 : i32
    %add3A_28 = arith.addi %mul3A_27, %add3A : i32
    "tpu.region"() ({
      %run_scoped3A_552 = tpu.sem_alloc : memref<!tpu.dma_semaphore, #tpu.memory_space<semaphore_mem>>
      %dma_start3A_553 = arith.constant 0 : i32
      %dma_start3A_554 = tpu.memref_slice %arg6[%add3A_28, %dma_start3A_553] : memref<50176x32xf32, #tpu.memory_space<vmem_shared>> -> memref<512x32xf32, #tpu.memory_space<vmem_shared>>
      %dma_start3A_555 = arith.constant 0 : i32
      %dma_start3A_556 = tpu.memref_slice %arg6[%add3A_28, %dma_start3A_555] : memref<50176x32xf32, #tpu.memory_space<vmem_shared>> -> memref<512x32xf32, #tpu.memory_space<vmem_shared>>
      tpu.enqueue_dma source(%arg10 : memref<512x32xf32, #tpu.memory_space<vmem>>) target(%dma_start3A_556 : memref<512x32xf32, #tpu.memory_space<vmem_shared>>) target_semaphore(%run_scoped3A_552 : memref<!tpu.dma_semaphore, #tpu.memory_space<semaphore_mem>>)
      %dma_wait3A_557 = arith.constant 0 : i32
      %dma_wait3A_558 = tpu.memref_slice %arg6[%add3A_28, %dma_wait3A_557] : memref<50176x32xf32, #tpu.memory_space<vmem_shared>> -> memref<512x32xf32, #tpu.memory_space<vmem_shared>>
      %dma_wait3A_559 = arith.constant 0 : i32
      %dma_wait3A_560 = tpu.memref_slice %arg6[%add3A_28, %dma_wait3A_559] : memref<50176x32xf32, #tpu.memory_space<vmem_shared>> -> memref<512x32xf32, #tpu.memory_space<vmem_shared>>
      tpu.wait_dma2 semaphore(%run_scoped3A_552 : memref<!tpu.dma_semaphore, #tpu.memory_space<semaphore_mem>>) src(%arg10 : memref<512x32xf32, #tpu.memory_space<vmem>>) dst(%dma_wait3A_560 : memref<512x32xf32, #tpu.memory_space<vmem_shared>>)
      tpu.yield
    }) : () -> ()
    %mul3A_29 = arith.constant 3136 : i32
    %mul3A_30 = arith.muli %arg1, %mul3A_29 : i32
    %add3A_31 = arith.constant 512 : i32
    %add3A_32 = arith.addi %mul3A_30, %add3A_31 : i32
    "tpu.region"() ({
      %run_scoped3A_552 = tpu.sem_alloc : memref<!tpu.dma_semaphore, #tpu.memory_space<semaphore_mem>>
      %dma_start3A_553 = arith.constant 0 : i32
      %dma_start3A_554 = tpu.memref_slice %arg6[%add3A_32, %dma_start3A_553] : memref<50176x32xf32, #tpu.memory_space<vmem_shared>> -> memref<512x32xf32, #tpu.memory_space<vmem_shared>>
      %dma_start3A_555 = arith.constant 0 : i32
      %dma_start3A_556 = tpu.memref_slice %arg6[%add3A_32, %dma_start3A_555] : memref<50176x32xf32, #tpu.memory_space<vmem_shared>> -> memref<512x32xf32, #tpu.memory_space<vmem_shared>>
      tpu.enqueue_dma source(%arg10 : memref<512x32xf32, #tpu.memory_space<vmem>>) target(%dma_start3A_556 : memref<512x32xf32, #tpu.memory_space<vmem_shared>>) target_semaphore(%run_scoped3A_552 : memref<!tpu.dma_semaphore, #tpu.memory_space<semaphore_mem>>)
      %dma_wait3A_557 = arith.constant 0 : i32
      %dma_wait3A_558 = tpu.memref_slice %arg6[%add3A_32, %dma_wait3A_557] : memref<50176x32xf32, #tpu.memory_space<vmem_shared>> -> memref<512x32xf32, #tpu.memory_space<vmem_shared>>
      %dma_wait3A_559 = arith.constant 0 : i32
      %dma_wait3A_560 = tpu.memref_slice %arg6[%add3A_32, %dma_wait3A_559] : memref<50176x32xf32, #tpu.memory_space<vmem_shared>> -> memref<512x32xf32, #tpu.memory_space<vmem_shared>>
      tpu.wait_dma2 semaphore(%run_scoped3A_552 : memref<!tpu.dma_semaphore, #tpu.memory_space<semaphore_mem>>) src(%arg10 : memref<512x32xf32, #tpu.memory_space<vmem>>) dst(%dma_wait3A_560 : memref<512x32xf32, #tpu.memory_space<vmem_shared>>)
      tpu.yield
    }) : () -> ()
    %mul3A_33 = arith.constant 3136 : i32
    %mul3A_34 = arith.muli %arg1, %mul3A_33 : i32
    %add3A_35 = arith.constant 1024 : i32
    %add3A_36 = arith.addi %mul3A_34, %add3A_35 : i32
    "tpu.region"() ({
      %run_scoped3A_552 = tpu.sem_alloc : memref<!tpu.dma_semaphore, #tpu.memory_space<semaphore_mem>>
      %dma_start3A_553 = arith.constant 0 : i32
      %dma_start3A_554 = tpu.memref_slice %arg6[%add3A_36, %dma_start3A_553] : memref<50176x32xf32, #tpu.memory_space<vmem_shared>> -> memref<512x32xf32, #tpu.memory_space<vmem_shared>>
      %dma_start3A_555 = arith.constant 0 : i32
      %dma_start3A_556 = tpu.memref_slice %arg6[%add3A_36, %dma_start3A_555] : memref<50176x32xf32, #tpu.memory_space<vmem_shared>> -> memref<512x32xf32, #tpu.memory_space<vmem_shared>>
      tpu.enqueue_dma source(%arg10 : memref<512x32xf32, #tpu.memory_space<vmem>>) target(%dma_start3A_556 : memref<512x32xf32, #tpu.memory_space<vmem_shared>>) target_semaphore(%run_scoped3A_552 : memref<!tpu.dma_semaphore, #tpu.memory_space<semaphore_mem>>)
      %dma_wait3A_557 = arith.constant 0 : i32
      %dma_wait3A_558 = tpu.memref_slice %arg6[%add3A_36, %dma_wait3A_557] : memref<50176x32xf32, #tpu.memory_space<vmem_shared>> -> memref<512x32xf32, #tpu.memory_space<vmem_shared>>
      %dma_wait3A_559 = arith.constant 0 : i32
      %dma_wait3A_560 = tpu.memref_slice %arg6[%add3A_36, %dma_wait3A_559] : memref<50176x32xf32, #tpu.memory_space<vmem_shared>> -> memref<512x32xf32, #tpu.memory_space<vmem_shared>>
      tpu.wait_dma2 semaphore(%run_scoped3A_552 : memref<!tpu.dma_semaphore, #tpu.memory_space<semaphore_mem>>) src(%arg10 : memref<512x32xf32, #tpu.memory_space<vmem>>) dst(%dma_wait3A_560 : memref<512x32xf32, #tpu.memory_space<vmem_shared>>)
      tpu.yield
    }) : () -> ()
    %mul3A_37 = arith.constant 3136 : i32
    %mul3A_38 = arith.muli %arg1, %mul3A_37 : i32
    %add3A_39 = arith.constant 1536 : i32
    %add3A_40 = arith.addi %mul3A_38, %add3A_39 : i32
    "tpu.region"() ({
      %run_scoped3A_552 = tpu.sem_alloc : memref<!tpu.dma_semaphore, #tpu.memory_space<semaphore_mem>>
      %dma_start3A_553 = arith.constant 0 : i32
      %dma_start3A_554 = tpu.memref_slice %arg6[%add3A_40, %dma_start3A_553] : memref<50176x32xf32, #tpu.memory_space<vmem_shared>> -> memref<512x32xf32, #tpu.memory_space<vmem_shared>>
      %dma_start3A_555 = arith.constant 0 : i32
      %dma_start3A_556 = tpu.memref_slice %arg6[%add3A_40, %dma_start3A_555] : memref<50176x32xf32, #tpu.memory_space<vmem_shared>> -> memref<512x32xf32, #tpu.memory_space<vmem_shared>>
      tpu.enqueue_dma source(%arg10 : memref<512x32xf32, #tpu.memory_space<vmem>>) target(%dma_start3A_556 : memref<512x32xf32, #tpu.memory_space<vmem_shared>>) target_semaphore(%run_scoped3A_552 : memref<!tpu.dma_semaphore, #tpu.memory_space<semaphore_mem>>)
      %dma_wait3A_557 = arith.constant 0 : i32
      %dma_wait3A_558 = tpu.memref_slice %arg6[%add3A_40, %dma_wait3A_557] : memref<50176x32xf32, #tpu.memory_space<vmem_shared>> -> memref<512x32xf32, #tpu.memory_space<vmem_shared>>
      %dma_wait3A_559 = arith.constant 0 : i32
      %dma_wait3A_560 = tpu.memref_slice %arg6[%add3A_40, %dma_wait3A_559] : memref<50176x32xf32, #tpu.memory_space<vmem_shared>> -> memref<512x32xf32, #tpu.memory_space<vmem_shared>>
      tpu.wait_dma2 semaphore(%run_scoped3A_552 : memref<!tpu.dma_semaphore, #tpu.memory_space<semaphore_mem>>) src(%arg10 : memref<512x32xf32, #tpu.memory_space<vmem>>) dst(%dma_wait3A_560 : memref<512x32xf32, #tpu.memory_space<vmem_shared>>)
      tpu.yield
    }) : () -> ()
    %mul3A_41 = arith.constant 3136 : i32
    %mul3A_42 = arith.muli %arg1, %mul3A_41 : i32
    %add3A_43 = arith.constant 2048 : i32
    %add3A_44 = arith.addi %mul3A_42, %add3A_43 : i32
    "tpu.region"() ({
      %run_scoped3A_552 = tpu.sem_alloc : memref<!tpu.dma_semaphore, #tpu.memory_space<semaphore_mem>>
      %dma_start3A_553 = arith.constant 0 : i32
      %dma_start3A_554 = tpu.memref_slice %arg6[%add3A_44, %dma_start3A_553] : memref<50176x32xf32, #tpu.memory_space<vmem_shared>> -> memref<512x32xf32, #tpu.memory_space<vmem_shared>>
      %dma_start3A_555 = arith.constant 0 : i32
      %dma_start3A_556 = tpu.memref_slice %arg6[%add3A_44, %dma_start3A_555] : memref<50176x32xf32, #tpu.memory_space<vmem_shared>> -> memref<512x32xf32, #tpu.memory_space<vmem_shared>>
      tpu.enqueue_dma source(%arg10 : memref<512x32xf32, #tpu.memory_space<vmem>>) target(%dma_start3A_556 : memref<512x32xf32, #tpu.memory_space<vmem_shared>>) target_semaphore(%run_scoped3A_552 : memref<!tpu.dma_semaphore, #tpu.memory_space<semaphore_mem>>)
      %dma_wait3A_557 = arith.constant 0 : i32
      %dma_wait3A_558 = tpu.memref_slice %arg6[%add3A_44, %dma_wait3A_557] : memref<50176x32xf32, #tpu.memory_space<vmem_shared>> -> memref<512x32xf32, #tpu.memory_space<vmem_shared>>
      %dma_wait3A_559 = arith.constant 0 : i32
      %dma_wait3A_560 = tpu.memref_slice %arg6[%add3A_44, %dma_wait3A_559] : memref<50176x32xf32, #tpu.memory_space<vmem_shared>> -> memref<512x32xf32, #tpu.memory_space<vmem_shared>>
      tpu.wait_dma2 semaphore(%run_scoped3A_552 : memref<!tpu.dma_semaphore, #tpu.memory_space<semaphore_mem>>) src(%arg10 : memref<512x32xf32, #tpu.memory_space<vmem>>) dst(%dma_wait3A_560 : memref<512x32xf32, #tpu.memory_space<vmem_shared>>)
      tpu.yield
    }) : () -> ()
    %mul3A_45 = arith.constant 3136 : i32
    %mul3A_46 = arith.muli %arg1, %mul3A_45 : i32
    %add3A_47 = arith.constant 2560 : i32
    %add3A_48 = arith.addi %mul3A_46, %add3A_47 : i32
    "tpu.region"() ({
      %run_scoped3A_552 = tpu.sem_alloc : memref<!tpu.dma_semaphore, #tpu.memory_space<semaphore_mem>>
      %dma_start3A_553 = arith.constant 0 : i32
      %dma_start3A_554 = tpu.memref_slice %arg6[%add3A_48, %dma_start3A_553] : memref<50176x32xf32, #tpu.memory_space<vmem_shared>> -> memref<512x32xf32, #tpu.memory_space<vmem_shared>>
      %dma_start3A_555 = arith.constant 0 : i32
      %dma_start3A_556 = tpu.memref_slice %arg6[%add3A_48, %dma_start3A_555] : memref<50176x32xf32, #tpu.memory_space<vmem_shared>> -> memref<512x32xf32, #tpu.memory_space<vmem_shared>>
      tpu.enqueue_dma source(%arg10 : memref<512x32xf32, #tpu.memory_space<vmem>>) target(%dma_start3A_556 : memref<512x32xf32, #tpu.memory_space<vmem_shared>>) target_semaphore(%run_scoped3A_552 : memref<!tpu.dma_semaphore, #tpu.memory_space<semaphore_mem>>)
      %dma_wait3A_557 = arith.constant 0 : i32
      %dma_wait3A_558 = tpu.memref_slice %arg6[%add3A_48, %dma_wait3A_557] : memref<50176x32xf32, #tpu.memory_space<vmem_shared>> -> memref<512x32xf32, #tpu.memory_space<vmem_shared>>
      %dma_wait3A_559 = arith.constant 0 : i32
      %dma_wait3A_560 = tpu.memref_slice %arg6[%add3A_48, %dma_wait3A_559] : memref<50176x32xf32, #tpu.memory_space<vmem_shared>> -> memref<512x32xf32, #tpu.memory_space<vmem_shared>>
      tpu.wait_dma2 semaphore(%run_scoped3A_552 : memref<!tpu.dma_semaphore, #tpu.memory_space<semaphore_mem>>) src(%arg10 : memref<512x32xf32, #tpu.memory_space<vmem>>) dst(%dma_wait3A_560 : memref<512x32xf32, #tpu.memory_space<vmem_shared>>)
      tpu.yield
    }) : () -> ()
    %mul3A_49 = arith.constant 3136 : i32
    %mul3A_50 = arith.muli %arg1, %mul3A_49 : i32
    %add3A_51 = arith.constant 3072 : i32
    %add3A_52 = arith.addi %mul3A_50, %add3A_51 : i32
    "tpu.region"() ({
      %run_scoped3A_552 = tpu.sem_alloc : memref<!tpu.dma_semaphore, #tpu.memory_space<semaphore_mem>>
      %dma_start3A_553 = arith.constant 0 : i32
      %dma_start3A_554 = arith.constant 0 : i32
      %dma_start3A_555 = tpu.memref_slice %arg10[%dma_start3A_553, %dma_start3A_554] : memref<512x32xf32, #tpu.memory_space<vmem>> -> memref<64x32xf32, #tpu.memory_space<vmem>>
      %dma_start3A_556 = arith.constant 0 : i32
      %dma_start3A_557 = tpu.memref_slice %arg6[%add3A_52, %dma_start3A_556] : memref<50176x32xf32, #tpu.memory_space<vmem_shared>> -> memref<64x32xf32, #tpu.memory_space<vmem_shared>>
      %dma_start3A_558 = arith.constant 0 : i32
      %dma_start3A_559 = tpu.memref_slice %arg6[%add3A_52, %dma_start3A_558] : memref<50176x32xf32, #tpu.memory_space<vmem_shared>> -> memref<64x32xf32, #tpu.memory_space<vmem_shared>>
      %dma_start3A_560 = arith.constant 0 : i32
      %dma_start3A_561 = arith.constant 0 : i32
      %dma_start3A_562 = tpu.memref_slice %arg10[%dma_start3A_560, %dma_start3A_561] : memref<512x32xf32, #tpu.memory_space<vmem>> -> memref<64x32xf32, #tpu.memory_space<vmem>>
      tpu.enqueue_dma source(%dma_start3A_562 : memref<64x32xf32, #tpu.memory_space<vmem>>) target(%dma_start3A_559 : memref<64x32xf32, #tpu.memory_space<vmem_shared>>) target_semaphore(%run_scoped3A_552 : memref<!tpu.dma_semaphore, #tpu.memory_space<semaphore_mem>>)
      %dma_wait3A_563 = arith.constant 0 : i32
      %dma_wait3A_564 = arith.constant 0 : i32
      %dma_wait3A_565 = tpu.memref_slice %arg10[%dma_wait3A_563, %dma_wait3A_564] : memref<512x32xf32, #tpu.memory_space<vmem>> -> memref<64x32xf32, #tpu.memory_space<vmem>>
      %dma_wait3A_566 = arith.constant 0 : i32
      %dma_wait3A_567 = tpu.memref_slice %arg6[%add3A_52, %dma_wait3A_566] : memref<50176x32xf32, #tpu.memory_space<vmem_shared>> -> memref<64x32xf32, #tpu.memory_space<vmem_shared>>
      %dma_wait3A_568 = arith.constant 0 : i32
      %dma_wait3A_569 = tpu.memref_slice %arg6[%add3A_52, %dma_wait3A_568] : memref<50176x32xf32, #tpu.memory_space<vmem_shared>> -> memref<64x32xf32, #tpu.memory_space<vmem_shared>>
      %dma_wait3A_570 = arith.constant 0 : i32
      %dma_wait3A_571 = arith.constant 0 : i32
      %dma_wait3A_572 = tpu.memref_slice %arg10[%dma_wait3A_570, %dma_wait3A_571] : memref<512x32xf32, #tpu.memory_space<vmem>> -> memref<64x32xf32, #tpu.memory_space<vmem>>
      tpu.wait_dma2 semaphore(%run_scoped3A_552 : memref<!tpu.dma_semaphore, #tpu.memory_space<semaphore_mem>>) src(%dma_wait3A_572 : memref<64x32xf32, #tpu.memory_space<vmem>>) dst(%dma_wait3A_569 : memref<64x32xf32, #tpu.memory_space<vmem_shared>>)
      tpu.yield
    }) : () -> ()
    %mul3A_53 = arith.constant 3136 : i32
    %mul3A_54 = arith.muli %arg1, %mul3A_53 : i32
    "tpu.region"() ({
      %run_scoped3A_552 = tpu.sem_alloc : memref<!tpu.dma_semaphore, #tpu.memory_space<semaphore_mem>>
      %dma_start3A_553 = tpu.memref_slice %arg7[%mul3A_54] : memref<50176xf32, #tpu.memory_space<vmem_shared>> -> memref<3136xf32, #tpu.memory_space<vmem_shared>>
      %dma_start3A_554 = tpu.memref_slice %arg7[%mul3A_54] : memref<50176xf32, #tpu.memory_space<vmem_shared>> -> memref<3136xf32, #tpu.memory_space<vmem_shared>>
      tpu.enqueue_dma source(%arg12 : memref<3136xf32, #tpu.memory_space<vmem>>) target(%dma_start3A_554 : memref<3136xf32, #tpu.memory_space<vmem_shared>>) target_semaphore(%run_scoped3A_552 : memref<!tpu.dma_semaphore, #tpu.memory_space<semaphore_mem>>)
      %dma_wait3A_555 = tpu.memref_slice %arg7[%mul3A_54] : memref<50176xf32, #tpu.memory_space<vmem_shared>> -> memref<3136xf32, #tpu.memory_space<vmem_shared>>
      %dma_wait3A_556 = tpu.memref_slice %arg7[%mul3A_54] : memref<50176xf32, #tpu.memory_space<vmem_shared>> -> memref<3136xf32, #tpu.memory_space<vmem_shared>>
      tpu.wait_dma2 semaphore(%run_scoped3A_552 : memref<!tpu.dma_semaphore, #tpu.memory_space<semaphore_mem>>) src(%arg12 : memref<3136xf32, #tpu.memory_space<vmem>>) dst(%dma_wait3A_556 : memref<3136xf32, #tpu.memory_space<vmem_shared>>)
      tpu.yield
    }) : () -> ()
    %barrier3A = arith.constant 0 : index
    tpu.barrier barrier_id(%barrier3A)
    %mul3A_55 = arith.constant 50000 : i32
    %mul3A_56 = arith.muli %arg1, %mul3A_55 : i32
    %scan3A_57 = arith.constant 0 : i32
    %scan3A_58 = arith.constant 24 : i32
    %scan3A_59 = arith.addi %scan3A_57, %scan3A_58 : i32
    %scan3A_60 = arith.constant 1 : i32
    scf.for %scan3A_552 = %scan3A_57 to %scan3A_59 step %scan3A_60  : i32 {
      %mul3A_553 = arith.constant 2048 : i32
      %mul3A_554 = arith.muli %scan3A_552, %mul3A_553 : i32
      %add3A_555 = arith.addi %mul3A_56, %mul3A_554 : i32
      %run_scoped3A_556 = arith.constant 0 : i32
      "tpu.region"() ({
        %run_scoped3A_1198 = tpu.sem_alloc : memref<!tpu.dma_semaphore, #tpu.memory_space<semaphore_mem>>
        %dma_start3A_1199 = tpu.memref_slice %arg3[%run_scoped3A_556, %add3A_555] : memref<2x800000xi32, #tpu.memory_space<hbm>> -> memref<1x2048xi32, #tpu.memory_space<hbm>>
        %dma_start3A_1200 = tpu.memref_squeeze %dma_start3A_1199 : memref<1x2048xi32, #tpu.memory_space<hbm>> -> memref<2048xi32, #tpu.memory_space<hbm>>
        %dma_start3A_1201 = tpu.memref_slice %arg3[%run_scoped3A_556, %add3A_555] : memref<2x800000xi32, #tpu.memory_space<hbm>> -> memref<1x2048xi32, #tpu.memory_space<hbm>>
        %dma_start3A_1202 = tpu.memref_squeeze %dma_start3A_1201 : memref<1x2048xi32, #tpu.memory_space<hbm>> -> memref<2048xi32, #tpu.memory_space<hbm>>
        tpu.enqueue_dma source(%dma_start3A_1202 : memref<2048xi32, #tpu.memory_space<hbm>>) target(%arg8 : memref<2048xi32, #tpu.memory_space<vmem>>) target_semaphore(%run_scoped3A_1198 : memref<!tpu.dma_semaphore, #tpu.memory_space<semaphore_mem>>)
        %dma_wait3A_1203 = tpu.memref_slice %arg3[%run_scoped3A_556, %add3A_555] : memref<2x800000xi32, #tpu.memory_space<hbm>> -> memref<1x2048xi32, #tpu.memory_space<hbm>>
        %dma_wait3A_1204 = tpu.memref_squeeze %dma_wait3A_1203 : memref<1x2048xi32, #tpu.memory_space<hbm>> -> memref<2048xi32, #tpu.memory_space<hbm>>
        %dma_wait3A_1205 = tpu.memref_slice %arg3[%run_scoped3A_556, %add3A_555] : memref<2x800000xi32, #tpu.memory_space<hbm>> -> memref<1x2048xi32, #tpu.memory_space<hbm>>
        %dma_wait3A_1206 = tpu.memref_squeeze %dma_wait3A_1205 : memref<1x2048xi32, #tpu.memory_space<hbm>> -> memref<2048xi32, #tpu.memory_space<hbm>>
        tpu.wait_dma2 semaphore(%run_scoped3A_1198 : memref<!tpu.dma_semaphore, #tpu.memory_space<semaphore_mem>>) src(%dma_wait3A_1206 : memref<2048xi32, #tpu.memory_space<hbm>>) dst(%arg8 : memref<2048xi32, #tpu.memory_space<vmem>>)
        tpu.yield
      }) : () -> ()
      %run_scoped3A_557 = arith.constant 1 : i32
      "tpu.region"() ({
        %run_scoped3A_1198 = tpu.sem_alloc : memref<!tpu.dma_semaphore, #tpu.memory_space<semaphore_mem>>
        %dma_start3A_1199 = tpu.memref_slice %arg3[%run_scoped3A_557, %add3A_555] : memref<2x800000xi32, #tpu.memory_space<hbm>> -> memref<1x2048xi32, #tpu.memory_space<hbm>>
        %dma_start3A_1200 = tpu.memref_squeeze %dma_start3A_1199 : memref<1x2048xi32, #tpu.memory_space<hbm>> -> memref<2048xi32, #tpu.memory_space<hbm>>
        %dma_start3A_1201 = tpu.memref_slice %arg3[%run_scoped3A_557, %add3A_555] : memref<2x800000xi32, #tpu.memory_space<hbm>> -> memref<1x2048xi32, #tpu.memory_space<hbm>>
        %dma_start3A_1202 = tpu.memref_squeeze %dma_start3A_1201 : memref<1x2048xi32, #tpu.memory_space<hbm>> -> memref<2048xi32, #tpu.memory_space<hbm>>
        tpu.enqueue_dma source(%dma_start3A_1202 : memref<2048xi32, #tpu.memory_space<hbm>>) target(%arg9 : memref<2048xi32, #tpu.memory_space<vmem>>) target_semaphore(%run_scoped3A_1198 : memref<!tpu.dma_semaphore, #tpu.memory_space<semaphore_mem>>)
        %dma_wait3A_1203 = tpu.memref_slice %arg3[%run_scoped3A_557, %add3A_555] : memref<2x800000xi32, #tpu.memory_space<hbm>> -> memref<1x2048xi32, #tpu.memory_space<hbm>>
        %dma_wait3A_1204 = tpu.memref_squeeze %dma_wait3A_1203 : memref<1x2048xi32, #tpu.memory_space<hbm>> -> memref<2048xi32, #tpu.memory_space<hbm>>
        %dma_wait3A_1205 = tpu.memref_slice %arg3[%run_scoped3A_557, %add3A_555] : memref<2x800000xi32, #tpu.memory_space<hbm>> -> memref<1x2048xi32, #tpu.memory_space<hbm>>
        %dma_wait3A_1206 = tpu.memref_squeeze %dma_wait3A_1205 : memref<1x2048xi32, #tpu.memory_space<hbm>> -> memref<2048xi32, #tpu.memory_space<hbm>>
        tpu.wait_dma2 semaphore(%run_scoped3A_1198 : memref<!tpu.dma_semaphore, #tpu.memory_space<semaphore_mem>>) src(%dma_wait3A_1206 : memref<2048xi32, #tpu.memory_space<hbm>>) dst(%arg9 : memref<2048xi32, #tpu.memory_space<vmem>>)
        tpu.yield
      }) : () -> ()
      %dma_start3A_558 = arith.constant 0 : i32
      %dma_start3A_559 = arith.constant 0 : i32
      %dma_start3A_560 = tpu.memref_slice %arg10[%dma_start3A_558, %dma_start3A_559] : memref<512x32xf32, #tpu.memory_space<vmem>> -> memref<128x32xf32, #tpu.memory_space<vmem>>
      %dma_start3A_561 = arith.constant 0 : i32
      %dma_start3A_562 = tpu.memref_slice %arg8[%dma_start3A_561] : memref<2048xi32, #tpu.memory_space<vmem>> -> memref<128xi32, #tpu.memory_space<vmem>>
      %dma_start3A_563 = arith.constant 0 : i32
      %dma_start3A_564 = arith.constant 0 : i32
      %dma_start3A_565 = tpu.memref_slice %arg2[%arg0, %dma_start3A_563, %dma_start3A_564] : memref<2x50176x32xf32, #tpu.memory_space<hbm>> -> memref<1x50176x32xf32, #tpu.memory_space<hbm>>
      %dma_start3A_566 = tpu.memref_squeeze %dma_start3A_565 : memref<1x50176x32xf32, #tpu.memory_space<hbm>> -> memref<50176x32xf32, #tpu.memory_space<hbm>>
      %dma_start3A_567 = arith.constant 0 : i32
      %dma_start3A_568 = arith.constant 0 : i32
      %dma_start3A_569 = tpu.memref_slice %dma_start3A_566[%dma_start3A_567, %dma_start3A_568] : memref<50176x32xf32, #tpu.memory_space<hbm>> -> memref<50176x32xf32, #tpu.memory_space<hbm>>
      tpu.enqueue_indirect_dma source(%dma_start3A_569 : memref<50176x32xf32, #tpu.memory_space<hbm>>) target(%dma_start3A_560 : memref<128x32xf32, #tpu.memory_space<vmem>>) offsets(%dma_start3A_562 : memref<128xi32, #tpu.memory_space<vmem>>) semaphore(%arg14 : memref<!tpu.dma_semaphore, #tpu.memory_space<semaphore_mem>>)
      %dma_start3A_570 = arith.constant 128 : i32
      %dma_start3A_571 = arith.constant 0 : i32
      %dma_start3A_572 = tpu.memref_slice %arg10[%dma_start3A_570, %dma_start3A_571] : memref<512x32xf32, #tpu.memory_space<vmem>> -> memref<128x32xf32, #tpu.memory_space<vmem>>
      %dma_start3A_573 = arith.constant 128 : i32
      %dma_start3A_574 = tpu.memref_slice %arg8[%dma_start3A_573] : memref<2048xi32, #tpu.memory_space<vmem>> -> memref<128xi32, #tpu.memory_space<vmem>>
      %dma_start3A_575 = arith.constant 0 : i32
      %dma_start3A_576 = arith.constant 0 : i32
      %dma_start3A_577 = tpu.memref_slice %arg2[%arg0, %dma_start3A_575, %dma_start3A_576] : memref<2x50176x32xf32, #tpu.memory_space<hbm>> -> memref<1x50176x32xf32, #tpu.memory_space<hbm>>
      %dma_start3A_578 = tpu.memref_squeeze %dma_start3A_577 : memref<1x50176x32xf32, #tpu.memory_space<hbm>> -> memref<50176x32xf32, #tpu.memory_space<hbm>>
      %dma_start3A_579 = arith.constant 0 : i32
      %dma_start3A_580 = arith.constant 0 : i32
      %dma_start3A_581 = tpu.memref_slice %dma_start3A_578[%dma_start3A_579, %dma_start3A_580] : memref<50176x32xf32, #tpu.memory_space<hbm>> -> memref<50176x32xf32, #tpu.memory_space<hbm>>
      tpu.enqueue_indirect_dma source(%dma_start3A_581 : memref<50176x32xf32, #tpu.memory_space<hbm>>) target(%dma_start3A_572 : memref<128x32xf32, #tpu.memory_space<vmem>>) offsets(%dma_start3A_574 : memref<128xi32, #tpu.memory_space<vmem>>) semaphore(%arg14 : memref<!tpu.dma_semaphore, #tpu.memory_space<semaphore_mem>>)
      %dma_start3A_582 = arith.constant 256 : i32
      %dma_start3A_583 = arith.constant 0 : i32
      %dma_start3A_584 = tpu.memref_slice %arg10[%dma_start3A_582, %dma_start3A_583] : memref<512x32xf32, #tpu.memory_space<vmem>> -> memref<128x32xf32, #tpu.memory_space<vmem>>
      %dma_start3A_585 = arith.constant 256 : i32
      %dma_start3A_586 = tpu.memref_slice %arg8[%dma_start3A_585] : memref<2048xi32, #tpu.memory_space<vmem>> -> memref<128xi32, #tpu.memory_space<vmem>>
      %dma_start3A_587 = arith.constant 0 : i32
      %dma_start3A_588 = arith.constant 0 : i32
      %dma_start3A_589 = tpu.memref_slice %arg2[%arg0, %dma_start3A_587, %dma_start3A_588] : memref<2x50176x32xf32, #tpu.memory_space<hbm>> -> memref<1x50176x32xf32, #tpu.memory_space<hbm>>
      %dma_start3A_590 = tpu.memref_squeeze %dma_start3A_589 : memref<1x50176x32xf32, #tpu.memory_space<hbm>> -> memref<50176x32xf32, #tpu.memory_space<hbm>>
      %dma_start3A_591 = arith.constant 0 : i32
      %dma_start3A_592 = arith.constant 0 : i32
      %dma_start3A_593 = tpu.memref_slice %dma_start3A_590[%dma_start3A_591, %dma_start3A_592] : memref<50176x32xf32, #tpu.memory_space<hbm>> -> memref<50176x32xf32, #tpu.memory_space<hbm>>
      tpu.enqueue_indirect_dma source(%dma_start3A_593 : memref<50176x32xf32, #tpu.memory_space<hbm>>) target(%dma_start3A_584 : memref<128x32xf32, #tpu.memory_space<vmem>>) offsets(%dma_start3A_586 : memref<128xi32, #tpu.memory_space<vmem>>) semaphore(%arg15 : memref<!tpu.dma_semaphore, #tpu.memory_space<semaphore_mem>>)
      %dma_start3A_594 = arith.constant 384 : i32
      %dma_start3A_595 = arith.constant 0 : i32
      %dma_start3A_596 = tpu.memref_slice %arg10[%dma_start3A_594, %dma_start3A_595] : memref<512x32xf32, #tpu.memory_space<vmem>> -> memref<128x32xf32, #tpu.memory_space<vmem>>
      %dma_start3A_597 = arith.constant 384 : i32
      %dma_start3A_598 = tpu.memref_slice %arg8[%dma_start3A_597] : memref<2048xi32, #tpu.memory_space<vmem>> -> memref<128xi32, #tpu.memory_space<vmem>>
      %dma_start3A_599 = arith.constant 0 : i32
      %dma_start3A_600 = arith.constant 0 : i32
      %dma_start3A_601 = tpu.memref_slice %arg2[%arg0, %dma_start3A_599, %dma_start3A_600] : memref<2x50176x32xf32, #tpu.memory_space<hbm>> -> memref<1x50176x32xf32, #tpu.memory_space<hbm>>
      %dma_start3A_602 = tpu.memref_squeeze %dma_start3A_601 : memref<1x50176x32xf32, #tpu.memory_space<hbm>> -> memref<50176x32xf32, #tpu.memory_space<hbm>>
      %dma_start3A_603 = arith.constant 0 : i32
      %dma_start3A_604 = arith.constant 0 : i32
      %dma_start3A_605 = tpu.memref_slice %dma_start3A_602[%dma_start3A_603, %dma_start3A_604] : memref<50176x32xf32, #tpu.memory_space<hbm>> -> memref<50176x32xf32, #tpu.memory_space<hbm>>
      tpu.enqueue_indirect_dma source(%dma_start3A_605 : memref<50176x32xf32, #tpu.memory_space<hbm>>) target(%dma_start3A_596 : memref<128x32xf32, #tpu.memory_space<vmem>>) offsets(%dma_start3A_598 : memref<128xi32, #tpu.memory_space<vmem>>) semaphore(%arg15 : memref<!tpu.dma_semaphore, #tpu.memory_space<semaphore_mem>>)
      %dma_wait3A_606 = arith.constant 0 : i32
      %dma_wait3A_607 = arith.constant 0 : i32
      %dma_wait3A_608 = tpu.memref_slice %arg10[%dma_wait3A_606, %dma_wait3A_607] : memref<512x32xf32, #tpu.memory_space<vmem>> -> memref<128x32xf32, #tpu.memory_space<vmem>>
      %dma_wait3A_609 = arith.constant 0 : i32
      %dma_wait3A_610 = tpu.memref_slice %arg8[%dma_wait3A_609] : memref<2048xi32, #tpu.memory_space<vmem>> -> memref<128xi32, #tpu.memory_space<vmem>>
      %dma_wait3A_611 = arith.constant 0 : i32
      %dma_wait3A_612 = arith.constant 0 : i32
      %dma_wait3A_613 = tpu.memref_slice %arg2[%arg0, %dma_wait3A_611, %dma_wait3A_612] : memref<2x50176x32xf32, #tpu.memory_space<hbm>> -> memref<1x50176x32xf32, #tpu.memory_space<hbm>>
      %dma_wait3A_614 = tpu.memref_squeeze %dma_wait3A_613 : memref<1x50176x32xf32, #tpu.memory_space<hbm>> -> memref<50176x32xf32, #tpu.memory_space<hbm>>
      %dma_wait3A_615 = arith.constant 0 : i32
      %dma_wait3A_616 = arith.constant 0 : i32
      %dma_wait3A_617 = tpu.memref_slice %dma_wait3A_614[%dma_wait3A_615, %dma_wait3A_616] : memref<50176x32xf32, #tpu.memory_space<hbm>> -> memref<50176x32xf32, #tpu.memory_space<hbm>>
      tpu.wait_indirect_dma semaphore(%arg14 : memref<!tpu.dma_semaphore, #tpu.memory_space<semaphore_mem>>) src(%dma_wait3A_617 : memref<50176x32xf32, #tpu.memory_space<hbm>>) dst(%dma_wait3A_608 : memref<128x32xf32, #tpu.memory_space<vmem>>)
      %dma_wait3A_618 = arith.constant 128 : i32
      %dma_wait3A_619 = arith.constant 0 : i32
      %dma_wait3A_620 = tpu.memref_slice %arg10[%dma_wait3A_618, %dma_wait3A_619] : memref<512x32xf32, #tpu.memory_space<vmem>> -> memref<128x32xf32, #tpu.memory_space<vmem>>
      %dma_wait3A_621 = arith.constant 128 : i32
      %dma_wait3A_622 = tpu.memref_slice %arg8[%dma_wait3A_621] : memref<2048xi32, #tpu.memory_space<vmem>> -> memref<128xi32, #tpu.memory_space<vmem>>
      %dma_wait3A_623 = arith.constant 0 : i32
      %dma_wait3A_624 = arith.constant 0 : i32
      %dma_wait3A_625 = tpu.memref_slice %arg2[%arg0, %dma_wait3A_623, %dma_wait3A_624] : memref<2x50176x32xf32, #tpu.memory_space<hbm>> -> memref<1x50176x32xf32, #tpu.memory_space<hbm>>
      %dma_wait3A_626 = tpu.memref_squeeze %dma_wait3A_625 : memref<1x50176x32xf32, #tpu.memory_space<hbm>> -> memref<50176x32xf32, #tpu.memory_space<hbm>>
      %dma_wait3A_627 = arith.constant 0 : i32
      %dma_wait3A_628 = arith.constant 0 : i32
      %dma_wait3A_629 = tpu.memref_slice %dma_wait3A_626[%dma_wait3A_627, %dma_wait3A_628] : memref<50176x32xf32, #tpu.memory_space<hbm>> -> memref<50176x32xf32, #tpu.memory_space<hbm>>
      tpu.wait_indirect_dma semaphore(%arg14 : memref<!tpu.dma_semaphore, #tpu.memory_space<semaphore_mem>>) src(%dma_wait3A_629 : memref<50176x32xf32, #tpu.memory_space<hbm>>) dst(%dma_wait3A_620 : memref<128x32xf32, #tpu.memory_space<vmem>>)
      %dma_start3A_630 = arith.constant 0 : i32
      %dma_start3A_631 = arith.constant 0 : i32
      %dma_start3A_632 = tpu.memref_slice %arg10[%dma_start3A_630, %dma_start3A_631] : memref<512x32xf32, #tpu.memory_space<vmem>> -> memref<128x32xf32, #tpu.memory_space<vmem>>
      %dma_start3A_633 = arith.constant 0 : i32
      %dma_start3A_634 = tpu.memref_slice %arg9[%dma_start3A_633] : memref<2048xi32, #tpu.memory_space<vmem>> -> memref<128xi32, #tpu.memory_space<vmem>>
      %dma_start3A_635 = arith.constant 0 : i32
      %dma_start3A_636 = arith.constant 0 : i32
      %dma_start3A_637 = tpu.memref_slice %arg6[%dma_start3A_635, %dma_start3A_636] : memref<50176x32xf32, #tpu.memory_space<vmem_shared>> -> memref<50176x32xf32, #tpu.memory_space<vmem_shared>>
      tpu.enqueue_indirect_dma source(%dma_start3A_632 : memref<128x32xf32, #tpu.memory_space<vmem>>) target(%dma_start3A_637 : memref<50176x32xf32, #tpu.memory_space<vmem_shared>>) offsets(%dma_start3A_634 : memref<128xi32, #tpu.memory_space<vmem>>) semaphore(%arg16 : memref<!tpu.dma_semaphore, #tpu.memory_space<semaphore_mem>>) {add = true}
      %dma_start3A_638 = arith.constant 128 : i32
      %dma_start3A_639 = arith.constant 0 : i32
      %dma_start3A_640 = tpu.memref_slice %arg10[%dma_start3A_638, %dma_start3A_639] : memref<512x32xf32, #tpu.memory_space<vmem>> -> memref<128x32xf32, #tpu.memory_space<vmem>>
      %dma_start3A_641 = arith.constant 128 : i32
      %dma_start3A_642 = tpu.memref_slice %arg9[%dma_start3A_641] : memref<2048xi32, #tpu.memory_space<vmem>> -> memref<128xi32, #tpu.memory_space<vmem>>
      %dma_start3A_643 = arith.constant 0 : i32
      %dma_start3A_644 = arith.constant 0 : i32
      %dma_start3A_645 = tpu.memref_slice %arg6[%dma_start3A_643, %dma_start3A_644] : memref<50176x32xf32, #tpu.memory_space<vmem_shared>> -> memref<50176x32xf32, #tpu.memory_space<vmem_shared>>
      tpu.enqueue_indirect_dma source(%dma_start3A_640 : memref<128x32xf32, #tpu.memory_space<vmem>>) target(%dma_start3A_645 : memref<50176x32xf32, #tpu.memory_space<vmem_shared>>) offsets(%dma_start3A_642 : memref<128xi32, #tpu.memory_space<vmem>>) semaphore(%arg16 : memref<!tpu.dma_semaphore, #tpu.memory_space<semaphore_mem>>) {add = true}
      "tpu.region"() ({
        %run_scoped3A_1198 = tpu.sem_alloc : memref<!tpu.dma_semaphore, #tpu.memory_space<semaphore_mem>>
        %dma_start3A_1199 = arith.constant 0 : i32
        %dma_start3A_1200 = tpu.memref_slice %arg8[%dma_start3A_1199] : memref<2048xi32, #tpu.memory_space<vmem>> -> memref<128xi32, #tpu.memory_space<vmem>>
        %dma_start3A_1201 = arith.constant 0 : i32
        %dma_start3A_1202 = tpu.memref_slice %arg7[%dma_start3A_1201] : memref<50176xf32, #tpu.memory_space<vmem_shared>> -> memref<50176xf32, #tpu.memory_space<vmem_shared>>
        tpu.enqueue_indirect_dma source(%arg11 : memref<128xf32, #tpu.memory_space<vmem>>) target(%dma_start3A_1202 : memref<50176xf32, #tpu.memory_space<vmem_shared>>) offsets(%dma_start3A_1200 : memref<128xi32, #tpu.memory_space<vmem>>) semaphore(%run_scoped3A_1198 : memref<!tpu.dma_semaphore, #tpu.memory_space<semaphore_mem>>) {add = true}
        %dma_wait3A_1203 = arith.constant 0 : i32
        %dma_wait3A_1204 = tpu.memref_slice %arg8[%dma_wait3A_1203] : memref<2048xi32, #tpu.memory_space<vmem>> -> memref<128xi32, #tpu.memory_space<vmem>>
        %dma_wait3A_1205 = arith.constant 0 : i32
        %dma_wait3A_1206 = tpu.memref_slice %arg7[%dma_wait3A_1205] : memref<50176xf32, #tpu.memory_space<vmem_shared>> -> memref<50176xf32, #tpu.memory_space<vmem_shared>>
        tpu.wait_indirect_dma semaphore(%run_scoped3A_1198 : memref<!tpu.dma_semaphore, #tpu.memory_space<semaphore_mem>>) src(%arg11 : memref<128xf32, #tpu.memory_space<vmem>>) dst(%dma_wait3A_1206 : memref<50176xf32, #tpu.memory_space<vmem_shared>>)
        tpu.yield
      }) : () -> ()
      "tpu.region"() ({
        %run_scoped3A_1198 = tpu.sem_alloc : memref<!tpu.dma_semaphore, #tpu.memory_space<semaphore_mem>>
        %dma_start3A_1199 = arith.constant 128 : i32
        %dma_start3A_1200 = tpu.memref_slice %arg8[%dma_start3A_1199] : memref<2048xi32, #tpu.memory_space<vmem>> -> memref<128xi32, #tpu.memory_space<vmem>>
        %dma_start3A_1201 = arith.constant 0 : i32
        %dma_start3A_1202 = tpu.memref_slice %arg7[%dma_start3A_1201] : memref<50176xf32, #tpu.memory_space<vmem_shared>> -> memref<50176xf32, #tpu.memory_space<vmem_shared>>
        tpu.enqueue_indirect_dma source(%arg11 : memref<128xf32, #tpu.memory_space<vmem>>) target(%dma_start3A_1202 : memref<50176xf32, #tpu.memory_space<vmem_shared>>) offsets(%dma_start3A_1200 : memref<128xi32, #tpu.memory_space<vmem>>) semaphore(%run_scoped3A_1198 : memref<!tpu.dma_semaphore, #tpu.memory_space<semaphore_mem>>) {add = true}
        %dma_wait3A_1203 = arith.constant 128 : i32
        %dma_wait3A_1204 = tpu.memref_slice %arg8[%dma_wait3A_1203] : memref<2048xi32, #tpu.memory_space<vmem>> -> memref<128xi32, #tpu.memory_space<vmem>>
        %dma_wait3A_1205 = arith.constant 0 : i32
        %dma_wait3A_1206 = tpu.memref_slice %arg7[%dma_wait3A_1205] : memref<50176xf32, #tpu.memory_space<vmem_shared>> -> memref<50176xf32, #tpu.memory_space<vmem_shared>>
        tpu.wait_indirect_dma semaphore(%run_scoped3A_1198 : memref<!tpu.dma_semaphore, #tpu.memory_space<semaphore_mem>>) src(%arg11 : memref<128xf32, #tpu.memory_space<vmem>>) dst(%dma_wait3A_1206 : memref<50176xf32, #tpu.memory_space<vmem_shared>>)
        tpu.yield
      }) : () -> ()
      %dma_wait3A_646 = arith.constant 0 : i32
      %dma_wait3A_647 = arith.constant 0 : i32
      %dma_wait3A_648 = tpu.memref_slice %arg10[%dma_wait3A_646, %dma_wait3A_647] : memref<512x32xf32, #tpu.memory_space<vmem>> -> memref<128x32xf32, #tpu.memory_space<vmem>>
      %dma_wait3A_649 = arith.constant 0 : i32
      %dma_wait3A_650 = tpu.memref_slice %arg9[%dma_wait3A_649] : memref<2048xi32, #tpu.memory_space<vmem>> -> memref<128xi32, #tpu.memory_space<vmem>>
      %dma_wait3A_651 = arith.constant 0 : i32
      %dma_wait3A_652 = arith.constant 0 : i32
      %dma_wait3A_653 = tpu.memref_slice %arg6[%dma_wait3A_651, %dma_wait3A_652] : memref<50176x32xf32, #tpu.memory_space<vmem_shared>> -> memref<50176x32xf32, #tpu.memory_space<vmem_shared>>
      tpu.wait_indirect_dma semaphore(%arg16 : memref<!tpu.dma_semaphore, #tpu.memory_space<semaphore_mem>>) src(%dma_wait3A_648 : memref<128x32xf32, #tpu.memory_space<vmem>>) dst(%dma_wait3A_653 : memref<50176x32xf32, #tpu.memory_space<vmem_shared>>)
      %dma_wait3A_654 = arith.constant 128 : i32
      %dma_wait3A_655 = arith.constant 0 : i32
      %dma_wait3A_656 = tpu.memref_slice %arg10[%dma_wait3A_654, %dma_wait3A_655] : memref<512x32xf32, #tpu.memory_space<vmem>> -> memref<128x32xf32, #tpu.memory_space<vmem>>
      %dma_wait3A_657 = arith.constant 128 : i32
      %dma_wait3A_658 = tpu.memref_slice %arg9[%dma_wait3A_657] : memref<2048xi32, #tpu.memory_space<vmem>> -> memref<128xi32, #tpu.memory_space<vmem>>
      %dma_wait3A_659 = arith.constant 0 : i32
      %dma_wait3A_660 = arith.constant 0 : i32
      %dma_wait3A_661 = tpu.memref_slice %arg6[%dma_wait3A_659, %dma_wait3A_660] : memref<50176x32xf32, #tpu.memory_space<vmem_shared>> -> memref<50176x32xf32, #tpu.memory_space<vmem_shared>>
      tpu.wait_indirect_dma semaphore(%arg16 : memref<!tpu.dma_semaphore, #tpu.memory_space<semaphore_mem>>) src(%dma_wait3A_656 : memref<128x32xf32, #tpu.memory_space<vmem>>) dst(%dma_wait3A_661 : memref<50176x32xf32, #tpu.memory_space<vmem_shared>>)
      %dma_start3A_662 = arith.constant 0 : i32
      %dma_start3A_663 = arith.constant 0 : i32
      %dma_start3A_664 = tpu.memref_slice %arg10[%dma_start3A_662, %dma_start3A_663] : memref<512x32xf32, #tpu.memory_space<vmem>> -> memref<128x32xf32, #tpu.memory_space<vmem>>
      %dma_start3A_665 = arith.constant 512 : i32
      %dma_start3A_666 = tpu.memref_slice %arg8[%dma_start3A_665] : memref<2048xi32, #tpu.memory_space<vmem>> -> memref<128xi32, #tpu.memory_space<vmem>>
      %dma_start3A_667 = arith.constant 0 : i32
      %dma_start3A_668 = arith.constant 0 : i32
      %dma_start3A_669 = tpu.memref_slice %arg2[%arg0, %dma_start3A_667, %dma_start3A_668] : memref<2x50176x32xf32, #tpu.memory_space<hbm>> -> memref<1x50176x32xf32, #tpu.memory_space<hbm>>
      %dma_start3A_670 = tpu.memref_squeeze %dma_start3A_669 : memref<1x50176x32xf32, #tpu.memory_space<hbm>> -> memref<50176x32xf32, #tpu.memory_space<hbm>>
      %dma_start3A_671 = arith.constant 0 : i32
      %dma_start3A_672 = arith.constant 0 : i32
      %dma_start3A_673 = tpu.memref_slice %dma_start3A_670[%dma_start3A_671, %dma_start3A_672] : memref<50176x32xf32, #tpu.memory_space<hbm>> -> memref<50176x32xf32, #tpu.memory_space<hbm>>
      tpu.enqueue_indirect_dma source(%dma_start3A_673 : memref<50176x32xf32, #tpu.memory_space<hbm>>) target(%dma_start3A_664 : memref<128x32xf32, #tpu.memory_space<vmem>>) offsets(%dma_start3A_666 : memref<128xi32, #tpu.memory_space<vmem>>) semaphore(%arg14 : memref<!tpu.dma_semaphore, #tpu.memory_space<semaphore_mem>>)
      %dma_start3A_674 = arith.constant 128 : i32
      %dma_start3A_675 = arith.constant 0 : i32
      %dma_start3A_676 = tpu.memref_slice %arg10[%dma_start3A_674, %dma_start3A_675] : memref<512x32xf32, #tpu.memory_space<vmem>> -> memref<128x32xf32, #tpu.memory_space<vmem>>
      %dma_start3A_677 = arith.constant 640 : i32
      %dma_start3A_678 = tpu.memref_slice %arg8[%dma_start3A_677] : memref<2048xi32, #tpu.memory_space<vmem>> -> memref<128xi32, #tpu.memory_space<vmem>>
      %dma_start3A_679 = arith.constant 0 : i32
      %dma_start3A_680 = arith.constant 0 : i32
      %dma_start3A_681 = tpu.memref_slice %arg2[%arg0, %dma_start3A_679, %dma_start3A_680] : memref<2x50176x32xf32, #tpu.memory_space<hbm>> -> memref<1x50176x32xf32, #tpu.memory_space<hbm>>
      %dma_start3A_682 = tpu.memref_squeeze %dma_start3A_681 : memref<1x50176x32xf32, #tpu.memory_space<hbm>> -> memref<50176x32xf32, #tpu.memory_space<hbm>>
      %dma_start3A_683 = arith.constant 0 : i32
      %dma_start3A_684 = arith.constant 0 : i32
      %dma_start3A_685 = tpu.memref_slice %dma_start3A_682[%dma_start3A_683, %dma_start3A_684] : memref<50176x32xf32, #tpu.memory_space<hbm>> -> memref<50176x32xf32, #tpu.memory_space<hbm>>
      tpu.enqueue_indirect_dma source(%dma_start3A_685 : memref<50176x32xf32, #tpu.memory_space<hbm>>) target(%dma_start3A_676 : memref<128x32xf32, #tpu.memory_space<vmem>>) offsets(%dma_start3A_678 : memref<128xi32, #tpu.memory_space<vmem>>) semaphore(%arg14 : memref<!tpu.dma_semaphore, #tpu.memory_space<semaphore_mem>>)
      %dma_wait3A_686 = arith.constant 256 : i32
      %dma_wait3A_687 = arith.constant 0 : i32
      %dma_wait3A_688 = tpu.memref_slice %arg10[%dma_wait3A_686, %dma_wait3A_687] : memref<512x32xf32, #tpu.memory_space<vmem>> -> memref<128x32xf32, #tpu.memory_space<vmem>>
      %dma_wait3A_689 = arith.constant 256 : i32
      %dma_wait3A_690 = tpu.memref_slice %arg8[%dma_wait3A_689] : memref<2048xi32, #tpu.memory_space<vmem>> -> memref<128xi32, #tpu.memory_space<vmem>>
      %dma_wait3A_691 = arith.constant 0 : i32
      %dma_wait3A_692 = arith.constant 0 : i32
      %dma_wait3A_693 = tpu.memref_slice %arg2[%arg0, %dma_wait3A_691, %dma_wait3A_692] : memref<2x50176x32xf32, #tpu.memory_space<hbm>> -> memref<1x50176x32xf32, #tpu.memory_space<hbm>>
      %dma_wait3A_694 = tpu.memref_squeeze %dma_wait3A_693 : memref<1x50176x32xf32, #tpu.memory_space<hbm>> -> memref<50176x32xf32, #tpu.memory_space<hbm>>
      %dma_wait3A_695 = arith.constant 0 : i32
      %dma_wait3A_696 = arith.constant 0 : i32
      %dma_wait3A_697 = tpu.memref_slice %dma_wait3A_694[%dma_wait3A_695, %dma_wait3A_696] : memref<50176x32xf32, #tpu.memory_space<hbm>> -> memref<50176x32xf32, #tpu.memory_space<hbm>>
      tpu.wait_indirect_dma semaphore(%arg15 : memref<!tpu.dma_semaphore, #tpu.memory_space<semaphore_mem>>) src(%dma_wait3A_697 : memref<50176x32xf32, #tpu.memory_space<hbm>>) dst(%dma_wait3A_688 : memref<128x32xf32, #tpu.memory_space<vmem>>)
      %dma_wait3A_698 = arith.constant 384 : i32
      %dma_wait3A_699 = arith.constant 0 : i32
      %dma_wait3A_700 = tpu.memref_slice %arg10[%dma_wait3A_698, %dma_wait3A_699] : memref<512x32xf32, #tpu.memory_space<vmem>> -> memref<128x32xf32, #tpu.memory_space<vmem>>
      %dma_wait3A_701 = arith.constant 384 : i32
      %dma_wait3A_702 = tpu.memref_slice %arg8[%dma_wait3A_701] : memref<2048xi32, #tpu.memory_space<vmem>> -> memref<128xi32, #tpu.memory_space<vmem>>
      %dma_wait3A_703 = arith.constant 0 : i32
      %dma_wait3A_704 = arith.constant 0 : i32
      %dma_wait3A_705 = tpu.memref_slice %arg2[%arg0, %dma_wait3A_703, %dma_wait3A_704] : memref<2x50176x32xf32, #tpu.memory_space<hbm>> -> memref<1x50176x32xf32, #tpu.memory_space<hbm>>
      %dma_wait3A_706 = tpu.memref_squeeze %dma_wait3A_705 : memref<1x50176x32xf32, #tpu.memory_space<hbm>> -> memref<50176x32xf32, #tpu.memory_space<hbm>>
      %dma_wait3A_707 = arith.constant 0 : i32
      %dma_wait3A_708 = arith.constant 0 : i32
      %dma_wait3A_709 = tpu.memref_slice %dma_wait3A_706[%dma_wait3A_707, %dma_wait3A_708] : memref<50176x32xf32, #tpu.memory_space<hbm>> -> memref<50176x32xf32, #tpu.memory_space<hbm>>
      tpu.wait_indirect_dma semaphore(%arg15 : memref<!tpu.dma_semaphore, #tpu.memory_space<semaphore_mem>>) src(%dma_wait3A_709 : memref<50176x32xf32, #tpu.memory_space<hbm>>) dst(%dma_wait3A_700 : memref<128x32xf32, #tpu.memory_space<vmem>>)
      %dma_start3A_710 = arith.constant 256 : i32
      %dma_start3A_711 = arith.constant 0 : i32
      %dma_start3A_712 = tpu.memref_slice %arg10[%dma_start3A_710, %dma_start3A_711] : memref<512x32xf32, #tpu.memory_space<vmem>> -> memref<128x32xf32, #tpu.memory_space<vmem>>
      %dma_start3A_713 = arith.constant 256 : i32
      %dma_start3A_714 = tpu.memref_slice %arg9[%dma_start3A_713] : memref<2048xi32, #tpu.memory_space<vmem>> -> memref<128xi32, #tpu.memory_space<vmem>>
      %dma_start3A_715 = arith.constant 0 : i32
      %dma_start3A_716 = arith.constant 0 : i32
      %dma_start3A_717 = tpu.memref_slice %arg6[%dma_start3A_715, %dma_start3A_716] : memref<50176x32xf32, #tpu.memory_space<vmem_shared>> -> memref<50176x32xf32, #tpu.memory_space<vmem_shared>>
      tpu.enqueue_indirect_dma source(%dma_start3A_712 : memref<128x32xf32, #tpu.memory_space<vmem>>) target(%dma_start3A_717 : memref<50176x32xf32, #tpu.memory_space<vmem_shared>>) offsets(%dma_start3A_714 : memref<128xi32, #tpu.memory_space<vmem>>) semaphore(%arg17 : memref<!tpu.dma_semaphore, #tpu.memory_space<semaphore_mem>>) {add = true}
      %dma_start3A_718 = arith.constant 384 : i32
      %dma_start3A_719 = arith.constant 0 : i32
      %dma_start3A_720 = tpu.memref_slice %arg10[%dma_start3A_718, %dma_start3A_719] : memref<512x32xf32, #tpu.memory_space<vmem>> -> memref<128x32xf32, #tpu.memory_space<vmem>>
      %dma_start3A_721 = arith.constant 384 : i32
      %dma_start3A_722 = tpu.memref_slice %arg9[%dma_start3A_721] : memref<2048xi32, #tpu.memory_space<vmem>> -> memref<128xi32, #tpu.memory_space<vmem>>
      %dma_start3A_723 = arith.constant 0 : i32
      %dma_start3A_724 = arith.constant 0 : i32
      %dma_start3A_725 = tpu.memref_slice %arg6[%dma_start3A_723, %dma_start3A_724] : memref<50176x32xf32, #tpu.memory_space<vmem_shared>> -> memref<50176x32xf32, #tpu.memory_space<vmem_shared>>
      tpu.enqueue_indirect_dma source(%dma_start3A_720 : memref<128x32xf32, #tpu.memory_space<vmem>>) target(%dma_start3A_725 : memref<50176x32xf32, #tpu.memory_space<vmem_shared>>) offsets(%dma_start3A_722 : memref<128xi32, #tpu.memory_space<vmem>>) semaphore(%arg17 : memref<!tpu.dma_semaphore, #tpu.memory_space<semaphore_mem>>) {add = true}
      "tpu.region"() ({
        %run_scoped3A_1198 = tpu.sem_alloc : memref<!tpu.dma_semaphore, #tpu.memory_space<semaphore_mem>>
        %dma_start3A_1199 = arith.constant 256 : i32
        %dma_start3A_1200 = tpu.memref_slice %arg8[%dma_start3A_1199] : memref<2048xi32, #tpu.memory_space<vmem>> -> memref<128xi32, #tpu.memory_space<vmem>>
        %dma_start3A_1201 = arith.constant 0 : i32
        %dma_start3A_1202 = tpu.memref_slice %arg7[%dma_start3A_1201] : memref<50176xf32, #tpu.memory_space<vmem_shared>> -> memref<50176xf32, #tpu.memory_space<vmem_shared>>
        tpu.enqueue_indirect_dma source(%arg11 : memref<128xf32, #tpu.memory_space<vmem>>) target(%dma_start3A_1202 : memref<50176xf32, #tpu.memory_space<vmem_shared>>) offsets(%dma_start3A_1200 : memref<128xi32, #tpu.memory_space<vmem>>) semaphore(%run_scoped3A_1198 : memref<!tpu.dma_semaphore, #tpu.memory_space<semaphore_mem>>) {add = true}
        %dma_wait3A_1203 = arith.constant 256 : i32
        %dma_wait3A_1204 = tpu.memref_slice %arg8[%dma_wait3A_1203] : memref<2048xi32, #tpu.memory_space<vmem>> -> memref<128xi32, #tpu.memory_space<vmem>>
        %dma_wait3A_1205 = arith.constant 0 : i32
        %dma_wait3A_1206 = tpu.memref_slice %arg7[%dma_wait3A_1205] : memref<50176xf32, #tpu.memory_space<vmem_shared>> -> memref<50176xf32, #tpu.memory_space<vmem_shared>>
        tpu.wait_indirect_dma semaphore(%run_scoped3A_1198 : memref<!tpu.dma_semaphore, #tpu.memory_space<semaphore_mem>>) src(%arg11 : memref<128xf32, #tpu.memory_space<vmem>>) dst(%dma_wait3A_1206 : memref<50176xf32, #tpu.memory_space<vmem_shared>>)
        tpu.yield
      }) : () -> ()
      "tpu.region"() ({
        %run_scoped3A_1198 = tpu.sem_alloc : memref<!tpu.dma_semaphore, #tpu.memory_space<semaphore_mem>>
        %dma_start3A_1199 = arith.constant 384 : i32
        %dma_start3A_1200 = tpu.memref_slice %arg8[%dma_start3A_1199] : memref<2048xi32, #tpu.memory_space<vmem>> -> memref<128xi32, #tpu.memory_space<vmem>>
        %dma_start3A_1201 = arith.constant 0 : i32
        %dma_start3A_1202 = tpu.memref_slice %arg7[%dma_start3A_1201] : memref<50176xf32, #tpu.memory_space<vmem_shared>> -> memref<50176xf32, #tpu.memory_space<vmem_shared>>
        tpu.enqueue_indirect_dma source(%arg11 : memref<128xf32, #tpu.memory_space<vmem>>) target(%dma_start3A_1202 : memref<50176xf32, #tpu.memory_space<vmem_shared>>) offsets(%dma_start3A_1200 : memref<128xi32, #tpu.memory_space<vmem>>) semaphore(%run_scoped3A_1198 : memref<!tpu.dma_semaphore, #tpu.memory_space<semaphore_mem>>) {add = true}
        %dma_wait3A_1203 = arith.constant 384 : i32
        %dma_wait3A_1204 = tpu.memref_slice %arg8[%dma_wait3A_1203] : memref<2048xi32, #tpu.memory_space<vmem>> -> memref<128xi32, #tpu.memory_space<vmem>>
        %dma_wait3A_1205 = arith.constant 0 : i32
        %dma_wait3A_1206 = tpu.memref_slice %arg7[%dma_wait3A_1205] : memref<50176xf32, #tpu.memory_space<vmem_shared>> -> memref<50176xf32, #tpu.memory_space<vmem_shared>>
        tpu.wait_indirect_dma semaphore(%run_scoped3A_1198 : memref<!tpu.dma_semaphore, #tpu.memory_space<semaphore_mem>>) src(%arg11 : memref<128xf32, #tpu.memory_space<vmem>>) dst(%dma_wait3A_1206 : memref<50176xf32, #tpu.memory_space<vmem_shared>>)
        tpu.yield
      }) : () -> ()
      %dma_wait3A_726 = arith.constant 256 : i32
      %dma_wait3A_727 = arith.constant 0 : i32
      %dma_wait3A_728 = tpu.memref_slice %arg10[%dma_wait3A_726, %dma_wait3A_727] : memref<512x32xf32, #tpu.memory_space<vmem>> -> memref<128x32xf32, #tpu.memory_space<vmem>>
      %dma_wait3A_729 = arith.constant 256 : i32
      %dma_wait3A_730 = tpu.memref_slice %arg9[%dma_wait3A_729] : memref<2048xi32, #tpu.memory_space<vmem>> -> memref<128xi32, #tpu.memory_space<vmem>>
      %dma_wait3A_731 = arith.constant 0 : i32
      %dma_wait3A_732 = arith.constant 0 : i32
      %dma_wait3A_733 = tpu.memref_slice %arg6[%dma_wait3A_731, %dma_wait3A_732] : memref<50176x32xf32, #tpu.memory_space<vmem_shared>> -> memref<50176x32xf32, #tpu.memory_space<vmem_shared>>
      tpu.wait_indirect_dma semaphore(%arg17 : memref<!tpu.dma_semaphore, #tpu.memory_space<semaphore_mem>>) src(%dma_wait3A_728 : memref<128x32xf32, #tpu.memory_space<vmem>>) dst(%dma_wait3A_733 : memref<50176x32xf32, #tpu.memory_space<vmem_shared>>)
      %dma_wait3A_734 = arith.constant 384 : i32
      %dma_wait3A_735 = arith.constant 0 : i32
      %dma_wait3A_736 = tpu.memref_slice %arg10[%dma_wait3A_734, %dma_wait3A_735] : memref<512x32xf32, #tpu.memory_space<vmem>> -> memref<128x32xf32, #tpu.memory_space<vmem>>
      %dma_wait3A_737 = arith.constant 384 : i32
      %dma_wait3A_738 = tpu.memref_slice %arg9[%dma_wait3A_737] : memref<2048xi32, #tpu.memory_space<vmem>> -> memref<128xi32, #tpu.memory_space<vmem>>
      %dma_wait3A_739 = arith.constant 0 : i32
      %dma_wait3A_740 = arith.constant 0 : i32
      %dma_wait3A_741 = tpu.memref_slice %arg6[%dma_wait3A_739, %dma_wait3A_740] : memref<50176x32xf32, #tpu.memory_space<vmem_shared>> -> memref<50176x32xf32, #tpu.memory_space<vmem_shared>>
      tpu.wait_indirect_dma semaphore(%arg17 : memref<!tpu.dma_semaphore, #tpu.memory_space<semaphore_mem>>) src(%dma_wait3A_736 : memref<128x32xf32, #tpu.memory_space<vmem>>) dst(%dma_wait3A_741 : memref<50176x32xf32, #tpu.memory_space<vmem_shared>>)
      %dma_start3A_742 = arith.constant 256 : i32
      %dma_start3A_743 = arith.constant 0 : i32
      %dma_start3A_744 = tpu.memref_slice %arg10[%dma_start3A_742, %dma_start3A_743] : memref<512x32xf32, #tpu.memory_space<vmem>> -> memref<128x32xf32, #tpu.memory_space<vmem>>
      %dma_start3A_745 = arith.constant 768 : i32
      %dma_start3A_746 = tpu.memref_slice %arg8[%dma_start3A_745] : memref<2048xi32, #tpu.memory_space<vmem>> -> memref<128xi32, #tpu.memory_space<vmem>>
      %dma_start3A_747 = arith.constant 0 : i32
      %dma_start3A_748 = arith.constant 0 : i32
      %dma_start3A_749 = tpu.memref_slice %arg2[%arg0, %dma_start3A_747, %dma_start3A_748] : memref<2x50176x32xf32, #tpu.memory_space<hbm>> -> memref<1x50176x32xf32, #tpu.memory_space<hbm>>
      %dma_start3A_750 = tpu.memref_squeeze %dma_start3A_749 : memref<1x50176x32xf32, #tpu.memory_space<hbm>> -> memref<50176x32xf32, #tpu.memory_space<hbm>>
      %dma_start3A_751 = arith.constant 0 : i32
      %dma_start3A_752 = arith.constant 0 : i32
      %dma_start3A_753 = tpu.memref_slice %dma_start3A_750[%dma_start3A_751, %dma_start3A_752] : memref<50176x32xf32, #tpu.memory_space<hbm>> -> memref<50176x32xf32, #tpu.memory_space<hbm>>
      tpu.enqueue_indirect_dma source(%dma_start3A_753 : memref<50176x32xf32, #tpu.memory_space<hbm>>) target(%dma_start3A_744 : memref<128x32xf32, #tpu.memory_space<vmem>>) offsets(%dma_start3A_746 : memref<128xi32, #tpu.memory_space<vmem>>) semaphore(%arg15 : memref<!tpu.dma_semaphore, #tpu.memory_space<semaphore_mem>>)
      %dma_start3A_754 = arith.constant 384 : i32
      %dma_start3A_755 = arith.constant 0 : i32
      %dma_start3A_756 = tpu.memref_slice %arg10[%dma_start3A_754, %dma_start3A_755] : memref<512x32xf32, #tpu.memory_space<vmem>> -> memref<128x32xf32, #tpu.memory_space<vmem>>
      %dma_start3A_757 = arith.constant 896 : i32
      %dma_start3A_758 = tpu.memref_slice %arg8[%dma_start3A_757] : memref<2048xi32, #tpu.memory_space<vmem>> -> memref<128xi32, #tpu.memory_space<vmem>>
      %dma_start3A_759 = arith.constant 0 : i32
      %dma_start3A_760 = arith.constant 0 : i32
      %dma_start3A_761 = tpu.memref_slice %arg2[%arg0, %dma_start3A_759, %dma_start3A_760] : memref<2x50176x32xf32, #tpu.memory_space<hbm>> -> memref<1x50176x32xf32, #tpu.memory_space<hbm>>
      %dma_start3A_762 = tpu.memref_squeeze %dma_start3A_761 : memref<1x50176x32xf32, #tpu.memory_space<hbm>> -> memref<50176x32xf32, #tpu.memory_space<hbm>>
      %dma_start3A_763 = arith.constant 0 : i32
      %dma_start3A_764 = arith.constant 0 : i32
      %dma_start3A_765 = tpu.memref_slice %dma_start3A_762[%dma_start3A_763, %dma_start3A_764] : memref<50176x32xf32, #tpu.memory_space<hbm>> -> memref<50176x32xf32, #tpu.memory_space<hbm>>
      tpu.enqueue_indirect_dma source(%dma_start3A_765 : memref<50176x32xf32, #tpu.memory_space<hbm>>) target(%dma_start3A_756 : memref<128x32xf32, #tpu.memory_space<vmem>>) offsets(%dma_start3A_758 : memref<128xi32, #tpu.memory_space<vmem>>) semaphore(%arg15 : memref<!tpu.dma_semaphore, #tpu.memory_space<semaphore_mem>>)
      %dma_wait3A_766 = arith.constant 0 : i32
      %dma_wait3A_767 = arith.constant 0 : i32
      %dma_wait3A_768 = tpu.memref_slice %arg10[%dma_wait3A_766, %dma_wait3A_767] : memref<512x32xf32, #tpu.memory_space<vmem>> -> memref<128x32xf32, #tpu.memory_space<vmem>>
      %dma_wait3A_769 = arith.constant 512 : i32
      %dma_wait3A_770 = tpu.memref_slice %arg8[%dma_wait3A_769] : memref<2048xi32, #tpu.memory_space<vmem>> -> memref<128xi32, #tpu.memory_space<vmem>>
      %dma_wait3A_771 = arith.constant 0 : i32
      %dma_wait3A_772 = arith.constant 0 : i32
      %dma_wait3A_773 = tpu.memref_slice %arg2[%arg0, %dma_wait3A_771, %dma_wait3A_772] : memref<2x50176x32xf32, #tpu.memory_space<hbm>> -> memref<1x50176x32xf32, #tpu.memory_space<hbm>>
      %dma_wait3A_774 = tpu.memref_squeeze %dma_wait3A_773 : memref<1x50176x32xf32, #tpu.memory_space<hbm>> -> memref<50176x32xf32, #tpu.memory_space<hbm>>
      %dma_wait3A_775 = arith.constant 0 : i32
      %dma_wait3A_776 = arith.constant 0 : i32
      %dma_wait3A_777 = tpu.memref_slice %dma_wait3A_774[%dma_wait3A_775, %dma_wait3A_776] : memref<50176x32xf32, #tpu.memory_space<hbm>> -> memref<50176x32xf32, #tpu.memory_space<hbm>>
      tpu.wait_indirect_dma semaphore(%arg14 : memref<!tpu.dma_semaphore, #tpu.memory_space<semaphore_mem>>) src(%dma_wait3A_777 : memref<50176x32xf32, #tpu.memory_space<hbm>>) dst(%dma_wait3A_768 : memref<128x32xf32, #tpu.memory_space<vmem>>)
      %dma_wait3A_778 = arith.constant 128 : i32
      %dma_wait3A_779 = arith.constant 0 : i32
      %dma_wait3A_780 = tpu.memref_slice %arg10[%dma_wait3A_778, %dma_wait3A_779] : memref<512x32xf32, #tpu.memory_space<vmem>> -> memref<128x32xf32, #tpu.memory_space<vmem>>
      %dma_wait3A_781 = arith.constant 640 : i32
      %dma_wait3A_782 = tpu.memref_slice %arg8[%dma_wait3A_781] : memref<2048xi32, #tpu.memory_space<vmem>> -> memref<128xi32, #tpu.memory_space<vmem>>
      %dma_wait3A_783 = arith.constant 0 : i32
      %dma_wait3A_784 = arith.constant 0 : i32
      %dma_wait3A_785 = tpu.memref_slice %arg2[%arg0, %dma_wait3A_783, %dma_wait3A_784] : memref<2x50176x32xf32, #tpu.memory_space<hbm>> -> memref<1x50176x32xf32, #tpu.memory_space<hbm>>
      %dma_wait3A_786 = tpu.memref_squeeze %dma_wait3A_785 : memref<1x50176x32xf32, #tpu.memory_space<hbm>> -> memref<50176x32xf32, #tpu.memory_space<hbm>>
      %dma_wait3A_787 = arith.constant 0 : i32
      %dma_wait3A_788 = arith.constant 0 : i32
      %dma_wait3A_789 = tpu.memref_slice %dma_wait3A_786[%dma_wait3A_787, %dma_wait3A_788] : memref<50176x32xf32, #tpu.memory_space<hbm>> -> memref<50176x32xf32, #tpu.memory_space<hbm>>
      tpu.wait_indirect_dma semaphore(%arg14 : memref<!tpu.dma_semaphore, #tpu.memory_space<semaphore_mem>>) src(%dma_wait3A_789 : memref<50176x32xf32, #tpu.memory_space<hbm>>) dst(%dma_wait3A_780 : memref<128x32xf32, #tpu.memory_space<vmem>>)
      %dma_start3A_790 = arith.constant 0 : i32
      %dma_start3A_791 = arith.constant 0 : i32
      %dma_start3A_792 = tpu.memref_slice %arg10[%dma_start3A_790, %dma_start3A_791] : memref<512x32xf32, #tpu.memory_space<vmem>> -> memref<128x32xf32, #tpu.memory_space<vmem>>
      %dma_start3A_793 = arith.constant 512 : i32
      %dma_start3A_794 = tpu.memref_slice %arg9[%dma_start3A_793] : memref<2048xi32, #tpu.memory_space<vmem>> -> memref<128xi32, #tpu.memory_space<vmem>>
      %dma_start3A_795 = arith.constant 0 : i32
      %dma_start3A_796 = arith.constant 0 : i32
      %dma_start3A_797 = tpu.memref_slice %arg6[%dma_start3A_795, %dma_start3A_796] : memref<50176x32xf32, #tpu.memory_space<vmem_shared>> -> memref<50176x32xf32, #tpu.memory_space<vmem_shared>>
      tpu.enqueue_indirect_dma source(%dma_start3A_792 : memref<128x32xf32, #tpu.memory_space<vmem>>) target(%dma_start3A_797 : memref<50176x32xf32, #tpu.memory_space<vmem_shared>>) offsets(%dma_start3A_794 : memref<128xi32, #tpu.memory_space<vmem>>) semaphore(%arg16 : memref<!tpu.dma_semaphore, #tpu.memory_space<semaphore_mem>>) {add = true}
      %dma_start3A_798 = arith.constant 128 : i32
      %dma_start3A_799 = arith.constant 0 : i32
      %dma_start3A_800 = tpu.memref_slice %arg10[%dma_start3A_798, %dma_start3A_799] : memref<512x32xf32, #tpu.memory_space<vmem>> -> memref<128x32xf32, #tpu.memory_space<vmem>>
      %dma_start3A_801 = arith.constant 640 : i32
      %dma_start3A_802 = tpu.memref_slice %arg9[%dma_start3A_801] : memref<2048xi32, #tpu.memory_space<vmem>> -> memref<128xi32, #tpu.memory_space<vmem>>
      %dma_start3A_803 = arith.constant 0 : i32
      %dma_start3A_804 = arith.constant 0 : i32
      %dma_start3A_805 = tpu.memref_slice %arg6[%dma_start3A_803, %dma_start3A_804] : memref<50176x32xf32, #tpu.memory_space<vmem_shared>> -> memref<50176x32xf32, #tpu.memory_space<vmem_shared>>
      tpu.enqueue_indirect_dma source(%dma_start3A_800 : memref<128x32xf32, #tpu.memory_space<vmem>>) target(%dma_start3A_805 : memref<50176x32xf32, #tpu.memory_space<vmem_shared>>) offsets(%dma_start3A_802 : memref<128xi32, #tpu.memory_space<vmem>>) semaphore(%arg16 : memref<!tpu.dma_semaphore, #tpu.memory_space<semaphore_mem>>) {add = true}
      "tpu.region"() ({
        %run_scoped3A_1198 = tpu.sem_alloc : memref<!tpu.dma_semaphore, #tpu.memory_space<semaphore_mem>>
        %dma_start3A_1199 = arith.constant 512 : i32
        %dma_start3A_1200 = tpu.memref_slice %arg8[%dma_start3A_1199] : memref<2048xi32, #tpu.memory_space<vmem>> -> memref<128xi32, #tpu.memory_space<vmem>>
        %dma_start3A_1201 = arith.constant 0 : i32
        %dma_start3A_1202 = tpu.memref_slice %arg7[%dma_start3A_1201] : memref<50176xf32, #tpu.memory_space<vmem_shared>> -> memref<50176xf32, #tpu.memory_space<vmem_shared>>
        tpu.enqueue_indirect_dma source(%arg11 : memref<128xf32, #tpu.memory_space<vmem>>) target(%dma_start3A_1202 : memref<50176xf32, #tpu.memory_space<vmem_shared>>) offsets(%dma_start3A_1200 : memref<128xi32, #tpu.memory_space<vmem>>) semaphore(%run_scoped3A_1198 : memref<!tpu.dma_semaphore, #tpu.memory_space<semaphore_mem>>) {add = true}
        %dma_wait3A_1203 = arith.constant 512 : i32
        %dma_wait3A_1204 = tpu.memref_slice %arg8[%dma_wait3A_1203] : memref<2048xi32, #tpu.memory_space<vmem>> -> memref<128xi32, #tpu.memory_space<vmem>>
        %dma_wait3A_1205 = arith.constant 0 : i32
        %dma_wait3A_1206 = tpu.memref_slice %arg7[%dma_wait3A_1205] : memref<50176xf32, #tpu.memory_space<vmem_shared>> -> memref<50176xf32, #tpu.memory_space<vmem_shared>>
        tpu.wait_indirect_dma semaphore(%run_scoped3A_1198 : memref<!tpu.dma_semaphore, #tpu.memory_space<semaphore_mem>>) src(%arg11 : memref<128xf32, #tpu.memory_space<vmem>>) dst(%dma_wait3A_1206 : memref<50176xf32, #tpu.memory_space<vmem_shared>>)
        tpu.yield
      }) : () -> ()
      "tpu.region"() ({
        %run_scoped3A_1198 = tpu.sem_alloc : memref<!tpu.dma_semaphore, #tpu.memory_space<semaphore_mem>>
        %dma_start3A_1199 = arith.constant 640 : i32
        %dma_start3A_1200 = tpu.memref_slice %arg8[%dma_start3A_1199] : memref<2048xi32, #tpu.memory_space<vmem>> -> memref<128xi32, #tpu.memory_space<vmem>>
        %dma_start3A_1201 = arith.constant 0 : i32
        %dma_start3A_1202 = tpu.memref_slice %arg7[%dma_start3A_1201] : memref<50176xf32, #tpu.memory_space<vmem_shared>> -> memref<50176xf32, #tpu.memory_space<vmem_shared>>
        tpu.enqueue_indirect_dma source(%arg11 : memref<128xf32, #tpu.memory_space<vmem>>) target(%dma_start3A_1202 : memref<50176xf32, #tpu.memory_space<vmem_shared>>) offsets(%dma_start3A_1200 : memref<128xi32, #tpu.memory_space<vmem>>) semaphore(%run_scoped3A_1198 : memref<!tpu.dma_semaphore, #tpu.memory_space<semaphore_mem>>) {add = true}
        %dma_wait3A_1203 = arith.constant 640 : i32
        %dma_wait3A_1204 = tpu.memref_slice %arg8[%dma_wait3A_1203] : memref<2048xi32, #tpu.memory_space<vmem>> -> memref<128xi32, #tpu.memory_space<vmem>>
        %dma_wait3A_1205 = arith.constant 0 : i32
        %dma_wait3A_1206 = tpu.memref_slice %arg7[%dma_wait3A_1205] : memref<50176xf32, #tpu.memory_space<vmem_shared>> -> memref<50176xf32, #tpu.memory_space<vmem_shared>>
        tpu.wait_indirect_dma semaphore(%run_scoped3A_1198 : memref<!tpu.dma_semaphore, #tpu.memory_space<semaphore_mem>>) src(%arg11 : memref<128xf32, #tpu.memory_space<vmem>>) dst(%dma_wait3A_1206 : memref<50176xf32, #tpu.memory_space<vmem_shared>>)
        tpu.yield
      }) : () -> ()
      %dma_wait3A_806 = arith.constant 0 : i32
      %dma_wait3A_807 = arith.constant 0 : i32
      %dma_wait3A_808 = tpu.memref_slice %arg10[%dma_wait3A_806, %dma_wait3A_807] : memref<512x32xf32, #tpu.memory_space<vmem>> -> memref<128x32xf32, #tpu.memory_space<vmem>>
      %dma_wait3A_809 = arith.constant 512 : i32
      %dma_wait3A_810 = tpu.memref_slice %arg9[%dma_wait3A_809] : memref<2048xi32, #tpu.memory_space<vmem>> -> memref<128xi32, #tpu.memory_space<vmem>>
      %dma_wait3A_811 = arith.constant 0 : i32
      %dma_wait3A_812 = arith.constant 0 : i32
      %dma_wait3A_813 = tpu.memref_slice %arg6[%dma_wait3A_811, %dma_wait3A_812] : memref<50176x32xf32, #tpu.memory_space<vmem_shared>> -> memref<50176x32xf32, #tpu.memory_space<vmem_shared>>
      tpu.wait_indirect_dma semaphore(%arg16 : memref<!tpu.dma_semaphore, #tpu.memory_space<semaphore_mem>>) src(%dma_wait3A_808 : memref<128x32xf32, #tpu.memory_space<vmem>>) dst(%dma_wait3A_813 : memref<50176x32xf32, #tpu.memory_space<vmem_shared>>)
      %dma_wait3A_814 = arith.constant 128 : i32
      %dma_wait3A_815 = arith.constant 0 : i32
      %dma_wait3A_816 = tpu.memref_slice %arg10[%dma_wait3A_814, %dma_wait3A_815] : memref<512x32xf32, #tpu.memory_space<vmem>> -> memref<128x32xf32, #tpu.memory_space<vmem>>
      %dma_wait3A_817 = arith.constant 640 : i32
      %dma_wait3A_818 = tpu.memref_slice %arg9[%dma_wait3A_817] : memref<2048xi32, #tpu.memory_space<vmem>> -> memref<128xi32, #tpu.memory_space<vmem>>
      %dma_wait3A_819 = arith.constant 0 : i32
      %dma_wait3A_820 = arith.constant 0 : i32
      %dma_wait3A_821 = tpu.memref_slice %arg6[%dma_wait3A_819, %dma_wait3A_820] : memref<50176x32xf32, #tpu.memory_space<vmem_shared>> -> memref<50176x32xf32, #tpu.memory_space<vmem_shared>>
      tpu.wait_indirect_dma semaphore(%arg16 : memref<!tpu.dma_semaphore, #tpu.memory_space<semaphore_mem>>) src(%dma_wait3A_816 : memref<128x32xf32, #tpu.memory_space<vmem>>) dst(%dma_wait3A_821 : memref<50176x32xf32, #tpu.memory_space<vmem_shared>>)
      %dma_start3A_822 = arith.constant 0 : i32
      %dma_start3A_823 = arith.constant 0 : i32
      %dma_start3A_824 = tpu.memref_slice %arg10[%dma_start3A_822, %dma_start3A_823] : memref<512x32xf32, #tpu.memory_space<vmem>> -> memref<128x32xf32, #tpu.memory_space<vmem>>
      %dma_start3A_825 = arith.constant 1024 : i32
      %dma_start3A_826 = tpu.memref_slice %arg8[%dma_start3A_825] : memref<2048xi32, #tpu.memory_space<vmem>> -> memref<128xi32, #tpu.memory_space<vmem>>
      %dma_start3A_827 = arith.constant 0 : i32
      %dma_start3A_828 = arith.constant 0 : i32
      %dma_start3A_829 = tpu.memref_slice %arg2[%arg0, %dma_start3A_827, %dma_start3A_828] : memref<2x50176x32xf32, #tpu.memory_space<hbm>> -> memref<1x50176x32xf32, #tpu.memory_space<hbm>>
      %dma_start3A_830 = tpu.memref_squeeze %dma_start3A_829 : memref<1x50176x32xf32, #tpu.memory_space<hbm>> -> memref<50176x32xf32, #tpu.memory_space<hbm>>
      %dma_start3A_831 = arith.constant 0 : i32
      %dma_start3A_832 = arith.constant 0 : i32
      %dma_start3A_833 = tpu.memref_slice %dma_start3A_830[%dma_start3A_831, %dma_start3A_832] : memref<50176x32xf32, #tpu.memory_space<hbm>> -> memref<50176x32xf32, #tpu.memory_space<hbm>>
      tpu.enqueue_indirect_dma source(%dma_start3A_833 : memref<50176x32xf32, #tpu.memory_space<hbm>>) target(%dma_start3A_824 : memref<128x32xf32, #tpu.memory_space<vmem>>) offsets(%dma_start3A_826 : memref<128xi32, #tpu.memory_space<vmem>>) semaphore(%arg14 : memref<!tpu.dma_semaphore, #tpu.memory_space<semaphore_mem>>)
      %dma_start3A_834 = arith.constant 128 : i32
      %dma_start3A_835 = arith.constant 0 : i32
      %dma_start3A_836 = tpu.memref_slice %arg10[%dma_start3A_834, %dma_start3A_835] : memref<512x32xf32, #tpu.memory_space<vmem>> -> memref<128x32xf32, #tpu.memory_space<vmem>>
      %dma_start3A_837 = arith.constant 1152 : i32
      %dma_start3A_838 = tpu.memref_slice %arg8[%dma_start3A_837] : memref<2048xi32, #tpu.memory_space<vmem>> -> memref<128xi32, #tpu.memory_space<vmem>>
      %dma_start3A_839 = arith.constant 0 : i32
      %dma_start3A_840 = arith.constant 0 : i32
      %dma_start3A_841 = tpu.memref_slice %arg2[%arg0, %dma_start3A_839, %dma_start3A_840] : memref<2x50176x32xf32, #tpu.memory_space<hbm>> -> memref<1x50176x32xf32, #tpu.memory_space<hbm>>
      %dma_start3A_842 = tpu.memref_squeeze %dma_start3A_841 : memref<1x50176x32xf32, #tpu.memory_space<hbm>> -> memref<50176x32xf32, #tpu.memory_space<hbm>>
      %dma_start3A_843 = arith.constant 0 : i32
      %dma_start3A_844 = arith.constant 0 : i32
      %dma_start3A_845 = tpu.memref_slice %dma_start3A_842[%dma_start3A_843, %dma_start3A_844] : memref<50176x32xf32, #tpu.memory_space<hbm>> -> memref<50176x32xf32, #tpu.memory_space<hbm>>
      tpu.enqueue_indirect_dma source(%dma_start3A_845 : memref<50176x32xf32, #tpu.memory_space<hbm>>) target(%dma_start3A_836 : memref<128x32xf32, #tpu.memory_space<vmem>>) offsets(%dma_start3A_838 : memref<128xi32, #tpu.memory_space<vmem>>) semaphore(%arg14 : memref<!tpu.dma_semaphore, #tpu.memory_space<semaphore_mem>>)
      %dma_wait3A_846 = arith.constant 256 : i32
      %dma_wait3A_847 = arith.constant 0 : i32
      %dma_wait3A_848 = tpu.memref_slice %arg10[%dma_wait3A_846, %dma_wait3A_847] : memref<512x32xf32, #tpu.memory_space<vmem>> -> memref<128x32xf32, #tpu.memory_space<vmem>>
      %dma_wait3A_849 = arith.constant 768 : i32
      %dma_wait3A_850 = tpu.memref_slice %arg8[%dma_wait3A_849] : memref<2048xi32, #tpu.memory_space<vmem>> -> memref<128xi32, #tpu.memory_space<vmem>>
      %dma_wait3A_851 = arith.constant 0 : i32
      %dma_wait3A_852 = arith.constant 0 : i32
      %dma_wait3A_853 = tpu.memref_slice %arg2[%arg0, %dma_wait3A_851, %dma_wait3A_852] : memref<2x50176x32xf32, #tpu.memory_space<hbm>> -> memref<1x50176x32xf32, #tpu.memory_space<hbm>>
      %dma_wait3A_854 = tpu.memref_squeeze %dma_wait3A_853 : memref<1x50176x32xf32, #tpu.memory_space<hbm>> -> memref<50176x32xf32, #tpu.memory_space<hbm>>
      %dma_wait3A_855 = arith.constant 0 : i32
      %dma_wait3A_856 = arith.constant 0 : i32
      %dma_wait3A_857 = tpu.memref_slice %dma_wait3A_854[%dma_wait3A_855, %dma_wait3A_856] : memref<50176x32xf32, #tpu.memory_space<hbm>> -> memref<50176x32xf32, #tpu.memory_space<hbm>>
      tpu.wait_indirect_dma semaphore(%arg15 : memref<!tpu.dma_semaphore, #tpu.memory_space<semaphore_mem>>) src(%dma_wait3A_857 : memref<50176x32xf32, #tpu.memory_space<hbm>>) dst(%dma_wait3A_848 : memref<128x32xf32, #tpu.memory_space<vmem>>)
      %dma_wait3A_858 = arith.constant 384 : i32
      %dma_wait3A_859 = arith.constant 0 : i32
      %dma_wait3A_860 = tpu.memref_slice %arg10[%dma_wait3A_858, %dma_wait3A_859] : memref<512x32xf32, #tpu.memory_space<vmem>> -> memref<128x32xf32, #tpu.memory_space<vmem>>
      %dma_wait3A_861 = arith.constant 896 : i32
      %dma_wait3A_862 = tpu.memref_slice %arg8[%dma_wait3A_861] : memref<2048xi32, #tpu.memory_space<vmem>> -> memref<128xi32, #tpu.memory_space<vmem>>
      %dma_wait3A_863 = arith.constant 0 : i32
      %dma_wait3A_864 = arith.constant 0 : i32
      %dma_wait3A_865 = tpu.memref_slice %arg2[%arg0, %dma_wait3A_863, %dma_wait3A_864] : memref<2x50176x32xf32, #tpu.memory_space<hbm>> -> memref<1x50176x32xf32, #tpu.memory_space<hbm>>
      %dma_wait3A_866 = tpu.memref_squeeze %dma_wait3A_865 : memref<1x50176x32xf32, #tpu.memory_space<hbm>> -> memref<50176x32xf32, #tpu.memory_space<hbm>>
      %dma_wait3A_867 = arith.constant 0 : i32
      %dma_wait3A_868 = arith.constant 0 : i32
      %dma_wait3A_869 = tpu.memref_slice %dma_wait3A_866[%dma_wait3A_867, %dma_wait3A_868] : memref<50176x32xf32, #tpu.memory_space<hbm>> -> memref<50176x32xf32, #tpu.memory_space<hbm>>
      tpu.wait_indirect_dma semaphore(%arg15 : memref<!tpu.dma_semaphore, #tpu.memory_space<semaphore_mem>>) src(%dma_wait3A_869 : memref<50176x32xf32, #tpu.memory_space<hbm>>) dst(%dma_wait3A_860 : memref<128x32xf32, #tpu.memory_space<vmem>>)
      %dma_start3A_870 = arith.constant 256 : i32
      %dma_start3A_871 = arith.constant 0 : i32
      %dma_start3A_872 = tpu.memref_slice %arg10[%dma_start3A_870, %dma_start3A_871] : memref<512x32xf32, #tpu.memory_space<vmem>> -> memref<128x32xf32, #tpu.memory_space<vmem>>
      %dma_start3A_873 = arith.constant 768 : i32
      %dma_start3A_874 = tpu.memref_slice %arg9[%dma_start3A_873] : memref<2048xi32, #tpu.memory_space<vmem>> -> memref<128xi32, #tpu.memory_space<vmem>>
      %dma_start3A_875 = arith.constant 0 : i32
      %dma_start3A_876 = arith.constant 0 : i32
      %dma_start3A_877 = tpu.memref_slice %arg6[%dma_start3A_875, %dma_start3A_876] : memref<50176x32xf32, #tpu.memory_space<vmem_shared>> -> memref<50176x32xf32, #tpu.memory_space<vmem_shared>>
      tpu.enqueue_indirect_dma source(%dma_start3A_872 : memref<128x32xf32, #tpu.memory_space<vmem>>) target(%dma_start3A_877 : memref<50176x32xf32, #tpu.memory_space<vmem_shared>>) offsets(%dma_start3A_874 : memref<128xi32, #tpu.memory_space<vmem>>) semaphore(%arg17 : memref<!tpu.dma_semaphore, #tpu.memory_space<semaphore_mem>>) {add = true}
      %dma_start3A_878 = arith.constant 384 : i32
      %dma_start3A_879 = arith.constant 0 : i32
      %dma_start3A_880 = tpu.memref_slice %arg10[%dma_start3A_878, %dma_start3A_879] : memref<512x32xf32, #tpu.memory_space<vmem>> -> memref<128x32xf32, #tpu.memory_space<vmem>>
      %dma_start3A_881 = arith.constant 896 : i32
      %dma_start3A_882 = tpu.memref_slice %arg9[%dma_start3A_881] : memref<2048xi32, #tpu.memory_space<vmem>> -> memref<128xi32, #tpu.memory_space<vmem>>
      %dma_start3A_883 = arith.constant 0 : i32
      %dma_start3A_884 = arith.constant 0 : i32
      %dma_start3A_885 = tpu.memref_slice %arg6[%dma_start3A_883, %dma_start3A_884] : memref<50176x32xf32, #tpu.memory_space<vmem_shared>> -> memref<50176x32xf32, #tpu.memory_space<vmem_shared>>
      tpu.enqueue_indirect_dma source(%dma_start3A_880 : memref<128x32xf32, #tpu.memory_space<vmem>>) target(%dma_start3A_885 : memref<50176x32xf32, #tpu.memory_space<vmem_shared>>) offsets(%dma_start3A_882 : memref<128xi32, #tpu.memory_space<vmem>>) semaphore(%arg17 : memref<!tpu.dma_semaphore, #tpu.memory_space<semaphore_mem>>) {add = true}
      "tpu.region"() ({
        %run_scoped3A_1198 = tpu.sem_alloc : memref<!tpu.dma_semaphore, #tpu.memory_space<semaphore_mem>>
        %dma_start3A_1199 = arith.constant 768 : i32
        %dma_start3A_1200 = tpu.memref_slice %arg8[%dma_start3A_1199] : memref<2048xi32, #tpu.memory_space<vmem>> -> memref<128xi32, #tpu.memory_space<vmem>>
        %dma_start3A_1201 = arith.constant 0 : i32
        %dma_start3A_1202 = tpu.memref_slice %arg7[%dma_start3A_1201] : memref<50176xf32, #tpu.memory_space<vmem_shared>> -> memref<50176xf32, #tpu.memory_space<vmem_shared>>
        tpu.enqueue_indirect_dma source(%arg11 : memref<128xf32, #tpu.memory_space<vmem>>) target(%dma_start3A_1202 : memref<50176xf32, #tpu.memory_space<vmem_shared>>) offsets(%dma_start3A_1200 : memref<128xi32, #tpu.memory_space<vmem>>) semaphore(%run_scoped3A_1198 : memref<!tpu.dma_semaphore, #tpu.memory_space<semaphore_mem>>) {add = true}
        %dma_wait3A_1203 = arith.constant 768 : i32
        %dma_wait3A_1204 = tpu.memref_slice %arg8[%dma_wait3A_1203] : memref<2048xi32, #tpu.memory_space<vmem>> -> memref<128xi32, #tpu.memory_space<vmem>>
        %dma_wait3A_1205 = arith.constant 0 : i32
        %dma_wait3A_1206 = tpu.memref_slice %arg7[%dma_wait3A_1205] : memref<50176xf32, #tpu.memory_space<vmem_shared>> -> memref<50176xf32, #tpu.memory_space<vmem_shared>>
        tpu.wait_indirect_dma semaphore(%run_scoped3A_1198 : memref<!tpu.dma_semaphore, #tpu.memory_space<semaphore_mem>>) src(%arg11 : memref<128xf32, #tpu.memory_space<vmem>>) dst(%dma_wait3A_1206 : memref<50176xf32, #tpu.memory_space<vmem_shared>>)
        tpu.yield
      }) : () -> ()
      "tpu.region"() ({
        %run_scoped3A_1198 = tpu.sem_alloc : memref<!tpu.dma_semaphore, #tpu.memory_space<semaphore_mem>>
        %dma_start3A_1199 = arith.constant 896 : i32
        %dma_start3A_1200 = tpu.memref_slice %arg8[%dma_start3A_1199] : memref<2048xi32, #tpu.memory_space<vmem>> -> memref<128xi32, #tpu.memory_space<vmem>>
        %dma_start3A_1201 = arith.constant 0 : i32
        %dma_start3A_1202 = tpu.memref_slice %arg7[%dma_start3A_1201] : memref<50176xf32, #tpu.memory_space<vmem_shared>> -> memref<50176xf32, #tpu.memory_space<vmem_shared>>
        tpu.enqueue_indirect_dma source(%arg11 : memref<128xf32, #tpu.memory_space<vmem>>) target(%dma_start3A_1202 : memref<50176xf32, #tpu.memory_space<vmem_shared>>) offsets(%dma_start3A_1200 : memref<128xi32, #tpu.memory_space<vmem>>) semaphore(%run_scoped3A_1198 : memref<!tpu.dma_semaphore, #tpu.memory_space<semaphore_mem>>) {add = true}
        %dma_wait3A_1203 = arith.constant 896 : i32
        %dma_wait3A_1204 = tpu.memref_slice %arg8[%dma_wait3A_1203] : memref<2048xi32, #tpu.memory_space<vmem>> -> memref<128xi32, #tpu.memory_space<vmem>>
        %dma_wait3A_1205 = arith.constant 0 : i32
        %dma_wait3A_1206 = tpu.memref_slice %arg7[%dma_wait3A_1205] : memref<50176xf32, #tpu.memory_space<vmem_shared>> -> memref<50176xf32, #tpu.memory_space<vmem_shared>>
        tpu.wait_indirect_dma semaphore(%run_scoped3A_1198 : memref<!tpu.dma_semaphore, #tpu.memory_space<semaphore_mem>>) src(%arg11 : memref<128xf32, #tpu.memory_space<vmem>>) dst(%dma_wait3A_1206 : memref<50176xf32, #tpu.memory_space<vmem_shared>>)
        tpu.yield
      }) : () -> ()
      %dma_wait3A_886 = arith.constant 256 : i32
      %dma_wait3A_887 = arith.constant 0 : i32
      %dma_wait3A_888 = tpu.memref_slice %arg10[%dma_wait3A_886, %dma_wait3A_887] : memref<512x32xf32, #tpu.memory_space<vmem>> -> memref<128x32xf32, #tpu.memory_space<vmem>>
      %dma_wait3A_889 = arith.constant 768 : i32
      %dma_wait3A_890 = tpu.memref_slice %arg9[%dma_wait3A_889] : memref<2048xi32, #tpu.memory_space<vmem>> -> memref<128xi32, #tpu.memory_space<vmem>>
      %dma_wait3A_891 = arith.constant 0 : i32
      %dma_wait3A_892 = arith.constant 0 : i32
      %dma_wait3A_893 = tpu.memref_slice %arg6[%dma_wait3A_891, %dma_wait3A_892] : memref<50176x32xf32, #tpu.memory_space<vmem_shared>> -> memref<50176x32xf32, #tpu.memory_space<vmem_shared>>
      tpu.wait_indirect_dma semaphore(%arg17 : memref<!tpu.dma_semaphore, #tpu.memory_space<semaphore_mem>>) src(%dma_wait3A_888 : memref<128x32xf32, #tpu.memory_space<vmem>>) dst(%dma_wait3A_893 : memref<50176x32xf32, #tpu.memory_space<vmem_shared>>)
      %dma_wait3A_894 = arith.constant 384 : i32
      %dma_wait3A_895 = arith.constant 0 : i32
      %dma_wait3A_896 = tpu.memref_slice %arg10[%dma_wait3A_894, %dma_wait3A_895] : memref<512x32xf32, #tpu.memory_space<vmem>> -> memref<128x32xf32, #tpu.memory_space<vmem>>
      %dma_wait3A_897 = arith.constant 896 : i32
      %dma_wait3A_898 = tpu.memref_slice %arg9[%dma_wait3A_897] : memref<2048xi32, #tpu.memory_space<vmem>> -> memref<128xi32, #tpu.memory_space<vmem>>
      %dma_wait3A_899 = arith.constant 0 : i32
      %dma_wait3A_900 = arith.constant 0 : i32
      %dma_wait3A_901 = tpu.memref_slice %arg6[%dma_wait3A_899, %dma_wait3A_900] : memref<50176x32xf32, #tpu.memory_space<vmem_shared>> -> memref<50176x32xf32, #tpu.memory_space<vmem_shared>>
      tpu.wait_indirect_dma semaphore(%arg17 : memref<!tpu.dma_semaphore, #tpu.memory_space<semaphore_mem>>) src(%dma_wait3A_896 : memref<128x32xf32, #tpu.memory_space<vmem>>) dst(%dma_wait3A_901 : memref<50176x32xf32, #tpu.memory_space<vmem_shared>>)
      %dma_start3A_902 = arith.constant 256 : i32
      %dma_start3A_903 = arith.constant 0 : i32
      %dma_start3A_904 = tpu.memref_slice %arg10[%dma_start3A_902, %dma_start3A_903] : memref<512x32xf32, #tpu.memory_space<vmem>> -> memref<128x32xf32, #tpu.memory_space<vmem>>
      %dma_start3A_905 = arith.constant 1280 : i32
      %dma_start3A_906 = tpu.memref_slice %arg8[%dma_start3A_905] : memref<2048xi32, #tpu.memory_space<vmem>> -> memref<128xi32, #tpu.memory_space<vmem>>
      %dma_start3A_907 = arith.constant 0 : i32
      %dma_start3A_908 = arith.constant 0 : i32
      %dma_start3A_909 = tpu.memref_slice %arg2[%arg0, %dma_start3A_907, %dma_start3A_908] : memref<2x50176x32xf32, #tpu.memory_space<hbm>> -> memref<1x50176x32xf32, #tpu.memory_space<hbm>>
      %dma_start3A_910 = tpu.memref_squeeze %dma_start3A_909 : memref<1x50176x32xf32, #tpu.memory_space<hbm>> -> memref<50176x32xf32, #tpu.memory_space<hbm>>
      %dma_start3A_911 = arith.constant 0 : i32
      %dma_start3A_912 = arith.constant 0 : i32
      %dma_start3A_913 = tpu.memref_slice %dma_start3A_910[%dma_start3A_911, %dma_start3A_912] : memref<50176x32xf32, #tpu.memory_space<hbm>> -> memref<50176x32xf32, #tpu.memory_space<hbm>>
      tpu.enqueue_indirect_dma source(%dma_start3A_913 : memref<50176x32xf32, #tpu.memory_space<hbm>>) target(%dma_start3A_904 : memref<128x32xf32, #tpu.memory_space<vmem>>) offsets(%dma_start3A_906 : memref<128xi32, #tpu.memory_space<vmem>>) semaphore(%arg15 : memref<!tpu.dma_semaphore, #tpu.memory_space<semaphore_mem>>)
      %dma_start3A_914 = arith.constant 384 : i32
      %dma_start3A_915 = arith.constant 0 : i32
      %dma_start3A_916 = tpu.memref_slice %arg10[%dma_start3A_914, %dma_start3A_915] : memref<512x32xf32, #tpu.memory_space<vmem>> -> memref<128x32xf32, #tpu.memory_space<vmem>>
      %dma_start3A_917 = arith.constant 1408 : i32
      %dma_start3A_918 = tpu.memref_slice %arg8[%dma_start3A_917] : memref<2048xi32, #tpu.memory_space<vmem>> -> memref<128xi32, #tpu.memory_space<vmem>>
      %dma_start3A_919 = arith.constant 0 : i32
      %dma_start3A_920 = arith.constant 0 : i32
      %dma_start3A_921 = tpu.memref_slice %arg2[%arg0, %dma_start3A_919, %dma_start3A_920] : memref<2x50176x32xf32, #tpu.memory_space<hbm>> -> memref<1x50176x32xf32, #tpu.memory_space<hbm>>
      %dma_start3A_922 = tpu.memref_squeeze %dma_start3A_921 : memref<1x50176x32xf32, #tpu.memory_space<hbm>> -> memref<50176x32xf32, #tpu.memory_space<hbm>>
      %dma_start3A_923 = arith.constant 0 : i32
      %dma_start3A_924 = arith.constant 0 : i32
      %dma_start3A_925 = tpu.memref_slice %dma_start3A_922[%dma_start3A_923, %dma_start3A_924] : memref<50176x32xf32, #tpu.memory_space<hbm>> -> memref<50176x32xf32, #tpu.memory_space<hbm>>
      tpu.enqueue_indirect_dma source(%dma_start3A_925 : memref<50176x32xf32, #tpu.memory_space<hbm>>) target(%dma_start3A_916 : memref<128x32xf32, #tpu.memory_space<vmem>>) offsets(%dma_start3A_918 : memref<128xi32, #tpu.memory_space<vmem>>) semaphore(%arg15 : memref<!tpu.dma_semaphore, #tpu.memory_space<semaphore_mem>>)
      %dma_wait3A_926 = arith.constant 0 : i32
      %dma_wait3A_927 = arith.constant 0 : i32
      %dma_wait3A_928 = tpu.memref_slice %arg10[%dma_wait3A_926, %dma_wait3A_927] : memref<512x32xf32, #tpu.memory_space<vmem>> -> memref<128x32xf32, #tpu.memory_space<vmem>>
      %dma_wait3A_929 = arith.constant 1024 : i32
      %dma_wait3A_930 = tpu.memref_slice %arg8[%dma_wait3A_929] : memref<2048xi32, #tpu.memory_space<vmem>> -> memref<128xi32, #tpu.memory_space<vmem>>
      %dma_wait3A_931 = arith.constant 0 : i32
      %dma_wait3A_932 = arith.constant 0 : i32
      %dma_wait3A_933 = tpu.memref_slice %arg2[%arg0, %dma_wait3A_931, %dma_wait3A_932] : memref<2x50176x32xf32, #tpu.memory_space<hbm>> -> memref<1x50176x32xf32, #tpu.memory_space<hbm>>
      %dma_wait3A_934 = tpu.memref_squeeze %dma_wait3A_933 : memref<1x50176x32xf32, #tpu.memory_space<hbm>> -> memref<50176x32xf32, #tpu.memory_space<hbm>>
      %dma_wait3A_935 = arith.constant 0 : i32
      %dma_wait3A_936 = arith.constant 0 : i32
      %dma_wait3A_937 = tpu.memref_slice %dma_wait3A_934[%dma_wait3A_935, %dma_wait3A_936] : memref<50176x32xf32, #tpu.memory_space<hbm>> -> memref<50176x32xf32, #tpu.memory_space<hbm>>
      tpu.wait_indirect_dma semaphore(%arg14 : memref<!tpu.dma_semaphore, #tpu.memory_space<semaphore_mem>>) src(%dma_wait3A_937 : memref<50176x32xf32, #tpu.memory_space<hbm>>) dst(%dma_wait3A_928 : memref<128x32xf32, #tpu.memory_space<vmem>>)
      %dma_wait3A_938 = arith.constant 128 : i32
      %dma_wait3A_939 = arith.constant 0 : i32
      %dma_wait3A_940 = tpu.memref_slice %arg10[%dma_wait3A_938, %dma_wait3A_939] : memref<512x32xf32, #tpu.memory_space<vmem>> -> memref<128x32xf32, #tpu.memory_space<vmem>>
      %dma_wait3A_941 = arith.constant 1152 : i32
      %dma_wait3A_942 = tpu.memref_slice %arg8[%dma_wait3A_941] : memref<2048xi32, #tpu.memory_space<vmem>> -> memref<128xi32, #tpu.memory_space<vmem>>
      %dma_wait3A_943 = arith.constant 0 : i32
      %dma_wait3A_944 = arith.constant 0 : i32
      %dma_wait3A_945 = tpu.memref_slice %arg2[%arg0, %dma_wait3A_943, %dma_wait3A_944] : memref<2x50176x32xf32, #tpu.memory_space<hbm>> -> memref<1x50176x32xf32, #tpu.memory_space<hbm>>
      %dma_wait3A_946 = tpu.memref_squeeze %dma_wait3A_945 : memref<1x50176x32xf32, #tpu.memory_space<hbm>> -> memref<50176x32xf32, #tpu.memory_space<hbm>>
      %dma_wait3A_947 = arith.constant 0 : i32
      %dma_wait3A_948 = arith.constant 0 : i32
      %dma_wait3A_949 = tpu.memref_slice %dma_wait3A_946[%dma_wait3A_947, %dma_wait3A_948] : memref<50176x32xf32, #tpu.memory_space<hbm>> -> memref<50176x32xf32, #tpu.memory_space<hbm>>
      tpu.wait_indirect_dma semaphore(%arg14 : memref<!tpu.dma_semaphore, #tpu.memory_space<semaphore_mem>>) src(%dma_wait3A_949 : memref<50176x32xf32, #tpu.memory_space<hbm>>) dst(%dma_wait3A_940 : memref<128x32xf32, #tpu.memory_space<vmem>>)
      %dma_start3A_950 = arith.constant 0 : i32
      %dma_start3A_951 = arith.constant 0 : i32
      %dma_start3A_952 = tpu.memref_slice %arg10[%dma_start3A_950, %dma_start3A_951] : memref<512x32xf32, #tpu.memory_space<vmem>> -> memref<128x32xf32, #tpu.memory_space<vmem>>
      %dma_start3A_953 = arith.constant 1024 : i32
      %dma_start3A_954 = tpu.memref_slice %arg9[%dma_start3A_953] : memref<2048xi32, #tpu.memory_space<vmem>> -> memref<128xi32, #tpu.memory_space<vmem>>
      %dma_start3A_955 = arith.constant 0 : i32
      %dma_start3A_956 = arith.constant 0 : i32
      %dma_start3A_957 = tpu.memref_slice %arg6[%dma_start3A_955, %dma_start3A_956] : memref<50176x32xf32, #tpu.memory_space<vmem_shared>> -> memref<50176x32xf32, #tpu.memory_space<vmem_shared>>
      tpu.enqueue_indirect_dma source(%dma_start3A_952 : memref<128x32xf32, #tpu.memory_space<vmem>>) target(%dma_start3A_957 : memref<50176x32xf32, #tpu.memory_space<vmem_shared>>) offsets(%dma_start3A_954 : memref<128xi32, #tpu.memory_space<vmem>>) semaphore(%arg16 : memref<!tpu.dma_semaphore, #tpu.memory_space<semaphore_mem>>) {add = true}
      %dma_start3A_958 = arith.constant 128 : i32
      %dma_start3A_959 = arith.constant 0 : i32
      %dma_start3A_960 = tpu.memref_slice %arg10[%dma_start3A_958, %dma_start3A_959] : memref<512x32xf32, #tpu.memory_space<vmem>> -> memref<128x32xf32, #tpu.memory_space<vmem>>
      %dma_start3A_961 = arith.constant 1152 : i32
      %dma_start3A_962 = tpu.memref_slice %arg9[%dma_start3A_961] : memref<2048xi32, #tpu.memory_space<vmem>> -> memref<128xi32, #tpu.memory_space<vmem>>
      %dma_start3A_963 = arith.constant 0 : i32
      %dma_start3A_964 = arith.constant 0 : i32
      %dma_start3A_965 = tpu.memref_slice %arg6[%dma_start3A_963, %dma_start3A_964] : memref<50176x32xf32, #tpu.memory_space<vmem_shared>> -> memref<50176x32xf32, #tpu.memory_space<vmem_shared>>
      tpu.enqueue_indirect_dma source(%dma_start3A_960 : memref<128x32xf32, #tpu.memory_space<vmem>>) target(%dma_start3A_965 : memref<50176x32xf32, #tpu.memory_space<vmem_shared>>) offsets(%dma_start3A_962 : memref<128xi32, #tpu.memory_space<vmem>>) semaphore(%arg16 : memref<!tpu.dma_semaphore, #tpu.memory_space<semaphore_mem>>) {add = true}
      "tpu.region"() ({
        %run_scoped3A_1198 = tpu.sem_alloc : memref<!tpu.dma_semaphore, #tpu.memory_space<semaphore_mem>>
        %dma_start3A_1199 = arith.constant 1024 : i32
        %dma_start3A_1200 = tpu.memref_slice %arg8[%dma_start3A_1199] : memref<2048xi32, #tpu.memory_space<vmem>> -> memref<128xi32, #tpu.memory_space<vmem>>
        %dma_start3A_1201 = arith.constant 0 : i32
        %dma_start3A_1202 = tpu.memref_slice %arg7[%dma_start3A_1201] : memref<50176xf32, #tpu.memory_space<vmem_shared>> -> memref<50176xf32, #tpu.memory_space<vmem_shared>>
        tpu.enqueue_indirect_dma source(%arg11 : memref<128xf32, #tpu.memory_space<vmem>>) target(%dma_start3A_1202 : memref<50176xf32, #tpu.memory_space<vmem_shared>>) offsets(%dma_start3A_1200 : memref<128xi32, #tpu.memory_space<vmem>>) semaphore(%run_scoped3A_1198 : memref<!tpu.dma_semaphore, #tpu.memory_space<semaphore_mem>>) {add = true}
        %dma_wait3A_1203 = arith.constant 1024 : i32
        %dma_wait3A_1204 = tpu.memref_slice %arg8[%dma_wait3A_1203] : memref<2048xi32, #tpu.memory_space<vmem>> -> memref<128xi32, #tpu.memory_space<vmem>>
        %dma_wait3A_1205 = arith.constant 0 : i32
        %dma_wait3A_1206 = tpu.memref_slice %arg7[%dma_wait3A_1205] : memref<50176xf32, #tpu.memory_space<vmem_shared>> -> memref<50176xf32, #tpu.memory_space<vmem_shared>>
        tpu.wait_indirect_dma semaphore(%run_scoped3A_1198 : memref<!tpu.dma_semaphore, #tpu.memory_space<semaphore_mem>>) src(%arg11 : memref<128xf32, #tpu.memory_space<vmem>>) dst(%dma_wait3A_1206 : memref<50176xf32, #tpu.memory_space<vmem_shared>>)
        tpu.yield
      }) : () -> ()
      "tpu.region"() ({
        %run_scoped3A_1198 = tpu.sem_alloc : memref<!tpu.dma_semaphore, #tpu.memory_space<semaphore_mem>>
        %dma_start3A_1199 = arith.constant 1152 : i32
        %dma_start3A_1200 = tpu.memref_slice %arg8[%dma_start3A_1199] : memref<2048xi32, #tpu.memory_space<vmem>> -> memref<128xi32, #tpu.memory_space<vmem>>
        %dma_start3A_1201 = arith.constant 0 : i32
        %dma_start3A_1202 = tpu.memref_slice %arg7[%dma_start3A_1201] : memref<50176xf32, #tpu.memory_space<vmem_shared>> -> memref<50176xf32, #tpu.memory_space<vmem_shared>>
        tpu.enqueue_indirect_dma source(%arg11 : memref<128xf32, #tpu.memory_space<vmem>>) target(%dma_start3A_1202 : memref<50176xf32, #tpu.memory_space<vmem_shared>>) offsets(%dma_start3A_1200 : memref<128xi32, #tpu.memory_space<vmem>>) semaphore(%run_scoped3A_1198 : memref<!tpu.dma_semaphore, #tpu.memory_space<semaphore_mem>>) {add = true}
        %dma_wait3A_1203 = arith.constant 1152 : i32
        %dma_wait3A_1204 = tpu.memref_slice %arg8[%dma_wait3A_1203] : memref<2048xi32, #tpu.memory_space<vmem>> -> memref<128xi32, #tpu.memory_space<vmem>>
        %dma_wait3A_1205 = arith.constant 0 : i32
        %dma_wait3A_1206 = tpu.memref_slice %arg7[%dma_wait3A_1205] : memref<50176xf32, #tpu.memory_space<vmem_shared>> -> memref<50176xf32, #tpu.memory_space<vmem_shared>>
        tpu.wait_indirect_dma semaphore(%run_scoped3A_1198 : memref<!tpu.dma_semaphore, #tpu.memory_space<semaphore_mem>>) src(%arg11 : memref<128xf32, #tpu.memory_space<vmem>>) dst(%dma_wait3A_1206 : memref<50176xf32, #tpu.memory_space<vmem_shared>>)
        tpu.yield
      }) : () -> ()
      %dma_wait3A_966 = arith.constant 0 : i32
      %dma_wait3A_967 = arith.constant 0 : i32
      %dma_wait3A_968 = tpu.memref_slice %arg10[%dma_wait3A_966, %dma_wait3A_967] : memref<512x32xf32, #tpu.memory_space<vmem>> -> memref<128x32xf32, #tpu.memory_space<vmem>>
      %dma_wait3A_969 = arith.constant 1024 : i32
      %dma_wait3A_970 = tpu.memref_slice %arg9[%dma_wait3A_969] : memref<2048xi32, #tpu.memory_space<vmem>> -> memref<128xi32, #tpu.memory_space<vmem>>
      %dma_wait3A_971 = arith.constant 0 : i32
      %dma_wait3A_972 = arith.constant 0 : i32
      %dma_wait3A_973 = tpu.memref_slice %arg6[%dma_wait3A_971, %dma_wait3A_972] : memref<50176x32xf32, #tpu.memory_space<vmem_shared>> -> memref<50176x32xf32, #tpu.memory_space<vmem_shared>>
      tpu.wait_indirect_dma semaphore(%arg16 : memref<!tpu.dma_semaphore, #tpu.memory_space<semaphore_mem>>) src(%dma_wait3A_968 : memref<128x32xf32, #tpu.memory_space<vmem>>) dst(%dma_wait3A_973 : memref<50176x32xf32, #tpu.memory_space<vmem_shared>>)
      %dma_wait3A_974 = arith.constant 128 : i32
      %dma_wait3A_975 = arith.constant 0 : i32
      %dma_wait3A_976 = tpu.memref_slice %arg10[%dma_wait3A_974, %dma_wait3A_975] : memref<512x32xf32, #tpu.memory_space<vmem>> -> memref<128x32xf32, #tpu.memory_space<vmem>>
      %dma_wait3A_977 = arith.constant 1152 : i32
      %dma_wait3A_978 = tpu.memref_slice %arg9[%dma_wait3A_977] : memref<2048xi32, #tpu.memory_space<vmem>> -> memref<128xi32, #tpu.memory_space<vmem>>
      %dma_wait3A_979 = arith.constant 0 : i32
      %dma_wait3A_980 = arith.constant 0 : i32
      %dma_wait3A_981 = tpu.memref_slice %arg6[%dma_wait3A_979, %dma_wait3A_980] : memref<50176x32xf32, #tpu.memory_space<vmem_shared>> -> memref<50176x32xf32, #tpu.memory_space<vmem_shared>>
      tpu.wait_indirect_dma semaphore(%arg16 : memref<!tpu.dma_semaphore, #tpu.memory_space<semaphore_mem>>) src(%dma_wait3A_976 : memref<128x32xf32, #tpu.memory_space<vmem>>) dst(%dma_wait3A_981 : memref<50176x32xf32, #tpu.memory_space<vmem_shared>>)
      %dma_start3A_982 = arith.constant 0 : i32
      %dma_start3A_983 = arith.constant 0 : i32
      %dma_start3A_984 = tpu.memref_slice %arg10[%dma_start3A_982, %dma_start3A_983] : memref<512x32xf32, #tpu.memory_space<vmem>> -> memref<128x32xf32, #tpu.memory_space<vmem>>
      %dma_start3A_985 = arith.constant 1536 : i32
      %dma_start3A_986 = tpu.memref_slice %arg8[%dma_start3A_985] : memref<2048xi32, #tpu.memory_space<vmem>> -> memref<128xi32, #tpu.memory_space<vmem>>
      %dma_start3A_987 = arith.constant 0 : i32
      %dma_start3A_988 = arith.constant 0 : i32
      %dma_start3A_989 = tpu.memref_slice %arg2[%arg0, %dma_start3A_987, %dma_start3A_988] : memref<2x50176x32xf32, #tpu.memory_space<hbm>> -> memref<1x50176x32xf32, #tpu.memory_space<hbm>>
      %dma_start3A_990 = tpu.memref_squeeze %dma_start3A_989 : memref<1x50176x32xf32, #tpu.memory_space<hbm>> -> memref<50176x32xf32, #tpu.memory_space<hbm>>
      %dma_start3A_991 = arith.constant 0 : i32
      %dma_start3A_992 = arith.constant 0 : i32
      %dma_start3A_993 = tpu.memref_slice %dma_start3A_990[%dma_start3A_991, %dma_start3A_992] : memref<50176x32xf32, #tpu.memory_space<hbm>> -> memref<50176x32xf32, #tpu.memory_space<hbm>>
      tpu.enqueue_indirect_dma source(%dma_start3A_993 : memref<50176x32xf32, #tpu.memory_space<hbm>>) target(%dma_start3A_984 : memref<128x32xf32, #tpu.memory_space<vmem>>) offsets(%dma_start3A_986 : memref<128xi32, #tpu.memory_space<vmem>>) semaphore(%arg14 : memref<!tpu.dma_semaphore, #tpu.memory_space<semaphore_mem>>)
      %dma_start3A_994 = arith.constant 128 : i32
      %dma_start3A_995 = arith.constant 0 : i32
      %dma_start3A_996 = tpu.memref_slice %arg10[%dma_start3A_994, %dma_start3A_995] : memref<512x32xf32, #tpu.memory_space<vmem>> -> memref<128x32xf32, #tpu.memory_space<vmem>>
      %dma_start3A_997 = arith.constant 1664 : i32
      %dma_start3A_998 = tpu.memref_slice %arg8[%dma_start3A_997] : memref<2048xi32, #tpu.memory_space<vmem>> -> memref<128xi32, #tpu.memory_space<vmem>>
      %dma_start3A_999 = arith.constant 0 : i32
      %dma_start3A_1000 = arith.constant 0 : i32
      %dma_start3A_1001 = tpu.memref_slice %arg2[%arg0, %dma_start3A_999, %dma_start3A_1000] : memref<2x50176x32xf32, #tpu.memory_space<hbm>> -> memref<1x50176x32xf32, #tpu.memory_space<hbm>>
      %dma_start3A_1002 = tpu.memref_squeeze %dma_start3A_1001 : memref<1x50176x32xf32, #tpu.memory_space<hbm>> -> memref<50176x32xf32, #tpu.memory_space<hbm>>
      %dma_start3A_1003 = arith.constant 0 : i32
      %dma_start3A_1004 = arith.constant 0 : i32
      %dma_start3A_1005 = tpu.memref_slice %dma_start3A_1002[%dma_start3A_1003, %dma_start3A_1004] : memref<50176x32xf32, #tpu.memory_space<hbm>> -> memref<50176x32xf32, #tpu.memory_space<hbm>>
      tpu.enqueue_indirect_dma source(%dma_start3A_1005 : memref<50176x32xf32, #tpu.memory_space<hbm>>) target(%dma_start3A_996 : memref<128x32xf32, #tpu.memory_space<vmem>>) offsets(%dma_start3A_998 : memref<128xi32, #tpu.memory_space<vmem>>) semaphore(%arg14 : memref<!tpu.dma_semaphore, #tpu.memory_space<semaphore_mem>>)
      %dma_wait3A_1006 = arith.constant 256 : i32
      %dma_wait3A_1007 = arith.constant 0 : i32
      %dma_wait3A_1008 = tpu.memref_slice %arg10[%dma_wait3A_1006, %dma_wait3A_1007] : memref<512x32xf32, #tpu.memory_space<vmem>> -> memref<128x32xf32, #tpu.memory_space<vmem>>
      %dma_wait3A_1009 = arith.constant 1280 : i32
      %dma_wait3A_1010 = tpu.memref_slice %arg8[%dma_wait3A_1009] : memref<2048xi32, #tpu.memory_space<vmem>> -> memref<128xi32, #tpu.memory_space<vmem>>
      %dma_wait3A_1011 = arith.constant 0 : i32
      %dma_wait3A_1012 = arith.constant 0 : i32
      %dma_wait3A_1013 = tpu.memref_slice %arg2[%arg0, %dma_wait3A_1011, %dma_wait3A_1012] : memref<2x50176x32xf32, #tpu.memory_space<hbm>> -> memref<1x50176x32xf32, #tpu.memory_space<hbm>>
      %dma_wait3A_1014 = tpu.memref_squeeze %dma_wait3A_1013 : memref<1x50176x32xf32, #tpu.memory_space<hbm>> -> memref<50176x32xf32, #tpu.memory_space<hbm>>
      %dma_wait3A_1015 = arith.constant 0 : i32
      %dma_wait3A_1016 = arith.constant 0 : i32
      %dma_wait3A_1017 = tpu.memref_slice %dma_wait3A_1014[%dma_wait3A_1015, %dma_wait3A_1016] : memref<50176x32xf32, #tpu.memory_space<hbm>> -> memref<50176x32xf32, #tpu.memory_space<hbm>>
      tpu.wait_indirect_dma semaphore(%arg15 : memref<!tpu.dma_semaphore, #tpu.memory_space<semaphore_mem>>) src(%dma_wait3A_1017 : memref<50176x32xf32, #tpu.memory_space<hbm>>) dst(%dma_wait3A_1008 : memref<128x32xf32, #tpu.memory_space<vmem>>)
      %dma_wait3A_1018 = arith.constant 384 : i32
      %dma_wait3A_1019 = arith.constant 0 : i32
      %dma_wait3A_1020 = tpu.memref_slice %arg10[%dma_wait3A_1018, %dma_wait3A_1019] : memref<512x32xf32, #tpu.memory_space<vmem>> -> memref<128x32xf32, #tpu.memory_space<vmem>>
      %dma_wait3A_1021 = arith.constant 1408 : i32
      %dma_wait3A_1022 = tpu.memref_slice %arg8[%dma_wait3A_1021] : memref<2048xi32, #tpu.memory_space<vmem>> -> memref<128xi32, #tpu.memory_space<vmem>>
      %dma_wait3A_1023 = arith.constant 0 : i32
      %dma_wait3A_1024 = arith.constant 0 : i32
      %dma_wait3A_1025 = tpu.memref_slice %arg2[%arg0, %dma_wait3A_1023, %dma_wait3A_1024] : memref<2x50176x32xf32, #tpu.memory_space<hbm>> -> memref<1x50176x32xf32, #tpu.memory_space<hbm>>
      %dma_wait3A_1026 = tpu.memref_squeeze %dma_wait3A_1025 : memref<1x50176x32xf32, #tpu.memory_space<hbm>> -> memref<50176x32xf32, #tpu.memory_space<hbm>>
      %dma_wait3A_1027 = arith.constant 0 : i32
      %dma_wait3A_1028 = arith.constant 0 : i32
      %dma_wait3A_1029 = tpu.memref_slice %dma_wait3A_1026[%dma_wait3A_1027, %dma_wait3A_1028] : memref<50176x32xf32, #tpu.memory_space<hbm>> -> memref<50176x32xf32, #tpu.memory_space<hbm>>
      tpu.wait_indirect_dma semaphore(%arg15 : memref<!tpu.dma_semaphore, #tpu.memory_space<semaphore_mem>>) src(%dma_wait3A_1029 : memref<50176x32xf32, #tpu.memory_space<hbm>>) dst(%dma_wait3A_1020 : memref<128x32xf32, #tpu.memory_space<vmem>>)
      %dma_start3A_1030 = arith.constant 256 : i32
      %dma_start3A_1031 = arith.constant 0 : i32
      %dma_start3A_1032 = tpu.memref_slice %arg10[%dma_start3A_1030, %dma_start3A_1031] : memref<512x32xf32, #tpu.memory_space<vmem>> -> memref<128x32xf32, #tpu.memory_space<vmem>>
      %dma_start3A_1033 = arith.constant 1280 : i32
      %dma_start3A_1034 = tpu.memref_slice %arg9[%dma_start3A_1033] : memref<2048xi32, #tpu.memory_space<vmem>> -> memref<128xi32, #tpu.memory_space<vmem>>
      %dma_start3A_1035 = arith.constant 0 : i32
      %dma_start3A_1036 = arith.constant 0 : i32
      %dma_start3A_1037 = tpu.memref_slice %arg6[%dma_start3A_1035, %dma_start3A_1036] : memref<50176x32xf32, #tpu.memory_space<vmem_shared>> -> memref<50176x32xf32, #tpu.memory_space<vmem_shared>>
      tpu.enqueue_indirect_dma source(%dma_start3A_1032 : memref<128x32xf32, #tpu.memory_space<vmem>>) target(%dma_start3A_1037 : memref<50176x32xf32, #tpu.memory_space<vmem_shared>>) offsets(%dma_start3A_1034 : memref<128xi32, #tpu.memory_space<vmem>>) semaphore(%arg17 : memref<!tpu.dma_semaphore, #tpu.memory_space<semaphore_mem>>) {add = true}
      %dma_start3A_1038 = arith.constant 384 : i32
      %dma_start3A_1039 = arith.constant 0 : i32
      %dma_start3A_1040 = tpu.memref_slice %arg10[%dma_start3A_1038, %dma_start3A_1039] : memref<512x32xf32, #tpu.memory_space<vmem>> -> memref<128x32xf32, #tpu.memory_space<vmem>>
      %dma_start3A_1041 = arith.constant 1408 : i32
      %dma_start3A_1042 = tpu.memref_slice %arg9[%dma_start3A_1041] : memref<2048xi32, #tpu.memory_space<vmem>> -> memref<128xi32, #tpu.memory_space<vmem>>
      %dma_start3A_1043 = arith.constant 0 : i32
      %dma_start3A_1044 = arith.constant 0 : i32
      %dma_start3A_1045 = tpu.memref_slice %arg6[%dma_start3A_1043, %dma_start3A_1044] : memref<50176x32xf32, #tpu.memory_space<vmem_shared>> -> memref<50176x32xf32, #tpu.memory_space<vmem_shared>>
      tpu.enqueue_indirect_dma source(%dma_start3A_1040 : memref<128x32xf32, #tpu.memory_space<vmem>>) target(%dma_start3A_1045 : memref<50176x32xf32, #tpu.memory_space<vmem_shared>>) offsets(%dma_start3A_1042 : memref<128xi32, #tpu.memory_space<vmem>>) semaphore(%arg17 : memref<!tpu.dma_semaphore, #tpu.memory_space<semaphore_mem>>) {add = true}
      "tpu.region"() ({
        %run_scoped3A_1198 = tpu.sem_alloc : memref<!tpu.dma_semaphore, #tpu.memory_space<semaphore_mem>>
        %dma_start3A_1199 = arith.constant 1280 : i32
        %dma_start3A_1200 = tpu.memref_slice %arg8[%dma_start3A_1199] : memref<2048xi32, #tpu.memory_space<vmem>> -> memref<128xi32, #tpu.memory_space<vmem>>
        %dma_start3A_1201 = arith.constant 0 : i32
        %dma_start3A_1202 = tpu.memref_slice %arg7[%dma_start3A_1201] : memref<50176xf32, #tpu.memory_space<vmem_shared>> -> memref<50176xf32, #tpu.memory_space<vmem_shared>>
        tpu.enqueue_indirect_dma source(%arg11 : memref<128xf32, #tpu.memory_space<vmem>>) target(%dma_start3A_1202 : memref<50176xf32, #tpu.memory_space<vmem_shared>>) offsets(%dma_start3A_1200 : memref<128xi32, #tpu.memory_space<vmem>>) semaphore(%run_scoped3A_1198 : memref<!tpu.dma_semaphore, #tpu.memory_space<semaphore_mem>>) {add = true}
        %dma_wait3A_1203 = arith.constant 1280 : i32
        %dma_wait3A_1204 = tpu.memref_slice %arg8[%dma_wait3A_1203] : memref<2048xi32, #tpu.memory_space<vmem>> -> memref<128xi32, #tpu.memory_space<vmem>>
        %dma_wait3A_1205 = arith.constant 0 : i32
        %dma_wait3A_1206 = tpu.memref_slice %arg7[%dma_wait3A_1205] : memref<50176xf32, #tpu.memory_space<vmem_shared>> -> memref<50176xf32, #tpu.memory_space<vmem_shared>>
        tpu.wait_indirect_dma semaphore(%run_scoped3A_1198 : memref<!tpu.dma_semaphore, #tpu.memory_space<semaphore_mem>>) src(%arg11 : memref<128xf32, #tpu.memory_space<vmem>>) dst(%dma_wait3A_1206 : memref<50176xf32, #tpu.memory_space<vmem_shared>>)
        tpu.yield
      }) : () -> ()
      "tpu.region"() ({
        %run_scoped3A_1198 = tpu.sem_alloc : memref<!tpu.dma_semaphore, #tpu.memory_space<semaphore_mem>>
        %dma_start3A_1199 = arith.constant 1408 : i32
        %dma_start3A_1200 = tpu.memref_slice %arg8[%dma_start3A_1199] : memref<2048xi32, #tpu.memory_space<vmem>> -> memref<128xi32, #tpu.memory_space<vmem>>
        %dma_start3A_1201 = arith.constant 0 : i32
        %dma_start3A_1202 = tpu.memref_slice %arg7[%dma_start3A_1201] : memref<50176xf32, #tpu.memory_space<vmem_shared>> -> memref<50176xf32, #tpu.memory_space<vmem_shared>>
        tpu.enqueue_indirect_dma source(%arg11 : memref<128xf32, #tpu.memory_space<vmem>>) target(%dma_start3A_1202 : memref<50176xf32, #tpu.memory_space<vmem_shared>>) offsets(%dma_start3A_1200 : memref<128xi32, #tpu.memory_space<vmem>>) semaphore(%run_scoped3A_1198 : memref<!tpu.dma_semaphore, #tpu.memory_space<semaphore_mem>>) {add = true}
        %dma_wait3A_1203 = arith.constant 1408 : i32
        %dma_wait3A_1204 = tpu.memref_slice %arg8[%dma_wait3A_1203] : memref<2048xi32, #tpu.memory_space<vmem>> -> memref<128xi32, #tpu.memory_space<vmem>>
        %dma_wait3A_1205 = arith.constant 0 : i32
        %dma_wait3A_1206 = tpu.memref_slice %arg7[%dma_wait3A_1205] : memref<50176xf32, #tpu.memory_space<vmem_shared>> -> memref<50176xf32, #tpu.memory_space<vmem_shared>>
        tpu.wait_indirect_dma semaphore(%run_scoped3A_1198 : memref<!tpu.dma_semaphore, #tpu.memory_space<semaphore_mem>>) src(%arg11 : memref<128xf32, #tpu.memory_space<vmem>>) dst(%dma_wait3A_1206 : memref<50176xf32, #tpu.memory_space<vmem_shared>>)
        tpu.yield
      }) : () -> ()
      %dma_wait3A_1046 = arith.constant 256 : i32
      %dma_wait3A_1047 = arith.constant 0 : i32
      %dma_wait3A_1048 = tpu.memref_slice %arg10[%dma_wait3A_1046, %dma_wait3A_1047] : memref<512x32xf32, #tpu.memory_space<vmem>> -> memref<128x32xf32, #tpu.memory_space<vmem>>
      %dma_wait3A_1049 = arith.constant 1280 : i32
      %dma_wait3A_1050 = tpu.memref_slice %arg9[%dma_wait3A_1049] : memref<2048xi32, #tpu.memory_space<vmem>> -> memref<128xi32, #tpu.memory_space<vmem>>
      %dma_wait3A_1051 = arith.constant 0 : i32
      %dma_wait3A_1052 = arith.constant 0 : i32
      %dma_wait3A_1053 = tpu.memref_slice %arg6[%dma_wait3A_1051, %dma_wait3A_1052] : memref<50176x32xf32, #tpu.memory_space<vmem_shared>> -> memref<50176x32xf32, #tpu.memory_space<vmem_shared>>
      tpu.wait_indirect_dma semaphore(%arg17 : memref<!tpu.dma_semaphore, #tpu.memory_space<semaphore_mem>>) src(%dma_wait3A_1048 : memref<128x32xf32, #tpu.memory_space<vmem>>) dst(%dma_wait3A_1053 : memref<50176x32xf32, #tpu.memory_space<vmem_shared>>)
      %dma_wait3A_1054 = arith.constant 384 : i32
      %dma_wait3A_1055 = arith.constant 0 : i32
      %dma_wait3A_1056 = tpu.memref_slice %arg10[%dma_wait3A_1054, %dma_wait3A_1055] : memref<512x32xf32, #tpu.memory_space<vmem>> -> memref<128x32xf32, #tpu.memory_space<vmem>>
      %dma_wait3A_1057 = arith.constant 1408 : i32
      %dma_wait3A_1058 = tpu.memref_slice %arg9[%dma_wait3A_1057] : memref<2048xi32, #tpu.memory_space<vmem>> -> memref<128xi32, #tpu.memory_space<vmem>>
      %dma_wait3A_1059 = arith.constant 0 : i32
      %dma_wait3A_1060 = arith.constant 0 : i32
      %dma_wait3A_1061 = tpu.memref_slice %arg6[%dma_wait3A_1059, %dma_wait3A_1060] : memref<50176x32xf32, #tpu.memory_space<vmem_shared>> -> memref<50176x32xf32, #tpu.memory_space<vmem_shared>>
      tpu.wait_indirect_dma semaphore(%arg17 : memref<!tpu.dma_semaphore, #tpu.memory_space<semaphore_mem>>) src(%dma_wait3A_1056 : memref<128x32xf32, #tpu.memory_space<vmem>>) dst(%dma_wait3A_1061 : memref<50176x32xf32, #tpu.memory_space<vmem_shared>>)
      %dma_start3A_1062 = arith.constant 256 : i32
      %dma_start3A_1063 = arith.constant 0 : i32
      %dma_start3A_1064 = tpu.memref_slice %arg10[%dma_start3A_1062, %dma_start3A_1063] : memref<512x32xf32, #tpu.memory_space<vmem>> -> memref<128x32xf32, #tpu.memory_space<vmem>>
      %dma_start3A_1065 = arith.constant 1792 : i32
      %dma_start3A_1066 = tpu.memref_slice %arg8[%dma_start3A_1065] : memref<2048xi32, #tpu.memory_space<vmem>> -> memref<128xi32, #tpu.memory_space<vmem>>
      %dma_start3A_1067 = arith.constant 0 : i32
      %dma_start3A_1068 = arith.constant 0 : i32
      %dma_start3A_1069 = tpu.memref_slice %arg2[%arg0, %dma_start3A_1067, %dma_start3A_1068] : memref<2x50176x32xf32, #tpu.memory_space<hbm>> -> memref<1x50176x32xf32, #tpu.memory_space<hbm>>
      %dma_start3A_1070 = tpu.memref_squeeze %dma_start3A_1069 : memref<1x50176x32xf32, #tpu.memory_space<hbm>> -> memref<50176x32xf32, #tpu.memory_space<hbm>>
      %dma_start3A_1071 = arith.constant 0 : i32
      %dma_start3A_1072 = arith.constant 0 : i32
      %dma_start3A_1073 = tpu.memref_slice %dma_start3A_1070[%dma_start3A_1071, %dma_start3A_1072] : memref<50176x32xf32, #tpu.memory_space<hbm>> -> memref<50176x32xf32, #tpu.memory_space<hbm>>
      tpu.enqueue_indirect_dma source(%dma_start3A_1073 : memref<50176x32xf32, #tpu.memory_space<hbm>>) target(%dma_start3A_1064 : memref<128x32xf32, #tpu.memory_space<vmem>>) offsets(%dma_start3A_1066 : memref<128xi32, #tpu.memory_space<vmem>>) semaphore(%arg15 : memref<!tpu.dma_semaphore, #tpu.memory_space<semaphore_mem>>)
      %dma_start3A_1074 = arith.constant 384 : i32
      %dma_start3A_1075 = arith.constant 0 : i32
      %dma_start3A_1076 = tpu.memref_slice %arg10[%dma_start3A_1074, %dma_start3A_1075] : memref<512x32xf32, #tpu.memory_space<vmem>> -> memref<128x32xf32, #tpu.memory_space<vmem>>
      %dma_start3A_1077 = arith.constant 1920 : i32
      %dma_start3A_1078 = tpu.memref_slice %arg8[%dma_start3A_1077] : memref<2048xi32, #tpu.memory_space<vmem>> -> memref<128xi32, #tpu.memory_space<vmem>>
      %dma_start3A_1079 = arith.constant 0 : i32
      %dma_start3A_1080 = arith.constant 0 : i32
      %dma_start3A_1081 = tpu.memref_slice %arg2[%arg0, %dma_start3A_1079, %dma_start3A_1080] : memref<2x50176x32xf32, #tpu.memory_space<hbm>> -> memref<1x50176x32xf32, #tpu.memory_space<hbm>>
      %dma_start3A_1082 = tpu.memref_squeeze %dma_start3A_1081 : memref<1x50176x32xf32, #tpu.memory_space<hbm>> -> memref<50176x32xf32, #tpu.memory_space<hbm>>
      %dma_start3A_1083 = arith.constant 0 : i32
      %dma_start3A_1084 = arith.constant 0 : i32
      %dma_start3A_1085 = tpu.memref_slice %dma_start3A_1082[%dma_start3A_1083, %dma_start3A_1084] : memref<50176x32xf32, #tpu.memory_space<hbm>> -> memref<50176x32xf32, #tpu.memory_space<hbm>>
      tpu.enqueue_indirect_dma source(%dma_start3A_1085 : memref<50176x32xf32, #tpu.memory_space<hbm>>) target(%dma_start3A_1076 : memref<128x32xf32, #tpu.memory_space<vmem>>) offsets(%dma_start3A_1078 : memref<128xi32, #tpu.memory_space<vmem>>) semaphore(%arg15 : memref<!tpu.dma_semaphore, #tpu.memory_space<semaphore_mem>>)
      %dma_wait3A_1086 = arith.constant 0 : i32
      %dma_wait3A_1087 = arith.constant 0 : i32
      %dma_wait3A_1088 = tpu.memref_slice %arg10[%dma_wait3A_1086, %dma_wait3A_1087] : memref<512x32xf32, #tpu.memory_space<vmem>> -> memref<128x32xf32, #tpu.memory_space<vmem>>
      %dma_wait3A_1089 = arith.constant 1536 : i32
      %dma_wait3A_1090 = tpu.memref_slice %arg8[%dma_wait3A_1089] : memref<2048xi32, #tpu.memory_space<vmem>> -> memref<128xi32, #tpu.memory_space<vmem>>
      %dma_wait3A_1091 = arith.constant 0 : i32
      %dma_wait3A_1092 = arith.constant 0 : i32
      %dma_wait3A_1093 = tpu.memref_slice %arg2[%arg0, %dma_wait3A_1091, %dma_wait3A_1092] : memref<2x50176x32xf32, #tpu.memory_space<hbm>> -> memref<1x50176x32xf32, #tpu.memory_space<hbm>>
      %dma_wait3A_1094 = tpu.memref_squeeze %dma_wait3A_1093 : memref<1x50176x32xf32, #tpu.memory_space<hbm>> -> memref<50176x32xf32, #tpu.memory_space<hbm>>
      %dma_wait3A_1095 = arith.constant 0 : i32
      %dma_wait3A_1096 = arith.constant 0 : i32
      %dma_wait3A_1097 = tpu.memref_slice %dma_wait3A_1094[%dma_wait3A_1095, %dma_wait3A_1096] : memref<50176x32xf32, #tpu.memory_space<hbm>> -> memref<50176x32xf32, #tpu.memory_space<hbm>>
      tpu.wait_indirect_dma semaphore(%arg14 : memref<!tpu.dma_semaphore, #tpu.memory_space<semaphore_mem>>) src(%dma_wait3A_1097 : memref<50176x32xf32, #tpu.memory_space<hbm>>) dst(%dma_wait3A_1088 : memref<128x32xf32, #tpu.memory_space<vmem>>)
      %dma_wait3A_1098 = arith.constant 128 : i32
      %dma_wait3A_1099 = arith.constant 0 : i32
      %dma_wait3A_1100 = tpu.memref_slice %arg10[%dma_wait3A_1098, %dma_wait3A_1099] : memref<512x32xf32, #tpu.memory_space<vmem>> -> memref<128x32xf32, #tpu.memory_space<vmem>>
      %dma_wait3A_1101 = arith.constant 1664 : i32
      %dma_wait3A_1102 = tpu.memref_slice %arg8[%dma_wait3A_1101] : memref<2048xi32, #tpu.memory_space<vmem>> -> memref<128xi32, #tpu.memory_space<vmem>>
      %dma_wait3A_1103 = arith.constant 0 : i32
      %dma_wait3A_1104 = arith.constant 0 : i32
      %dma_wait3A_1105 = tpu.memref_slice %arg2[%arg0, %dma_wait3A_1103, %dma_wait3A_1104] : memref<2x50176x32xf32, #tpu.memory_space<hbm>> -> memref<1x50176x32xf32, #tpu.memory_space<hbm>>
      %dma_wait3A_1106 = tpu.memref_squeeze %dma_wait3A_1105 : memref<1x50176x32xf32, #tpu.memory_space<hbm>> -> memref<50176x32xf32, #tpu.memory_space<hbm>>
      %dma_wait3A_1107 = arith.constant 0 : i32
      %dma_wait3A_1108 = arith.constant 0 : i32
      %dma_wait3A_1109 = tpu.memref_slice %dma_wait3A_1106[%dma_wait3A_1107, %dma_wait3A_1108] : memref<50176x32xf32, #tpu.memory_space<hbm>> -> memref<50176x32xf32, #tpu.memory_space<hbm>>
      tpu.wait_indirect_dma semaphore(%arg14 : memref<!tpu.dma_semaphore, #tpu.memory_space<semaphore_mem>>) src(%dma_wait3A_1109 : memref<50176x32xf32, #tpu.memory_space<hbm>>) dst(%dma_wait3A_1100 : memref<128x32xf32, #tpu.memory_space<vmem>>)
      %dma_start3A_1110 = arith.constant 0 : i32
      %dma_start3A_1111 = arith.constant 0 : i32
      %dma_start3A_1112 = tpu.memref_slice %arg10[%dma_start3A_1110, %dma_start3A_1111] : memref<512x32xf32, #tpu.memory_space<vmem>> -> memref<128x32xf32, #tpu.memory_space<vmem>>
      %dma_start3A_1113 = arith.constant 1536 : i32
      %dma_start3A_1114 = tpu.memref_slice %arg9[%dma_start3A_1113] : memref<2048xi32, #tpu.memory_space<vmem>> -> memref<128xi32, #tpu.memory_space<vmem>>
      %dma_start3A_1115 = arith.constant 0 : i32
      %dma_start3A_1116 = arith.constant 0 : i32
      %dma_start3A_1117 = tpu.memref_slice %arg6[%dma_start3A_1115, %dma_start3A_1116] : memref<50176x32xf32, #tpu.memory_space<vmem_shared>> -> memref<50176x32xf32, #tpu.memory_space<vmem_shared>>
      tpu.enqueue_indirect_dma source(%dma_start3A_1112 : memref<128x32xf32, #tpu.memory_space<vmem>>) target(%dma_start3A_1117 : memref<50176x32xf32, #tpu.memory_space<vmem_shared>>) offsets(%dma_start3A_1114 : memref<128xi32, #tpu.memory_space<vmem>>) semaphore(%arg16 : memref<!tpu.dma_semaphore, #tpu.memory_space<semaphore_mem>>) {add = true}
      %dma_start3A_1118 = arith.constant 128 : i32
      %dma_start3A_1119 = arith.constant 0 : i32
      %dma_start3A_1120 = tpu.memref_slice %arg10[%dma_start3A_1118, %dma_start3A_1119] : memref<512x32xf32, #tpu.memory_space<vmem>> -> memref<128x32xf32, #tpu.memory_space<vmem>>
      %dma_start3A_1121 = arith.constant 1664 : i32
      %dma_start3A_1122 = tpu.memref_slice %arg9[%dma_start3A_1121] : memref<2048xi32, #tpu.memory_space<vmem>> -> memref<128xi32, #tpu.memory_space<vmem>>
      %dma_start3A_1123 = arith.constant 0 : i32
      %dma_start3A_1124 = arith.constant 0 : i32
      %dma_start3A_1125 = tpu.memref_slice %arg6[%dma_start3A_1123, %dma_start3A_1124] : memref<50176x32xf32, #tpu.memory_space<vmem_shared>> -> memref<50176x32xf32, #tpu.memory_space<vmem_shared>>
      tpu.enqueue_indirect_dma source(%dma_start3A_1120 : memref<128x32xf32, #tpu.memory_space<vmem>>) target(%dma_start3A_1125 : memref<50176x32xf32, #tpu.memory_space<vmem_shared>>) offsets(%dma_start3A_1122 : memref<128xi32, #tpu.memory_space<vmem>>) semaphore(%arg16 : memref<!tpu.dma_semaphore, #tpu.memory_space<semaphore_mem>>) {add = true}
      "tpu.region"() ({
        %run_scoped3A_1198 = tpu.sem_alloc : memref<!tpu.dma_semaphore, #tpu.memory_space<semaphore_mem>>
        %dma_start3A_1199 = arith.constant 1536 : i32
        %dma_start3A_1200 = tpu.memref_slice %arg8[%dma_start3A_1199] : memref<2048xi32, #tpu.memory_space<vmem>> -> memref<128xi32, #tpu.memory_space<vmem>>
        %dma_start3A_1201 = arith.constant 0 : i32
        %dma_start3A_1202 = tpu.memref_slice %arg7[%dma_start3A_1201] : memref<50176xf32, #tpu.memory_space<vmem_shared>> -> memref<50176xf32, #tpu.memory_space<vmem_shared>>
        tpu.enqueue_indirect_dma source(%arg11 : memref<128xf32, #tpu.memory_space<vmem>>) target(%dma_start3A_1202 : memref<50176xf32, #tpu.memory_space<vmem_shared>>) offsets(%dma_start3A_1200 : memref<128xi32, #tpu.memory_space<vmem>>) semaphore(%run_scoped3A_1198 : memref<!tpu.dma_semaphore, #tpu.memory_space<semaphore_mem>>) {add = true}
        %dma_wait3A_1203 = arith.constant 1536 : i32
        %dma_wait3A_1204 = tpu.memref_slice %arg8[%dma_wait3A_1203] : memref<2048xi32, #tpu.memory_space<vmem>> -> memref<128xi32, #tpu.memory_space<vmem>>
        %dma_wait3A_1205 = arith.constant 0 : i32
        %dma_wait3A_1206 = tpu.memref_slice %arg7[%dma_wait3A_1205] : memref<50176xf32, #tpu.memory_space<vmem_shared>> -> memref<50176xf32, #tpu.memory_space<vmem_shared>>
        tpu.wait_indirect_dma semaphore(%run_scoped3A_1198 : memref<!tpu.dma_semaphore, #tpu.memory_space<semaphore_mem>>) src(%arg11 : memref<128xf32, #tpu.memory_space<vmem>>) dst(%dma_wait3A_1206 : memref<50176xf32, #tpu.memory_space<vmem_shared>>)
        tpu.yield
      }) : () -> ()
      "tpu.region"() ({
        %run_scoped3A_1198 = tpu.sem_alloc : memref<!tpu.dma_semaphore, #tpu.memory_space<semaphore_mem>>
        %dma_start3A_1199 = arith.constant 1664 : i32
        %dma_start3A_1200 = tpu.memref_slice %arg8[%dma_start3A_1199] : memref<2048xi32, #tpu.memory_space<vmem>> -> memref<128xi32, #tpu.memory_space<vmem>>
        %dma_start3A_1201 = arith.constant 0 : i32
        %dma_start3A_1202 = tpu.memref_slice %arg7[%dma_start3A_1201] : memref<50176xf32, #tpu.memory_space<vmem_shared>> -> memref<50176xf32, #tpu.memory_space<vmem_shared>>
        tpu.enqueue_indirect_dma source(%arg11 : memref<128xf32, #tpu.memory_space<vmem>>) target(%dma_start3A_1202 : memref<50176xf32, #tpu.memory_space<vmem_shared>>) offsets(%dma_start3A_1200 : memref<128xi32, #tpu.memory_space<vmem>>) semaphore(%run_scoped3A_1198 : memref<!tpu.dma_semaphore, #tpu.memory_space<semaphore_mem>>) {add = true}
        %dma_wait3A_1203 = arith.constant 1664 : i32
        %dma_wait3A_1204 = tpu.memref_slice %arg8[%dma_wait3A_1203] : memref<2048xi32, #tpu.memory_space<vmem>> -> memref<128xi32, #tpu.memory_space<vmem>>
        %dma_wait3A_1205 = arith.constant 0 : i32
        %dma_wait3A_1206 = tpu.memref_slice %arg7[%dma_wait3A_1205] : memref<50176xf32, #tpu.memory_space<vmem_shared>> -> memref<50176xf32, #tpu.memory_space<vmem_shared>>
        tpu.wait_indirect_dma semaphore(%run_scoped3A_1198 : memref<!tpu.dma_semaphore, #tpu.memory_space<semaphore_mem>>) src(%arg11 : memref<128xf32, #tpu.memory_space<vmem>>) dst(%dma_wait3A_1206 : memref<50176xf32, #tpu.memory_space<vmem_shared>>)
        tpu.yield
      }) : () -> ()
      %dma_wait3A_1126 = arith.constant 256 : i32
      %dma_wait3A_1127 = arith.constant 0 : i32
      %dma_wait3A_1128 = tpu.memref_slice %arg10[%dma_wait3A_1126, %dma_wait3A_1127] : memref<512x32xf32, #tpu.memory_space<vmem>> -> memref<128x32xf32, #tpu.memory_space<vmem>>
      %dma_wait3A_1129 = arith.constant 1792 : i32
      %dma_wait3A_1130 = tpu.memref_slice %arg8[%dma_wait3A_1129] : memref<2048xi32, #tpu.memory_space<vmem>> -> memref<128xi32, #tpu.memory_space<vmem>>
      %dma_wait3A_1131 = arith.constant 0 : i32
      %dma_wait3A_1132 = arith.constant 0 : i32
      %dma_wait3A_1133 = tpu.memref_slice %arg2[%arg0, %dma_wait3A_1131, %dma_wait3A_1132] : memref<2x50176x32xf32, #tpu.memory_space<hbm>> -> memref<1x50176x32xf32, #tpu.memory_space<hbm>>
      %dma_wait3A_1134 = tpu.memref_squeeze %dma_wait3A_1133 : memref<1x50176x32xf32, #tpu.memory_space<hbm>> -> memref<50176x32xf32, #tpu.memory_space<hbm>>
      %dma_wait3A_1135 = arith.constant 0 : i32
      %dma_wait3A_1136 = arith.constant 0 : i32
      %dma_wait3A_1137 = tpu.memref_slice %dma_wait3A_1134[%dma_wait3A_1135, %dma_wait3A_1136] : memref<50176x32xf32, #tpu.memory_space<hbm>> -> memref<50176x32xf32, #tpu.memory_space<hbm>>
      tpu.wait_indirect_dma semaphore(%arg15 : memref<!tpu.dma_semaphore, #tpu.memory_space<semaphore_mem>>) src(%dma_wait3A_1137 : memref<50176x32xf32, #tpu.memory_space<hbm>>) dst(%dma_wait3A_1128 : memref<128x32xf32, #tpu.memory_space<vmem>>)
      %dma_wait3A_1138 = arith.constant 384 : i32
      %dma_wait3A_1139 = arith.constant 0 : i32
      %dma_wait3A_1140 = tpu.memref_slice %arg10[%dma_wait3A_1138, %dma_wait3A_1139] : memref<512x32xf32, #tpu.memory_space<vmem>> -> memref<128x32xf32, #tpu.memory_space<vmem>>
      %dma_wait3A_1141 = arith.constant 1920 : i32
      %dma_wait3A_1142 = tpu.memref_slice %arg8[%dma_wait3A_1141] : memref<2048xi32, #tpu.memory_space<vmem>> -> memref<128xi32, #tpu.memory_space<vmem>>
      %dma_wait3A_1143 = arith.constant 0 : i32
      %dma_wait3A_1144 = arith.constant 0 : i32
      %dma_wait3A_1145 = tpu.memref_slice %arg2[%arg0, %dma_wait3A_1143, %dma_wait3A_1144] : memref<2x50176x32xf32, #tpu.memory_space<hbm>> -> memref<1x50176x32xf32, #tpu.memory_space<hbm>>
      %dma_wait3A_1146 = tpu.memref_squeeze %dma_wait3A_1145 : memref<1x50176x32xf32, #tpu.memory_space<hbm>> -> memref<50176x32xf32, #tpu.memory_space<hbm>>
      %dma_wait3A_1147 = arith.constant 0 : i32
      %dma_wait3A_1148 = arith.constant 0 : i32
      %dma_wait3A_1149 = tpu.memref_slice %dma_wait3A_1146[%dma_wait3A_1147, %dma_wait3A_1148] : memref<50176x32xf32, #tpu.memory_space<hbm>> -> memref<50176x32xf32, #tpu.memory_space<hbm>>
      tpu.wait_indirect_dma semaphore(%arg15 : memref<!tpu.dma_semaphore, #tpu.memory_space<semaphore_mem>>) src(%dma_wait3A_1149 : memref<50176x32xf32, #tpu.memory_space<hbm>>) dst(%dma_wait3A_1140 : memref<128x32xf32, #tpu.memory_space<vmem>>)
      %dma_start3A_1150 = arith.constant 256 : i32
      %dma_start3A_1151 = arith.constant 0 : i32
      %dma_start3A_1152 = tpu.memref_slice %arg10[%dma_start3A_1150, %dma_start3A_1151] : memref<512x32xf32, #tpu.memory_space<vmem>> -> memref<128x32xf32, #tpu.memory_space<vmem>>
      %dma_start3A_1153 = arith.constant 1792 : i32
      %dma_start3A_1154 = tpu.memref_slice %arg9[%dma_start3A_1153] : memref<2048xi32, #tpu.memory_space<vmem>> -> memref<128xi32, #tpu.memory_space<vmem>>
      %dma_start3A_1155 = arith.constant 0 : i32
      %dma_start3A_1156 = arith.constant 0 : i32
      %dma_start3A_1157 = tpu.memref_slice %arg6[%dma_start3A_1155, %dma_start3A_1156] : memref<50176x32xf32, #tpu.memory_space<vmem_shared>> -> memref<50176x32xf32, #tpu.memory_space<vmem_shared>>
      tpu.enqueue_indirect_dma source(%dma_start3A_1152 : memref<128x32xf32, #tpu.memory_space<vmem>>) target(%dma_start3A_1157 : memref<50176x32xf32, #tpu.memory_space<vmem_shared>>) offsets(%dma_start3A_1154 : memref<128xi32, #tpu.memory_space<vmem>>) semaphore(%arg17 : memref<!tpu.dma_semaphore, #tpu.memory_space<semaphore_mem>>) {add = true}
      %dma_start3A_1158 = arith.constant 384 : i32
      %dma_start3A_1159 = arith.constant 0 : i32
      %dma_start3A_1160 = tpu.memref_slice %arg10[%dma_start3A_1158, %dma_start3A_1159] : memref<512x32xf32, #tpu.memory_space<vmem>> -> memref<128x32xf32, #tpu.memory_space<vmem>>
      %dma_start3A_1161 = arith.constant 1920 : i32
      %dma_start3A_1162 = tpu.memref_slice %arg9[%dma_start3A_1161] : memref<2048xi32, #tpu.memory_space<vmem>> -> memref<128xi32, #tpu.memory_space<vmem>>
      %dma_start3A_1163 = arith.constant 0 : i32
      %dma_start3A_1164 = arith.constant 0 : i32
      %dma_start3A_1165 = tpu.memref_slice %arg6[%dma_start3A_1163, %dma_start3A_1164] : memref<50176x32xf32, #tpu.memory_space<vmem_shared>> -> memref<50176x32xf32, #tpu.memory_space<vmem_shared>>
      tpu.enqueue_indirect_dma source(%dma_start3A_1160 : memref<128x32xf32, #tpu.memory_space<vmem>>) target(%dma_start3A_1165 : memref<50176x32xf32, #tpu.memory_space<vmem_shared>>) offsets(%dma_start3A_1162 : memref<128xi32, #tpu.memory_space<vmem>>) semaphore(%arg17 : memref<!tpu.dma_semaphore, #tpu.memory_space<semaphore_mem>>) {add = true}
      "tpu.region"() ({
        %run_scoped3A_1198 = tpu.sem_alloc : memref<!tpu.dma_semaphore, #tpu.memory_space<semaphore_mem>>
        %dma_start3A_1199 = arith.constant 1792 : i32
        %dma_start3A_1200 = tpu.memref_slice %arg8[%dma_start3A_1199] : memref<2048xi32, #tpu.memory_space<vmem>> -> memref<128xi32, #tpu.memory_space<vmem>>
        %dma_start3A_1201 = arith.constant 0 : i32
        %dma_start3A_1202 = tpu.memref_slice %arg7[%dma_start3A_1201] : memref<50176xf32, #tpu.memory_space<vmem_shared>> -> memref<50176xf32, #tpu.memory_space<vmem_shared>>
        tpu.enqueue_indirect_dma source(%arg11 : memref<128xf32, #tpu.memory_space<vmem>>) target(%dma_start3A_1202 : memref<50176xf32, #tpu.memory_space<vmem_shared>>) offsets(%dma_start3A_1200 : memref<128xi32, #tpu.memory_space<vmem>>) semaphore(%run_scoped3A_1198 : memref<!tpu.dma_semaphore, #tpu.memory_space<semaphore_mem>>) {add = true}
        %dma_wait3A_1203 = arith.constant 1792 : i32
        %dma_wait3A_1204 = tpu.memref_slice %arg8[%dma_wait3A_1203] : memref<2048xi32, #tpu.memory_space<vmem>> -> memref<128xi32, #tpu.memory_space<vmem>>
        %dma_wait3A_1205 = arith.constant 0 : i32
        %dma_wait3A_1206 = tpu.memref_slice %arg7[%dma_wait3A_1205] : memref<50176xf32, #tpu.memory_space<vmem_shared>> -> memref<50176xf32, #tpu.memory_space<vmem_shared>>
        tpu.wait_indirect_dma semaphore(%run_scoped3A_1198 : memref<!tpu.dma_semaphore, #tpu.memory_space<semaphore_mem>>) src(%arg11 : memref<128xf32, #tpu.memory_space<vmem>>) dst(%dma_wait3A_1206 : memref<50176xf32, #tpu.memory_space<vmem_shared>>)
        tpu.yield
      }) : () -> ()
      "tpu.region"() ({
        %run_scoped3A_1198 = tpu.sem_alloc : memref<!tpu.dma_semaphore, #tpu.memory_space<semaphore_mem>>
        %dma_start3A_1199 = arith.constant 1920 : i32
        %dma_start3A_1200 = tpu.memref_slice %arg8[%dma_start3A_1199] : memref<2048xi32, #tpu.memory_space<vmem>> -> memref<128xi32, #tpu.memory_space<vmem>>
        %dma_start3A_1201 = arith.constant 0 : i32
        %dma_start3A_1202 = tpu.memref_slice %arg7[%dma_start3A_1201] : memref<50176xf32, #tpu.memory_space<vmem_shared>> -> memref<50176xf32, #tpu.memory_space<vmem_shared>>
        tpu.enqueue_indirect_dma source(%arg11 : memref<128xf32, #tpu.memory_space<vmem>>) target(%dma_start3A_1202 : memref<50176xf32, #tpu.memory_space<vmem_shared>>) offsets(%dma_start3A_1200 : memref<128xi32, #tpu.memory_space<vmem>>) semaphore(%run_scoped3A_1198 : memref<!tpu.dma_semaphore, #tpu.memory_space<semaphore_mem>>) {add = true}
        %dma_wait3A_1203 = arith.constant 1920 : i32
        %dma_wait3A_1204 = tpu.memref_slice %arg8[%dma_wait3A_1203] : memref<2048xi32, #tpu.memory_space<vmem>> -> memref<128xi32, #tpu.memory_space<vmem>>
        %dma_wait3A_1205 = arith.constant 0 : i32
        %dma_wait3A_1206 = tpu.memref_slice %arg7[%dma_wait3A_1205] : memref<50176xf32, #tpu.memory_space<vmem_shared>> -> memref<50176xf32, #tpu.memory_space<vmem_shared>>
        tpu.wait_indirect_dma semaphore(%run_scoped3A_1198 : memref<!tpu.dma_semaphore, #tpu.memory_space<semaphore_mem>>) src(%arg11 : memref<128xf32, #tpu.memory_space<vmem>>) dst(%dma_wait3A_1206 : memref<50176xf32, #tpu.memory_space<vmem_shared>>)
        tpu.yield
      }) : () -> ()
      %dma_wait3A_1166 = arith.constant 0 : i32
      %dma_wait3A_1167 = arith.constant 0 : i32
      %dma_wait3A_1168 = tpu.memref_slice %arg10[%dma_wait3A_1166, %dma_wait3A_1167] : memref<512x32xf32, #tpu.memory_space<vmem>> -> memref<128x32xf32, #tpu.memory_space<vmem>>
      %dma_wait3A_1169 = arith.constant 1536 : i32
      %dma_wait3A_1170 = tpu.memref_slice %arg9[%dma_wait3A_1169] : memref<2048xi32, #tpu.memory_space<vmem>> -> memref<128xi32, #tpu.memory_space<vmem>>
      %dma_wait3A_1171 = arith.constant 0 : i32
      %dma_wait3A_1172 = arith.constant 0 : i32
      %dma_wait3A_1173 = tpu.memref_slice %arg6[%dma_wait3A_1171, %dma_wait3A_1172] : memref<50176x32xf32, #tpu.memory_space<vmem_shared>> -> memref<50176x32xf32, #tpu.memory_space<vmem_shared>>
      tpu.wait_indirect_dma semaphore(%arg16 : memref<!tpu.dma_semaphore, #tpu.memory_space<semaphore_mem>>) src(%dma_wait3A_1168 : memref<128x32xf32, #tpu.memory_space<vmem>>) dst(%dma_wait3A_1173 : memref<50176x32xf32, #tpu.memory_space<vmem_shared>>)
      %dma_wait3A_1174 = arith.constant 128 : i32
      %dma_wait3A_1175 = arith.constant 0 : i32
      %dma_wait3A_1176 = tpu.memref_slice %arg10[%dma_wait3A_1174, %dma_wait3A_1175] : memref<512x32xf32, #tpu.memory_space<vmem>> -> memref<128x32xf32, #tpu.memory_space<vmem>>
      %dma_wait3A_1177 = arith.constant 1664 : i32
      %dma_wait3A_1178 = tpu.memref_slice %arg9[%dma_wait3A_1177] : memref<2048xi32, #tpu.memory_space<vmem>> -> memref<128xi32, #tpu.memory_space<vmem>>
      %dma_wait3A_1179 = arith.constant 0 : i32
      %dma_wait3A_1180 = arith.constant 0 : i32
      %dma_wait3A_1181 = tpu.memref_slice %arg6[%dma_wait3A_1179, %dma_wait3A_1180] : memref<50176x32xf32, #tpu.memory_space<vmem_shared>> -> memref<50176x32xf32, #tpu.memory_space<vmem_shared>>
      tpu.wait_indirect_dma semaphore(%arg16 : memref<!tpu.dma_semaphore, #tpu.memory_space<semaphore_mem>>) src(%dma_wait3A_1176 : memref<128x32xf32, #tpu.memory_space<vmem>>) dst(%dma_wait3A_1181 : memref<50176x32xf32, #tpu.memory_space<vmem_shared>>)
      %dma_wait3A_1182 = arith.constant 256 : i32
      %dma_wait3A_1183 = arith.constant 0 : i32
      %dma_wait3A_1184 = tpu.memref_slice %arg10[%dma_wait3A_1182, %dma_wait3A_1183] : memref<512x32xf32, #tpu.memory_space<vmem>> -> memref<128x32xf32, #tpu.memory_space<vmem>>
      %dma_wait3A_1185 = arith.constant 1792 : i32
      %dma_wait3A_1186 = tpu.memref_slice %arg9[%dma_wait3A_1185] : memref<2048xi32, #tpu.memory_space<vmem>> -> memref<128xi32, #tpu.memory_space<vmem>>
      %dma_wait3A_1187 = arith.constant 0 : i32
      %dma_wait3A_1188 = arith.constant 0 : i32
      %dma_wait3A_1189 = tpu.memref_slice %arg6[%dma_wait3A_1187, %dma_wait3A_1188] : memref<50176x32xf32, #tpu.memory_space<vmem_shared>> -> memref<50176x32xf32, #tpu.memory_space<vmem_shared>>
      tpu.wait_indirect_dma semaphore(%arg17 : memref<!tpu.dma_semaphore, #tpu.memory_space<semaphore_mem>>) src(%dma_wait3A_1184 : memref<128x32xf32, #tpu.memory_space<vmem>>) dst(%dma_wait3A_1189 : memref<50176x32xf32, #tpu.memory_space<vmem_shared>>)
      %dma_wait3A_1190 = arith.constant 384 : i32
      %dma_wait3A_1191 = arith.constant 0 : i32
      %dma_wait3A_1192 = tpu.memref_slice %arg10[%dma_wait3A_1190, %dma_wait3A_1191] : memref<512x32xf32, #tpu.memory_space<vmem>> -> memref<128x32xf32, #tpu.memory_space<vmem>>
      %dma_wait3A_1193 = arith.constant 1920 : i32
      %dma_wait3A_1194 = tpu.memref_slice %arg9[%dma_wait3A_1193] : memref<2048xi32, #tpu.memory_space<vmem>> -> memref<128xi32, #tpu.memory_space<vmem>>
      %dma_wait3A_1195 = arith.constant 0 : i32
      %dma_wait3A_1196 = arith.constant 0 : i32
      %dma_wait3A_1197 = tpu.memref_slice %arg6[%dma_wait3A_1195, %dma_wait3A_1196] : memref<50176x32xf32, #tpu.memory_space<vmem_shared>> -> memref<50176x32xf32, #tpu.memory_space<vmem_shared>>
      tpu.wait_indirect_dma semaphore(%arg17 : memref<!tpu.dma_semaphore, #tpu.memory_space<semaphore_mem>>) src(%dma_wait3A_1192 : memref<128x32xf32, #tpu.memory_space<vmem>>) dst(%dma_wait3A_1197 : memref<50176x32xf32, #tpu.memory_space<vmem_shared>>)
    }
    %scan3A_61 = arith.constant 24 : i32
    %scan3A_62 = arith.constant 0 : i32
    %scan3A_63 = arith.constant 11 : i32
    %scan3A_64 = arith.addi %scan3A_62, %scan3A_63 : i32
    %scan3A_65 = arith.constant 1 : i32
    scf.for %scan3A_552 = %scan3A_62 to %scan3A_64 step %scan3A_65  : i32 {
      %broadcast_in_dim3A_553 = arith.constant 0 : i32
      %broadcast_in_dim3A_554 = vector.broadcast %broadcast_in_dim3A_553 : i32 to vector<16xi32>
      %mul3A_555 = arith.constant 16 : i32
      %mul3A_556 = arith.muli %scan3A_552, %mul3A_555 : i32
      %add3A_557 = arith.constant 848 : i32
      %add3A_558 = arith.addi %add3A_557, %mul3A_556 : i32
      %swap3A_559 = arith.index_cast %add3A_558 : i32 to index
      %swap3A_560 = tpu.vector_load %arg8[%swap3A_559] {strides = array<i32>} : memref<2048xi32, #tpu.memory_space<vmem>>, vector<16xi32>,
      tpu.vector_store %arg8[%swap3A_559], %broadcast_in_dim3A_554 {strides = array<i32>} : memref<2048xi32, #tpu.memory_space<vmem>>, vector<16xi32>,
      %broadcast_in_dim3A_561 = arith.constant 50000 : i32
      %broadcast_in_dim3A_562 = vector.broadcast %broadcast_in_dim3A_561 : i32 to vector<16xi32>
      %mul3A_563 = arith.constant 16 : i32
      %mul3A_564 = arith.muli %scan3A_552, %mul3A_563 : i32
      %add3A_565 = arith.constant 848 : i32
      %add3A_566 = arith.addi %add3A_565, %mul3A_564 : i32
      %swap3A_567 = arith.index_cast %add3A_566 : i32 to index
      %swap3A_568 = tpu.vector_load %arg9[%swap3A_567] {strides = array<i32>} : memref<2048xi32, #tpu.memory_space<vmem>>, vector<16xi32>,
      tpu.vector_store %arg9[%swap3A_567], %broadcast_in_dim3A_562 {strides = array<i32>} : memref<2048xi32, #tpu.memory_space<vmem>>, vector<16xi32>,
    }
    %scan3A_66 = arith.constant 11 : i32
    %add3A_67 = arith.constant 49152 : i32
    %add3A_68 = arith.addi %mul3A_56, %add3A_67 : i32
    %run_scoped3A = arith.constant 0 : i32
    "tpu.region"() ({
      %run_scoped3A_552 = tpu.sem_alloc : memref<!tpu.dma_semaphore, #tpu.memory_space<semaphore_mem>>
      %dma_start3A_553 = arith.constant 0 : i32
      %dma_start3A_554 = tpu.memref_slice %arg8[%dma_start3A_553] : memref<2048xi32, #tpu.memory_space<vmem>> -> memref<848xi32, #tpu.memory_space<vmem>>
      %dma_start3A_555 = tpu.memref_slice %arg3[%run_scoped3A, %add3A_68] : memref<2x800000xi32, #tpu.memory_space<hbm>> -> memref<1x848xi32, #tpu.memory_space<hbm>>
      %dma_start3A_556 = tpu.memref_squeeze %dma_start3A_555 : memref<1x848xi32, #tpu.memory_space<hbm>> -> memref<848xi32, #tpu.memory_space<hbm>>
      %dma_start3A_557 = arith.constant 0 : i32
      %dma_start3A_558 = tpu.memref_slice %arg8[%dma_start3A_557] : memref<2048xi32, #tpu.memory_space<vmem>> -> memref<848xi32, #tpu.memory_space<vmem>>
      %dma_start3A_559 = tpu.memref_slice %arg3[%run_scoped3A, %add3A_68] : memref<2x800000xi32, #tpu.memory_space<hbm>> -> memref<1x848xi32, #tpu.memory_space<hbm>>
      %dma_start3A_560 = tpu.memref_squeeze %dma_start3A_559 : memref<1x848xi32, #tpu.memory_space<hbm>> -> memref<848xi32, #tpu.memory_space<hbm>>
      tpu.enqueue_dma source(%dma_start3A_560 : memref<848xi32, #tpu.memory_space<hbm>>) target(%dma_start3A_558 : memref<848xi32, #tpu.memory_space<vmem>>) target_semaphore(%run_scoped3A_552 : memref<!tpu.dma_semaphore, #tpu.memory_space<semaphore_mem>>)
      %dma_wait3A_561 = arith.constant 0 : i32
      %dma_wait3A_562 = tpu.memref_slice %arg8[%dma_wait3A_561] : memref<2048xi32, #tpu.memory_space<vmem>> -> memref<848xi32, #tpu.memory_space<vmem>>
      %dma_wait3A_563 = tpu.memref_slice %arg3[%run_scoped3A, %add3A_68] : memref<2x800000xi32, #tpu.memory_space<hbm>> -> memref<1x848xi32, #tpu.memory_space<hbm>>
      %dma_wait3A_564 = tpu.memref_squeeze %dma_wait3A_563 : memref<1x848xi32, #tpu.memory_space<hbm>> -> memref<848xi32, #tpu.memory_space<hbm>>
      %dma_wait3A_565 = arith.constant 0 : i32
      %dma_wait3A_566 = tpu.memref_slice %arg8[%dma_wait3A_565] : memref<2048xi32, #tpu.memory_space<vmem>> -> memref<848xi32, #tpu.memory_space<vmem>>
      %dma_wait3A_567 = tpu.memref_slice %arg3[%run_scoped3A, %add3A_68] : memref<2x800000xi32, #tpu.memory_space<hbm>> -> memref<1x848xi32, #tpu.memory_space<hbm>>
      %dma_wait3A_568 = tpu.memref_squeeze %dma_wait3A_567 : memref<1x848xi32, #tpu.memory_space<hbm>> -> memref<848xi32, #tpu.memory_space<hbm>>
      tpu.wait_dma2 semaphore(%run_scoped3A_552 : memref<!tpu.dma_semaphore, #tpu.memory_space<semaphore_mem>>) src(%dma_wait3A_568 : memref<848xi32, #tpu.memory_space<hbm>>) dst(%dma_wait3A_566 : memref<848xi32, #tpu.memory_space<vmem>>)
      tpu.yield
    }) : () -> ()
    %run_scoped3A_69 = arith.constant 1 : i32
    "tpu.region"() ({
      %run_scoped3A_552 = tpu.sem_alloc : memref<!tpu.dma_semaphore, #tpu.memory_space<semaphore_mem>>
      %dma_start3A_553 = arith.constant 0 : i32
      %dma_start3A_554 = tpu.memref_slice %arg9[%dma_start3A_553] : memref<2048xi32, #tpu.memory_space<vmem>> -> memref<848xi32, #tpu.memory_space<vmem>>
      %dma_start3A_555 = tpu.memref_slice %arg3[%run_scoped3A_69, %add3A_68] : memref<2x800000xi32, #tpu.memory_space<hbm>> -> memref<1x848xi32, #tpu.memory_space<hbm>>
      %dma_start3A_556 = tpu.memref_squeeze %dma_start3A_555 : memref<1x848xi32, #tpu.memory_space<hbm>> -> memref<848xi32, #tpu.memory_space<hbm>>
      %dma_start3A_557 = arith.constant 0 : i32
      %dma_start3A_558 = tpu.memref_slice %arg9[%dma_start3A_557] : memref<2048xi32, #tpu.memory_space<vmem>> -> memref<848xi32, #tpu.memory_space<vmem>>
      %dma_start3A_559 = tpu.memref_slice %arg3[%run_scoped3A_69, %add3A_68] : memref<2x800000xi32, #tpu.memory_space<hbm>> -> memref<1x848xi32, #tpu.memory_space<hbm>>
      %dma_start3A_560 = tpu.memref_squeeze %dma_start3A_559 : memref<1x848xi32, #tpu.memory_space<hbm>> -> memref<848xi32, #tpu.memory_space<hbm>>
      tpu.enqueue_dma source(%dma_start3A_560 : memref<848xi32, #tpu.memory_space<hbm>>) target(%dma_start3A_558 : memref<848xi32, #tpu.memory_space<vmem>>) target_semaphore(%run_scoped3A_552 : memref<!tpu.dma_semaphore, #tpu.memory_space<semaphore_mem>>)
      %dma_wait3A_561 = arith.constant 0 : i32
      %dma_wait3A_562 = tpu.memref_slice %arg9[%dma_wait3A_561] : memref<2048xi32, #tpu.memory_space<vmem>> -> memref<848xi32, #tpu.memory_space<vmem>>
      %dma_wait3A_563 = tpu.memref_slice %arg3[%run_scoped3A_69, %add3A_68] : memref<2x800000xi32, #tpu.memory_space<hbm>> -> memref<1x848xi32, #tpu.memory_space<hbm>>
      %dma_wait3A_564 = tpu.memref_squeeze %dma_wait3A_563 : memref<1x848xi32, #tpu.memory_space<hbm>> -> memref<848xi32, #tpu.memory_space<hbm>>
      %dma_wait3A_565 = arith.constant 0 : i32
      %dma_wait3A_566 = tpu.memref_slice %arg9[%dma_wait3A_565] : memref<2048xi32, #tpu.memory_space<vmem>> -> memref<848xi32, #tpu.memory_space<vmem>>
      %dma_wait3A_567 = tpu.memref_slice %arg3[%run_scoped3A_69, %add3A_68] : memref<2x800000xi32, #tpu.memory_space<hbm>> -> memref<1x848xi32, #tpu.memory_space<hbm>>
      %dma_wait3A_568 = tpu.memref_squeeze %dma_wait3A_567 : memref<1x848xi32, #tpu.memory_space<hbm>> -> memref<848xi32, #tpu.memory_space<hbm>>
      tpu.wait_dma2 semaphore(%run_scoped3A_552 : memref<!tpu.dma_semaphore, #tpu.memory_space<semaphore_mem>>) src(%dma_wait3A_568 : memref<848xi32, #tpu.memory_space<hbm>>) dst(%dma_wait3A_566 : memref<848xi32, #tpu.memory_space<vmem>>)
      tpu.yield
    }) : () -> ()
    %dma_start3A = arith.constant 0 : i32
    %dma_start3A_70 = arith.constant 0 : i32
    %dma_start3A_71 = tpu.memref_slice %arg10[%dma_start3A, %dma_start3A_70] : memref<512x32xf32, #tpu.memory_space<vmem>> -> memref<128x32xf32, #tpu.memory_space<vmem>>
    %dma_start3A_72 = arith.constant 0 : i32
    %dma_start3A_73 = tpu.memref_slice %arg8[%dma_start3A_72] : memref<2048xi32, #tpu.memory_space<vmem>> -> memref<128xi32, #tpu.memory_space<vmem>>
    %dma_start3A_74 = arith.constant 0 : i32
    %dma_start3A_75 = arith.constant 0 : i32
    %dma_start3A_76 = tpu.memref_slice %arg2[%arg0, %dma_start3A_74, %dma_start3A_75] : memref<2x50176x32xf32, #tpu.memory_space<hbm>> -> memref<1x50176x32xf32, #tpu.memory_space<hbm>>
    %dma_start3A_77 = tpu.memref_squeeze %dma_start3A_76 : memref<1x50176x32xf32, #tpu.memory_space<hbm>> -> memref<50176x32xf32, #tpu.memory_space<hbm>>
    %dma_start3A_78 = arith.constant 0 : i32
    %dma_start3A_79 = arith.constant 0 : i32
    %dma_start3A_80 = tpu.memref_slice %dma_start3A_77[%dma_start3A_78, %dma_start3A_79] : memref<50176x32xf32, #tpu.memory_space<hbm>> -> memref<50176x32xf32, #tpu.memory_space<hbm>>
    tpu.enqueue_indirect_dma source(%dma_start3A_80 : memref<50176x32xf32, #tpu.memory_space<hbm>>) target(%dma_start3A_71 : memref<128x32xf32, #tpu.memory_space<vmem>>) offsets(%dma_start3A_73 : memref<128xi32, #tpu.memory_space<vmem>>) semaphore(%arg14 : memref<!tpu.dma_semaphore, #tpu.memory_space<semaphore_mem>>)
    %dma_start3A_81 = arith.constant 128 : i32
    %dma_start3A_82 = arith.constant 0 : i32
    %dma_start3A_83 = tpu.memref_slice %arg10[%dma_start3A_81, %dma_start3A_82] : memref<512x32xf32, #tpu.memory_space<vmem>> -> memref<128x32xf32, #tpu.memory_space<vmem>>
    %dma_start3A_84 = arith.constant 128 : i32
    %dma_start3A_85 = tpu.memref_slice %arg8[%dma_start3A_84] : memref<2048xi32, #tpu.memory_space<vmem>> -> memref<128xi32, #tpu.memory_space<vmem>>
    %dma_start3A_86 = arith.constant 0 : i32
    %dma_start3A_87 = arith.constant 0 : i32
    %dma_start3A_88 = tpu.memref_slice %arg2[%arg0, %dma_start3A_86, %dma_start3A_87] : memref<2x50176x32xf32, #tpu.memory_space<hbm>> -> memref<1x50176x32xf32, #tpu.memory_space<hbm>>
    %dma_start3A_89 = tpu.memref_squeeze %dma_start3A_88 : memref<1x50176x32xf32, #tpu.memory_space<hbm>> -> memref<50176x32xf32, #tpu.memory_space<hbm>>
    %dma_start3A_90 = arith.constant 0 : i32
    %dma_start3A_91 = arith.constant 0 : i32
    %dma_start3A_92 = tpu.memref_slice %dma_start3A_89[%dma_start3A_90, %dma_start3A_91] : memref<50176x32xf32, #tpu.memory_space<hbm>> -> memref<50176x32xf32, #tpu.memory_space<hbm>>
    tpu.enqueue_indirect_dma source(%dma_start3A_92 : memref<50176x32xf32, #tpu.memory_space<hbm>>) target(%dma_start3A_83 : memref<128x32xf32, #tpu.memory_space<vmem>>) offsets(%dma_start3A_85 : memref<128xi32, #tpu.memory_space<vmem>>) semaphore(%arg14 : memref<!tpu.dma_semaphore, #tpu.memory_space<semaphore_mem>>)
    %dma_wait3A = arith.constant 0 : i32
    %dma_wait3A_93 = arith.constant 0 : i32
    %dma_wait3A_94 = tpu.memref_slice %arg10[%dma_wait3A, %dma_wait3A_93] : memref<512x32xf32, #tpu.memory_space<vmem>> -> memref<128x32xf32, #tpu.memory_space<vmem>>
    %dma_wait3A_95 = arith.constant 0 : i32
    %dma_wait3A_96 = tpu.memref_slice %arg8[%dma_wait3A_95] : memref<2048xi32, #tpu.memory_space<vmem>> -> memref<128xi32, #tpu.memory_space<vmem>>
    %dma_wait3A_97 = arith.constant 0 : i32
    %dma_wait3A_98 = arith.constant 0 : i32
    %dma_wait3A_99 = tpu.memref_slice %arg2[%arg0, %dma_wait3A_97, %dma_wait3A_98] : memref<2x50176x32xf32, #tpu.memory_space<hbm>> -> memref<1x50176x32xf32, #tpu.memory_space<hbm>>
    %dma_wait3A_100 = tpu.memref_squeeze %dma_wait3A_99 : memref<1x50176x32xf32, #tpu.memory_space<hbm>> -> memref<50176x32xf32, #tpu.memory_space<hbm>>
    %dma_wait3A_101 = arith.constant 0 : i32
    %dma_wait3A_102 = arith.constant 0 : i32
    %dma_wait3A_103 = tpu.memref_slice %dma_wait3A_100[%dma_wait3A_101, %dma_wait3A_102] : memref<50176x32xf32, #tpu.memory_space<hbm>> -> memref<50176x32xf32, #tpu.memory_space<hbm>>
    tpu.wait_indirect_dma semaphore(%arg14 : memref<!tpu.dma_semaphore, #tpu.memory_space<semaphore_mem>>) src(%dma_wait3A_103 : memref<50176x32xf32, #tpu.memory_space<hbm>>) dst(%dma_wait3A_94 : memref<128x32xf32, #tpu.memory_space<vmem>>)
    %dma_wait3A_104 = arith.constant 128 : i32
    %dma_wait3A_105 = arith.constant 0 : i32
    %dma_wait3A_106 = tpu.memref_slice %arg10[%dma_wait3A_104, %dma_wait3A_105] : memref<512x32xf32, #tpu.memory_space<vmem>> -> memref<128x32xf32, #tpu.memory_space<vmem>>
    %dma_wait3A_107 = arith.constant 128 : i32
    %dma_wait3A_108 = tpu.memref_slice %arg8[%dma_wait3A_107] : memref<2048xi32, #tpu.memory_space<vmem>> -> memref<128xi32, #tpu.memory_space<vmem>>
    %dma_wait3A_109 = arith.constant 0 : i32
    %dma_wait3A_110 = arith.constant 0 : i32
    %dma_wait3A_111 = tpu.memref_slice %arg2[%arg0, %dma_wait3A_109, %dma_wait3A_110] : memref<2x50176x32xf32, #tpu.memory_space<hbm>> -> memref<1x50176x32xf32, #tpu.memory_space<hbm>>
    %dma_wait3A_112 = tpu.memref_squeeze %dma_wait3A_111 : memref<1x50176x32xf32, #tpu.memory_space<hbm>> -> memref<50176x32xf32, #tpu.memory_space<hbm>>
    %dma_wait3A_113 = arith.constant 0 : i32
    %dma_wait3A_114 = arith.constant 0 : i32
    %dma_wait3A_115 = tpu.memref_slice %dma_wait3A_112[%dma_wait3A_113, %dma_wait3A_114] : memref<50176x32xf32, #tpu.memory_space<hbm>> -> memref<50176x32xf32, #tpu.memory_space<hbm>>
    tpu.wait_indirect_dma semaphore(%arg14 : memref<!tpu.dma_semaphore, #tpu.memory_space<semaphore_mem>>) src(%dma_wait3A_115 : memref<50176x32xf32, #tpu.memory_space<hbm>>) dst(%dma_wait3A_106 : memref<128x32xf32, #tpu.memory_space<vmem>>)
    %dma_start3A_116 = arith.constant 0 : i32
    %dma_start3A_117 = arith.constant 0 : i32
    %dma_start3A_118 = tpu.memref_slice %arg10[%dma_start3A_116, %dma_start3A_117] : memref<512x32xf32, #tpu.memory_space<vmem>> -> memref<128x32xf32, #tpu.memory_space<vmem>>
    %dma_start3A_119 = arith.constant 0 : i32
    %dma_start3A_120 = tpu.memref_slice %arg9[%dma_start3A_119] : memref<2048xi32, #tpu.memory_space<vmem>> -> memref<128xi32, #tpu.memory_space<vmem>>
    %dma_start3A_121 = arith.constant 0 : i32
    %dma_start3A_122 = arith.constant 0 : i32
    %dma_start3A_123 = tpu.memref_slice %arg6[%dma_start3A_121, %dma_start3A_122] : memref<50176x32xf32, #tpu.memory_space<vmem_shared>> -> memref<50176x32xf32, #tpu.memory_space<vmem_shared>>
    tpu.enqueue_indirect_dma source(%dma_start3A_118 : memref<128x32xf32, #tpu.memory_space<vmem>>) target(%dma_start3A_123 : memref<50176x32xf32, #tpu.memory_space<vmem_shared>>) offsets(%dma_start3A_120 : memref<128xi32, #tpu.memory_space<vmem>>) semaphore(%arg16 : memref<!tpu.dma_semaphore, #tpu.memory_space<semaphore_mem>>) {add = true}
    %dma_start3A_124 = arith.constant 128 : i32
    %dma_start3A_125 = arith.constant 0 : i32
    %dma_start3A_126 = tpu.memref_slice %arg10[%dma_start3A_124, %dma_start3A_125] : memref<512x32xf32, #tpu.memory_space<vmem>> -> memref<128x32xf32, #tpu.memory_space<vmem>>
    %dma_start3A_127 = arith.constant 128 : i32
    %dma_start3A_128 = tpu.memref_slice %arg9[%dma_start3A_127] : memref<2048xi32, #tpu.memory_space<vmem>> -> memref<128xi32, #tpu.memory_space<vmem>>
    %dma_start3A_129 = arith.constant 0 : i32
    %dma_start3A_130 = arith.constant 0 : i32
    %dma_start3A_131 = tpu.memref_slice %arg6[%dma_start3A_129, %dma_start3A_130] : memref<50176x32xf32, #tpu.memory_space<vmem_shared>> -> memref<50176x32xf32, #tpu.memory_space<vmem_shared>>
    tpu.enqueue_indirect_dma source(%dma_start3A_126 : memref<128x32xf32, #tpu.memory_space<vmem>>) target(%dma_start3A_131 : memref<50176x32xf32, #tpu.memory_space<vmem_shared>>) offsets(%dma_start3A_128 : memref<128xi32, #tpu.memory_space<vmem>>) semaphore(%arg16 : memref<!tpu.dma_semaphore, #tpu.memory_space<semaphore_mem>>) {add = true}
    %dma_wait3A_132 = arith.constant 0 : i32
    %dma_wait3A_133 = arith.constant 0 : i32
    %dma_wait3A_134 = tpu.memref_slice %arg10[%dma_wait3A_132, %dma_wait3A_133] : memref<512x32xf32, #tpu.memory_space<vmem>> -> memref<128x32xf32, #tpu.memory_space<vmem>>
    %dma_wait3A_135 = arith.constant 0 : i32
    %dma_wait3A_136 = tpu.memref_slice %arg9[%dma_wait3A_135] : memref<2048xi32, #tpu.memory_space<vmem>> -> memref<128xi32, #tpu.memory_space<vmem>>
    %dma_wait3A_137 = arith.constant 0 : i32
    %dma_wait3A_138 = arith.constant 0 : i32
    %dma_wait3A_139 = tpu.memref_slice %arg6[%dma_wait3A_137, %dma_wait3A_138] : memref<50176x32xf32, #tpu.memory_space<vmem_shared>> -> memref<50176x32xf32, #tpu.memory_space<vmem_shared>>
    tpu.wait_indirect_dma semaphore(%arg16 : memref<!tpu.dma_semaphore, #tpu.memory_space<semaphore_mem>>) src(%dma_wait3A_134 : memref<128x32xf32, #tpu.memory_space<vmem>>) dst(%dma_wait3A_139 : memref<50176x32xf32, #tpu.memory_space<vmem_shared>>)
    %dma_wait3A_140 = arith.constant 128 : i32
    %dma_wait3A_141 = arith.constant 0 : i32
    %dma_wait3A_142 = tpu.memref_slice %arg10[%dma_wait3A_140, %dma_wait3A_141] : memref<512x32xf32, #tpu.memory_space<vmem>> -> memref<128x32xf32, #tpu.memory_space<vmem>>
    %dma_wait3A_143 = arith.constant 128 : i32
    %dma_wait3A_144 = tpu.memref_slice %arg9[%dma_wait3A_143] : memref<2048xi32, #tpu.memory_space<vmem>> -> memref<128xi32, #tpu.memory_space<vmem>>
    %dma_wait3A_145 = arith.constant 0 : i32
    %dma_wait3A_146 = arith.constant 0 : i32
    %dma_wait3A_147 = tpu.memref_slice %arg6[%dma_wait3A_145, %dma_wait3A_146] : memref<50176x32xf32, #tpu.memory_space<vmem_shared>> -> memref<50176x32xf32, #tpu.memory_space<vmem_shared>>
    tpu.wait_indirect_dma semaphore(%arg16 : memref<!tpu.dma_semaphore, #tpu.memory_space<semaphore_mem>>) src(%dma_wait3A_142 : memref<128x32xf32, #tpu.memory_space<vmem>>) dst(%dma_wait3A_147 : memref<50176x32xf32, #tpu.memory_space<vmem_shared>>)
    "tpu.region"() ({
      %run_scoped3A_552 = tpu.sem_alloc : memref<!tpu.dma_semaphore, #tpu.memory_space<semaphore_mem>>
      %dma_start3A_553 = arith.constant 0 : i32
      %dma_start3A_554 = tpu.memref_slice %arg8[%dma_start3A_553] : memref<2048xi32, #tpu.memory_space<vmem>> -> memref<128xi32, #tpu.memory_space<vmem>>
      %dma_start3A_555 = arith.constant 0 : i32
      %dma_start3A_556 = tpu.memref_slice %arg7[%dma_start3A_555] : memref<50176xf32, #tpu.memory_space<vmem_shared>> -> memref<50176xf32, #tpu.memory_space<vmem_shared>>
      tpu.enqueue_indirect_dma source(%arg11 : memref<128xf32, #tpu.memory_space<vmem>>) target(%dma_start3A_556 : memref<50176xf32, #tpu.memory_space<vmem_shared>>) offsets(%dma_start3A_554 : memref<128xi32, #tpu.memory_space<vmem>>) semaphore(%run_scoped3A_552 : memref<!tpu.dma_semaphore, #tpu.memory_space<semaphore_mem>>) {add = true}
      %dma_wait3A_557 = arith.constant 0 : i32
      %dma_wait3A_558 = tpu.memref_slice %arg8[%dma_wait3A_557] : memref<2048xi32, #tpu.memory_space<vmem>> -> memref<128xi32, #tpu.memory_space<vmem>>
      %dma_wait3A_559 = arith.constant 0 : i32
      %dma_wait3A_560 = tpu.memref_slice %arg7[%dma_wait3A_559] : memref<50176xf32, #tpu.memory_space<vmem_shared>> -> memref<50176xf32, #tpu.memory_space<vmem_shared>>
      tpu.wait_indirect_dma semaphore(%run_scoped3A_552 : memref<!tpu.dma_semaphore, #tpu.memory_space<semaphore_mem>>) src(%arg11 : memref<128xf32, #tpu.memory_space<vmem>>) dst(%dma_wait3A_560 : memref<50176xf32, #tpu.memory_space<vmem_shared>>)
      tpu.yield
    }) : () -> ()
    "tpu.region"() ({
      %run_scoped3A_552 = tpu.sem_alloc : memref<!tpu.dma_semaphore, #tpu.memory_space<semaphore_mem>>
      %dma_start3A_553 = arith.constant 128 : i32
      %dma_start3A_554 = tpu.memref_slice %arg8[%dma_start3A_553] : memref<2048xi32, #tpu.memory_space<vmem>> -> memref<128xi32, #tpu.memory_space<vmem>>
      %dma_start3A_555 = arith.constant 0 : i32
      %dma_start3A_556 = tpu.memref_slice %arg7[%dma_start3A_555] : memref<50176xf32, #tpu.memory_space<vmem_shared>> -> memref<50176xf32, #tpu.memory_space<vmem_shared>>
      tpu.enqueue_indirect_dma source(%arg11 : memref<128xf32, #tpu.memory_space<vmem>>) target(%dma_start3A_556 : memref<50176xf32, #tpu.memory_space<vmem_shared>>) offsets(%dma_start3A_554 : memref<128xi32, #tpu.memory_space<vmem>>) semaphore(%run_scoped3A_552 : memref<!tpu.dma_semaphore, #tpu.memory_space<semaphore_mem>>) {add = true}
      %dma_wait3A_557 = arith.constant 128 : i32
      %dma_wait3A_558 = tpu.memref_slice %arg8[%dma_wait3A_557] : memref<2048xi32, #tpu.memory_space<vmem>> -> memref<128xi32, #tpu.memory_space<vmem>>
      %dma_wait3A_559 = arith.constant 0 : i32
      %dma_wait3A_560 = tpu.memref_slice %arg7[%dma_wait3A_559] : memref<50176xf32, #tpu.memory_space<vmem_shared>> -> memref<50176xf32, #tpu.memory_space<vmem_shared>>
      tpu.wait_indirect_dma semaphore(%run_scoped3A_552 : memref<!tpu.dma_semaphore, #tpu.memory_space<semaphore_mem>>) src(%arg11 : memref<128xf32, #tpu.memory_space<vmem>>) dst(%dma_wait3A_560 : memref<50176xf32, #tpu.memory_space<vmem_shared>>)
      tpu.yield
    }) : () -> ()
    %dma_start3A_148 = arith.constant 256 : i32
    %dma_start3A_149 = arith.constant 0 : i32
    %dma_start3A_150 = tpu.memref_slice %arg10[%dma_start3A_148, %dma_start3A_149] : memref<512x32xf32, #tpu.memory_space<vmem>> -> memref<128x32xf32, #tpu.memory_space<vmem>>
    %dma_start3A_151 = arith.constant 256 : i32
    %dma_start3A_152 = tpu.memref_slice %arg8[%dma_start3A_151] : memref<2048xi32, #tpu.memory_space<vmem>> -> memref<128xi32, #tpu.memory_space<vmem>>
    %dma_start3A_153 = arith.constant 0 : i32
    %dma_start3A_154 = arith.constant 0 : i32
    %dma_start3A_155 = tpu.memref_slice %arg2[%arg0, %dma_start3A_153, %dma_start3A_154] : memref<2x50176x32xf32, #tpu.memory_space<hbm>> -> memref<1x50176x32xf32, #tpu.memory_space<hbm>>
    %dma_start3A_156 = tpu.memref_squeeze %dma_start3A_155 : memref<1x50176x32xf32, #tpu.memory_space<hbm>> -> memref<50176x32xf32, #tpu.memory_space<hbm>>
    %dma_start3A_157 = arith.constant 0 : i32
    %dma_start3A_158 = arith.constant 0 : i32
    %dma_start3A_159 = tpu.memref_slice %dma_start3A_156[%dma_start3A_157, %dma_start3A_158] : memref<50176x32xf32, #tpu.memory_space<hbm>> -> memref<50176x32xf32, #tpu.memory_space<hbm>>
    tpu.enqueue_indirect_dma source(%dma_start3A_159 : memref<50176x32xf32, #tpu.memory_space<hbm>>) target(%dma_start3A_150 : memref<128x32xf32, #tpu.memory_space<vmem>>) offsets(%dma_start3A_152 : memref<128xi32, #tpu.memory_space<vmem>>) semaphore(%arg15 : memref<!tpu.dma_semaphore, #tpu.memory_space<semaphore_mem>>)
    %dma_start3A_160 = arith.constant 384 : i32
    %dma_start3A_161 = arith.constant 0 : i32
    %dma_start3A_162 = tpu.memref_slice %arg10[%dma_start3A_160, %dma_start3A_161] : memref<512x32xf32, #tpu.memory_space<vmem>> -> memref<128x32xf32, #tpu.memory_space<vmem>>
    %dma_start3A_163 = arith.constant 384 : i32
    %dma_start3A_164 = tpu.memref_slice %arg8[%dma_start3A_163] : memref<2048xi32, #tpu.memory_space<vmem>> -> memref<128xi32, #tpu.memory_space<vmem>>
    %dma_start3A_165 = arith.constant 0 : i32
    %dma_start3A_166 = arith.constant 0 : i32
    %dma_start3A_167 = tpu.memref_slice %arg2[%arg0, %dma_start3A_165, %dma_start3A_166] : memref<2x50176x32xf32, #tpu.memory_space<hbm>> -> memref<1x50176x32xf32, #tpu.memory_space<hbm>>
    %dma_start3A_168 = tpu.memref_squeeze %dma_start3A_167 : memref<1x50176x32xf32, #tpu.memory_space<hbm>> -> memref<50176x32xf32, #tpu.memory_space<hbm>>
    %dma_start3A_169 = arith.constant 0 : i32
    %dma_start3A_170 = arith.constant 0 : i32
    %dma_start3A_171 = tpu.memref_slice %dma_start3A_168[%dma_start3A_169, %dma_start3A_170] : memref<50176x32xf32, #tpu.memory_space<hbm>> -> memref<50176x32xf32, #tpu.memory_space<hbm>>
    tpu.enqueue_indirect_dma source(%dma_start3A_171 : memref<50176x32xf32, #tpu.memory_space<hbm>>) target(%dma_start3A_162 : memref<128x32xf32, #tpu.memory_space<vmem>>) offsets(%dma_start3A_164 : memref<128xi32, #tpu.memory_space<vmem>>) semaphore(%arg15 : memref<!tpu.dma_semaphore, #tpu.memory_space<semaphore_mem>>)
    %dma_wait3A_172 = arith.constant 256 : i32
    %dma_wait3A_173 = arith.constant 0 : i32
    %dma_wait3A_174 = tpu.memref_slice %arg10[%dma_wait3A_172, %dma_wait3A_173] : memref<512x32xf32, #tpu.memory_space<vmem>> -> memref<128x32xf32, #tpu.memory_space<vmem>>
    %dma_wait3A_175 = arith.constant 256 : i32
    %dma_wait3A_176 = tpu.memref_slice %arg8[%dma_wait3A_175] : memref<2048xi32, #tpu.memory_space<vmem>> -> memref<128xi32, #tpu.memory_space<vmem>>
    %dma_wait3A_177 = arith.constant 0 : i32
    %dma_wait3A_178 = arith.constant 0 : i32
    %dma_wait3A_179 = tpu.memref_slice %arg2[%arg0, %dma_wait3A_177, %dma_wait3A_178] : memref<2x50176x32xf32, #tpu.memory_space<hbm>> -> memref<1x50176x32xf32, #tpu.memory_space<hbm>>
    %dma_wait3A_180 = tpu.memref_squeeze %dma_wait3A_179 : memref<1x50176x32xf32, #tpu.memory_space<hbm>> -> memref<50176x32xf32, #tpu.memory_space<hbm>>
    %dma_wait3A_181 = arith.constant 0 : i32
    %dma_wait3A_182 = arith.constant 0 : i32
    %dma_wait3A_183 = tpu.memref_slice %dma_wait3A_180[%dma_wait3A_181, %dma_wait3A_182] : memref<50176x32xf32, #tpu.memory_space<hbm>> -> memref<50176x32xf32, #tpu.memory_space<hbm>>
    tpu.wait_indirect_dma semaphore(%arg15 : memref<!tpu.dma_semaphore, #tpu.memory_space<semaphore_mem>>) src(%dma_wait3A_183 : memref<50176x32xf32, #tpu.memory_space<hbm>>) dst(%dma_wait3A_174 : memref<128x32xf32, #tpu.memory_space<vmem>>)
    %dma_wait3A_184 = arith.constant 384 : i32
    %dma_wait3A_185 = arith.constant 0 : i32
    %dma_wait3A_186 = tpu.memref_slice %arg10[%dma_wait3A_184, %dma_wait3A_185] : memref<512x32xf32, #tpu.memory_space<vmem>> -> memref<128x32xf32, #tpu.memory_space<vmem>>
    %dma_wait3A_187 = arith.constant 384 : i32
    %dma_wait3A_188 = tpu.memref_slice %arg8[%dma_wait3A_187] : memref<2048xi32, #tpu.memory_space<vmem>> -> memref<128xi32, #tpu.memory_space<vmem>>
    %dma_wait3A_189 = arith.constant 0 : i32
    %dma_wait3A_190 = arith.constant 0 : i32
    %dma_wait3A_191 = tpu.memref_slice %arg2[%arg0, %dma_wait3A_189, %dma_wait3A_190] : memref<2x50176x32xf32, #tpu.memory_space<hbm>> -> memref<1x50176x32xf32, #tpu.memory_space<hbm>>
    %dma_wait3A_192 = tpu.memref_squeeze %dma_wait3A_191 : memref<1x50176x32xf32, #tpu.memory_space<hbm>> -> memref<50176x32xf32, #tpu.memory_space<hbm>>
    %dma_wait3A_193 = arith.constant 0 : i32
    %dma_wait3A_194 = arith.constant 0 : i32
    %dma_wait3A_195 = tpu.memref_slice %dma_wait3A_192[%dma_wait3A_193, %dma_wait3A_194] : memref<50176x32xf32, #tpu.memory_space<hbm>> -> memref<50176x32xf32, #tpu.memory_space<hbm>>
    tpu.wait_indirect_dma semaphore(%arg15 : memref<!tpu.dma_semaphore, #tpu.memory_space<semaphore_mem>>) src(%dma_wait3A_195 : memref<50176x32xf32, #tpu.memory_space<hbm>>) dst(%dma_wait3A_186 : memref<128x32xf32, #tpu.memory_space<vmem>>)
    %dma_start3A_196 = arith.constant 256 : i32
    %dma_start3A_197 = arith.constant 0 : i32
    %dma_start3A_198 = tpu.memref_slice %arg10[%dma_start3A_196, %dma_start3A_197] : memref<512x32xf32, #tpu.memory_space<vmem>> -> memref<128x32xf32, #tpu.memory_space<vmem>>
    %dma_start3A_199 = arith.constant 256 : i32
    %dma_start3A_200 = tpu.memref_slice %arg9[%dma_start3A_199] : memref<2048xi32, #tpu.memory_space<vmem>> -> memref<128xi32, #tpu.memory_space<vmem>>
    %dma_start3A_201 = arith.constant 0 : i32
    %dma_start3A_202 = arith.constant 0 : i32
    %dma_start3A_203 = tpu.memref_slice %arg6[%dma_start3A_201, %dma_start3A_202] : memref<50176x32xf32, #tpu.memory_space<vmem_shared>> -> memref<50176x32xf32, #tpu.memory_space<vmem_shared>>
    tpu.enqueue_indirect_dma source(%dma_start3A_198 : memref<128x32xf32, #tpu.memory_space<vmem>>) target(%dma_start3A_203 : memref<50176x32xf32, #tpu.memory_space<vmem_shared>>) offsets(%dma_start3A_200 : memref<128xi32, #tpu.memory_space<vmem>>) semaphore(%arg17 : memref<!tpu.dma_semaphore, #tpu.memory_space<semaphore_mem>>) {add = true}
    %dma_start3A_204 = arith.constant 384 : i32
    %dma_start3A_205 = arith.constant 0 : i32
    %dma_start3A_206 = tpu.memref_slice %arg10[%dma_start3A_204, %dma_start3A_205] : memref<512x32xf32, #tpu.memory_space<vmem>> -> memref<128x32xf32, #tpu.memory_space<vmem>>
    %dma_start3A_207 = arith.constant 384 : i32
    %dma_start3A_208 = tpu.memref_slice %arg9[%dma_start3A_207] : memref<2048xi32, #tpu.memory_space<vmem>> -> memref<128xi32, #tpu.memory_space<vmem>>
    %dma_start3A_209 = arith.constant 0 : i32
    %dma_start3A_210 = arith.constant 0 : i32
    %dma_start3A_211 = tpu.memref_slice %arg6[%dma_start3A_209, %dma_start3A_210] : memref<50176x32xf32, #tpu.memory_space<vmem_shared>> -> memref<50176x32xf32, #tpu.memory_space<vmem_shared>>
    tpu.enqueue_indirect_dma source(%dma_start3A_206 : memref<128x32xf32, #tpu.memory_space<vmem>>) target(%dma_start3A_211 : memref<50176x32xf32, #tpu.memory_space<vmem_shared>>) offsets(%dma_start3A_208 : memref<128xi32, #tpu.memory_space<vmem>>) semaphore(%arg17 : memref<!tpu.dma_semaphore, #tpu.memory_space<semaphore_mem>>) {add = true}
    %dma_wait3A_212 = arith.constant 256 : i32
    %dma_wait3A_213 = arith.constant 0 : i32
    %dma_wait3A_214 = tpu.memref_slice %arg10[%dma_wait3A_212, %dma_wait3A_213] : memref<512x32xf32, #tpu.memory_space<vmem>> -> memref<128x32xf32, #tpu.memory_space<vmem>>
    %dma_wait3A_215 = arith.constant 256 : i32
    %dma_wait3A_216 = tpu.memref_slice %arg9[%dma_wait3A_215] : memref<2048xi32, #tpu.memory_space<vmem>> -> memref<128xi32, #tpu.memory_space<vmem>>
    %dma_wait3A_217 = arith.constant 0 : i32
    %dma_wait3A_218 = arith.constant 0 : i32
    %dma_wait3A_219 = tpu.memref_slice %arg6[%dma_wait3A_217, %dma_wait3A_218] : memref<50176x32xf32, #tpu.memory_space<vmem_shared>> -> memref<50176x32xf32, #tpu.memory_space<vmem_shared>>
    tpu.wait_indirect_dma semaphore(%arg17 : memref<!tpu.dma_semaphore, #tpu.memory_space<semaphore_mem>>) src(%dma_wait3A_214 : memref<128x32xf32, #tpu.memory_space<vmem>>) dst(%dma_wait3A_219 : memref<50176x32xf32, #tpu.memory_space<vmem_shared>>)
    %dma_wait3A_220 = arith.constant 384 : i32
    %dma_wait3A_221 = arith.constant 0 : i32
    %dma_wait3A_222 = tpu.memref_slice %arg10[%dma_wait3A_220, %dma_wait3A_221] : memref<512x32xf32, #tpu.memory_space<vmem>> -> memref<128x32xf32, #tpu.memory_space<vmem>>
    %dma_wait3A_223 = arith.constant 384 : i32
    %dma_wait3A_224 = tpu.memref_slice %arg9[%dma_wait3A_223] : memref<2048xi32, #tpu.memory_space<vmem>> -> memref<128xi32, #tpu.memory_space<vmem>>
    %dma_wait3A_225 = arith.constant 0 : i32
    %dma_wait3A_226 = arith.constant 0 : i32
    %dma_wait3A_227 = tpu.memref_slice %arg6[%dma_wait3A_225, %dma_wait3A_226] : memref<50176x32xf32, #tpu.memory_space<vmem_shared>> -> memref<50176x32xf32, #tpu.memory_space<vmem_shared>>
    tpu.wait_indirect_dma semaphore(%arg17 : memref<!tpu.dma_semaphore, #tpu.memory_space<semaphore_mem>>) src(%dma_wait3A_222 : memref<128x32xf32, #tpu.memory_space<vmem>>) dst(%dma_wait3A_227 : memref<50176x32xf32, #tpu.memory_space<vmem_shared>>)
    "tpu.region"() ({
      %run_scoped3A_552 = tpu.sem_alloc : memref<!tpu.dma_semaphore, #tpu.memory_space<semaphore_mem>>
      %dma_start3A_553 = arith.constant 256 : i32
      %dma_start3A_554 = tpu.memref_slice %arg8[%dma_start3A_553] : memref<2048xi32, #tpu.memory_space<vmem>> -> memref<128xi32, #tpu.memory_space<vmem>>
      %dma_start3A_555 = arith.constant 0 : i32
      %dma_start3A_556 = tpu.memref_slice %arg7[%dma_start3A_555] : memref<50176xf32, #tpu.memory_space<vmem_shared>> -> memref<50176xf32, #tpu.memory_space<vmem_shared>>
      tpu.enqueue_indirect_dma source(%arg11 : memref<128xf32, #tpu.memory_space<vmem>>) target(%dma_start3A_556 : memref<50176xf32, #tpu.memory_space<vmem_shared>>) offsets(%dma_start3A_554 : memref<128xi32, #tpu.memory_space<vmem>>) semaphore(%run_scoped3A_552 : memref<!tpu.dma_semaphore, #tpu.memory_space<semaphore_mem>>) {add = true}
      %dma_wait3A_557 = arith.constant 256 : i32
      %dma_wait3A_558 = tpu.memref_slice %arg8[%dma_wait3A_557] : memref<2048xi32, #tpu.memory_space<vmem>> -> memref<128xi32, #tpu.memory_space<vmem>>
      %dma_wait3A_559 = arith.constant 0 : i32
      %dma_wait3A_560 = tpu.memref_slice %arg7[%dma_wait3A_559] : memref<50176xf32, #tpu.memory_space<vmem_shared>> -> memref<50176xf32, #tpu.memory_space<vmem_shared>>
      tpu.wait_indirect_dma semaphore(%run_scoped3A_552 : memref<!tpu.dma_semaphore, #tpu.memory_space<semaphore_mem>>) src(%arg11 : memref<128xf32, #tpu.memory_space<vmem>>) dst(%dma_wait3A_560 : memref<50176xf32, #tpu.memory_space<vmem_shared>>)
      tpu.yield
    }) : () -> ()
    "tpu.region"() ({
      %run_scoped3A_552 = tpu.sem_alloc : memref<!tpu.dma_semaphore, #tpu.memory_space<semaphore_mem>>
      %dma_start3A_553 = arith.constant 384 : i32
      %dma_start3A_554 = tpu.memref_slice %arg8[%dma_start3A_553] : memref<2048xi32, #tpu.memory_space<vmem>> -> memref<128xi32, #tpu.memory_space<vmem>>
      %dma_start3A_555 = arith.constant 0 : i32
      %dma_start3A_556 = tpu.memref_slice %arg7[%dma_start3A_555] : memref<50176xf32, #tpu.memory_space<vmem_shared>> -> memref<50176xf32, #tpu.memory_space<vmem_shared>>
      tpu.enqueue_indirect_dma source(%arg11 : memref<128xf32, #tpu.memory_space<vmem>>) target(%dma_start3A_556 : memref<50176xf32, #tpu.memory_space<vmem_shared>>) offsets(%dma_start3A_554 : memref<128xi32, #tpu.memory_space<vmem>>) semaphore(%run_scoped3A_552 : memref<!tpu.dma_semaphore, #tpu.memory_space<semaphore_mem>>) {add = true}
      %dma_wait3A_557 = arith.constant 384 : i32
      %dma_wait3A_558 = tpu.memref_slice %arg8[%dma_wait3A_557] : memref<2048xi32, #tpu.memory_space<vmem>> -> memref<128xi32, #tpu.memory_space<vmem>>
      %dma_wait3A_559 = arith.constant 0 : i32
      %dma_wait3A_560 = tpu.memref_slice %arg7[%dma_wait3A_559] : memref<50176xf32, #tpu.memory_space<vmem_shared>> -> memref<50176xf32, #tpu.memory_space<vmem_shared>>
      tpu.wait_indirect_dma semaphore(%run_scoped3A_552 : memref<!tpu.dma_semaphore, #tpu.memory_space<semaphore_mem>>) src(%arg11 : memref<128xf32, #tpu.memory_space<vmem>>) dst(%dma_wait3A_560 : memref<50176xf32, #tpu.memory_space<vmem_shared>>)
      tpu.yield
    }) : () -> ()
    %dma_start3A_228 = arith.constant 0 : i32
    %dma_start3A_229 = arith.constant 0 : i32
    %dma_start3A_230 = tpu.memref_slice %arg10[%dma_start3A_228, %dma_start3A_229] : memref<512x32xf32, #tpu.memory_space<vmem>> -> memref<128x32xf32, #tpu.memory_space<vmem>>
    %dma_start3A_231 = arith.constant 512 : i32
    %dma_start3A_232 = tpu.memref_slice %arg8[%dma_start3A_231] : memref<2048xi32, #tpu.memory_space<vmem>> -> memref<128xi32, #tpu.memory_space<vmem>>
    %dma_start3A_233 = arith.constant 0 : i32
    %dma_start3A_234 = arith.constant 0 : i32
    %dma_start3A_235 = tpu.memref_slice %arg2[%arg0, %dma_start3A_233, %dma_start3A_234] : memref<2x50176x32xf32, #tpu.memory_space<hbm>> -> memref<1x50176x32xf32, #tpu.memory_space<hbm>>
    %dma_start3A_236 = tpu.memref_squeeze %dma_start3A_235 : memref<1x50176x32xf32, #tpu.memory_space<hbm>> -> memref<50176x32xf32, #tpu.memory_space<hbm>>
    %dma_start3A_237 = arith.constant 0 : i32
    %dma_start3A_238 = arith.constant 0 : i32
    %dma_start3A_239 = tpu.memref_slice %dma_start3A_236[%dma_start3A_237, %dma_start3A_238] : memref<50176x32xf32, #tpu.memory_space<hbm>> -> memref<50176x32xf32, #tpu.memory_space<hbm>>
    tpu.enqueue_indirect_dma source(%dma_start3A_239 : memref<50176x32xf32, #tpu.memory_space<hbm>>) target(%dma_start3A_230 : memref<128x32xf32, #tpu.memory_space<vmem>>) offsets(%dma_start3A_232 : memref<128xi32, #tpu.memory_space<vmem>>) semaphore(%arg14 : memref<!tpu.dma_semaphore, #tpu.memory_space<semaphore_mem>>)
    %dma_start3A_240 = arith.constant 128 : i32
    %dma_start3A_241 = arith.constant 0 : i32
    %dma_start3A_242 = tpu.memref_slice %arg10[%dma_start3A_240, %dma_start3A_241] : memref<512x32xf32, #tpu.memory_space<vmem>> -> memref<128x32xf32, #tpu.memory_space<vmem>>
    %dma_start3A_243 = arith.constant 640 : i32
    %dma_start3A_244 = tpu.memref_slice %arg8[%dma_start3A_243] : memref<2048xi32, #tpu.memory_space<vmem>> -> memref<128xi32, #tpu.memory_space<vmem>>
    %dma_start3A_245 = arith.constant 0 : i32
    %dma_start3A_246 = arith.constant 0 : i32
    %dma_start3A_247 = tpu.memref_slice %arg2[%arg0, %dma_start3A_245, %dma_start3A_246] : memref<2x50176x32xf32, #tpu.memory_space<hbm>> -> memref<1x50176x32xf32, #tpu.memory_space<hbm>>
    %dma_start3A_248 = tpu.memref_squeeze %dma_start3A_247 : memref<1x50176x32xf32, #tpu.memory_space<hbm>> -> memref<50176x32xf32, #tpu.memory_space<hbm>>
    %dma_start3A_249 = arith.constant 0 : i32
    %dma_start3A_250 = arith.constant 0 : i32
    %dma_start3A_251 = tpu.memref_slice %dma_start3A_248[%dma_start3A_249, %dma_start3A_250] : memref<50176x32xf32, #tpu.memory_space<hbm>> -> memref<50176x32xf32, #tpu.memory_space<hbm>>
    tpu.enqueue_indirect_dma source(%dma_start3A_251 : memref<50176x32xf32, #tpu.memory_space<hbm>>) target(%dma_start3A_242 : memref<128x32xf32, #tpu.memory_space<vmem>>) offsets(%dma_start3A_244 : memref<128xi32, #tpu.memory_space<vmem>>) semaphore(%arg14 : memref<!tpu.dma_semaphore, #tpu.memory_space<semaphore_mem>>)
    %dma_wait3A_252 = arith.constant 0 : i32
    %dma_wait3A_253 = arith.constant 0 : i32
    %dma_wait3A_254 = tpu.memref_slice %arg10[%dma_wait3A_252, %dma_wait3A_253] : memref<512x32xf32, #tpu.memory_space<vmem>> -> memref<128x32xf32, #tpu.memory_space<vmem>>
    %dma_wait3A_255 = arith.constant 512 : i32
    %dma_wait3A_256 = tpu.memref_slice %arg8[%dma_wait3A_255] : memref<2048xi32, #tpu.memory_space<vmem>> -> memref<128xi32, #tpu.memory_space<vmem>>
    %dma_wait3A_257 = arith.constant 0 : i32
    %dma_wait3A_258 = arith.constant 0 : i32
    %dma_wait3A_259 = tpu.memref_slice %arg2[%arg0, %dma_wait3A_257, %dma_wait3A_258] : memref<2x50176x32xf32, #tpu.memory_space<hbm>> -> memref<1x50176x32xf32, #tpu.memory_space<hbm>>
    %dma_wait3A_260 = tpu.memref_squeeze %dma_wait3A_259 : memref<1x50176x32xf32, #tpu.memory_space<hbm>> -> memref<50176x32xf32, #tpu.memory_space<hbm>>
    %dma_wait3A_261 = arith.constant 0 : i32
    %dma_wait3A_262 = arith.constant 0 : i32
    %dma_wait3A_263 = tpu.memref_slice %dma_wait3A_260[%dma_wait3A_261, %dma_wait3A_262] : memref<50176x32xf32, #tpu.memory_space<hbm>> -> memref<50176x32xf32, #tpu.memory_space<hbm>>
    tpu.wait_indirect_dma semaphore(%arg14 : memref<!tpu.dma_semaphore, #tpu.memory_space<semaphore_mem>>) src(%dma_wait3A_263 : memref<50176x32xf32, #tpu.memory_space<hbm>>) dst(%dma_wait3A_254 : memref<128x32xf32, #tpu.memory_space<vmem>>)
    %dma_wait3A_264 = arith.constant 128 : i32
    %dma_wait3A_265 = arith.constant 0 : i32
    %dma_wait3A_266 = tpu.memref_slice %arg10[%dma_wait3A_264, %dma_wait3A_265] : memref<512x32xf32, #tpu.memory_space<vmem>> -> memref<128x32xf32, #tpu.memory_space<vmem>>
    %dma_wait3A_267 = arith.constant 640 : i32
    %dma_wait3A_268 = tpu.memref_slice %arg8[%dma_wait3A_267] : memref<2048xi32, #tpu.memory_space<vmem>> -> memref<128xi32, #tpu.memory_space<vmem>>
    %dma_wait3A_269 = arith.constant 0 : i32
    %dma_wait3A_270 = arith.constant 0 : i32
    %dma_wait3A_271 = tpu.memref_slice %arg2[%arg0, %dma_wait3A_269, %dma_wait3A_270] : memref<2x50176x32xf32, #tpu.memory_space<hbm>> -> memref<1x50176x32xf32, #tpu.memory_space<hbm>>
    %dma_wait3A_272 = tpu.memref_squeeze %dma_wait3A_271 : memref<1x50176x32xf32, #tpu.memory_space<hbm>> -> memref<50176x32xf32, #tpu.memory_space<hbm>>
    %dma_wait3A_273 = arith.constant 0 : i32
    %dma_wait3A_274 = arith.constant 0 : i32
    %dma_wait3A_275 = tpu.memref_slice %dma_wait3A_272[%dma_wait3A_273, %dma_wait3A_274] : memref<50176x32xf32, #tpu.memory_space<hbm>> -> memref<50176x32xf32, #tpu.memory_space<hbm>>
    tpu.wait_indirect_dma semaphore(%arg14 : memref<!tpu.dma_semaphore, #tpu.memory_space<semaphore_mem>>) src(%dma_wait3A_275 : memref<50176x32xf32, #tpu.memory_space<hbm>>) dst(%dma_wait3A_266 : memref<128x32xf32, #tpu.memory_space<vmem>>)
    %dma_start3A_276 = arith.constant 0 : i32
    %dma_start3A_277 = arith.constant 0 : i32
    %dma_start3A_278 = tpu.memref_slice %arg10[%dma_start3A_276, %dma_start3A_277] : memref<512x32xf32, #tpu.memory_space<vmem>> -> memref<128x32xf32, #tpu.memory_space<vmem>>
    %dma_start3A_279 = arith.constant 512 : i32
    %dma_start3A_280 = tpu.memref_slice %arg9[%dma_start3A_279] : memref<2048xi32, #tpu.memory_space<vmem>> -> memref<128xi32, #tpu.memory_space<vmem>>
    %dma_start3A_281 = arith.constant 0 : i32
    %dma_start3A_282 = arith.constant 0 : i32
    %dma_start3A_283 = tpu.memref_slice %arg6[%dma_start3A_281, %dma_start3A_282] : memref<50176x32xf32, #tpu.memory_space<vmem_shared>> -> memref<50176x32xf32, #tpu.memory_space<vmem_shared>>
    tpu.enqueue_indirect_dma source(%dma_start3A_278 : memref<128x32xf32, #tpu.memory_space<vmem>>) target(%dma_start3A_283 : memref<50176x32xf32, #tpu.memory_space<vmem_shared>>) offsets(%dma_start3A_280 : memref<128xi32, #tpu.memory_space<vmem>>) semaphore(%arg16 : memref<!tpu.dma_semaphore, #tpu.memory_space<semaphore_mem>>) {add = true}
    %dma_start3A_284 = arith.constant 128 : i32
    %dma_start3A_285 = arith.constant 0 : i32
    %dma_start3A_286 = tpu.memref_slice %arg10[%dma_start3A_284, %dma_start3A_285] : memref<512x32xf32, #tpu.memory_space<vmem>> -> memref<128x32xf32, #tpu.memory_space<vmem>>
    %dma_start3A_287 = arith.constant 640 : i32
    %dma_start3A_288 = tpu.memref_slice %arg9[%dma_start3A_287] : memref<2048xi32, #tpu.memory_space<vmem>> -> memref<128xi32, #tpu.memory_space<vmem>>
    %dma_start3A_289 = arith.constant 0 : i32
    %dma_start3A_290 = arith.constant 0 : i32
    %dma_start3A_291 = tpu.memref_slice %arg6[%dma_start3A_289, %dma_start3A_290] : memref<50176x32xf32, #tpu.memory_space<vmem_shared>> -> memref<50176x32xf32, #tpu.memory_space<vmem_shared>>
    tpu.enqueue_indirect_dma source(%dma_start3A_286 : memref<128x32xf32, #tpu.memory_space<vmem>>) target(%dma_start3A_291 : memref<50176x32xf32, #tpu.memory_space<vmem_shared>>) offsets(%dma_start3A_288 : memref<128xi32, #tpu.memory_space<vmem>>) semaphore(%arg16 : memref<!tpu.dma_semaphore, #tpu.memory_space<semaphore_mem>>) {add = true}
    %dma_wait3A_292 = arith.constant 0 : i32
    %dma_wait3A_293 = arith.constant 0 : i32
    %dma_wait3A_294 = tpu.memref_slice %arg10[%dma_wait3A_292, %dma_wait3A_293] : memref<512x32xf32, #tpu.memory_space<vmem>> -> memref<128x32xf32, #tpu.memory_space<vmem>>
    %dma_wait3A_295 = arith.constant 512 : i32
    %dma_wait3A_296 = tpu.memref_slice %arg9[%dma_wait3A_295] : memref<2048xi32, #tpu.memory_space<vmem>> -> memref<128xi32, #tpu.memory_space<vmem>>
    %dma_wait3A_297 = arith.constant 0 : i32
    %dma_wait3A_298 = arith.constant 0 : i32
    %dma_wait3A_299 = tpu.memref_slice %arg6[%dma_wait3A_297, %dma_wait3A_298] : memref<50176x32xf32, #tpu.memory_space<vmem_shared>> -> memref<50176x32xf32, #tpu.memory_space<vmem_shared>>
    tpu.wait_indirect_dma semaphore(%arg16 : memref<!tpu.dma_semaphore, #tpu.memory_space<semaphore_mem>>) src(%dma_wait3A_294 : memref<128x32xf32, #tpu.memory_space<vmem>>) dst(%dma_wait3A_299 : memref<50176x32xf32, #tpu.memory_space<vmem_shared>>)
    %dma_wait3A_300 = arith.constant 128 : i32
    %dma_wait3A_301 = arith.constant 0 : i32
    %dma_wait3A_302 = tpu.memref_slice %arg10[%dma_wait3A_300, %dma_wait3A_301] : memref<512x32xf32, #tpu.memory_space<vmem>> -> memref<128x32xf32, #tpu.memory_space<vmem>>
    %dma_wait3A_303 = arith.constant 640 : i32
    %dma_wait3A_304 = tpu.memref_slice %arg9[%dma_wait3A_303] : memref<2048xi32, #tpu.memory_space<vmem>> -> memref<128xi32, #tpu.memory_space<vmem>>
    %dma_wait3A_305 = arith.constant 0 : i32
    %dma_wait3A_306 = arith.constant 0 : i32
    %dma_wait3A_307 = tpu.memref_slice %arg6[%dma_wait3A_305, %dma_wait3A_306] : memref<50176x32xf32, #tpu.memory_space<vmem_shared>> -> memref<50176x32xf32, #tpu.memory_space<vmem_shared>>
    tpu.wait_indirect_dma semaphore(%arg16 : memref<!tpu.dma_semaphore, #tpu.memory_space<semaphore_mem>>) src(%dma_wait3A_302 : memref<128x32xf32, #tpu.memory_space<vmem>>) dst(%dma_wait3A_307 : memref<50176x32xf32, #tpu.memory_space<vmem_shared>>)
    "tpu.region"() ({
      %run_scoped3A_552 = tpu.sem_alloc : memref<!tpu.dma_semaphore, #tpu.memory_space<semaphore_mem>>
      %dma_start3A_553 = arith.constant 512 : i32
      %dma_start3A_554 = tpu.memref_slice %arg8[%dma_start3A_553] : memref<2048xi32, #tpu.memory_space<vmem>> -> memref<128xi32, #tpu.memory_space<vmem>>
      %dma_start3A_555 = arith.constant 0 : i32
      %dma_start3A_556 = tpu.memref_slice %arg7[%dma_start3A_555] : memref<50176xf32, #tpu.memory_space<vmem_shared>> -> memref<50176xf32, #tpu.memory_space<vmem_shared>>
      tpu.enqueue_indirect_dma source(%arg11 : memref<128xf32, #tpu.memory_space<vmem>>) target(%dma_start3A_556 : memref<50176xf32, #tpu.memory_space<vmem_shared>>) offsets(%dma_start3A_554 : memref<128xi32, #tpu.memory_space<vmem>>) semaphore(%run_scoped3A_552 : memref<!tpu.dma_semaphore, #tpu.memory_space<semaphore_mem>>) {add = true}
      %dma_wait3A_557 = arith.constant 512 : i32
      %dma_wait3A_558 = tpu.memref_slice %arg8[%dma_wait3A_557] : memref<2048xi32, #tpu.memory_space<vmem>> -> memref<128xi32, #tpu.memory_space<vmem>>
      %dma_wait3A_559 = arith.constant 0 : i32
      %dma_wait3A_560 = tpu.memref_slice %arg7[%dma_wait3A_559] : memref<50176xf32, #tpu.memory_space<vmem_shared>> -> memref<50176xf32, #tpu.memory_space<vmem_shared>>
      tpu.wait_indirect_dma semaphore(%run_scoped3A_552 : memref<!tpu.dma_semaphore, #tpu.memory_space<semaphore_mem>>) src(%arg11 : memref<128xf32, #tpu.memory_space<vmem>>) dst(%dma_wait3A_560 : memref<50176xf32, #tpu.memory_space<vmem_shared>>)
      tpu.yield
    }) : () -> ()
    "tpu.region"() ({
      %run_scoped3A_552 = tpu.sem_alloc : memref<!tpu.dma_semaphore, #tpu.memory_space<semaphore_mem>>
      %dma_start3A_553 = arith.constant 640 : i32
      %dma_start3A_554 = tpu.memref_slice %arg8[%dma_start3A_553] : memref<2048xi32, #tpu.memory_space<vmem>> -> memref<128xi32, #tpu.memory_space<vmem>>
      %dma_start3A_555 = arith.constant 0 : i32
      %dma_start3A_556 = tpu.memref_slice %arg7[%dma_start3A_555] : memref<50176xf32, #tpu.memory_space<vmem_shared>> -> memref<50176xf32, #tpu.memory_space<vmem_shared>>
      tpu.enqueue_indirect_dma source(%arg11 : memref<128xf32, #tpu.memory_space<vmem>>) target(%dma_start3A_556 : memref<50176xf32, #tpu.memory_space<vmem_shared>>) offsets(%dma_start3A_554 : memref<128xi32, #tpu.memory_space<vmem>>) semaphore(%run_scoped3A_552 : memref<!tpu.dma_semaphore, #tpu.memory_space<semaphore_mem>>) {add = true}
      %dma_wait3A_557 = arith.constant 640 : i32
      %dma_wait3A_558 = tpu.memref_slice %arg8[%dma_wait3A_557] : memref<2048xi32, #tpu.memory_space<vmem>> -> memref<128xi32, #tpu.memory_space<vmem>>
      %dma_wait3A_559 = arith.constant 0 : i32
      %dma_wait3A_560 = tpu.memref_slice %arg7[%dma_wait3A_559] : memref<50176xf32, #tpu.memory_space<vmem_shared>> -> memref<50176xf32, #tpu.memory_space<vmem_shared>>
      tpu.wait_indirect_dma semaphore(%run_scoped3A_552 : memref<!tpu.dma_semaphore, #tpu.memory_space<semaphore_mem>>) src(%arg11 : memref<128xf32, #tpu.memory_space<vmem>>) dst(%dma_wait3A_560 : memref<50176xf32, #tpu.memory_space<vmem_shared>>)
      tpu.yield
    }) : () -> ()
    %dma_start3A_308 = arith.constant 256 : i32
    %dma_start3A_309 = arith.constant 0 : i32
    %dma_start3A_310 = tpu.memref_slice %arg10[%dma_start3A_308, %dma_start3A_309] : memref<512x32xf32, #tpu.memory_space<vmem>> -> memref<128x32xf32, #tpu.memory_space<vmem>>
    %dma_start3A_311 = arith.constant 768 : i32
    %dma_start3A_312 = tpu.memref_slice %arg8[%dma_start3A_311] : memref<2048xi32, #tpu.memory_space<vmem>> -> memref<128xi32, #tpu.memory_space<vmem>>
    %dma_start3A_313 = arith.constant 0 : i32
    %dma_start3A_314 = arith.constant 0 : i32
    %dma_start3A_315 = tpu.memref_slice %arg2[%arg0, %dma_start3A_313, %dma_start3A_314] : memref<2x50176x32xf32, #tpu.memory_space<hbm>> -> memref<1x50176x32xf32, #tpu.memory_space<hbm>>
    %dma_start3A_316 = tpu.memref_squeeze %dma_start3A_315 : memref<1x50176x32xf32, #tpu.memory_space<hbm>> -> memref<50176x32xf32, #tpu.memory_space<hbm>>
    %dma_start3A_317 = arith.constant 0 : i32
    %dma_start3A_318 = arith.constant 0 : i32
    %dma_start3A_319 = tpu.memref_slice %dma_start3A_316[%dma_start3A_317, %dma_start3A_318] : memref<50176x32xf32, #tpu.memory_space<hbm>> -> memref<50176x32xf32, #tpu.memory_space<hbm>>
    tpu.enqueue_indirect_dma source(%dma_start3A_319 : memref<50176x32xf32, #tpu.memory_space<hbm>>) target(%dma_start3A_310 : memref<128x32xf32, #tpu.memory_space<vmem>>) offsets(%dma_start3A_312 : memref<128xi32, #tpu.memory_space<vmem>>) semaphore(%arg15 : memref<!tpu.dma_semaphore, #tpu.memory_space<semaphore_mem>>)
    %dma_start3A_320 = arith.constant 384 : i32
    %dma_start3A_321 = arith.constant 0 : i32
    %dma_start3A_322 = tpu.memref_slice %arg10[%dma_start3A_320, %dma_start3A_321] : memref<512x32xf32, #tpu.memory_space<vmem>> -> memref<128x32xf32, #tpu.memory_space<vmem>>
    %dma_start3A_323 = arith.constant 896 : i32
    %dma_start3A_324 = tpu.memref_slice %arg8[%dma_start3A_323] : memref<2048xi32, #tpu.memory_space<vmem>> -> memref<128xi32, #tpu.memory_space<vmem>>
    %dma_start3A_325 = arith.constant 0 : i32
    %dma_start3A_326 = arith.constant 0 : i32
    %dma_start3A_327 = tpu.memref_slice %arg2[%arg0, %dma_start3A_325, %dma_start3A_326] : memref<2x50176x32xf32, #tpu.memory_space<hbm>> -> memref<1x50176x32xf32, #tpu.memory_space<hbm>>
    %dma_start3A_328 = tpu.memref_squeeze %dma_start3A_327 : memref<1x50176x32xf32, #tpu.memory_space<hbm>> -> memref<50176x32xf32, #tpu.memory_space<hbm>>
    %dma_start3A_329 = arith.constant 0 : i32
    %dma_start3A_330 = arith.constant 0 : i32
    %dma_start3A_331 = tpu.memref_slice %dma_start3A_328[%dma_start3A_329, %dma_start3A_330] : memref<50176x32xf32, #tpu.memory_space<hbm>> -> memref<50176x32xf32, #tpu.memory_space<hbm>>
    tpu.enqueue_indirect_dma source(%dma_start3A_331 : memref<50176x32xf32, #tpu.memory_space<hbm>>) target(%dma_start3A_322 : memref<128x32xf32, #tpu.memory_space<vmem>>) offsets(%dma_start3A_324 : memref<128xi32, #tpu.memory_space<vmem>>) semaphore(%arg15 : memref<!tpu.dma_semaphore, #tpu.memory_space<semaphore_mem>>)
    %dma_wait3A_332 = arith.constant 256 : i32
    %dma_wait3A_333 = arith.constant 0 : i32
    %dma_wait3A_334 = tpu.memref_slice %arg10[%dma_wait3A_332, %dma_wait3A_333] : memref<512x32xf32, #tpu.memory_space<vmem>> -> memref<128x32xf32, #tpu.memory_space<vmem>>
    %dma_wait3A_335 = arith.constant 768 : i32
    %dma_wait3A_336 = tpu.memref_slice %arg8[%dma_wait3A_335] : memref<2048xi32, #tpu.memory_space<vmem>> -> memref<128xi32, #tpu.memory_space<vmem>>
    %dma_wait3A_337 = arith.constant 0 : i32
    %dma_wait3A_338 = arith.constant 0 : i32
    %dma_wait3A_339 = tpu.memref_slice %arg2[%arg0, %dma_wait3A_337, %dma_wait3A_338] : memref<2x50176x32xf32, #tpu.memory_space<hbm>> -> memref<1x50176x32xf32, #tpu.memory_space<hbm>>
    %dma_wait3A_340 = tpu.memref_squeeze %dma_wait3A_339 : memref<1x50176x32xf32, #tpu.memory_space<hbm>> -> memref<50176x32xf32, #tpu.memory_space<hbm>>
    %dma_wait3A_341 = arith.constant 0 : i32
    %dma_wait3A_342 = arith.constant 0 : i32
    %dma_wait3A_343 = tpu.memref_slice %dma_wait3A_340[%dma_wait3A_341, %dma_wait3A_342] : memref<50176x32xf32, #tpu.memory_space<hbm>> -> memref<50176x32xf32, #tpu.memory_space<hbm>>
    tpu.wait_indirect_dma semaphore(%arg15 : memref<!tpu.dma_semaphore, #tpu.memory_space<semaphore_mem>>) src(%dma_wait3A_343 : memref<50176x32xf32, #tpu.memory_space<hbm>>) dst(%dma_wait3A_334 : memref<128x32xf32, #tpu.memory_space<vmem>>)
    %dma_wait3A_344 = arith.constant 384 : i32
    %dma_wait3A_345 = arith.constant 0 : i32
    %dma_wait3A_346 = tpu.memref_slice %arg10[%dma_wait3A_344, %dma_wait3A_345] : memref<512x32xf32, #tpu.memory_space<vmem>> -> memref<128x32xf32, #tpu.memory_space<vmem>>
    %dma_wait3A_347 = arith.constant 896 : i32
    %dma_wait3A_348 = tpu.memref_slice %arg8[%dma_wait3A_347] : memref<2048xi32, #tpu.memory_space<vmem>> -> memref<128xi32, #tpu.memory_space<vmem>>
    %dma_wait3A_349 = arith.constant 0 : i32
    %dma_wait3A_350 = arith.constant 0 : i32
    %dma_wait3A_351 = tpu.memref_slice %arg2[%arg0, %dma_wait3A_349, %dma_wait3A_350] : memref<2x50176x32xf32, #tpu.memory_space<hbm>> -> memref<1x50176x32xf32, #tpu.memory_space<hbm>>
    %dma_wait3A_352 = tpu.memref_squeeze %dma_wait3A_351 : memref<1x50176x32xf32, #tpu.memory_space<hbm>> -> memref<50176x32xf32, #tpu.memory_space<hbm>>
    %dma_wait3A_353 = arith.constant 0 : i32
    %dma_wait3A_354 = arith.constant 0 : i32
    %dma_wait3A_355 = tpu.memref_slice %dma_wait3A_352[%dma_wait3A_353, %dma_wait3A_354] : memref<50176x32xf32, #tpu.memory_space<hbm>> -> memref<50176x32xf32, #tpu.memory_space<hbm>>
    tpu.wait_indirect_dma semaphore(%arg15 : memref<!tpu.dma_semaphore, #tpu.memory_space<semaphore_mem>>) src(%dma_wait3A_355 : memref<50176x32xf32, #tpu.memory_space<hbm>>) dst(%dma_wait3A_346 : memref<128x32xf32, #tpu.memory_space<vmem>>)
    %dma_start3A_356 = arith.constant 256 : i32
    %dma_start3A_357 = arith.constant 0 : i32
    %dma_start3A_358 = tpu.memref_slice %arg10[%dma_start3A_356, %dma_start3A_357] : memref<512x32xf32, #tpu.memory_space<vmem>> -> memref<128x32xf32, #tpu.memory_space<vmem>>
    %dma_start3A_359 = arith.constant 768 : i32
    %dma_start3A_360 = tpu.memref_slice %arg9[%dma_start3A_359] : memref<2048xi32, #tpu.memory_space<vmem>> -> memref<128xi32, #tpu.memory_space<vmem>>
    %dma_start3A_361 = arith.constant 0 : i32
    %dma_start3A_362 = arith.constant 0 : i32
    %dma_start3A_363 = tpu.memref_slice %arg6[%dma_start3A_361, %dma_start3A_362] : memref<50176x32xf32, #tpu.memory_space<vmem_shared>> -> memref<50176x32xf32, #tpu.memory_space<vmem_shared>>
    tpu.enqueue_indirect_dma source(%dma_start3A_358 : memref<128x32xf32, #tpu.memory_space<vmem>>) target(%dma_start3A_363 : memref<50176x32xf32, #tpu.memory_space<vmem_shared>>) offsets(%dma_start3A_360 : memref<128xi32, #tpu.memory_space<vmem>>) semaphore(%arg17 : memref<!tpu.dma_semaphore, #tpu.memory_space<semaphore_mem>>) {add = true}
    %dma_start3A_364 = arith.constant 384 : i32
    %dma_start3A_365 = arith.constant 0 : i32
    %dma_start3A_366 = tpu.memref_slice %arg10[%dma_start3A_364, %dma_start3A_365] : memref<512x32xf32, #tpu.memory_space<vmem>> -> memref<128x32xf32, #tpu.memory_space<vmem>>
    %dma_start3A_367 = arith.constant 896 : i32
    %dma_start3A_368 = tpu.memref_slice %arg9[%dma_start3A_367] : memref<2048xi32, #tpu.memory_space<vmem>> -> memref<128xi32, #tpu.memory_space<vmem>>
    %dma_start3A_369 = arith.constant 0 : i32
    %dma_start3A_370 = arith.constant 0 : i32
    %dma_start3A_371 = tpu.memref_slice %arg6[%dma_start3A_369, %dma_start3A_370] : memref<50176x32xf32, #tpu.memory_space<vmem_shared>> -> memref<50176x32xf32, #tpu.memory_space<vmem_shared>>
    tpu.enqueue_indirect_dma source(%dma_start3A_366 : memref<128x32xf32, #tpu.memory_space<vmem>>) target(%dma_start3A_371 : memref<50176x32xf32, #tpu.memory_space<vmem_shared>>) offsets(%dma_start3A_368 : memref<128xi32, #tpu.memory_space<vmem>>) semaphore(%arg17 : memref<!tpu.dma_semaphore, #tpu.memory_space<semaphore_mem>>) {add = true}
    %dma_wait3A_372 = arith.constant 256 : i32
    %dma_wait3A_373 = arith.constant 0 : i32
    %dma_wait3A_374 = tpu.memref_slice %arg10[%dma_wait3A_372, %dma_wait3A_373] : memref<512x32xf32, #tpu.memory_space<vmem>> -> memref<128x32xf32, #tpu.memory_space<vmem>>
    %dma_wait3A_375 = arith.constant 768 : i32
    %dma_wait3A_376 = tpu.memref_slice %arg9[%dma_wait3A_375] : memref<2048xi32, #tpu.memory_space<vmem>> -> memref<128xi32, #tpu.memory_space<vmem>>
    %dma_wait3A_377 = arith.constant 0 : i32
    %dma_wait3A_378 = arith.constant 0 : i32
    %dma_wait3A_379 = tpu.memref_slice %arg6[%dma_wait3A_377, %dma_wait3A_378] : memref<50176x32xf32, #tpu.memory_space<vmem_shared>> -> memref<50176x32xf32, #tpu.memory_space<vmem_shared>>
    tpu.wait_indirect_dma semaphore(%arg17 : memref<!tpu.dma_semaphore, #tpu.memory_space<semaphore_mem>>) src(%dma_wait3A_374 : memref<128x32xf32, #tpu.memory_space<vmem>>) dst(%dma_wait3A_379 : memref<50176x32xf32, #tpu.memory_space<vmem_shared>>)
    %dma_wait3A_380 = arith.constant 384 : i32
    %dma_wait3A_381 = arith.constant 0 : i32
    %dma_wait3A_382 = tpu.memref_slice %arg10[%dma_wait3A_380, %dma_wait3A_381] : memref<512x32xf32, #tpu.memory_space<vmem>> -> memref<128x32xf32, #tpu.memory_space<vmem>>
    %dma_wait3A_383 = arith.constant 896 : i32
    %dma_wait3A_384 = tpu.memref_slice %arg9[%dma_wait3A_383] : memref<2048xi32, #tpu.memory_space<vmem>> -> memref<128xi32, #tpu.memory_space<vmem>>
    %dma_wait3A_385 = arith.constant 0 : i32
    %dma_wait3A_386 = arith.constant 0 : i32
    %dma_wait3A_387 = tpu.memref_slice %arg6[%dma_wait3A_385, %dma_wait3A_386] : memref<50176x32xf32, #tpu.memory_space<vmem_shared>> -> memref<50176x32xf32, #tpu.memory_space<vmem_shared>>
    tpu.wait_indirect_dma semaphore(%arg17 : memref<!tpu.dma_semaphore, #tpu.memory_space<semaphore_mem>>) src(%dma_wait3A_382 : memref<128x32xf32, #tpu.memory_space<vmem>>) dst(%dma_wait3A_387 : memref<50176x32xf32, #tpu.memory_space<vmem_shared>>)
    "tpu.region"() ({
      %run_scoped3A_552 = tpu.sem_alloc : memref<!tpu.dma_semaphore, #tpu.memory_space<semaphore_mem>>
      %dma_start3A_553 = arith.constant 768 : i32
      %dma_start3A_554 = tpu.memref_slice %arg8[%dma_start3A_553] : memref<2048xi32, #tpu.memory_space<vmem>> -> memref<128xi32, #tpu.memory_space<vmem>>
      %dma_start3A_555 = arith.constant 0 : i32
      %dma_start3A_556 = tpu.memref_slice %arg7[%dma_start3A_555] : memref<50176xf32, #tpu.memory_space<vmem_shared>> -> memref<50176xf32, #tpu.memory_space<vmem_shared>>
      tpu.enqueue_indirect_dma source(%arg11 : memref<128xf32, #tpu.memory_space<vmem>>) target(%dma_start3A_556 : memref<50176xf32, #tpu.memory_space<vmem_shared>>) offsets(%dma_start3A_554 : memref<128xi32, #tpu.memory_space<vmem>>) semaphore(%run_scoped3A_552 : memref<!tpu.dma_semaphore, #tpu.memory_space<semaphore_mem>>) {add = true}
      %dma_wait3A_557 = arith.constant 768 : i32
      %dma_wait3A_558 = tpu.memref_slice %arg8[%dma_wait3A_557] : memref<2048xi32, #tpu.memory_space<vmem>> -> memref<128xi32, #tpu.memory_space<vmem>>
      %dma_wait3A_559 = arith.constant 0 : i32
      %dma_wait3A_560 = tpu.memref_slice %arg7[%dma_wait3A_559] : memref<50176xf32, #tpu.memory_space<vmem_shared>> -> memref<50176xf32, #tpu.memory_space<vmem_shared>>
      tpu.wait_indirect_dma semaphore(%run_scoped3A_552 : memref<!tpu.dma_semaphore, #tpu.memory_space<semaphore_mem>>) src(%arg11 : memref<128xf32, #tpu.memory_space<vmem>>) dst(%dma_wait3A_560 : memref<50176xf32, #tpu.memory_space<vmem_shared>>)
      tpu.yield
    }) : () -> ()
    "tpu.region"() ({
      %run_scoped3A_552 = tpu.sem_alloc : memref<!tpu.dma_semaphore, #tpu.memory_space<semaphore_mem>>
      %dma_start3A_553 = arith.constant 896 : i32
      %dma_start3A_554 = tpu.memref_slice %arg8[%dma_start3A_553] : memref<2048xi32, #tpu.memory_space<vmem>> -> memref<128xi32, #tpu.memory_space<vmem>>
      %dma_start3A_555 = arith.constant 0 : i32
      %dma_start3A_556 = tpu.memref_slice %arg7[%dma_start3A_555] : memref<50176xf32, #tpu.memory_space<vmem_shared>> -> memref<50176xf32, #tpu.memory_space<vmem_shared>>
      tpu.enqueue_indirect_dma source(%arg11 : memref<128xf32, #tpu.memory_space<vmem>>) target(%dma_start3A_556 : memref<50176xf32, #tpu.memory_space<vmem_shared>>) offsets(%dma_start3A_554 : memref<128xi32, #tpu.memory_space<vmem>>) semaphore(%run_scoped3A_552 : memref<!tpu.dma_semaphore, #tpu.memory_space<semaphore_mem>>) {add = true}
      %dma_wait3A_557 = arith.constant 896 : i32
      %dma_wait3A_558 = tpu.memref_slice %arg8[%dma_wait3A_557] : memref<2048xi32, #tpu.memory_space<vmem>> -> memref<128xi32, #tpu.memory_space<vmem>>
      %dma_wait3A_559 = arith.constant 0 : i32
      %dma_wait3A_560 = tpu.memref_slice %arg7[%dma_wait3A_559] : memref<50176xf32, #tpu.memory_space<vmem_shared>> -> memref<50176xf32, #tpu.memory_space<vmem_shared>>
      tpu.wait_indirect_dma semaphore(%run_scoped3A_552 : memref<!tpu.dma_semaphore, #tpu.memory_space<semaphore_mem>>) src(%arg11 : memref<128xf32, #tpu.memory_space<vmem>>) dst(%dma_wait3A_560 : memref<50176xf32, #tpu.memory_space<vmem_shared>>)
      tpu.yield
    }) : () -> ()
    %barrier3A_388 = arith.constant 0 : index
    tpu.barrier barrier_id(%barrier3A_388)
    %mul3A_389 = arith.constant 3136 : i32
    %mul3A_390 = arith.muli %arg1, %mul3A_389 : i32
    "tpu.region"() ({
      %run_scoped3A_552 = tpu.sem_alloc : memref<!tpu.dma_semaphore, #tpu.memory_space<semaphore_mem>>
      %dma_start3A_553 = tpu.memref_slice %arg7[%mul3A_390] : memref<50176xf32, #tpu.memory_space<vmem_shared>> -> memref<3136xf32, #tpu.memory_space<vmem_shared>>
      %dma_start3A_554 = tpu.memref_slice %arg7[%mul3A_390] : memref<50176xf32, #tpu.memory_space<vmem_shared>> -> memref<3136xf32, #tpu.memory_space<vmem_shared>>
      tpu.enqueue_dma source(%dma_start3A_554 : memref<3136xf32, #tpu.memory_space<vmem_shared>>) target(%arg12 : memref<3136xf32, #tpu.memory_space<vmem>>) target_semaphore(%run_scoped3A_552 : memref<!tpu.dma_semaphore, #tpu.memory_space<semaphore_mem>>)
      %dma_wait3A_555 = tpu.memref_slice %arg7[%mul3A_390] : memref<50176xf32, #tpu.memory_space<vmem_shared>> -> memref<3136xf32, #tpu.memory_space<vmem_shared>>
      %dma_wait3A_556 = tpu.memref_slice %arg7[%mul3A_390] : memref<50176xf32, #tpu.memory_space<vmem_shared>> -> memref<3136xf32, #tpu.memory_space<vmem_shared>>
      tpu.wait_dma2 semaphore(%run_scoped3A_552 : memref<!tpu.dma_semaphore, #tpu.memory_space<semaphore_mem>>) src(%dma_wait3A_556 : memref<3136xf32, #tpu.memory_space<vmem_shared>>) dst(%arg12 : memref<3136xf32, #tpu.memory_space<vmem>>)
      tpu.yield
    }) : () -> ()
    "tpu.region"() ({
      %run_scoped3A_552 = tpu.sem_alloc : memref<!tpu.dma_semaphore, #tpu.memory_space<semaphore_mem>>
      %dma_start3A_553 = arith.constant 0 : i32
      %dma_start3A_554 = tpu.memref_slice %arg4[%arg0, %dma_start3A_553] : memref<2x32xf32, #tpu.memory_space<hbm>> -> memref<1x32xf32, #tpu.memory_space<hbm>>
      %dma_start3A_555 = tpu.memref_squeeze %dma_start3A_554 : memref<1x32xf32, #tpu.memory_space<hbm>> -> memref<32xf32, #tpu.memory_space<hbm>>
      %dma_start3A_556 = arith.constant 0 : i32
      %dma_start3A_557 = tpu.memref_slice %arg4[%arg0, %dma_start3A_556] : memref<2x32xf32, #tpu.memory_space<hbm>> -> memref<1x32xf32, #tpu.memory_space<hbm>>
      %dma_start3A_558 = tpu.memref_squeeze %dma_start3A_557 : memref<1x32xf32, #tpu.memory_space<hbm>> -> memref<32xf32, #tpu.memory_space<hbm>>
      tpu.enqueue_dma source(%dma_start3A_558 : memref<32xf32, #tpu.memory_space<hbm>>) target(%arg13 : memref<32xf32, #tpu.memory_space<vmem>>) target_semaphore(%run_scoped3A_552 : memref<!tpu.dma_semaphore, #tpu.memory_space<semaphore_mem>>)
      %dma_wait3A_559 = arith.constant 0 : i32
      %dma_wait3A_560 = tpu.memref_slice %arg4[%arg0, %dma_wait3A_559] : memref<2x32xf32, #tpu.memory_space<hbm>> -> memref<1x32xf32, #tpu.memory_space<hbm>>
      %dma_wait3A_561 = tpu.memref_squeeze %dma_wait3A_560 : memref<1x32xf32, #tpu.memory_space<hbm>> -> memref<32xf32, #tpu.memory_space<hbm>>
      %dma_wait3A_562 = arith.constant 0 : i32
      %dma_wait3A_563 = tpu.memref_slice %arg4[%arg0, %dma_wait3A_562] : memref<2x32xf32, #tpu.memory_space<hbm>> -> memref<1x32xf32, #tpu.memory_space<hbm>>
      %dma_wait3A_564 = tpu.memref_squeeze %dma_wait3A_563 : memref<1x32xf32, #tpu.memory_space<hbm>> -> memref<32xf32, #tpu.memory_space<hbm>>
      tpu.wait_dma2 semaphore(%run_scoped3A_552 : memref<!tpu.dma_semaphore, #tpu.memory_space<semaphore_mem>>) src(%dma_wait3A_564 : memref<32xf32, #tpu.memory_space<hbm>>) dst(%arg13 : memref<32xf32, #tpu.memory_space<vmem>>)
      tpu.yield
    }) : () -> ()
    %eq3A = arith.constant 0 : i32
    %eq3A_391 = arith.cmpi eq, %arg1, %eq3A : i32
    %convert_element_type3A = arith.extui %eq3A_391 : i1 to i32
    %cond3A = arith.constant 0 : i32
    %cond3A_392 = arith.cmpi ne, %convert_element_type3A, %cond3A : i32
    scf.if %cond3A_392 {
      %get3A_552 = arith.constant 0 : index
      %get3A_553 = tpu.vector_load %arg12[%get3A_552] {strides = array<i32>} : memref<3136xf32, #tpu.memory_space<vmem>>, vector<16xf32>,
      %iota3A = tpu.iota {dimensions = array<i32: 0>} : vector<16xi32>
      %eq3A_554 = arith.constant 0 : i32
      %eq3A_555 = vector.broadcast %eq3A_554 : i32 to vector<16xi32>
      %eq3A_556 = arith.cmpi eq, %iota3A, %eq3A_555 : vector<16xi32>
      %jit3A_557 = arith.constant 2.816000e+03 : f32
      %jit3A_558 = arith.constant 0.000000e+00 : f32
      %broadcast_in_dim3A_559 = vector.broadcast %jit3A_557 : f32 to vector<16xf32>
      %broadcast_in_dim3A_560 = vector.broadcast %jit3A_558 : f32 to vector<16xf32>
      %select_n3A = arith.select %eq3A_556, %broadcast_in_dim3A_559, %broadcast_in_dim3A_560 : vector<16xi1>, vector<16xf32>
      %sub3A_561 = arith.subf %get3A_553, %select_n3A : vector<16xf32>
      %swap3A_562 = arith.constant 0 : index
      %swap3A_563 = tpu.vector_load %arg12[%swap3A_562] {strides = array<i32>} : memref<3136xf32, #tpu.memory_space<vmem>>, vector<16xf32>,
      tpu.vector_store %arg12[%swap3A_562], %sub3A_561 {strides = array<i32>} : memref<3136xf32, #tpu.memory_space<vmem>>, vector<16xf32>,
    } else {
    }
    %get3A = arith.constant 0 : index
    %get3A_393 = tpu.vector_load %arg13[%get3A] {strides = array<i32>} : memref<32xf32, #tpu.memory_space<vmem>>, vector<16xf32>,
    %get3A_394 = arith.constant 16 : index
    %get3A_395 = tpu.vector_load %arg13[%get3A_394] {strides = array<i32>} : memref<32xf32, #tpu.memory_space<vmem>>, vector<16xf32>,
    %mul3A_396 = arith.constant 3136 : i32
    %mul3A_397 = arith.muli %arg1, %mul3A_396 : i32
    %sub3A = arith.constant 50000 : i32
    %sub3A_398 = arith.subi %sub3A, %mul3A_397 : i32
    %min3A = arith.constant 3136 : i32
    %min3A_399 = arith.minsi %min3A, %sub3A_398 : i32
    %broadcast_in_dim3A_400 = arith.constant 0.000000e+00 : f32
    %broadcast_in_dim3A_401 = vector.broadcast %broadcast_in_dim3A_400 : f32 to vector<16xf32>
    %broadcast_in_dim3A_402 = arith.constant 0.000000e+00 : f32
    %broadcast_in_dim3A_403 = vector.broadcast %broadcast_in_dim3A_402 : f32 to vector<16xf32>
    %mul3A_404 = arith.constant 3136 : i32
    %mul3A_405 = arith.muli %arg1, %mul3A_404 : i32
    %add3A_406 = arith.constant 0 : i32
    %add3A_407 = arith.addi %mul3A_405, %add3A_406 : i32
    "tpu.region"() ({
      %run_scoped3A_552 = tpu.sem_alloc : memref<!tpu.dma_semaphore, #tpu.memory_space<semaphore_mem>>
      %dma_start3A_553 = arith.constant 0 : i32
      %dma_start3A_554 = arith.constant 0 : i32
      %dma_start3A_555 = tpu.memref_slice %arg10[%dma_start3A_553, %dma_start3A_554] : memref<512x32xf32, #tpu.memory_space<vmem>> -> memref<512x32xf32, #tpu.memory_space<vmem>>
      %dma_start3A_556 = arith.constant 0 : i32
      %dma_start3A_557 = tpu.memref_slice %arg6[%add3A_407, %dma_start3A_556] : memref<50176x32xf32, #tpu.memory_space<vmem_shared>> -> memref<512x32xf32, #tpu.memory_space<vmem_shared>>
      %dma_start3A_558 = arith.constant 0 : i32
      %dma_start3A_559 = arith.constant 0 : i32
      %dma_start3A_560 = tpu.memref_slice %arg10[%dma_start3A_558, %dma_start3A_559] : memref<512x32xf32, #tpu.memory_space<vmem>> -> memref<512x32xf32, #tpu.memory_space<vmem>>
      %dma_start3A_561 = arith.constant 0 : i32
      %dma_start3A_562 = tpu.memref_slice %arg6[%add3A_407, %dma_start3A_561] : memref<50176x32xf32, #tpu.memory_space<vmem_shared>> -> memref<512x32xf32, #tpu.memory_space<vmem_shared>>
      tpu.enqueue_dma source(%dma_start3A_562 : memref<512x32xf32, #tpu.memory_space<vmem_shared>>) target(%dma_start3A_560 : memref<512x32xf32, #tpu.memory_space<vmem>>) target_semaphore(%run_scoped3A_552 : memref<!tpu.dma_semaphore, #tpu.memory_space<semaphore_mem>>)
      %dma_wait3A_563 = arith.constant 0 : i32
      %dma_wait3A_564 = arith.constant 0 : i32
      %dma_wait3A_565 = tpu.memref_slice %arg10[%dma_wait3A_563, %dma_wait3A_564] : memref<512x32xf32, #tpu.memory_space<vmem>> -> memref<512x32xf32, #tpu.memory_space<vmem>>
      %dma_wait3A_566 = arith.constant 0 : i32
      %dma_wait3A_567 = tpu.memref_slice %arg6[%add3A_407, %dma_wait3A_566] : memref<50176x32xf32, #tpu.memory_space<vmem_shared>> -> memref<512x32xf32, #tpu.memory_space<vmem_shared>>
      %dma_wait3A_568 = arith.constant 0 : i32
      %dma_wait3A_569 = arith.constant 0 : i32
      %dma_wait3A_570 = tpu.memref_slice %arg10[%dma_wait3A_568, %dma_wait3A_569] : memref<512x32xf32, #tpu.memory_space<vmem>> -> memref<512x32xf32, #tpu.memory_space<vmem>>
      %dma_wait3A_571 = arith.constant 0 : i32
      %dma_wait3A_572 = tpu.memref_slice %arg6[%add3A_407, %dma_wait3A_571] : memref<50176x32xf32, #tpu.memory_space<vmem_shared>> -> memref<512x32xf32, #tpu.memory_space<vmem_shared>>
      tpu.wait_dma2 semaphore(%run_scoped3A_552 : memref<!tpu.dma_semaphore, #tpu.memory_space<semaphore_mem>>) src(%dma_wait3A_572 : memref<512x32xf32, #tpu.memory_space<vmem_shared>>) dst(%dma_wait3A_570 : memref<512x32xf32, #tpu.memory_space<vmem>>)
      tpu.yield
    }) : () -> ()
    %sub3A_408 = arith.constant 0 : i32
    %sub3A_409 = arith.subi %min3A_399, %sub3A_408 : i32
    %jit3A = arith.constant 0 : i32
    %jit3A_410 = arith.constant 512 : i32
    %max3A = arith.maxsi %jit3A, %sub3A_409 : i32
    %min3A_411 = arith.minsi %jit3A_410, %max3A : i32
    %while3A = arith.constant 0 : i32
    %while3A_412 = arith.subi %min3A_411, %while3A : i32
    %while3A_413 = arith.addi %while3A, %while3A_412 : i32
    %while3A_414 = arith.constant 1 : i32
    %while3A_415 = arith.divsi %while3A_412, %while3A_414 : i32
    %while3A_416 = arith.muli %while3A_415, %while3A_414 : i32
    %while3A_417 = arith.addi %while3A, %while3A_416 : i32
    %while3A_418 = arith.constant 1 : i32
    %while3A_419:2 = scf.for %while3A_552 = %while3A to %while3A_417 step %while3A_418 iter_args(%while3A_553 = %broadcast_in_dim3A_401, %while3A_554 = %broadcast_in_dim3A_403) -> (vector<16xf32>, vector<16xf32>)  : i32 {
      %add3A_555 = arith.constant 0 : i32
      %add3A_556 = arith.addi %add3A_555, %while3A_552 : i32
      %broadcast_in_dim3A_557 = vector.broadcast %add3A_556 : i32 to vector<16xi32>
      %gather3A = tpu.vector_load_idx %arg12[%broadcast_in_dim3A_557] : memref<3136xf32, #tpu.memory_space<vmem>>[vector<16xi32>], vector<16xf32>,
      %get3A_558 = arith.index_cast %while3A_552 : i32 to index
      %get3A_559 = arith.constant 0 : index
      %get3A_560 = tpu.vector_load %arg10[%get3A_558, %get3A_559] {strides = array<i32>} : memref<512x32xf32, #tpu.memory_space<vmem>>, vector<16xf32>,
      %get3A_561 = arith.index_cast %while3A_552 : i32 to index
      %get3A_562 = arith.constant 16 : index
      %get3A_563 = tpu.vector_load %arg10[%get3A_561, %get3A_562] {strides = array<i32>} : memref<512x32xf32, #tpu.memory_space<vmem>>, vector<16xf32>,
      %add3A_564 = arith.addf %get3A_560, %get3A_393 : vector<16xf32>
      %max3A_565 = arith.constant 0.000000e+00 : f32
      %max3A_566 = vector.broadcast %max3A_565 : f32 to vector<16xf32>
      %max3A_567 = arith.maximumf %add3A_564, %max3A_566 : vector<16xf32>
      %mul3A_568 = arith.mulf %gather3A, %max3A_567 : vector<16xf32>
      %add3A_569 = arith.addf %while3A_553, %mul3A_568 : vector<16xf32>
      %add3A_570 = arith.addf %get3A_563, %get3A_395 : vector<16xf32>
      %max3A_571 = arith.constant 0.000000e+00 : f32
      %max3A_572 = vector.broadcast %max3A_571 : f32 to vector<16xf32>
      %max3A_573 = arith.maximumf %add3A_570, %max3A_572 : vector<16xf32>
      %mul3A_574 = arith.mulf %gather3A, %max3A_573 : vector<16xf32>
      %add3A_575 = arith.addf %while3A_554, %mul3A_574 : vector<16xf32>
      scf.yield %add3A_569, %add3A_575 : vector<16xf32>, vector<16xf32>
    }
    %while3A_420 = arith.constant 1 : i32
    %while3A_421:2 = scf.for %while3A_552 = %while3A_417 to %while3A_413 step %while3A_420 iter_args(%while3A_553 = %while3A_419#0, %while3A_554 = %while3A_419#1) -> (vector<16xf32>, vector<16xf32>)  : i32 {
      %add3A_555 = arith.constant 0 : i32
      %add3A_556 = arith.addi %add3A_555, %while3A_552 : i32
      %broadcast_in_dim3A_557 = vector.broadcast %add3A_556 : i32 to vector<16xi32>
      %gather3A = tpu.vector_load_idx %arg12[%broadcast_in_dim3A_557] : memref<3136xf32, #tpu.memory_space<vmem>>[vector<16xi32>], vector<16xf32>,
      %get3A_558 = arith.index_cast %while3A_552 : i32 to index
      %get3A_559 = arith.constant 0 : index
      %get3A_560 = tpu.vector_load %arg10[%get3A_558, %get3A_559] {strides = array<i32>} : memref<512x32xf32, #tpu.memory_space<vmem>>, vector<16xf32>,
      %get3A_561 = arith.index_cast %while3A_552 : i32 to index
      %get3A_562 = arith.constant 16 : index
      %get3A_563 = tpu.vector_load %arg10[%get3A_561, %get3A_562] {strides = array<i32>} : memref<512x32xf32, #tpu.memory_space<vmem>>, vector<16xf32>,
      %add3A_564 = arith.addf %get3A_560, %get3A_393 : vector<16xf32>
      %max3A_565 = arith.constant 0.000000e+00 : f32
      %max3A_566 = vector.broadcast %max3A_565 : f32 to vector<16xf32>
      %max3A_567 = arith.maximumf %add3A_564, %max3A_566 : vector<16xf32>
      %mul3A_568 = arith.mulf %gather3A, %max3A_567 : vector<16xf32>
      %add3A_569 = arith.addf %while3A_553, %mul3A_568 : vector<16xf32>
      %add3A_570 = arith.addf %get3A_563, %get3A_395 : vector<16xf32>
      %max3A_571 = arith.constant 0.000000e+00 : f32
      %max3A_572 = vector.broadcast %max3A_571 : f32 to vector<16xf32>
      %max3A_573 = arith.maximumf %add3A_570, %max3A_572 : vector<16xf32>
      %mul3A_574 = arith.mulf %gather3A, %max3A_573 : vector<16xf32>
      %add3A_575 = arith.addf %while3A_554, %mul3A_574 : vector<16xf32>
      scf.yield %add3A_569, %add3A_575 : vector<16xf32>, vector<16xf32>
    }
    %mul3A_422 = arith.constant 3136 : i32
    %mul3A_423 = arith.muli %arg1, %mul3A_422 : i32
    %add3A_424 = arith.constant 512 : i32
    %add3A_425 = arith.addi %mul3A_423, %add3A_424 : i32
    "tpu.region"() ({
      %run_scoped3A_552 = tpu.sem_alloc : memref<!tpu.dma_semaphore, #tpu.memory_space<semaphore_mem>>
      %dma_start3A_553 = arith.constant 0 : i32
      %dma_start3A_554 = arith.constant 0 : i32
      %dma_start3A_555 = tpu.memref_slice %arg10[%dma_start3A_553, %dma_start3A_554] : memref<512x32xf32, #tpu.memory_space<vmem>> -> memref<512x32xf32, #tpu.memory_space<vmem>>
      %dma_start3A_556 = arith.constant 0 : i32
      %dma_start3A_557 = tpu.memref_slice %arg6[%add3A_425, %dma_start3A_556] : memref<50176x32xf32, #tpu.memory_space<vmem_shared>> -> memref<512x32xf32, #tpu.memory_space<vmem_shared>>
      %dma_start3A_558 = arith.constant 0 : i32
      %dma_start3A_559 = arith.constant 0 : i32
      %dma_start3A_560 = tpu.memref_slice %arg10[%dma_start3A_558, %dma_start3A_559] : memref<512x32xf32, #tpu.memory_space<vmem>> -> memref<512x32xf32, #tpu.memory_space<vmem>>
      %dma_start3A_561 = arith.constant 0 : i32
      %dma_start3A_562 = tpu.memref_slice %arg6[%add3A_425, %dma_start3A_561] : memref<50176x32xf32, #tpu.memory_space<vmem_shared>> -> memref<512x32xf32, #tpu.memory_space<vmem_shared>>
      tpu.enqueue_dma source(%dma_start3A_562 : memref<512x32xf32, #tpu.memory_space<vmem_shared>>) target(%dma_start3A_560 : memref<512x32xf32, #tpu.memory_space<vmem>>) target_semaphore(%run_scoped3A_552 : memref<!tpu.dma_semaphore, #tpu.memory_space<semaphore_mem>>)
      %dma_wait3A_563 = arith.constant 0 : i32
      %dma_wait3A_564 = arith.constant 0 : i32
      %dma_wait3A_565 = tpu.memref_slice %arg10[%dma_wait3A_563, %dma_wait3A_564] : memref<512x32xf32, #tpu.memory_space<vmem>> -> memref<512x32xf32, #tpu.memory_space<vmem>>
      %dma_wait3A_566 = arith.constant 0 : i32
      %dma_wait3A_567 = tpu.memref_slice %arg6[%add3A_425, %dma_wait3A_566] : memref<50176x32xf32, #tpu.memory_space<vmem_shared>> -> memref<512x32xf32, #tpu.memory_space<vmem_shared>>
      %dma_wait3A_568 = arith.constant 0 : i32
      %dma_wait3A_569 = arith.constant 0 : i32
      %dma_wait3A_570 = tpu.memref_slice %arg10[%dma_wait3A_568, %dma_wait3A_569] : memref<512x32xf32, #tpu.memory_space<vmem>> -> memref<512x32xf32, #tpu.memory_space<vmem>>
      %dma_wait3A_571 = arith.constant 0 : i32
      %dma_wait3A_572 = tpu.memref_slice %arg6[%add3A_425, %dma_wait3A_571] : memref<50176x32xf32, #tpu.memory_space<vmem_shared>> -> memref<512x32xf32, #tpu.memory_space<vmem_shared>>
      tpu.wait_dma2 semaphore(%run_scoped3A_552 : memref<!tpu.dma_semaphore, #tpu.memory_space<semaphore_mem>>) src(%dma_wait3A_572 : memref<512x32xf32, #tpu.memory_space<vmem_shared>>) dst(%dma_wait3A_570 : memref<512x32xf32, #tpu.memory_space<vmem>>)
      tpu.yield
    }) : () -> ()
    %sub3A_426 = arith.constant 512 : i32
    %sub3A_427 = arith.subi %min3A_399, %sub3A_426 : i32
    %jit3A_428 = arith.constant 0 : i32
    %jit3A_429 = arith.constant 512 : i32
    %max3A_430 = arith.maxsi %jit3A_428, %sub3A_427 : i32
    %min3A_431 = arith.minsi %jit3A_429, %max3A_430 : i32
    %while3A_432 = arith.constant 0 : i32
    %while3A_433 = arith.subi %min3A_431, %while3A_432 : i32
    %while3A_434 = arith.addi %while3A_432, %while3A_433 : i32
    %while3A_435 = arith.constant 1 : i32
    %while3A_436 = arith.divsi %while3A_433, %while3A_435 : i32
    %while3A_437 = arith.muli %while3A_436, %while3A_435 : i32
    %while3A_438 = arith.addi %while3A_432, %while3A_437 : i32
    %while3A_439 = arith.constant 1 : i32
    %while3A_440:2 = scf.for %while3A_552 = %while3A_432 to %while3A_438 step %while3A_439 iter_args(%while3A_553 = %while3A_421#0, %while3A_554 = %while3A_421#1) -> (vector<16xf32>, vector<16xf32>)  : i32 {
      %add3A_555 = arith.constant 512 : i32
      %add3A_556 = arith.addi %add3A_555, %while3A_552 : i32
      %broadcast_in_dim3A_557 = vector.broadcast %add3A_556 : i32 to vector<16xi32>
      %gather3A = tpu.vector_load_idx %arg12[%broadcast_in_dim3A_557] : memref<3136xf32, #tpu.memory_space<vmem>>[vector<16xi32>], vector<16xf32>,
      %get3A_558 = arith.index_cast %while3A_552 : i32 to index
      %get3A_559 = arith.constant 0 : index
      %get3A_560 = tpu.vector_load %arg10[%get3A_558, %get3A_559] {strides = array<i32>} : memref<512x32xf32, #tpu.memory_space<vmem>>, vector<16xf32>,
      %get3A_561 = arith.index_cast %while3A_552 : i32 to index
      %get3A_562 = arith.constant 16 : index
      %get3A_563 = tpu.vector_load %arg10[%get3A_561, %get3A_562] {strides = array<i32>} : memref<512x32xf32, #tpu.memory_space<vmem>>, vector<16xf32>,
      %add3A_564 = arith.addf %get3A_560, %get3A_393 : vector<16xf32>
      %max3A_565 = arith.constant 0.000000e+00 : f32
      %max3A_566 = vector.broadcast %max3A_565 : f32 to vector<16xf32>
      %max3A_567 = arith.maximumf %add3A_564, %max3A_566 : vector<16xf32>
      %mul3A_568 = arith.mulf %gather3A, %max3A_567 : vector<16xf32>
      %add3A_569 = arith.addf %while3A_553, %mul3A_568 : vector<16xf32>
      %add3A_570 = arith.addf %get3A_563, %get3A_395 : vector<16xf32>
      %max3A_571 = arith.constant 0.000000e+00 : f32
      %max3A_572 = vector.broadcast %max3A_571 : f32 to vector<16xf32>
      %max3A_573 = arith.maximumf %add3A_570, %max3A_572 : vector<16xf32>
      %mul3A_574 = arith.mulf %gather3A, %max3A_573 : vector<16xf32>
      %add3A_575 = arith.addf %while3A_554, %mul3A_574 : vector<16xf32>
      scf.yield %add3A_569, %add3A_575 : vector<16xf32>, vector<16xf32>
    }
    %while3A_441 = arith.constant 1 : i32
    %while3A_442:2 = scf.for %while3A_552 = %while3A_438 to %while3A_434 step %while3A_441 iter_args(%while3A_553 = %while3A_440#0, %while3A_554 = %while3A_440#1) -> (vector<16xf32>, vector<16xf32>)  : i32 {
      %add3A_555 = arith.constant 512 : i32
      %add3A_556 = arith.addi %add3A_555, %while3A_552 : i32
      %broadcast_in_dim3A_557 = vector.broadcast %add3A_556 : i32 to vector<16xi32>
      %gather3A = tpu.vector_load_idx %arg12[%broadcast_in_dim3A_557] : memref<3136xf32, #tpu.memory_space<vmem>>[vector<16xi32>], vector<16xf32>,
      %get3A_558 = arith.index_cast %while3A_552 : i32 to index
      %get3A_559 = arith.constant 0 : index
      %get3A_560 = tpu.vector_load %arg10[%get3A_558, %get3A_559] {strides = array<i32>} : memref<512x32xf32, #tpu.memory_space<vmem>>, vector<16xf32>,
      %get3A_561 = arith.index_cast %while3A_552 : i32 to index
      %get3A_562 = arith.constant 16 : index
      %get3A_563 = tpu.vector_load %arg10[%get3A_561, %get3A_562] {strides = array<i32>} : memref<512x32xf32, #tpu.memory_space<vmem>>, vector<16xf32>,
      %add3A_564 = arith.addf %get3A_560, %get3A_393 : vector<16xf32>
      %max3A_565 = arith.constant 0.000000e+00 : f32
      %max3A_566 = vector.broadcast %max3A_565 : f32 to vector<16xf32>
      %max3A_567 = arith.maximumf %add3A_564, %max3A_566 : vector<16xf32>
      %mul3A_568 = arith.mulf %gather3A, %max3A_567 : vector<16xf32>
      %add3A_569 = arith.addf %while3A_553, %mul3A_568 : vector<16xf32>
      %add3A_570 = arith.addf %get3A_563, %get3A_395 : vector<16xf32>
      %max3A_571 = arith.constant 0.000000e+00 : f32
      %max3A_572 = vector.broadcast %max3A_571 : f32 to vector<16xf32>
      %max3A_573 = arith.maximumf %add3A_570, %max3A_572 : vector<16xf32>
      %mul3A_574 = arith.mulf %gather3A, %max3A_573 : vector<16xf32>
      %add3A_575 = arith.addf %while3A_554, %mul3A_574 : vector<16xf32>
      scf.yield %add3A_569, %add3A_575 : vector<16xf32>, vector<16xf32>
    }
    %mul3A_443 = arith.constant 3136 : i32
    %mul3A_444 = arith.muli %arg1, %mul3A_443 : i32
    %add3A_445 = arith.constant 1024 : i32
    %add3A_446 = arith.addi %mul3A_444, %add3A_445 : i32
    "tpu.region"() ({
      %run_scoped3A_552 = tpu.sem_alloc : memref<!tpu.dma_semaphore, #tpu.memory_space<semaphore_mem>>
      %dma_start3A_553 = arith.constant 0 : i32
      %dma_start3A_554 = arith.constant 0 : i32
      %dma_start3A_555 = tpu.memref_slice %arg10[%dma_start3A_553, %dma_start3A_554] : memref<512x32xf32, #tpu.memory_space<vmem>> -> memref<512x32xf32, #tpu.memory_space<vmem>>
      %dma_start3A_556 = arith.constant 0 : i32
      %dma_start3A_557 = tpu.memref_slice %arg6[%add3A_446, %dma_start3A_556] : memref<50176x32xf32, #tpu.memory_space<vmem_shared>> -> memref<512x32xf32, #tpu.memory_space<vmem_shared>>
      %dma_start3A_558 = arith.constant 0 : i32
      %dma_start3A_559 = arith.constant 0 : i32
      %dma_start3A_560 = tpu.memref_slice %arg10[%dma_start3A_558, %dma_start3A_559] : memref<512x32xf32, #tpu.memory_space<vmem>> -> memref<512x32xf32, #tpu.memory_space<vmem>>
      %dma_start3A_561 = arith.constant 0 : i32
      %dma_start3A_562 = tpu.memref_slice %arg6[%add3A_446, %dma_start3A_561] : memref<50176x32xf32, #tpu.memory_space<vmem_shared>> -> memref<512x32xf32, #tpu.memory_space<vmem_shared>>
      tpu.enqueue_dma source(%dma_start3A_562 : memref<512x32xf32, #tpu.memory_space<vmem_shared>>) target(%dma_start3A_560 : memref<512x32xf32, #tpu.memory_space<vmem>>) target_semaphore(%run_scoped3A_552 : memref<!tpu.dma_semaphore, #tpu.memory_space<semaphore_mem>>)
      %dma_wait3A_563 = arith.constant 0 : i32
      %dma_wait3A_564 = arith.constant 0 : i32
      %dma_wait3A_565 = tpu.memref_slice %arg10[%dma_wait3A_563, %dma_wait3A_564] : memref<512x32xf32, #tpu.memory_space<vmem>> -> memref<512x32xf32, #tpu.memory_space<vmem>>
      %dma_wait3A_566 = arith.constant 0 : i32
      %dma_wait3A_567 = tpu.memref_slice %arg6[%add3A_446, %dma_wait3A_566] : memref<50176x32xf32, #tpu.memory_space<vmem_shared>> -> memref<512x32xf32, #tpu.memory_space<vmem_shared>>
      %dma_wait3A_568 = arith.constant 0 : i32
      %dma_wait3A_569 = arith.constant 0 : i32
      %dma_wait3A_570 = tpu.memref_slice %arg10[%dma_wait3A_568, %dma_wait3A_569] : memref<512x32xf32, #tpu.memory_space<vmem>> -> memref<512x32xf32, #tpu.memory_space<vmem>>
      %dma_wait3A_571 = arith.constant 0 : i32
      %dma_wait3A_572 = tpu.memref_slice %arg6[%add3A_446, %dma_wait3A_571] : memref<50176x32xf32, #tpu.memory_space<vmem_shared>> -> memref<512x32xf32, #tpu.memory_space<vmem_shared>>
      tpu.wait_dma2 semaphore(%run_scoped3A_552 : memref<!tpu.dma_semaphore, #tpu.memory_space<semaphore_mem>>) src(%dma_wait3A_572 : memref<512x32xf32, #tpu.memory_space<vmem_shared>>) dst(%dma_wait3A_570 : memref<512x32xf32, #tpu.memory_space<vmem>>)
      tpu.yield
    }) : () -> ()
    %sub3A_447 = arith.constant 1024 : i32
    %sub3A_448 = arith.subi %min3A_399, %sub3A_447 : i32
    %jit3A_449 = arith.constant 0 : i32
    %jit3A_450 = arith.constant 512 : i32
    %max3A_451 = arith.maxsi %jit3A_449, %sub3A_448 : i32
    %min3A_452 = arith.minsi %jit3A_450, %max3A_451 : i32
    %while3A_453 = arith.constant 0 : i32
    %while3A_454 = arith.subi %min3A_452, %while3A_453 : i32
    %while3A_455 = arith.addi %while3A_453, %while3A_454 : i32
    %while3A_456 = arith.constant 1 : i32
    %while3A_457 = arith.divsi %while3A_454, %while3A_456 : i32
    %while3A_458 = arith.muli %while3A_457, %while3A_456 : i32
    %while3A_459 = arith.addi %while3A_453, %while3A_458 : i32
    %while3A_460 = arith.constant 1 : i32
    %while3A_461:2 = scf.for %while3A_552 = %while3A_453 to %while3A_459 step %while3A_460 iter_args(%while3A_553 = %while3A_442#0, %while3A_554 = %while3A_442#1) -> (vector<16xf32>, vector<16xf32>)  : i32 {
      %add3A_555 = arith.constant 1024 : i32
      %add3A_556 = arith.addi %add3A_555, %while3A_552 : i32
      %broadcast_in_dim3A_557 = vector.broadcast %add3A_556 : i32 to vector<16xi32>
      %gather3A = tpu.vector_load_idx %arg12[%broadcast_in_dim3A_557] : memref<3136xf32, #tpu.memory_space<vmem>>[vector<16xi32>], vector<16xf32>,
      %get3A_558 = arith.index_cast %while3A_552 : i32 to index
      %get3A_559 = arith.constant 0 : index
      %get3A_560 = tpu.vector_load %arg10[%get3A_558, %get3A_559] {strides = array<i32>} : memref<512x32xf32, #tpu.memory_space<vmem>>, vector<16xf32>,
      %get3A_561 = arith.index_cast %while3A_552 : i32 to index
      %get3A_562 = arith.constant 16 : index
      %get3A_563 = tpu.vector_load %arg10[%get3A_561, %get3A_562] {strides = array<i32>} : memref<512x32xf32, #tpu.memory_space<vmem>>, vector<16xf32>,
      %add3A_564 = arith.addf %get3A_560, %get3A_393 : vector<16xf32>
      %max3A_565 = arith.constant 0.000000e+00 : f32
      %max3A_566 = vector.broadcast %max3A_565 : f32 to vector<16xf32>
      %max3A_567 = arith.maximumf %add3A_564, %max3A_566 : vector<16xf32>
      %mul3A_568 = arith.mulf %gather3A, %max3A_567 : vector<16xf32>
      %add3A_569 = arith.addf %while3A_553, %mul3A_568 : vector<16xf32>
      %add3A_570 = arith.addf %get3A_563, %get3A_395 : vector<16xf32>
      %max3A_571 = arith.constant 0.000000e+00 : f32
      %max3A_572 = vector.broadcast %max3A_571 : f32 to vector<16xf32>
      %max3A_573 = arith.maximumf %add3A_570, %max3A_572 : vector<16xf32>
      %mul3A_574 = arith.mulf %gather3A, %max3A_573 : vector<16xf32>
      %add3A_575 = arith.addf %while3A_554, %mul3A_574 : vector<16xf32>
      scf.yield %add3A_569, %add3A_575 : vector<16xf32>, vector<16xf32>
    }
    %while3A_462 = arith.constant 1 : i32
    %while3A_463:2 = scf.for %while3A_552 = %while3A_459 to %while3A_455 step %while3A_462 iter_args(%while3A_553 = %while3A_461#0, %while3A_554 = %while3A_461#1) -> (vector<16xf32>, vector<16xf32>)  : i32 {
      %add3A_555 = arith.constant 1024 : i32
      %add3A_556 = arith.addi %add3A_555, %while3A_552 : i32
      %broadcast_in_dim3A_557 = vector.broadcast %add3A_556 : i32 to vector<16xi32>
      %gather3A = tpu.vector_load_idx %arg12[%broadcast_in_dim3A_557] : memref<3136xf32, #tpu.memory_space<vmem>>[vector<16xi32>], vector<16xf32>,
      %get3A_558 = arith.index_cast %while3A_552 : i32 to index
      %get3A_559 = arith.constant 0 : index
      %get3A_560 = tpu.vector_load %arg10[%get3A_558, %get3A_559] {strides = array<i32>} : memref<512x32xf32, #tpu.memory_space<vmem>>, vector<16xf32>,
      %get3A_561 = arith.index_cast %while3A_552 : i32 to index
      %get3A_562 = arith.constant 16 : index
      %get3A_563 = tpu.vector_load %arg10[%get3A_561, %get3A_562] {strides = array<i32>} : memref<512x32xf32, #tpu.memory_space<vmem>>, vector<16xf32>,
      %add3A_564 = arith.addf %get3A_560, %get3A_393 : vector<16xf32>
      %max3A_565 = arith.constant 0.000000e+00 : f32
      %max3A_566 = vector.broadcast %max3A_565 : f32 to vector<16xf32>
      %max3A_567 = arith.maximumf %add3A_564, %max3A_566 : vector<16xf32>
      %mul3A_568 = arith.mulf %gather3A, %max3A_567 : vector<16xf32>
      %add3A_569 = arith.addf %while3A_553, %mul3A_568 : vector<16xf32>
      %add3A_570 = arith.addf %get3A_563, %get3A_395 : vector<16xf32>
      %max3A_571 = arith.constant 0.000000e+00 : f32
      %max3A_572 = vector.broadcast %max3A_571 : f32 to vector<16xf32>
      %max3A_573 = arith.maximumf %add3A_570, %max3A_572 : vector<16xf32>
      %mul3A_574 = arith.mulf %gather3A, %max3A_573 : vector<16xf32>
      %add3A_575 = arith.addf %while3A_554, %mul3A_574 : vector<16xf32>
      scf.yield %add3A_569, %add3A_575 : vector<16xf32>, vector<16xf32>
    }
    %mul3A_464 = arith.constant 3136 : i32
    %mul3A_465 = arith.muli %arg1, %mul3A_464 : i32
    %add3A_466 = arith.constant 1536 : i32
    %add3A_467 = arith.addi %mul3A_465, %add3A_466 : i32
    "tpu.region"() ({
      %run_scoped3A_552 = tpu.sem_alloc : memref<!tpu.dma_semaphore, #tpu.memory_space<semaphore_mem>>
      %dma_start3A_553 = arith.constant 0 : i32
      %dma_start3A_554 = arith.constant 0 : i32
      %dma_start3A_555 = tpu.memref_slice %arg10[%dma_start3A_553, %dma_start3A_554] : memref<512x32xf32, #tpu.memory_space<vmem>> -> memref<512x32xf32, #tpu.memory_space<vmem>>
      %dma_start3A_556 = arith.constant 0 : i32
      %dma_start3A_557 = tpu.memref_slice %arg6[%add3A_467, %dma_start3A_556] : memref<50176x32xf32, #tpu.memory_space<vmem_shared>> -> memref<512x32xf32, #tpu.memory_space<vmem_shared>>
      %dma_start3A_558 = arith.constant 0 : i32
      %dma_start3A_559 = arith.constant 0 : i32
      %dma_start3A_560 = tpu.memref_slice %arg10[%dma_start3A_558, %dma_start3A_559] : memref<512x32xf32, #tpu.memory_space<vmem>> -> memref<512x32xf32, #tpu.memory_space<vmem>>
      %dma_start3A_561 = arith.constant 0 : i32
      %dma_start3A_562 = tpu.memref_slice %arg6[%add3A_467, %dma_start3A_561] : memref<50176x32xf32, #tpu.memory_space<vmem_shared>> -> memref<512x32xf32, #tpu.memory_space<vmem_shared>>
      tpu.enqueue_dma source(%dma_start3A_562 : memref<512x32xf32, #tpu.memory_space<vmem_shared>>) target(%dma_start3A_560 : memref<512x32xf32, #tpu.memory_space<vmem>>) target_semaphore(%run_scoped3A_552 : memref<!tpu.dma_semaphore, #tpu.memory_space<semaphore_mem>>)
      %dma_wait3A_563 = arith.constant 0 : i32
      %dma_wait3A_564 = arith.constant 0 : i32
      %dma_wait3A_565 = tpu.memref_slice %arg10[%dma_wait3A_563, %dma_wait3A_564] : memref<512x32xf32, #tpu.memory_space<vmem>> -> memref<512x32xf32, #tpu.memory_space<vmem>>
      %dma_wait3A_566 = arith.constant 0 : i32
      %dma_wait3A_567 = tpu.memref_slice %arg6[%add3A_467, %dma_wait3A_566] : memref<50176x32xf32, #tpu.memory_space<vmem_shared>> -> memref<512x32xf32, #tpu.memory_space<vmem_shared>>
      %dma_wait3A_568 = arith.constant 0 : i32
      %dma_wait3A_569 = arith.constant 0 : i32
      %dma_wait3A_570 = tpu.memref_slice %arg10[%dma_wait3A_568, %dma_wait3A_569] : memref<512x32xf32, #tpu.memory_space<vmem>> -> memref<512x32xf32, #tpu.memory_space<vmem>>
      %dma_wait3A_571 = arith.constant 0 : i32
      %dma_wait3A_572 = tpu.memref_slice %arg6[%add3A_467, %dma_wait3A_571] : memref<50176x32xf32, #tpu.memory_space<vmem_shared>> -> memref<512x32xf32, #tpu.memory_space<vmem_shared>>
      tpu.wait_dma2 semaphore(%run_scoped3A_552 : memref<!tpu.dma_semaphore, #tpu.memory_space<semaphore_mem>>) src(%dma_wait3A_572 : memref<512x32xf32, #tpu.memory_space<vmem_shared>>) dst(%dma_wait3A_570 : memref<512x32xf32, #tpu.memory_space<vmem>>)
      tpu.yield
    }) : () -> ()
    %sub3A_468 = arith.constant 1536 : i32
    %sub3A_469 = arith.subi %min3A_399, %sub3A_468 : i32
    %jit3A_470 = arith.constant 0 : i32
    %jit3A_471 = arith.constant 512 : i32
    %max3A_472 = arith.maxsi %jit3A_470, %sub3A_469 : i32
    %min3A_473 = arith.minsi %jit3A_471, %max3A_472 : i32
    %while3A_474 = arith.constant 0 : i32
    %while3A_475 = arith.subi %min3A_473, %while3A_474 : i32
    %while3A_476 = arith.addi %while3A_474, %while3A_475 : i32
    %while3A_477 = arith.constant 1 : i32
    %while3A_478 = arith.divsi %while3A_475, %while3A_477 : i32
    %while3A_479 = arith.muli %while3A_478, %while3A_477 : i32
    %while3A_480 = arith.addi %while3A_474, %while3A_479 : i32
    %while3A_481 = arith.constant 1 : i32
    %while3A_482:2 = scf.for %while3A_552 = %while3A_474 to %while3A_480 step %while3A_481 iter_args(%while3A_553 = %while3A_463#0, %while3A_554 = %while3A_463#1) -> (vector<16xf32>, vector<16xf32>)  : i32 {
      %add3A_555 = arith.constant 1536 : i32
      %add3A_556 = arith.addi %add3A_555, %while3A_552 : i32
      %broadcast_in_dim3A_557 = vector.broadcast %add3A_556 : i32 to vector<16xi32>
      %gather3A = tpu.vector_load_idx %arg12[%broadcast_in_dim3A_557] : memref<3136xf32, #tpu.memory_space<vmem>>[vector<16xi32>], vector<16xf32>,
      %get3A_558 = arith.index_cast %while3A_552 : i32 to index
      %get3A_559 = arith.constant 0 : index
      %get3A_560 = tpu.vector_load %arg10[%get3A_558, %get3A_559] {strides = array<i32>} : memref<512x32xf32, #tpu.memory_space<vmem>>, vector<16xf32>,
      %get3A_561 = arith.index_cast %while3A_552 : i32 to index
      %get3A_562 = arith.constant 16 : index
      %get3A_563 = tpu.vector_load %arg10[%get3A_561, %get3A_562] {strides = array<i32>} : memref<512x32xf32, #tpu.memory_space<vmem>>, vector<16xf32>,
      %add3A_564 = arith.addf %get3A_560, %get3A_393 : vector<16xf32>
      %max3A_565 = arith.constant 0.000000e+00 : f32
      %max3A_566 = vector.broadcast %max3A_565 : f32 to vector<16xf32>
      %max3A_567 = arith.maximumf %add3A_564, %max3A_566 : vector<16xf32>
      %mul3A_568 = arith.mulf %gather3A, %max3A_567 : vector<16xf32>
      %add3A_569 = arith.addf %while3A_553, %mul3A_568 : vector<16xf32>
      %add3A_570 = arith.addf %get3A_563, %get3A_395 : vector<16xf32>
      %max3A_571 = arith.constant 0.000000e+00 : f32
      %max3A_572 = vector.broadcast %max3A_571 : f32 to vector<16xf32>
      %max3A_573 = arith.maximumf %add3A_570, %max3A_572 : vector<16xf32>
      %mul3A_574 = arith.mulf %gather3A, %max3A_573 : vector<16xf32>
      %add3A_575 = arith.addf %while3A_554, %mul3A_574 : vector<16xf32>
      scf.yield %add3A_569, %add3A_575 : vector<16xf32>, vector<16xf32>
    }
    %while3A_483 = arith.constant 1 : i32
    %while3A_484:2 = scf.for %while3A_552 = %while3A_480 to %while3A_476 step %while3A_483 iter_args(%while3A_553 = %while3A_482#0, %while3A_554 = %while3A_482#1) -> (vector<16xf32>, vector<16xf32>)  : i32 {
      %add3A_555 = arith.constant 1536 : i32
      %add3A_556 = arith.addi %add3A_555, %while3A_552 : i32
      %broadcast_in_dim3A_557 = vector.broadcast %add3A_556 : i32 to vector<16xi32>
      %gather3A = tpu.vector_load_idx %arg12[%broadcast_in_dim3A_557] : memref<3136xf32, #tpu.memory_space<vmem>>[vector<16xi32>], vector<16xf32>,
      %get3A_558 = arith.index_cast %while3A_552 : i32 to index
      %get3A_559 = arith.constant 0 : index
      %get3A_560 = tpu.vector_load %arg10[%get3A_558, %get3A_559] {strides = array<i32>} : memref<512x32xf32, #tpu.memory_space<vmem>>, vector<16xf32>,
      %get3A_561 = arith.index_cast %while3A_552 : i32 to index
      %get3A_562 = arith.constant 16 : index
      %get3A_563 = tpu.vector_load %arg10[%get3A_561, %get3A_562] {strides = array<i32>} : memref<512x32xf32, #tpu.memory_space<vmem>>, vector<16xf32>,
      %add3A_564 = arith.addf %get3A_560, %get3A_393 : vector<16xf32>
      %max3A_565 = arith.constant 0.000000e+00 : f32
      %max3A_566 = vector.broadcast %max3A_565 : f32 to vector<16xf32>
      %max3A_567 = arith.maximumf %add3A_564, %max3A_566 : vector<16xf32>
      %mul3A_568 = arith.mulf %gather3A, %max3A_567 : vector<16xf32>
      %add3A_569 = arith.addf %while3A_553, %mul3A_568 : vector<16xf32>
      %add3A_570 = arith.addf %get3A_563, %get3A_395 : vector<16xf32>
      %max3A_571 = arith.constant 0.000000e+00 : f32
      %max3A_572 = vector.broadcast %max3A_571 : f32 to vector<16xf32>
      %max3A_573 = arith.maximumf %add3A_570, %max3A_572 : vector<16xf32>
      %mul3A_574 = arith.mulf %gather3A, %max3A_573 : vector<16xf32>
      %add3A_575 = arith.addf %while3A_554, %mul3A_574 : vector<16xf32>
      scf.yield %add3A_569, %add3A_575 : vector<16xf32>, vector<16xf32>
    }
    %mul3A_485 = arith.constant 3136 : i32
    %mul3A_486 = arith.muli %arg1, %mul3A_485 : i32
    %add3A_487 = arith.constant 2048 : i32
    %add3A_488 = arith.addi %mul3A_486, %add3A_487 : i32
    "tpu.region"() ({
      %run_scoped3A_552 = tpu.sem_alloc : memref<!tpu.dma_semaphore, #tpu.memory_space<semaphore_mem>>
      %dma_start3A_553 = arith.constant 0 : i32
      %dma_start3A_554 = arith.constant 0 : i32
      %dma_start3A_555 = tpu.memref_slice %arg10[%dma_start3A_553, %dma_start3A_554] : memref<512x32xf32, #tpu.memory_space<vmem>> -> memref<512x32xf32, #tpu.memory_space<vmem>>
      %dma_start3A_556 = arith.constant 0 : i32
      %dma_start3A_557 = tpu.memref_slice %arg6[%add3A_488, %dma_start3A_556] : memref<50176x32xf32, #tpu.memory_space<vmem_shared>> -> memref<512x32xf32, #tpu.memory_space<vmem_shared>>
      %dma_start3A_558 = arith.constant 0 : i32
      %dma_start3A_559 = arith.constant 0 : i32
      %dma_start3A_560 = tpu.memref_slice %arg10[%dma_start3A_558, %dma_start3A_559] : memref<512x32xf32, #tpu.memory_space<vmem>> -> memref<512x32xf32, #tpu.memory_space<vmem>>
      %dma_start3A_561 = arith.constant 0 : i32
      %dma_start3A_562 = tpu.memref_slice %arg6[%add3A_488, %dma_start3A_561] : memref<50176x32xf32, #tpu.memory_space<vmem_shared>> -> memref<512x32xf32, #tpu.memory_space<vmem_shared>>
      tpu.enqueue_dma source(%dma_start3A_562 : memref<512x32xf32, #tpu.memory_space<vmem_shared>>) target(%dma_start3A_560 : memref<512x32xf32, #tpu.memory_space<vmem>>) target_semaphore(%run_scoped3A_552 : memref<!tpu.dma_semaphore, #tpu.memory_space<semaphore_mem>>)
      %dma_wait3A_563 = arith.constant 0 : i32
      %dma_wait3A_564 = arith.constant 0 : i32
      %dma_wait3A_565 = tpu.memref_slice %arg10[%dma_wait3A_563, %dma_wait3A_564] : memref<512x32xf32, #tpu.memory_space<vmem>> -> memref<512x32xf32, #tpu.memory_space<vmem>>
      %dma_wait3A_566 = arith.constant 0 : i32
      %dma_wait3A_567 = tpu.memref_slice %arg6[%add3A_488, %dma_wait3A_566] : memref<50176x32xf32, #tpu.memory_space<vmem_shared>> -> memref<512x32xf32, #tpu.memory_space<vmem_shared>>
      %dma_wait3A_568 = arith.constant 0 : i32
      %dma_wait3A_569 = arith.constant 0 : i32
      %dma_wait3A_570 = tpu.memref_slice %arg10[%dma_wait3A_568, %dma_wait3A_569] : memref<512x32xf32, #tpu.memory_space<vmem>> -> memref<512x32xf32, #tpu.memory_space<vmem>>
      %dma_wait3A_571 = arith.constant 0 : i32
      %dma_wait3A_572 = tpu.memref_slice %arg6[%add3A_488, %dma_wait3A_571] : memref<50176x32xf32, #tpu.memory_space<vmem_shared>> -> memref<512x32xf32, #tpu.memory_space<vmem_shared>>
      tpu.wait_dma2 semaphore(%run_scoped3A_552 : memref<!tpu.dma_semaphore, #tpu.memory_space<semaphore_mem>>) src(%dma_wait3A_572 : memref<512x32xf32, #tpu.memory_space<vmem_shared>>) dst(%dma_wait3A_570 : memref<512x32xf32, #tpu.memory_space<vmem>>)
      tpu.yield
    }) : () -> ()
    %sub3A_489 = arith.constant 2048 : i32
    %sub3A_490 = arith.subi %min3A_399, %sub3A_489 : i32
    %jit3A_491 = arith.constant 0 : i32
    %jit3A_492 = arith.constant 512 : i32
    %max3A_493 = arith.maxsi %jit3A_491, %sub3A_490 : i32
    %min3A_494 = arith.minsi %jit3A_492, %max3A_493 : i32
    %while3A_495 = arith.constant 0 : i32
    %while3A_496 = arith.subi %min3A_494, %while3A_495 : i32
    %while3A_497 = arith.addi %while3A_495, %while3A_496 : i32
    %while3A_498 = arith.constant 1 : i32
    %while3A_499 = arith.divsi %while3A_496, %while3A_498 : i32
    %while3A_500 = arith.muli %while3A_499, %while3A_498 : i32
    %while3A_501 = arith.addi %while3A_495, %while3A_500 : i32
    %while3A_502 = arith.constant 1 : i32
    %while3A_503:2 = scf.for %while3A_552 = %while3A_495 to %while3A_501 step %while3A_502 iter_args(%while3A_553 = %while3A_484#0, %while3A_554 = %while3A_484#1) -> (vector<16xf32>, vector<16xf32>)  : i32 {
      %add3A_555 = arith.constant 2048 : i32
      %add3A_556 = arith.addi %add3A_555, %while3A_552 : i32
      %broadcast_in_dim3A_557 = vector.broadcast %add3A_556 : i32 to vector<16xi32>
      %gather3A = tpu.vector_load_idx %arg12[%broadcast_in_dim3A_557] : memref<3136xf32, #tpu.memory_space<vmem>>[vector<16xi32>], vector<16xf32>,
      %get3A_558 = arith.index_cast %while3A_552 : i32 to index
      %get3A_559 = arith.constant 0 : index
      %get3A_560 = tpu.vector_load %arg10[%get3A_558, %get3A_559] {strides = array<i32>} : memref<512x32xf32, #tpu.memory_space<vmem>>, vector<16xf32>,
      %get3A_561 = arith.index_cast %while3A_552 : i32 to index
      %get3A_562 = arith.constant 16 : index
      %get3A_563 = tpu.vector_load %arg10[%get3A_561, %get3A_562] {strides = array<i32>} : memref<512x32xf32, #tpu.memory_space<vmem>>, vector<16xf32>,
      %add3A_564 = arith.addf %get3A_560, %get3A_393 : vector<16xf32>
      %max3A_565 = arith.constant 0.000000e+00 : f32
      %max3A_566 = vector.broadcast %max3A_565 : f32 to vector<16xf32>
      %max3A_567 = arith.maximumf %add3A_564, %max3A_566 : vector<16xf32>
      %mul3A_568 = arith.mulf %gather3A, %max3A_567 : vector<16xf32>
      %add3A_569 = arith.addf %while3A_553, %mul3A_568 : vector<16xf32>
      %add3A_570 = arith.addf %get3A_563, %get3A_395 : vector<16xf32>
      %max3A_571 = arith.constant 0.000000e+00 : f32
      %max3A_572 = vector.broadcast %max3A_571 : f32 to vector<16xf32>
      %max3A_573 = arith.maximumf %add3A_570, %max3A_572 : vector<16xf32>
      %mul3A_574 = arith.mulf %gather3A, %max3A_573 : vector<16xf32>
      %add3A_575 = arith.addf %while3A_554, %mul3A_574 : vector<16xf32>
      scf.yield %add3A_569, %add3A_575 : vector<16xf32>, vector<16xf32>
    }
    %while3A_504 = arith.constant 1 : i32
    %while3A_505:2 = scf.for %while3A_552 = %while3A_501 to %while3A_497 step %while3A_504 iter_args(%while3A_553 = %while3A_503#0, %while3A_554 = %while3A_503#1) -> (vector<16xf32>, vector<16xf32>)  : i32 {
      %add3A_555 = arith.constant 2048 : i32
      %add3A_556 = arith.addi %add3A_555, %while3A_552 : i32
      %broadcast_in_dim3A_557 = vector.broadcast %add3A_556 : i32 to vector<16xi32>
      %gather3A = tpu.vector_load_idx %arg12[%broadcast_in_dim3A_557] : memref<3136xf32, #tpu.memory_space<vmem>>[vector<16xi32>], vector<16xf32>,
      %get3A_558 = arith.index_cast %while3A_552 : i32 to index
      %get3A_559 = arith.constant 0 : index
      %get3A_560 = tpu.vector_load %arg10[%get3A_558, %get3A_559] {strides = array<i32>} : memref<512x32xf32, #tpu.memory_space<vmem>>, vector<16xf32>,
      %get3A_561 = arith.index_cast %while3A_552 : i32 to index
      %get3A_562 = arith.constant 16 : index
      %get3A_563 = tpu.vector_load %arg10[%get3A_561, %get3A_562] {strides = array<i32>} : memref<512x32xf32, #tpu.memory_space<vmem>>, vector<16xf32>,
      %add3A_564 = arith.addf %get3A_560, %get3A_393 : vector<16xf32>
      %max3A_565 = arith.constant 0.000000e+00 : f32
      %max3A_566 = vector.broadcast %max3A_565 : f32 to vector<16xf32>
      %max3A_567 = arith.maximumf %add3A_564, %max3A_566 : vector<16xf32>
      %mul3A_568 = arith.mulf %gather3A, %max3A_567 : vector<16xf32>
      %add3A_569 = arith.addf %while3A_553, %mul3A_568 : vector<16xf32>
      %add3A_570 = arith.addf %get3A_563, %get3A_395 : vector<16xf32>
      %max3A_571 = arith.constant 0.000000e+00 : f32
      %max3A_572 = vector.broadcast %max3A_571 : f32 to vector<16xf32>
      %max3A_573 = arith.maximumf %add3A_570, %max3A_572 : vector<16xf32>
      %mul3A_574 = arith.mulf %gather3A, %max3A_573 : vector<16xf32>
      %add3A_575 = arith.addf %while3A_554, %mul3A_574 : vector<16xf32>
      scf.yield %add3A_569, %add3A_575 : vector<16xf32>, vector<16xf32>
    }
    %mul3A_506 = arith.constant 3136 : i32
    %mul3A_507 = arith.muli %arg1, %mul3A_506 : i32
    %add3A_508 = arith.constant 2560 : i32
    %add3A_509 = arith.addi %mul3A_507, %add3A_508 : i32
    "tpu.region"() ({
      %run_scoped3A_552 = tpu.sem_alloc : memref<!tpu.dma_semaphore, #tpu.memory_space<semaphore_mem>>
      %dma_start3A_553 = arith.constant 0 : i32
      %dma_start3A_554 = arith.constant 0 : i32
      %dma_start3A_555 = tpu.memref_slice %arg10[%dma_start3A_553, %dma_start3A_554] : memref<512x32xf32, #tpu.memory_space<vmem>> -> memref<512x32xf32, #tpu.memory_space<vmem>>
      %dma_start3A_556 = arith.constant 0 : i32
      %dma_start3A_557 = tpu.memref_slice %arg6[%add3A_509, %dma_start3A_556] : memref<50176x32xf32, #tpu.memory_space<vmem_shared>> -> memref<512x32xf32, #tpu.memory_space<vmem_shared>>
      %dma_start3A_558 = arith.constant 0 : i32
      %dma_start3A_559 = arith.constant 0 : i32
      %dma_start3A_560 = tpu.memref_slice %arg10[%dma_start3A_558, %dma_start3A_559] : memref<512x32xf32, #tpu.memory_space<vmem>> -> memref<512x32xf32, #tpu.memory_space<vmem>>
      %dma_start3A_561 = arith.constant 0 : i32
      %dma_start3A_562 = tpu.memref_slice %arg6[%add3A_509, %dma_start3A_561] : memref<50176x32xf32, #tpu.memory_space<vmem_shared>> -> memref<512x32xf32, #tpu.memory_space<vmem_shared>>
      tpu.enqueue_dma source(%dma_start3A_562 : memref<512x32xf32, #tpu.memory_space<vmem_shared>>) target(%dma_start3A_560 : memref<512x32xf32, #tpu.memory_space<vmem>>) target_semaphore(%run_scoped3A_552 : memref<!tpu.dma_semaphore, #tpu.memory_space<semaphore_mem>>)
      %dma_wait3A_563 = arith.constant 0 : i32
      %dma_wait3A_564 = arith.constant 0 : i32
      %dma_wait3A_565 = tpu.memref_slice %arg10[%dma_wait3A_563, %dma_wait3A_564] : memref<512x32xf32, #tpu.memory_space<vmem>> -> memref<512x32xf32, #tpu.memory_space<vmem>>
      %dma_wait3A_566 = arith.constant 0 : i32
      %dma_wait3A_567 = tpu.memref_slice %arg6[%add3A_509, %dma_wait3A_566] : memref<50176x32xf32, #tpu.memory_space<vmem_shared>> -> memref<512x32xf32, #tpu.memory_space<vmem_shared>>
      %dma_wait3A_568 = arith.constant 0 : i32
      %dma_wait3A_569 = arith.constant 0 : i32
      %dma_wait3A_570 = tpu.memref_slice %arg10[%dma_wait3A_568, %dma_wait3A_569] : memref<512x32xf32, #tpu.memory_space<vmem>> -> memref<512x32xf32, #tpu.memory_space<vmem>>
      %dma_wait3A_571 = arith.constant 0 : i32
      %dma_wait3A_572 = tpu.memref_slice %arg6[%add3A_509, %dma_wait3A_571] : memref<50176x32xf32, #tpu.memory_space<vmem_shared>> -> memref<512x32xf32, #tpu.memory_space<vmem_shared>>
      tpu.wait_dma2 semaphore(%run_scoped3A_552 : memref<!tpu.dma_semaphore, #tpu.memory_space<semaphore_mem>>) src(%dma_wait3A_572 : memref<512x32xf32, #tpu.memory_space<vmem_shared>>) dst(%dma_wait3A_570 : memref<512x32xf32, #tpu.memory_space<vmem>>)
      tpu.yield
    }) : () -> ()
    %sub3A_510 = arith.constant 2560 : i32
    %sub3A_511 = arith.subi %min3A_399, %sub3A_510 : i32
    %jit3A_512 = arith.constant 0 : i32
    %jit3A_513 = arith.constant 512 : i32
    %max3A_514 = arith.maxsi %jit3A_512, %sub3A_511 : i32
    %min3A_515 = arith.minsi %jit3A_513, %max3A_514 : i32
    %while3A_516 = arith.constant 0 : i32
    %while3A_517 = arith.subi %min3A_515, %while3A_516 : i32
    %while3A_518 = arith.addi %while3A_516, %while3A_517 : i32
    %while3A_519 = arith.constant 1 : i32
    %while3A_520 = arith.divsi %while3A_517, %while3A_519 : i32
    %while3A_521 = arith.muli %while3A_520, %while3A_519 : i32
    %while3A_522 = arith.addi %while3A_516, %while3A_521 : i32
    %while3A_523 = arith.constant 1 : i32
    %while3A_524:2 = scf.for %while3A_552 = %while3A_516 to %while3A_522 step %while3A_523 iter_args(%while3A_553 = %while3A_505#0, %while3A_554 = %while3A_505#1) -> (vector<16xf32>, vector<16xf32>)  : i32 {
      %add3A_555 = arith.constant 2560 : i32
      %add3A_556 = arith.addi %add3A_555, %while3A_552 : i32
      %broadcast_in_dim3A_557 = vector.broadcast %add3A_556 : i32 to vector<16xi32>
      %gather3A = tpu.vector_load_idx %arg12[%broadcast_in_dim3A_557] : memref<3136xf32, #tpu.memory_space<vmem>>[vector<16xi32>], vector<16xf32>,
      %get3A_558 = arith.index_cast %while3A_552 : i32 to index
      %get3A_559 = arith.constant 0 : index
      %get3A_560 = tpu.vector_load %arg10[%get3A_558, %get3A_559] {strides = array<i32>} : memref<512x32xf32, #tpu.memory_space<vmem>>, vector<16xf32>,
      %get3A_561 = arith.index_cast %while3A_552 : i32 to index
      %get3A_562 = arith.constant 16 : index
      %get3A_563 = tpu.vector_load %arg10[%get3A_561, %get3A_562] {strides = array<i32>} : memref<512x32xf32, #tpu.memory_space<vmem>>, vector<16xf32>,
      %add3A_564 = arith.addf %get3A_560, %get3A_393 : vector<16xf32>
      %max3A_565 = arith.constant 0.000000e+00 : f32
      %max3A_566 = vector.broadcast %max3A_565 : f32 to vector<16xf32>
      %max3A_567 = arith.maximumf %add3A_564, %max3A_566 : vector<16xf32>
      %mul3A_568 = arith.mulf %gather3A, %max3A_567 : vector<16xf32>
      %add3A_569 = arith.addf %while3A_553, %mul3A_568 : vector<16xf32>
      %add3A_570 = arith.addf %get3A_563, %get3A_395 : vector<16xf32>
      %max3A_571 = arith.constant 0.000000e+00 : f32
      %max3A_572 = vector.broadcast %max3A_571 : f32 to vector<16xf32>
      %max3A_573 = arith.maximumf %add3A_570, %max3A_572 : vector<16xf32>
      %mul3A_574 = arith.mulf %gather3A, %max3A_573 : vector<16xf32>
      %add3A_575 = arith.addf %while3A_554, %mul3A_574 : vector<16xf32>
      scf.yield %add3A_569, %add3A_575 : vector<16xf32>, vector<16xf32>
    }
    %while3A_525 = arith.constant 1 : i32
    %while3A_526:2 = scf.for %while3A_552 = %while3A_522 to %while3A_518 step %while3A_525 iter_args(%while3A_553 = %while3A_524#0, %while3A_554 = %while3A_524#1) -> (vector<16xf32>, vector<16xf32>)  : i32 {
      %add3A_555 = arith.constant 2560 : i32
      %add3A_556 = arith.addi %add3A_555, %while3A_552 : i32
      %broadcast_in_dim3A_557 = vector.broadcast %add3A_556 : i32 to vector<16xi32>
      %gather3A = tpu.vector_load_idx %arg12[%broadcast_in_dim3A_557] : memref<3136xf32, #tpu.memory_space<vmem>>[vector<16xi32>], vector<16xf32>,
      %get3A_558 = arith.index_cast %while3A_552 : i32 to index
      %get3A_559 = arith.constant 0 : index
      %get3A_560 = tpu.vector_load %arg10[%get3A_558, %get3A_559] {strides = array<i32>} : memref<512x32xf32, #tpu.memory_space<vmem>>, vector<16xf32>,
      %get3A_561 = arith.index_cast %while3A_552 : i32 to index
      %get3A_562 = arith.constant 16 : index
      %get3A_563 = tpu.vector_load %arg10[%get3A_561, %get3A_562] {strides = array<i32>} : memref<512x32xf32, #tpu.memory_space<vmem>>, vector<16xf32>,
      %add3A_564 = arith.addf %get3A_560, %get3A_393 : vector<16xf32>
      %max3A_565 = arith.constant 0.000000e+00 : f32
      %max3A_566 = vector.broadcast %max3A_565 : f32 to vector<16xf32>
      %max3A_567 = arith.maximumf %add3A_564, %max3A_566 : vector<16xf32>
      %mul3A_568 = arith.mulf %gather3A, %max3A_567 : vector<16xf32>
      %add3A_569 = arith.addf %while3A_553, %mul3A_568 : vector<16xf32>
      %add3A_570 = arith.addf %get3A_563, %get3A_395 : vector<16xf32>
      %max3A_571 = arith.constant 0.000000e+00 : f32
      %max3A_572 = vector.broadcast %max3A_571 : f32 to vector<16xf32>
      %max3A_573 = arith.maximumf %add3A_570, %max3A_572 : vector<16xf32>
      %mul3A_574 = arith.mulf %gather3A, %max3A_573 : vector<16xf32>
      %add3A_575 = arith.addf %while3A_554, %mul3A_574 : vector<16xf32>
      scf.yield %add3A_569, %add3A_575 : vector<16xf32>, vector<16xf32>
    }
    %mul3A_527 = arith.constant 3136 : i32
    %mul3A_528 = arith.muli %arg1, %mul3A_527 : i32
    %add3A_529 = arith.constant 3072 : i32
    %add3A_530 = arith.addi %mul3A_528, %add3A_529 : i32
    "tpu.region"() ({
      %run_scoped3A_552 = tpu.sem_alloc : memref<!tpu.dma_semaphore, #tpu.memory_space<semaphore_mem>>
      %dma_start3A_553 = arith.constant 0 : i32
      %dma_start3A_554 = arith.constant 0 : i32
      %dma_start3A_555 = tpu.memref_slice %arg10[%dma_start3A_553, %dma_start3A_554] : memref<512x32xf32, #tpu.memory_space<vmem>> -> memref<64x32xf32, #tpu.memory_space<vmem>>
      %dma_start3A_556 = arith.constant 0 : i32
      %dma_start3A_557 = tpu.memref_slice %arg6[%add3A_530, %dma_start3A_556] : memref<50176x32xf32, #tpu.memory_space<vmem_shared>> -> memref<64x32xf32, #tpu.memory_space<vmem_shared>>
      %dma_start3A_558 = arith.constant 0 : i32
      %dma_start3A_559 = arith.constant 0 : i32
      %dma_start3A_560 = tpu.memref_slice %arg10[%dma_start3A_558, %dma_start3A_559] : memref<512x32xf32, #tpu.memory_space<vmem>> -> memref<64x32xf32, #tpu.memory_space<vmem>>
      %dma_start3A_561 = arith.constant 0 : i32
      %dma_start3A_562 = tpu.memref_slice %arg6[%add3A_530, %dma_start3A_561] : memref<50176x32xf32, #tpu.memory_space<vmem_shared>> -> memref<64x32xf32, #tpu.memory_space<vmem_shared>>
      tpu.enqueue_dma source(%dma_start3A_562 : memref<64x32xf32, #tpu.memory_space<vmem_shared>>) target(%dma_start3A_560 : memref<64x32xf32, #tpu.memory_space<vmem>>) target_semaphore(%run_scoped3A_552 : memref<!tpu.dma_semaphore, #tpu.memory_space<semaphore_mem>>)
      %dma_wait3A_563 = arith.constant 0 : i32
      %dma_wait3A_564 = arith.constant 0 : i32
      %dma_wait3A_565 = tpu.memref_slice %arg10[%dma_wait3A_563, %dma_wait3A_564] : memref<512x32xf32, #tpu.memory_space<vmem>> -> memref<64x32xf32, #tpu.memory_space<vmem>>
      %dma_wait3A_566 = arith.constant 0 : i32
      %dma_wait3A_567 = tpu.memref_slice %arg6[%add3A_530, %dma_wait3A_566] : memref<50176x32xf32, #tpu.memory_space<vmem_shared>> -> memref<64x32xf32, #tpu.memory_space<vmem_shared>>
      %dma_wait3A_568 = arith.constant 0 : i32
      %dma_wait3A_569 = arith.constant 0 : i32
      %dma_wait3A_570 = tpu.memref_slice %arg10[%dma_wait3A_568, %dma_wait3A_569] : memref<512x32xf32, #tpu.memory_space<vmem>> -> memref<64x32xf32, #tpu.memory_space<vmem>>
      %dma_wait3A_571 = arith.constant 0 : i32
      %dma_wait3A_572 = tpu.memref_slice %arg6[%add3A_530, %dma_wait3A_571] : memref<50176x32xf32, #tpu.memory_space<vmem_shared>> -> memref<64x32xf32, #tpu.memory_space<vmem_shared>>
      tpu.wait_dma2 semaphore(%run_scoped3A_552 : memref<!tpu.dma_semaphore, #tpu.memory_space<semaphore_mem>>) src(%dma_wait3A_572 : memref<64x32xf32, #tpu.memory_space<vmem_shared>>) dst(%dma_wait3A_570 : memref<64x32xf32, #tpu.memory_space<vmem>>)
      tpu.yield
    }) : () -> ()
    %sub3A_531 = arith.constant 3072 : i32
    %sub3A_532 = arith.subi %min3A_399, %sub3A_531 : i32
    %jit3A_533 = arith.constant 0 : i32
    %jit3A_534 = arith.constant 64 : i32
    %max3A_535 = arith.maxsi %jit3A_533, %sub3A_532 : i32
    %min3A_536 = arith.minsi %jit3A_534, %max3A_535 : i32
    %while3A_537 = arith.constant 0 : i32
    %while3A_538 = arith.subi %min3A_536, %while3A_537 : i32
    %while3A_539 = arith.addi %while3A_537, %while3A_538 : i32
    %while3A_540 = arith.constant 1 : i32
    %while3A_541 = arith.divsi %while3A_538, %while3A_540 : i32
    %while3A_542 = arith.muli %while3A_541, %while3A_540 : i32
    %while3A_543 = arith.addi %while3A_537, %while3A_542 : i32
    %while3A_544 = arith.constant 1 : i32
    %while3A_545:2 = scf.for %while3A_552 = %while3A_537 to %while3A_543 step %while3A_544 iter_args(%while3A_553 = %while3A_526#0, %while3A_554 = %while3A_526#1) -> (vector<16xf32>, vector<16xf32>)  : i32 {
      %add3A_555 = arith.constant 3072 : i32
      %add3A_556 = arith.addi %add3A_555, %while3A_552 : i32
      %broadcast_in_dim3A_557 = vector.broadcast %add3A_556 : i32 to vector<16xi32>
      %gather3A = tpu.vector_load_idx %arg12[%broadcast_in_dim3A_557] : memref<3136xf32, #tpu.memory_space<vmem>>[vector<16xi32>], vector<16xf32>,
      %get3A_558 = arith.index_cast %while3A_552 : i32 to index
      %get3A_559 = arith.constant 0 : index
      %get3A_560 = tpu.vector_load %arg10[%get3A_558, %get3A_559] {strides = array<i32>} : memref<512x32xf32, #tpu.memory_space<vmem>>, vector<16xf32>,
      %get3A_561 = arith.index_cast %while3A_552 : i32 to index
      %get3A_562 = arith.constant 16 : index
      %get3A_563 = tpu.vector_load %arg10[%get3A_561, %get3A_562] {strides = array<i32>} : memref<512x32xf32, #tpu.memory_space<vmem>>, vector<16xf32>,
      %add3A_564 = arith.addf %get3A_560, %get3A_393 : vector<16xf32>
      %max3A_565 = arith.constant 0.000000e+00 : f32
      %max3A_566 = vector.broadcast %max3A_565 : f32 to vector<16xf32>
      %max3A_567 = arith.maximumf %add3A_564, %max3A_566 : vector<16xf32>
      %mul3A_568 = arith.mulf %gather3A, %max3A_567 : vector<16xf32>
      %add3A_569 = arith.addf %while3A_553, %mul3A_568 : vector<16xf32>
      %add3A_570 = arith.addf %get3A_563, %get3A_395 : vector<16xf32>
      %max3A_571 = arith.constant 0.000000e+00 : f32
      %max3A_572 = vector.broadcast %max3A_571 : f32 to vector<16xf32>
      %max3A_573 = arith.maximumf %add3A_570, %max3A_572 : vector<16xf32>
      %mul3A_574 = arith.mulf %gather3A, %max3A_573 : vector<16xf32>
      %add3A_575 = arith.addf %while3A_554, %mul3A_574 : vector<16xf32>
      scf.yield %add3A_569, %add3A_575 : vector<16xf32>, vector<16xf32>
    }
    %while3A_546 = arith.constant 1 : i32
    %while3A_547:2 = scf.for %while3A_552 = %while3A_543 to %while3A_539 step %while3A_546 iter_args(%while3A_553 = %while3A_545#0, %while3A_554 = %while3A_545#1) -> (vector<16xf32>, vector<16xf32>)  : i32 {
      %add3A_555 = arith.constant 3072 : i32
      %add3A_556 = arith.addi %add3A_555, %while3A_552 : i32
      %broadcast_in_dim3A_557 = vector.broadcast %add3A_556 : i32 to vector<16xi32>
      %gather3A = tpu.vector_load_idx %arg12[%broadcast_in_dim3A_557] : memref<3136xf32, #tpu.memory_space<vmem>>[vector<16xi32>], vector<16xf32>,
      %get3A_558 = arith.index_cast %while3A_552 : i32 to index
      %get3A_559 = arith.constant 0 : index
      %get3A_560 = tpu.vector_load %arg10[%get3A_558, %get3A_559] {strides = array<i32>} : memref<512x32xf32, #tpu.memory_space<vmem>>, vector<16xf32>,
      %get3A_561 = arith.index_cast %while3A_552 : i32 to index
      %get3A_562 = arith.constant 16 : index
      %get3A_563 = tpu.vector_load %arg10[%get3A_561, %get3A_562] {strides = array<i32>} : memref<512x32xf32, #tpu.memory_space<vmem>>, vector<16xf32>,
      %add3A_564 = arith.addf %get3A_560, %get3A_393 : vector<16xf32>
      %max3A_565 = arith.constant 0.000000e+00 : f32
      %max3A_566 = vector.broadcast %max3A_565 : f32 to vector<16xf32>
      %max3A_567 = arith.maximumf %add3A_564, %max3A_566 : vector<16xf32>
      %mul3A_568 = arith.mulf %gather3A, %max3A_567 : vector<16xf32>
      %add3A_569 = arith.addf %while3A_553, %mul3A_568 : vector<16xf32>
      %add3A_570 = arith.addf %get3A_563, %get3A_395 : vector<16xf32>
      %max3A_571 = arith.constant 0.000000e+00 : f32
      %max3A_572 = vector.broadcast %max3A_571 : f32 to vector<16xf32>
      %max3A_573 = arith.maximumf %add3A_570, %max3A_572 : vector<16xf32>
      %mul3A_574 = arith.mulf %gather3A, %max3A_573 : vector<16xf32>
      %add3A_575 = arith.addf %while3A_554, %mul3A_574 : vector<16xf32>
      scf.yield %add3A_569, %add3A_575 : vector<16xf32>, vector<16xf32>
    }
    %swap3A_548 = arith.constant 0 : index
    %swap3A_549 = tpu.vector_load %arg11[%swap3A_548] {strides = array<i32>} : memref<128xf32, #tpu.memory_space<vmem>>, vector<16xf32>,
    tpu.vector_store %arg11[%swap3A_548], %while3A_547#0 {strides = array<i32>} : memref<128xf32, #tpu.memory_space<vmem>>, vector<16xf32>,
    %swap3A_550 = arith.constant 16 : index
    %swap3A_551 = tpu.vector_load %arg11[%swap3A_550] {strides = array<i32>} : memref<128xf32, #tpu.memory_space<vmem>>, vector<16xf32>,
    tpu.vector_store %arg11[%swap3A_550], %while3A_547#1 {strides = array<i32>} : memref<128xf32, #tpu.memory_space<vmem>>, vector<16xf32>,
    "tpu.region"() ({
      %run_scoped3A_552 = tpu.sem_alloc : memref<!tpu.dma_semaphore, #tpu.memory_space<semaphore_mem>>
      %dma_start3A_553 = arith.constant 0 : i32
      %dma_start3A_554 = tpu.memref_slice %arg11[%dma_start3A_553] : memref<128xf32, #tpu.memory_space<vmem>> -> memref<32xf32, #tpu.memory_space<vmem>>
      %dma_start3A_555 = arith.constant 0 : i32
      %dma_start3A_556 = tpu.memref_slice %arg5[%arg0, %arg1, %dma_start3A_555] : memref<2x16x32xf32, #tpu.memory_space<hbm>> -> memref<1x1x32xf32, #tpu.memory_space<hbm>>
      %dma_start3A_557 = tpu.memref_squeeze %dma_start3A_556 : memref<1x1x32xf32, #tpu.memory_space<hbm>> -> memref<32xf32, #tpu.memory_space<hbm>>
      %dma_start3A_558 = arith.constant 0 : i32
      %dma_start3A_559 = tpu.memref_slice %arg5[%arg0, %arg1, %dma_start3A_558] : memref<2x16x32xf32, #tpu.memory_space<hbm>> -> memref<1x1x32xf32, #tpu.memory_space<hbm>>
      %dma_start3A_560 = tpu.memref_squeeze %dma_start3A_559 : memref<1x1x32xf32, #tpu.memory_space<hbm>> -> memref<32xf32, #tpu.memory_space<hbm>>
      %dma_start3A_561 = arith.constant 0 : i32
      %dma_start3A_562 = tpu.memref_slice %arg11[%dma_start3A_561] : memref<128xf32, #tpu.memory_space<vmem>> -> memref<32xf32, #tpu.memory_space<vmem>>
      tpu.enqueue_dma source(%dma_start3A_562 : memref<32xf32, #tpu.memory_space<vmem>>) target(%dma_start3A_560 : memref<32xf32, #tpu.memory_space<hbm>>) target_semaphore(%run_scoped3A_552 : memref<!tpu.dma_semaphore, #tpu.memory_space<semaphore_mem>>)
      %dma_wait3A_563 = arith.constant 0 : i32
      %dma_wait3A_564 = tpu.memref_slice %arg11[%dma_wait3A_563] : memref<128xf32, #tpu.memory_space<vmem>> -> memref<32xf32, #tpu.memory_space<vmem>>
      %dma_wait3A_565 = arith.constant 0 : i32
      %dma_wait3A_566 = tpu.memref_slice %arg5[%arg0, %arg1, %dma_wait3A_565] : memref<2x16x32xf32, #tpu.memory_space<hbm>> -> memref<1x1x32xf32, #tpu.memory_space<hbm>>
      %dma_wait3A_567 = tpu.memref_squeeze %dma_wait3A_566 : memref<1x1x32xf32, #tpu.memory_space<hbm>> -> memref<32xf32, #tpu.memory_space<hbm>>
      %dma_wait3A_568 = arith.constant 0 : i32
      %dma_wait3A_569 = tpu.memref_slice %arg5[%arg0, %arg1, %dma_wait3A_568] : memref<2x16x32xf32, #tpu.memory_space<hbm>> -> memref<1x1x32xf32, #tpu.memory_space<hbm>>
      %dma_wait3A_570 = tpu.memref_squeeze %dma_wait3A_569 : memref<1x1x32xf32, #tpu.memory_space<hbm>> -> memref<32xf32, #tpu.memory_space<hbm>>
      %dma_wait3A_571 = arith.constant 0 : i32
      %dma_wait3A_572 = tpu.memref_slice %arg11[%dma_wait3A_571] : memref<128xf32, #tpu.memory_space<vmem>> -> memref<32xf32, #tpu.memory_space<vmem>>
      tpu.wait_dma2 semaphore(%run_scoped3A_552 : memref<!tpu.dma_semaphore, #tpu.memory_space<semaphore_mem>>) src(%dma_wait3A_572 : memref<32xf32, #tpu.memory_space<vmem>>) dst(%dma_wait3A_570 : memref<32xf32, #tpu.memory_space<hbm>>)
      tpu.yield
    }) : () -> ()
    return
  }
}

module attributes {stable_mosaic.version = 14 : i64} {
  func.func @_proj_body(%arg0: i32, %arg1: memref<256x256xf32, #tpu.memory_space<vmem>>, %arg2: memref<256x128xf32, #tpu.memory_space<vmem>>, %arg3: memref<256x128xf32, #tpu.memory_space<vmem>>, %arg4: memref<2x256x128xf32, #tpu.memory_space<vmem>>) attributes {dimension_semantics = [#tpu.dimension_semantics<arbitrary>], iteration_bounds = array<i64: 49>, scalar_prefetch = 0 : i64, scratch_operands = 0 : i64, tpu.core_type = #tpu.core_type<tc>, window_params = [{transform_indices = @transform_0, window_bounds = array<i64: 256, 256>}, {pipeline_mode = #tpu.pipeline_mode<synchronous>, transform_indices = @transform_1, window_bounds = array<i64: 256, 128>}, {pipeline_mode = #tpu.pipeline_mode<synchronous>, transform_indices = @transform_2, window_bounds = array<i64: 256, 128>}, {transform_indices = @transform_3, window_bounds = array<i64: 2, 256, 128>}]} {
    %get3A = arith.constant 0 : index
    %get3A_0 = arith.constant 0 : index
    %get3A_1 = vector.load %arg1[%get3A, %get3A_0] : memref<256x256xf32, #tpu.memory_space<vmem>>, vector<256x256xf32>
    %get3A_2 = arith.constant 0 : index
    %get3A_3 = arith.constant 0 : index
    %get3A_4 = vector.load %arg2[%get3A_2, %get3A_3] : memref<256x128xf32, #tpu.memory_space<vmem>>, vector<256x128xf32>
    %dot_general3A = arith.constant dense<0.000000e+00> : vector<256x128xf32>
    %dot_general3A_5 = tpu.matmul %get3A_1, %get3A_4, %dot_general3A {dimension_numbers = #tpu.dot_dimension_numbers<[1], [0], [0], [1], [0, 0, 1, 1], [], []>, transpose_lhs_hint = false} : vector<256x256xf32>, vector<256x128xf32>, vector<256x128xf32> -> vector<256x128xf32>
    %swap3A = arith.constant 0 : index
    %swap3A_6 = arith.constant 0 : index
    %swap3A_7 = arith.constant 0 : index
    %swap3A_8 = vector.load %arg4[%swap3A, %swap3A_6, %swap3A_7] : memref<2x256x128xf32, #tpu.memory_space<vmem>>, vector<1x256x128xf32>
    %swap3A_9 = vector.shape_cast %swap3A_8 : vector<1x256x128xf32> to vector<256x128xf32>
    %swap3A_10 = vector.shape_cast %dot_general3A_5 : vector<256x128xf32> to vector<1x256x128xf32>
    tpu.vector_store %arg4[%swap3A, %swap3A_6, %swap3A_7], %swap3A_10 {strides = array<i32>} : memref<2x256x128xf32, #tpu.memory_space<vmem>>, vector<1x256x128xf32>,
    %get3A_11 = arith.constant 0 : index
    %get3A_12 = arith.constant 0 : index
    %get3A_13 = vector.load %arg3[%get3A_11, %get3A_12] : memref<256x128xf32, #tpu.memory_space<vmem>>, vector<256x128xf32>
    %dot_general3A_14 = arith.constant dense<0.000000e+00> : vector<256x128xf32>
    %dot_general3A_15 = tpu.matmul %get3A_1, %get3A_13, %dot_general3A_14 {dimension_numbers = #tpu.dot_dimension_numbers<[1], [0], [0], [1], [0, 0, 1, 1], [], []>, transpose_lhs_hint = false} : vector<256x256xf32>, vector<256x128xf32>, vector<256x128xf32> -> vector<256x128xf32>
    %swap3A_16 = arith.constant 1 : index
    %swap3A_17 = arith.constant 0 : index
    %swap3A_18 = arith.constant 0 : index
    %swap3A_19 = vector.load %arg4[%swap3A_16, %swap3A_17, %swap3A_18] : memref<2x256x128xf32, #tpu.memory_space<vmem>>, vector<1x256x128xf32>
    %swap3A_20 = vector.shape_cast %swap3A_19 : vector<1x256x128xf32> to vector<256x128xf32>
    %swap3A_21 = vector.shape_cast %dot_general3A_15 : vector<256x128xf32> to vector<1x256x128xf32>
    tpu.vector_store %arg4[%swap3A_16, %swap3A_17, %swap3A_18], %swap3A_21 {strides = array<i32>} : memref<2x256x128xf32, #tpu.memory_space<vmem>>, vector<1x256x128xf32>,
    return
  }
  func.func @transform_0(%arg0: i32) -> (i32, i32) {
    %c0_i32 = arith.constant 0 : i32
    %c0_i32_0 = arith.constant 0 : i32
    return %arg0, %c0_i32 : i32, i32
  }
  func.func @transform_1(%arg0: i32) -> (i32, i32) {
    %c0_i32 = arith.constant 0 : i32
    %c0_i32_0 = arith.constant 0 : i32
    %c0_i32_1 = arith.constant 0 : i32
    return %c0_i32, %c0_i32_0 : i32, i32
  }
  func.func @transform_2(%arg0: i32) -> (i32, i32) {
    %c0_i32 = arith.constant 0 : i32
    %c0_i32_0 = arith.constant 0 : i32
    %c0_i32_1 = arith.constant 0 : i32
    return %c0_i32, %c0_i32_0 : i32, i32
  }
  func.func @transform_3(%arg0: i32) -> (i32, i32, i32) {
    %c0_i32 = arith.constant 0 : i32
    %c0_i32_0 = arith.constant 0 : i32
    %c0_i32_1 = arith.constant 0 : i32
    return %c0_i32, %arg0, %c0_i32_0 : i32, i32, i32
  }
}

module attributes {stable_mosaic.version = 14 : i64} {
  func.func @_finish_body(%arg0: memref<2x16x32xf32, #tpu.memory_space<vmem>>, %arg1: memref<32x64xf32, #tpu.memory_space<vmem>>, %arg2: memref<32x64xf32, #tpu.memory_space<vmem>>, %arg3: memref<1x64xf32, #tpu.memory_space<vmem>>, %arg4: memref<1x64xf32, #tpu.memory_space<vmem>>) attributes {dimension_semantics = [], scalar_prefetch = 0 : i64, scratch_operands = 0 : i64, tpu.core_type = #tpu.core_type<tc>} {
    %get3A = arith.constant 0 : index
    %get3A_0 = arith.constant 0 : index
    %get3A_1 = arith.constant 0 : index
    %get3A_2 = vector.load %arg0[%get3A, %get3A_0, %get3A_1] : memref<2x16x32xf32, #tpu.memory_space<vmem>>, vector<1x16x32xf32>
    %get3A_3 = vector.shape_cast %get3A_2 : vector<1x16x32xf32> to vector<16x32xf32>
    %reduce_sum3A = arith.constant dense<0.000000e+00> : vector<32xf32>
    %reduce_sum3A_4 = vector.multi_reduction <add>, %get3A_3, %reduce_sum3A [0] : vector<16x32xf32> to vector<32xf32>
    %broadcast_in_dim3A = vector.shape_cast %reduce_sum3A_4 : vector<32xf32> to vector<1x32xf32>
    %get3A_5 = arith.constant 1 : index
    %get3A_6 = arith.constant 0 : index
    %get3A_7 = arith.constant 0 : index
    %get3A_8 = vector.load %arg0[%get3A_5, %get3A_6, %get3A_7] : memref<2x16x32xf32, #tpu.memory_space<vmem>>, vector<1x16x32xf32>
    %get3A_9 = vector.shape_cast %get3A_8 : vector<1x16x32xf32> to vector<16x32xf32>
    %reduce_sum3A_10 = arith.constant dense<0.000000e+00> : vector<32xf32>
    %reduce_sum3A_11 = vector.multi_reduction <add>, %get3A_9, %reduce_sum3A_10 [0] : vector<16x32xf32> to vector<32xf32>
    %broadcast_in_dim3A_12 = vector.shape_cast %reduce_sum3A_11 : vector<32xf32> to vector<1x32xf32>
    %get3A_13 = arith.constant 0 : index
    %get3A_14 = arith.constant 0 : index
    %get3A_15 = vector.load %arg1[%get3A_13, %get3A_14] : memref<32x64xf32, #tpu.memory_space<vmem>>, vector<32x64xf32>
    %dot_general3A = arith.constant dense<0.000000e+00> : vector<1x64xf32>
    %dot_general3A_16 = tpu.matmul %broadcast_in_dim3A, %get3A_15, %dot_general3A {dimension_numbers = #tpu.dot_dimension_numbers<[1], [0], [0], [1], [0, 0, 1, 1], [], []>, transpose_lhs_hint = false} : vector<1x32xf32>, vector<32x64xf32>, vector<1x64xf32> -> vector<1x64xf32>
    %get3A_17 = arith.constant 0 : index
    %get3A_18 = arith.constant 0 : index
    %get3A_19 = vector.load %arg2[%get3A_17, %get3A_18] : memref<32x64xf32, #tpu.memory_space<vmem>>, vector<32x64xf32>
    %dot_general3A_20 = arith.constant dense<0.000000e+00> : vector<1x64xf32>
    %dot_general3A_21 = tpu.matmul %broadcast_in_dim3A_12, %get3A_19, %dot_general3A_20 {dimension_numbers = #tpu.dot_dimension_numbers<[1], [0], [0], [1], [0, 0, 1, 1], [], []>, transpose_lhs_hint = false} : vector<1x32xf32>, vector<32x64xf32>, vector<1x64xf32> -> vector<1x64xf32>
    %add3A = arith.addf %dot_general3A_16, %dot_general3A_21 : vector<1x64xf32>
    %mul3A = arith.constant 2.000000e-05 : f32
    %mul3A_22 = vector.broadcast %mul3A : f32 to vector<1x64xf32>
    %mul3A_23 = arith.mulf %add3A, %mul3A_22 : vector<1x64xf32>
    %get3A_24 = arith.constant 0 : index
    %get3A_25 = arith.constant 0 : index
    %get3A_26 = vector.load %arg3[%get3A_24, %get3A_25] : memref<1x64xf32, #tpu.memory_space<vmem>>, vector<1x64xf32>
    %add3A_27 = arith.addf %mul3A_23, %get3A_26 : vector<1x64xf32>
    %swap3A = arith.constant 0 : index
    %swap3A_28 = arith.constant 0 : index
    %swap3A_29 = vector.load %arg4[%swap3A, %swap3A_28] : memref<1x64xf32, #tpu.memory_space<vmem>>, vector<1x64xf32>
    tpu.vector_store %arg4[%swap3A, %swap3A_28], %add3A_27 {strides = array<i32>} : memref<1x64xf32, #tpu.memory_space<vmem>>, vector<1x64xf32>,
    return
  }
}

</mosaic_0001>

<sc_bundles>
// kernel: kernel.5.cloned.1.call-start
scs
__scs_entry_jumppad:
0x0: {  	(pc) =	sbr.rel $0x88, $3  }
0x1: {  	(tag) =	ssettag $0x0;
	lr =	simm.s32 $0x1  }
0x2: {  	[smem:$0x3F9B] =	sst lr;
	_ =	strace $0xD0000000  }
0x3: {  	_ = 	snop  }
0x4: {  	_ = 	snop  }
0x5: {  	_ = 	snop  }
0x6: {  	_ = 	snop  }
0x7: {  	_ = 	snop  }
__scs_overlays_trampoline_lowered:
0x8: {  	[smem:$0x3FAA] =	sst s0  }
0x9: {  	[smem:$0x3FAB] =	sst s1  }
0xa: {  	[smem:$0x3FAC] =	sst s2  }
0xb: {  	[smem:$0x3FAD] =	sst s3  }
0xc: {  	[smem:$0x3FAE] =	sst s4  }
0xd: {  	[smem:$0x3FAF] =	sst s5  }
0xe: {  	[smem:$0x3FB0] =	sst s6  }
0xf: {  	[smem:$0x3FB1] =	sst s7  }
0x10: {  	[smem:$0x3FB2] =	sst s8  }
0x11: {  	[smem:$0x3FB3] =	sst s9;
	s0 =	simm.s32 @!p0 $0x0  }
0x12: {  	s1 =	sld [smem:$0x3F99];
	s0 =	simm.s32 @p0 $0x1  }
0x13: {  	[smem:$0x3FB4] =	sst s0;
	s0 =	simm.s32 @!p1 $0x0  }
0x14: {  	s2 =	sld [smem:$0x3F98];
	s0 =	simm.s32 @p1 $0x1  }
0x15: {  	[smem:$0x3FB5] =	sst s0;
	s0 =	simm.s32 @!p2 $0x0  }
0x16: {  	s3 =	sld [smem:$0x3FDB];
	s0 =	simm.s32 @p2 $0x1  }
0x17: {  	s4 =	simm.s32 $0x1BF5;
	[smem:$0x3FB7] =	sst s0  }
0x18: {  	s0 =	sld [smem:$0x3F9A];
	_ =	swait.ge [sflag:s4], $0x0  }
0x19: {  	s7 =	sld [smem:$0x3F9B]  }
0x1a: {  	s8 =	sadd.s32 $0xFFFFE003, lr  }
0x1b: {  	s9 =	sadd.s32 $0xFFFFFEF7, lr;
	s5 =	simm.s32 $0xFFFFFFFF;
	p2 =	slt.u32 s8, $0xFFFFF086  }
0x1c: {  	p1 =	slt.u32 s9, $0xF7A;
	s5 =	simm.s32 @!p2 $0x0  }
0x1d: {  	s5 =	simm.s32 @p1 $0x1;
	p0 =	seq.s32 s7, s2  }
0x1e: {  	s7 =	smul.u32 @!p0 $0xF7A, s2;
	p2 =	seq.s32 @!p0 s5, $0x0  }
0x1f: {  	s9 =	smul.u32 $0xF7A, s1;
	s8 =	simm.s32 @!p0 $0x1BF5;
	p2 =	por !p2, p0  }
0x20: {  	[sflag:s8] =	ssyncset.s32 @!p0 $0xFFFFF086;
	s6 =	sadd.s32 @!p0 s3, s7;
	s7 =	simm.s32 @!p0 $0x108  }
0x21: {  	s3 =	sadd.s32 s3, s9;
	s6 =	sadd.s32 @!p0 $0x88, s6;
	s7 =	simm.s32 @p2 $0x1082  }
0x22: {  	[simem:s7], [sflag:s8] =	dma.local @!p0 [hbm:s6], $0xF7A  }
0x23: {  	s9 =	sor.u32 $0xD0000000, s2;
	s6 =	simm.s32 $0x108;
	_ =	swait.ge @!p0 [sflag:s8], $0x0  }
0x24: {  	s3 =	sadd.s32 $0x88, s3;
	s6 =	simm.s32 @!p1 $0x1082;
	[sflag:s4] =	ssyncset.s32 $0xFFFFF086  }
0x25: {  	[simem:s6], [sflag:s4] =	dma.local [hbm:s3], $0xF7A  }
0x26: {  	[smem:$0x3F9B] =	sst s1;
	(tag) =	ssettag s2;
	_ =	strace s9  }
0x27: {  	s1 =	sld [smem:$0x3FAB]  }
0x28: {  	s2 =	sld [smem:$0x3FAC]  }
0x29: {  	s4 =	sld [smem:$0x3FAE]  }
0x2a: {  	p0 =	seq.s32 s5, $0x0;
	s5 =	sld [smem:$0x3FAF]  }
0x2b: {  	s6 =	sld [smem:$0x3FB0]  }
0x2c: {  	s7 =	sld [smem:$0x3FB1]  }
0x2d: {  	s3 =	simm.s32 $0x108;
	s8 =	sld [smem:$0x3FB2]  }
0x2e: {  	s3 =	simm.s32 @!p0 $0x1082;
	s9 =	sld [smem:$0x3FB3]  }
0x2f: {  	lr =	sadd.s32 s0, s3;
	s0 =	sld [smem:$0x3FAA]  }
0x30: {  	s3 =	sld [smem:$0x3FAD]  }
0x31: {  	[smem:$0x3FB6] =	sst s10  }
0x32: {  	s10 =	sld [smem:$0x3FB4];
	_ =	sdelay $0x3  }
0x33: {  	p0 =	seq.s32 s10, $0x1;
	s10 =	sld [smem:$0x3FB6];
	_ =	sdelay $0x3  }
0x34: {  	[smem:$0x3FB6] =	sst s10  }
0x35: {  	s10 =	sld [smem:$0x3FB5];
	_ =	sdelay $0x3  }
0x36: {  	p1 =	seq.s32 s10, $0x1;
	s10 =	sld [smem:$0x3FB6];
	_ =	sdelay $0x3  }
0x37: {  	[smem:$0x3FB6] =	sst s10  }
0x38: {  	s10 =	sld [smem:$0x3FB7]  }
0x39: {  	_ = 	snop;
	(pc) =	sbr.ind lr, $3  }
0x3a: {  	_ = 	snop  }
0x3b: {  	_ = 	snop  }
0x3c: {  	p2 =	seq.s32 s10, $0x1;
	s10 =	sld [smem:$0x3FB6]  }
0x3d: {  	_ =	shalt  }
0x3e: {  	_ =	shalt  }
0x3f: {  	_ =	shalt  }
0x40: {  	_ =	shalt  }
0x41: {  	_ =	shalt  }
0x42: {  	_ =	shalt  }
0x43: {  	_ =	shalt  }
0x44: {  	_ =	shalt  }
0x45: {  	_ =	shalt  }
0x46: {  	_ =	shalt  }
0x47: {  	_ =	shalt  }
0x48: {  	_ =	shalt  }
0x49: {  	_ =	shalt  }
0x4a: {  	_ =	shalt  }
0x4b: {  	_ =	shalt  }
0x4c: {  	_ =	shalt  }
0x4d: {  	_ =	shalt  }
0x4e: {  	_ =	shalt  }
0x4f: {  	_ =	shalt  }
0x50: {  	_ =	shalt  }
0x51: {  	_ =	shalt  }
0x52: {  	_ =	shalt  }
0x53: {  	_ =	shalt  }
0x54: {  	_ =	shalt  }
0x55: {  	_ =	shalt  }
0x56: {  	_ =	shalt  }
0x57: {  	_ =	shalt  }
0x58: {  	_ =	shalt  }
0x59: {  	_ =	shalt  }
0x5a: {  	_ =	shalt  }
0x5b: {  	_ =	shalt  }
0x5c: {  	_ =	shalt  }
0x5d: {  	_ =	shalt  }
0x5e: {  	_ =	shalt  }
0x5f: {  	_ =	shalt  }
0x60: {  	_ =	shalt  }
0x61: {  	_ =	shalt  }
0x62: {  	_ =	shalt  }
0x63: {  	_ =	shalt  }
0x64: {  	_ =	shalt  }
0x65: {  	_ =	shalt  }
0x66: {  	_ =	shalt  }
0x67: {  	_ =	shalt  }
0x68: {  	_ =	shalt  }
0x69: {  	_ =	shalt  }
0x6a: {  	_ =	shalt  }
0x6b: {  	_ =	shalt  }
0x6c: {  	_ =	shalt  }
0x6d: {  	_ =	shalt  }
0x6e: {  	_ =	shalt  }
0x6f: {  	_ =	shalt  }
0x70: {  	_ =	shalt  }
0x71: {  	_ =	shalt  }
0x72: {  	_ =	shalt  }
0x73: {  	_ =	shalt  }
0x74: {  	_ =	shalt  }
0x75: {  	_ =	shalt  }
0x76: {  	_ =	shalt  }
0x77: {  	_ =	shalt  }
0x78: {  	_ =	shalt  }
0x79: {  	_ =	shalt  }
0x7a: {  	_ =	shalt  }
0x7b: {  	_ =	shalt  }
0x7c: {  	_ =	shalt  }
0x7d: {  	_ =	shalt  }
0x7e: {  	_ =	shalt  }
0x7f: {  	_ =	shalt  }
0x80: {  	_ =	shalt  }
0x81: {  	_ =	shalt  }
0x82: {  	_ =	shalt  }
0x83: {  	_ =	shalt  }
0x84: {  	_ =	shalt  }
0x85: {  	_ =	shalt  }
0x86: {  	_ =	shalt  }
0x87: {  	_ =	shalt  }
.Lfunc_end0:
.L_simem_size_0:
called_computation_lowered:
.L_overlay_start_0:
0x88: {  	s2 =	sld [smem:$0x3FD9]  }
0x89: {  	s3 =	sld [smem:$0x3FFE];
	_ =	sdelay $0x1  }
0x8a: {  	s1 =	srdreg.scid  }
0x8b: {  	s0 =	sand.u32 $0x1, s1  }
0x8c: {  	s17 =	sshll.u32 s0, $0xA;
	s2 =	sadd.s32 s3, s2  }
0x8d: {  	s2 =	sadd.s32 s2, s17  }
0x8e: {  	[smem:$0x3FC2] =	sst s2  }
0x8f: {  	_ = 	snop  }
0x90: {  	s2 =	sld [smem:$0x3FC6];
	(tm) =	ssettm $0x1  }
0x91: {  	s18 =	sld [smem:$0x3FFB];
	_ =	sdelay $0x3  }
0x92: {  	_ =	strace s18  }
0x93: {  	s3 =	sld [smem:$0x3FFC];
	_ =	sdelay $0x3  }
0x94: {  	_ =	strace s3  }
0x95: {  	s3 =	sld [smem:$0x3FFD];
	_ =	sdelay $0x3  }
0x96: {  	_ =	strace s3  }
0x97: {  	_ =	strace $0x8FFFFFFF  }
0x98: {  	s19 =	sld [smem:$0x3FDB];
	_ =	sdelay $0x1  }
0x99: {  	s4 =	simm.s32 $_scs_section_size  }
0x9a: {  	s5 =	simm.s32 $_size__tile_overlayer_lowered;
	s6 =	simm.s32 $_tile_overlayer_lowered  }
0x9b: {  	s22 =	simm.s32 $0x1BFF;
	s21 =	sshll.u32 s6, $0x1;
	s3 =	sadd.s32 s4, s19  }
0x9c: {  	s7 =	simm.s32 $0x0;
	s20 =	sshll.u32 s5, $0x1;
	s5 =	sadd.s32 s21, s3  }
0x9d: {  	[timem:s7], [sflag:s22] =	dma.local [hbm:s5], s20  }
0x9e: {  	_ =	swait.ge [sflag:s22], s20  }
0x9f: {  	s4 =	ssub.s32 $0x0, s20;
	[sflag:s22] =	ssyncset.done $0x0  }
0xa0: {  	[sflag:s22] =	ssyncadd.s32 s4;
	_ =	sdelay $0x1  }
0xa1: {  	s23 =	simm.s32 $0x1B8B  }
0xa2: {  	_ =	swait.ge [sflag:s23], $0x1  }
0xa3: {  	[sflag:s23] =	ssyncset.done $0x0  }
0xa4: {  	s25 =	simm.s32 $0x1B8E;
	s24 =	sld [smem:$0x3FFE];
	[sflag:s23] =	ssyncadd.s32 $0xFFFFFFFF  }
0xa5: {  	s26 =	simm.s32 $execute0_lowered;
	[smem:$0x3FD2] =	sst s25  }
0xa6: {  	s5 =	sshll.u32 s26, $0x1;
	_ =	strace $0x80000046;
	[dreg:$0x1] =	wrdreg $0xFFFFFFFF  }
0xa7: {  	s28 =	simm.s32 $_size_execute0_lowered;
	s3 =	sadd.s32 s3, s5;
	[dreg:$0x0] =	wrdreg $0x0  }
0xa8: {  	s5 =	sshll.u32 s28, $0x1;
	[dreg:$0x2] =	wrdreg s3  }
0xa9: {  	[dreg:$0x3] =	wrdreg s5  }
0xaa: {  	[dreg:$0x4] =	wrdreg $0xC0  }
0xab: {  	_ =	task [dreg:s7], $0x5FFFF  }
0xac: {  	[dreg:$0x1] =	wrdreg $0xFFFFFFFF  }
0xad: {  	[dreg:$0x0] =	wrdreg $0x60  }
0xae: {  	[dreg:$0x2] =	wrdreg s24  }
0xaf: {  	[dreg:$0x3] =	wrdreg s2  }
0xb0: {  	[dreg:$0x4] =	wrdreg $0x0  }
0xb1: {  	[dreg:$0x5] =	wrdreg $0x188000  }
0xb2: {  	[dreg:$0x6] =	wrdreg $0x9  }
0xb3: {  	_ =	task.clear_ibuf [dreg:s7], $0x7FFFF;
	_ =	strace $0x90000046  }
0xb4: {  	s29 =	simm.s32 $0x9;
	_ =	strace $0x80000048  }
0xb5: {  	_ =	swait.ge [sflag:s29], $0x1  }
0xb6: {  	[sflag:s29] =	ssyncadd.s32 $0xFFFFFFFF  }
0xb7: {  	_ =	strace $0x90000048  }
0xb8: {  	_ =	sfence  }
0xb9: {  	s30 =	sld [smem:$0x0];
	_ =	sdelay $0x2  }
0xba: {  	s31 =	sshll.u32 s1, $0xD;
	s1 =	sshrl.u32 s1, $0x2  }
0xbb: {  	s3 =	sand.u32 $0x4000, s31;
	s1 =	sadd.s32 s1, s30  }
0xbc: {  	s0 =	sor.u32 s3, s0;
	s1 =	sshll.u32 s1, $0x11  }
0xbd: {  	s0 =	sor.u32 s1, s0  }
0xbe: {  	s0 =	sadd.s32 $0x8F2B, s0  }
0xbf: {  	[sflag:s0] =	ssyncadd.remote.s32 $0x1  }
0xc0: {  	_ =	sfence.sel $0xFFFF  }
0xc1: {  	[dreg:$0x0] =	wrdreg $0xFFFFFFFF;
	(pc) =	sbr.abs _section_cstart, $3  }
0xc2: {  	[dreg:$0x1] =	wrdreg $0xFFFFFFFF  }
0xc3: {  	_ =	task.clear_ibuf [dreg:s7], $0x2FFFF;
	_ =	strace $0x9FFFFFFF  }
0xc4: {  	(tm) =	ssettm $0x7FFFFFFF  }
0xc5: {  	_ =	shalt  }
tec
execute0_lowered:
.L_overlay_start_1:
0x0: {  	(tag) =	ssettag $0x1  }
0x1: {  	s0 =	rddreg [dreg:$0x0]  }
0x2: {  	s3 =	rddreg [dreg:$0x1]  }
0x3: {  	s1 =	rddreg [dreg:$0x2]  }
0x4: {  	s2 =	rddreg [dreg:$0x3];
	s19 =	simm.s32 $0x0;
	s6 =	stileid.u32  }
0x5: {  	s4 =	srdreg.scid;
	s17 =	simm.s32 $0x1A040;
	s7 =	smul.u32 $0x62000, s6  }
0x6: {  	s28 =	simm.s32 $0x1B440;
	s30 =	simm.s32 $0x1C440;
	s11 =	smul.u32 $0xC40, s6  }
0x7: {  	[smem:$0x7FF] =	sst s19;
	s4 =	sand.u32 $0x1, s4;
	s21 =	smul.u32 $0xC350, s6  }
0x8: {  	s8 =	sadd.s32 $0x1600, s0;
	s9 =	sshll.u32 s6, $0x2;
	s13 =	smul.u32 $0x186A, s6  }
0x9: {  	p0 =	sne.s32 s6, $0x0;
	s6 =	simm.s32 $0x2;
	s5 =	smul.u32 $0x31000, s4  }
0xa: {  	_ =	strace $0x80000047;
	s18 =	ssub.s32 $0x2, s4;
	[dreg:$0x6] =	wrdreg s17  }
0xb: {  	s17 =	simm.s32 $0x19BC0;
	s7 =	sshrl.u32 s7, $0x2;
	s29 =	sadd.s32 s11, s2  }
0xc: {  	s15 =	sadd.s32 s13, s8;
	s5 =	sadd.s32 s5, s0;
	[dreg:$0x15] =	wrdreg s29  }
0xd: {  	s0 =	sadd.s32 s9, s0;
	s12 =	sadd.s32 s7, s1;
	[dreg:$0x5] =	wrdreg s15  }
0xe: {  	s9 =	sshrl.u32 s21, $0x3;
	s21 =	simm.s32 $0x1A140;
	[dreg:$0xe] =	wrdreg s12  }
0xf: {  	s10 =	sshrl.u32 s18, $0x1;
	s29 =	simm.s32 $0x1A3C0;
	[dreg:$0x8] =	wrdreg s21  }
0x10: {  	s14 =	ssub.s32 $0xC350, s11;
	s20 =	sadd.s32 $0x4000, s12;
	[dreg:$0xd] =	wrdreg s29  }
0x11: {  	s13 =	simm.s32 $0x1;
	s22 =	sadd.s32 $0x8000, s12;
	[dreg:$0xf] =	wrdreg s20  }
0x12: {  	s7 =	ssub.s32 s18, s10;
	s23 =	sadd.s32 $0xC000, s12;
	[dreg:$0x10] =	wrdreg s22  }
0x13: {  	s10 =	sshll.u32 s4, $0x2;
	s24 =	sadd.s32 $0x10000, s12;
	[dreg:$0x11] =	wrdreg s23  }
0x14: {  	s4 =	sshll.u32 s4, $0x6;
	s25 =	sadd.s32 $0x14000, s12;
	[dreg:$0x12] =	wrdreg s24  }
0x15: {  	s15 =	simm.s32 $0x1E440;
	s26 =	sadd.s32 $0x18000, s12;
	[dreg:$0x13] =	wrdreg s25  }
0x16: {  	s31 =	sadd.s32 s8, s9;
	s3 =	sadd.s32 s3, s10;
	[dreg:$0x14] =	wrdreg s26  }
0x17: {  	s12 =	sadd.s32 $0x32400, s5;
	s9 =	sadd.s32 $0x1800, s31;
	[dreg:$0x18] =	wrdreg s3  }
0x18: {  	s0 =	sadd.s32 s4, s0;
	s5 =	sadd.s32 $0x19EA0, s31;
	[dreg:$0x16] =	wrdreg s9  }
0x19: {  	s21 =	simm.s32 $0x5;
	s20 =	simm.s32 $0x1A0C0;
	[dreg:$0x17] =	wrdreg s5  }
0x1a: {  	s4 =	simm.s32 $0x0;
	s0 =	sadd.s32 $0x94400, s0;
	[dreg:$0x7] =	wrdreg s20  }
0x1b: {  	s31 =	smin.u32 s14, $0xC00;
	s22 =	simm.s32 $0x1A1C0;
	[dreg:$0x1b] =	wrdreg s0  }
0x1c: {  	s3 =	smax.u32 s14, $0xC00;
	s24 =	smax.u32 s7, $0x1;
	[dreg:$0x9] =	wrdreg s22  }
0x1d: {  	s23 =	simm.s32 $0x1A240;
	s25 =	simm.s32 $0x1A2C0;
	[dreg:$0x1c] =	wrdreg s24  }
0x1e: {  	s26 =	simm.s32 $0x1A340;
	s14 =	simm.s32 $0x19A40;
	[dreg:$0xa] =	wrdreg s23  }
0x1f: {  	s16 =	smin.u32 s3, $0xC40;
	s20 =	simm.s32 $0x1A440;
	[dreg:$0xb] =	wrdreg s25  }
.Ltmp0:
0x20: {  	[dreg:$0xc] =	wrdreg s26;
	s22 =	simm.s32 $0x1E4C0;
	(pc) =	sbr.rel .LBB2_1-.Ltmp0, $4  }
0x21: {  	s3 =	simm.s32 $0x19440;
	s25 =	simm.s32 $0x80;
	s0 =	simm.s32 $0x1D440  }
0x22: {  	s9 =	simm.s32 $0x4;
	[dreg:$0x19] =	wrdreg s31;
	s24 =	simm.s32 $0x198C0  }
0x23: {  	v0 =	vimm.f32 $1.000000000e+00;
	v1 =	vimm.f32 $0.0e+00;
	s23 =	simm.s32 $0x19940;
	[dreg:$0x1a] =	wrdreg s16;
	s18 =	sadd.s32 $0xFFFFF400, s16  }
0x24: {  	v2 =	vimm.s32 $0x0;
	v3 =	vimm.s32 $0xC350;
	vm0 =	vcmask @!p0 $0x300;
	s16 =	simm.s32 $0x19840;
	p1 =	seq.s32 s18, $0x0;
	s18 =	simm.s32 $0x3  }
.LBB2_27:
0x25: {  	s29 =	simm.s32 $0x1A450;
	v10 =	vmov v6;
	v11 =	vmov v7  }
.LBB2_34:
0x26: {  	s19 =	sadd.s32 @p2 $0x20, s29  }
0x27: {  	s7 =	smov.u32 @p2 s19  }
0x28: {  	v16 =	vld [tilespmem:s7+$0x0]  }
0x29: {  	v9 =	vadd.f32 @p2 v9, v4;
	v17 =	vld [tilespmem:s7+$0xFFFFFFF0]  }
0x2a: {  	v15 =	vadd.f32 @p2 v15, v5  }
0x2b: {  	v10 =	vadd.f32 @p3 v12, v10;
	v9 =	vmax.f32 @p2 v9, $0.0e+00  }
0x2c: {  	v8 =	vld.idx.msk [tilespmem:v8+s22+$0x0], $0xffff;
	v12 =	vmax.f32 @p2 v15, $0.0e+00;
	v9 =	vmul.f32 @p2 v9, v14  }
0x2d: {  	v11 =	vadd.f32 @p3 v13, v11;
	v10 =	vpsel p3, v10, v6;
	v12 =	vmul.f32 @p2 v12, v14  }
0x2e: {  	v9 =	vpsel p2, v9, v0;
	v4 =	vadd.f32 v17, v4;
	v5 =	vadd.f32 v16, v5  }
0x2f: {  	v11 =	vpsel p3, v11, v7;
	v12 =	vpsel p2, v12, v0;
	v9 =	vadd.f32 @p2 v9, v10  }
0x30: {  	v10 =	vadd.f32 @p2 v12, v11;
	v4 =	vmax.f32 v4, $0.0e+00;
	v5 =	vmax.f32 v5, $0.0e+00  }
0x31: {  	v4 =	vmul.f32 v4, v8;
	v5 =	vmul.f32 v5, v8  }
0x32: {  	v6 =	vpsel p2, v9, v6;
	v7 =	vpsel p2, v10, v7  }
0x33: {  	v6 =	vadd.f32 v4, v6;
	v7 =	vadd.f32 v5, v7  }
.LBB2_35:
0x34: {  	_ = 	snop  }
0x35: {  	[tilespmem:$0x1E440] =	vst v6  }
0x36: {  	s19 =	simm.s32 $0x0;
	s5 =	rddreg [dreg:$0x1b];
	[tilespmem:$0x1E450] =	vst v7  }
0x37: {  	[hbm4b:s5+s19] =	stream.linear.scatter [tilespmem:s15], [sflag:$0x5], $0x20, $0x38;
	[tilespmem:$0x1F120] =	vst v63  }
0x38: {  	_ =	swait.ge [sflag:s21], $0x20  }
0x39: {  	s4 =	sadd.s32 $0x1, s4;
	s31 =	rddreg [dreg:$0x1c]  }
0x3a: {  	p2 =	sne.s32 s4, s31  }
.Ltmp1:
0x3b: {  	_ = 	snop;
	(pc) =	sbr.rel @!p2 .LBB2_36-.Ltmp1, $3  }
0x3c: {  	_ =	sdelay $0x1  }
0x3d: {  	[sflag:s21] =	ssyncset.done $0x0  }
0x3e: {  	[sflag:s21] =	ssyncadd.s32 $0xFFFFFFE0  }
.LBB2_1:
0x3f: {  	[tilespmem:$0x1E440] =	vst v0  }
0x40: {  	[tilespmem:$0x1E450] =	vst v0  }
0x41: {  	[tilespmem:$0x1E460] =	vst v0  }
0x42: {  	[tilespmem:$0x1E470] =	vst v0  }
0x43: {  	[tilespmem:$0x1E480] =	vst v0  }
0x44: {  	[tilespmem:$0x1E490] =	vst v0  }
0x45: {  	[tilespmem:$0x1E4A0] =	vst v0  }
0x46: {  	[tilespmem:$0x1E4B0] =	vst v0;
	s26 =	simm.s32 $0x0  }
.LBB2_2:
0x47: {  	p2 =	sne.s32 s26, $0x30C0  }
.Ltmp2:
0x48: {  	_ = 	snop;
	(pc) =	sbr.rel @p2 .LBB2_2-.Ltmp2, $3  }
0x49: {  	_ =	sdelay $0x1  }
0x4a: {  	s29 =	sshra.s32 s26, $0x2  }
0x4b: {  	s26 =	sadd.s32 $0x40, s26;
	[tilespmem:s29+$0x1E4C0] =	vst v1  }
0x4c: {  	[dreg:$0x1d] =	wrdreg s4;
	s26 =	simm.s32 $0x80;
	s29 =	simm.s32 $0x0  }
.LBB2_4:
0x4d: {  	p2 =	sne.s32 s26, $0xFF80;
	[tilespmem:s29+$0x1A440] =	vst v1;
	s31 =	smov.u32 s26;
	s26 =	sadd.s32 $0x80, s26  }
.Ltmp3:
0x4e: {  	[tilespmem:s29+$0x1A450] =	vst v1;
	(pc) =	sbr.rel @p2 .LBB2_4-.Ltmp3, $2  }
0x4f: {  	_ =	sdelay $0x2  }
0x50: {  	s29 =	sshra.s32 s31, $0x2  }
0x51: {  	[tilespmem:s29+$0x1A440] =	vst v1  }
0x52: {  	[tilespmem:s29+$0x1A450] =	vst v1;
	s5 =	rddreg [dreg:$0xe]  }
0x53: {  	[spmem:s5] =	stream.linear.scatter [tilespmem:s20], [sflag:$0x5], $0x4000, $0x38;
	[tilespmem:$0x1F120] =	vst v63  }
0x54: {  	_ =	swait.ge [sflag:s21], $0x4000  }
0x55: {  	[sflag:s21] =	ssyncset.done $0x0  }
0x56: {  	s8 =	rddreg [dreg:$0xf];
	[sflag:s21] =	ssyncadd.s32 $0xFFFFC000  }
0x57: {  	[spmem:s8] =	stream.linear.scatter [tilespmem:s20], [sflag:$0x5], $0x4000, $0x38;
	[tilespmem:$0x1F120] =	vst v63  }
0x58: {  	_ =	swait.ge [sflag:s21], $0x4000  }
0x59: {  	[sflag:s21] =	ssyncset.done $0x0  }
0x5a: {  	s10 =	rddreg [dreg:$0x10];
	[sflag:s21] =	ssyncadd.s32 $0xFFFFC000  }
0x5b: {  	[spmem:s10] =	stream.linear.scatter [tilespmem:s20], [sflag:$0x5], $0x4000, $0x38;
	[tilespmem:$0x1F120] =	vst v63  }
0x5c: {  	_ =	swait.ge [sflag:s21], $0x4000  }
0x5d: {  	[sflag:s21] =	ssyncset.done $0x0  }
0x5e: {  	s11 =	rddreg [dreg:$0x11];
	[sflag:s21] =	ssyncadd.s32 $0xFFFFC000  }
0x5f: {  	[spmem:s11] =	stream.linear.scatter [tilespmem:s20], [sflag:$0x5], $0x4000, $0x38;
	[tilespmem:$0x1F120] =	vst v63  }
0x60: {  	_ =	swait.ge [sflag:s21], $0x4000  }
0x61: {  	[sflag:s21] =	ssyncset.done $0x0  }
0x62: {  	s26 =	rddreg [dreg:$0x12];
	[sflag:s21] =	ssyncadd.s32 $0xFFFFC000  }
0x63: {  	[spmem:s26] =	stream.linear.scatter [tilespmem:s20], [sflag:$0x5], $0x4000, $0x38;
	[tilespmem:$0x1F120] =	vst v63  }
0x64: {  	_ =	swait.ge [sflag:s21], $0x4000  }
0x65: {  	[sflag:s21] =	ssyncset.done $0x0  }
0x66: {  	s4 =	rddreg [dreg:$0x13];
	[sflag:s21] =	ssyncadd.s32 $0xFFFFC000  }
0x67: {  	[spmem:s4] =	stream.linear.scatter [tilespmem:s20], [sflag:$0x5], $0x4000, $0x38;
	[tilespmem:$0x1F120] =	vst v63  }
0x68: {  	_ =	swait.ge [sflag:s21], $0x4000  }
0x69: {  	[sflag:s21] =	ssyncset.done $0x0  }
0x6a: {  	s7 =	rddreg [dreg:$0x14];
	[sflag:s21] =	ssyncadd.s32 $0xFFFFC000  }
0x6b: {  	[spmem:s7] =	stream.linear.scatter [tilespmem:s20], [sflag:$0x5], $0x800, $0x38;
	[tilespmem:$0x1F120] =	vst v63  }
0x6c: {  	_ =	swait.ge [sflag:s21], $0x800  }
0x6d: {  	[sflag:s21] =	ssyncset.done $0x0  }
0x6e: {  	s8 =	rddreg [dreg:$0x15];
	[sflag:s21] =	ssyncadd.s32 $0xFFFFF800  }
0x6f: {  	[spmem:s8] =	stream.linear.scatter [tilespmem:s22], [sflag:$0x5], $0xC40, $0x38;
	[tilespmem:$0x1F120] =	vst v63  }
0x70: {  	_ =	swait.ge [sflag:s21], $0xC40  }
0x71: {  	[sflag:s21] =	ssyncset.done $0x0  }
0x72: {  	[sflag:s21] =	ssyncadd.s32 $0xFFFFF3C0  }
0x73: {  	[bflag:$0x0] =	sbarrier.arrive $0xFFFF  }
0x74: {  	s26 =	rddreg [dreg:$0x5]  }
0x75: {  	s26 =	sadd.s32 $0x0, s26  }
0x76: {  	[tilespmem:s3], [sflag:$0x5] =	stream.linear.gather [hbm4b:s26+s19], $0x800, $0x38;
	[tilespmem:$0x1F120] =	vst v63  }
0x77: {  	_ =	swait.ge [sflag:s21], $0x800  }
0x78: {  	[sflag:s21] =	ssyncset.done $0x0  }
0x79: {  	s8 =	simm.s32 $0x19C40;
	s26 =	sadd.s32 $0x186A0, s26;
	[sflag:s21] =	ssyncadd.s32 $0xFFFFF800  }
0x7a: {  	[tilespmem:s8], [sflag:$0x5] =	stream.linear.gather [hbm4b:s26+s19], $0x800, $0x38;
	[tilespmem:$0x1F120] =	vst v63  }
0x7b: {  	_ =	swait.ge [sflag:s21], $0x800  }
0x7c: {  	[sflag:s21] =	ssyncset.done $0x0  }
0x7d: {  	[sflag:s21] =	ssyncadd.s32 $0xFFFFF800  }
0x7e: {  	[tilespmem:s20], [sflag:$0x1] =	stream.indirect.gather [hbm4b:s12+s25], $0x20, s3, s25, $0xb8;
	[tilespmem:$0x1F120] =	vst v63  }
0x7f: {  	s7 =	simm.s32 $0x194C0  }
0x80: {  	[tilespmem:s28], [sflag:$0x1] =	stream.indirect.gather [hbm4b:s12+s25], $0x20, s7, s25, $0xb8;
	[tilespmem:$0x1F120] =	vst v63  }
0x81: {  	s10 =	simm.s32 $0x19540  }
0x82: {  	[tilespmem:s30], [sflag:$0x2] =	stream.indirect.gather [hbm4b:s12+s25], $0x20, s10, s25, $0xb8;
	[tilespmem:$0x1F120] =	vst v63  }
0x83: {  	s4 =	simm.s32 $0x195C0  }
0x84: {  	[tilespmem:s0], [sflag:$0x2] =	stream.indirect.gather [hbm4b:s12+s25], $0x20, s4, s25, $0xb8;
	[tilespmem:$0x1F120] =	vst v63  }
0x85: {  	_ =	swait.ge [sflag:s13], $0x1000  }
0x86: {  	[sflag:s13] =	ssyncset.done $0x0  }
0x87: {  	[sflag:s13] =	ssyncadd.s32 $0xFFFFF000  }
0x88: {  	_ =	swait.ge [sflag:s13], $0x1000  }
0x89: {  	[sflag:s13] =	ssyncset.done $0x0  }
0x8a: {  	[sflag:s13] =	ssyncadd.s32 $0xFFFFF000  }
0x8b: {  	[spmem:s1] =	stream.indirect.scatter.add.f32 [tilespmem:s20], [sflag:$0x3], $0x20, s8, s25, $0xb8;
	[tilespmem:$0x1F120] =	vst v63  }
0x8c: {  	s11 =	simm.s32 $0x19CC0  }
0x8d: {  	[spmem:s1] =	stream.indirect.scatter.add.f32 [tilespmem:s28], [sflag:$0x3], $0x20, s11, s25, $0xb8;
	[tilespmem:$0x1F120] =	vst v63  }
0x8e: {  	_ = 	snop  }
0x8f: {  	[spmem:s2] =	stream.indirect.scatter.add.f32 [tilespmem:s15], [sflag:$0x5], $0x1, s3, s25, $0xb8;
	[tilespmem:$0x1F120] =	vst v63  }
0x90: {  	_ =	swait.ge [sflag:s21], $0x80  }
0x91: {  	[sflag:s21] =	ssyncset.done $0x0  }
0x92: {  	[sflag:s21] =	ssyncadd.s32 $0xFFFFFF80  }
0x93: {  	[spmem:s2] =	stream.indirect.scatter.add.f32 [tilespmem:s15], [sflag:$0x5], $0x1, s7, s25, $0xb8;
	[tilespmem:$0x1F120] =	vst v63  }
0x94: {  	_ =	swait.ge [sflag:s21], $0x80  }
0x95: {  	[sflag:s21] =	ssyncset.done $0x0  }
0x96: {  	[sflag:s21] =	ssyncadd.s32 $0xFFFFFF80  }
0x97: {  	_ =	swait.ge [sflag:s18], $0x1000  }
0x98: {  	[sflag:s18] =	ssyncset.done $0x0  }
0x99: {  	[sflag:s18] =	ssyncadd.s32 $0xFFFFF000  }
0x9a: {  	_ =	swait.ge [sflag:s18], $0x1000  }
0x9b: {  	[sflag:s18] =	ssyncset.done $0x0  }
0x9c: {  	s7 =	simm.s32 $0x19640;
	[sflag:s18] =	ssyncadd.s32 $0xFFFFF000  }
0x9d: {  	[tilespmem:s20], [sflag:$0x1] =	stream.indirect.gather [hbm4b:s12+s25], $0x20, s7, s25, $0xb8;
	[tilespmem:$0x1F120] =	vst v63  }
0x9e: {  	s3 =	simm.s32 $0x196C0  }
0x9f: {  	[tilespmem:s28], [sflag:$0x1] =	stream.indirect.gather [hbm4b:s12+s25], $0x20, s3, s25, $0xb8;
	[tilespmem:$0x1F120] =	vst v63  }
0xa0: {  	_ =	swait.ge [sflag:s6], $0x1000  }
0xa1: {  	[sflag:s6] =	ssyncset.done $0x0  }
0xa2: {  	[sflag:s6] =	ssyncadd.s32 $0xFFFFF000  }
0xa3: {  	_ =	swait.ge [sflag:s6], $0x1000  }
0xa4: {  	[sflag:s6] =	ssyncset.done $0x0  }
0xa5: {  	s19 =	simm.s32 $0x19D40;
	[sflag:s6] =	ssyncadd.s32 $0xFFFFF000  }
0xa6: {  	[spmem:s1] =	stream.indirect.scatter.add.f32 [tilespmem:s30], [sflag:$0x4], $0x20, s19, s25, $0xb8;
	[tilespmem:$0x1F120] =	vst v63  }
0xa7: {  	s26 =	simm.s32 $0x19DC0  }
0xa8: {  	[spmem:s1] =	stream.indirect.scatter.add.f32 [tilespmem:s0], [sflag:$0x4], $0x20, s26, s25, $0xb8;
	[tilespmem:$0x1F120] =	vst v63  }
0xa9: {  	_ = 	snop  }
0xaa: {  	[spmem:s2] =	stream.indirect.scatter.add.f32 [tilespmem:s15], [sflag:$0x5], $0x1, s10, s25, $0xb8;
	[tilespmem:$0x1F120] =	vst v63  }
0xab: {  	_ =	swait.ge [sflag:s21], $0x80  }
0xac: {  	[sflag:s21] =	ssyncset.done $0x0  }
0xad: {  	[sflag:s21] =	ssyncadd.s32 $0xFFFFFF80  }
0xae: {  	[spmem:s2] =	stream.indirect.scatter.add.f32 [tilespmem:s15], [sflag:$0x5], $0x1, s4, s25, $0xb8;
	[tilespmem:$0x1F120] =	vst v63  }
0xaf: {  	_ =	swait.ge [sflag:s21], $0x80  }
0xb0: {  	[sflag:s21] =	ssyncset.done $0x0  }
0xb1: {  	[sflag:s21] =	ssyncadd.s32 $0xFFFFFF80  }
0xb2: {  	_ =	swait.ge [sflag:s9], $0x1000  }
0xb3: {  	[sflag:s9] =	ssyncset.done $0x0  }
0xb4: {  	[sflag:s9] =	ssyncadd.s32 $0xFFFFF000  }
0xb5: {  	_ =	swait.ge [sflag:s9], $0x1000  }
0xb6: {  	[sflag:s9] =	ssyncset.done $0x0  }
0xb7: {  	s5 =	simm.s32 $0x19740;
	[sflag:s9] =	ssyncadd.s32 $0xFFFFF000  }
0xb8: {  	[tilespmem:s30], [sflag:$0x2] =	stream.indirect.gather [hbm4b:s12+s25], $0x20, s5, s25, $0xb8;
	[tilespmem:$0x1F120] =	vst v63  }
0xb9: {  	s4 =	simm.s32 $0x197C0  }
0xba: {  	[tilespmem:s0], [sflag:$0x2] =	stream.indirect.gather [hbm4b:s12+s25], $0x20, s4, s25, $0xb8;
	[tilespmem:$0x1F120] =	vst v63  }
0xbb: {  	_ =	swait.ge [sflag:s13], $0x1000  }
0xbc: {  	[sflag:s13] =	ssyncset.done $0x0  }
0xbd: {  	[sflag:s13] =	ssyncadd.s32 $0xFFFFF000  }
0xbe: {  	_ =	swait.ge [sflag:s13], $0x1000  }
0xbf: {  	[sflag:s13] =	ssyncset.done $0x0  }
0xc0: {  	s10 =	simm.s32 $0x19E40;
	[sflag:s13] =	ssyncadd.s32 $0xFFFFF000  }
0xc1: {  	[spmem:s1] =	stream.indirect.scatter.add.f32 [tilespmem:s20], [sflag:$0x3], $0x20, s10, s25, $0xb8;
	[tilespmem:$0x1F120] =	vst v63  }
0xc2: {  	s11 =	simm.s32 $0x19EC0  }
0xc3: {  	[spmem:s1] =	stream.indirect.scatter.add.f32 [tilespmem:s28], [sflag:$0x3], $0x20, s11, s25, $0xb8;
	[tilespmem:$0x1F120] =	vst v63  }
0xc4: {  	_ = 	snop  }
0xc5: {  	[spmem:s2] =	stream.indirect.scatter.add.f32 [tilespmem:s15], [sflag:$0x5], $0x1, s7, s25, $0xb8;
	[tilespmem:$0x1F120] =	vst v63  }
0xc6: {  	_ =	swait.ge [sflag:s21], $0x80  }
0xc7: {  	[sflag:s21] =	ssyncset.done $0x0  }
0xc8: {  	[sflag:s21] =	ssyncadd.s32 $0xFFFFFF80  }
0xc9: {  	[spmem:s2] =	stream.indirect.scatter.add.f32 [tilespmem:s15], [sflag:$0x5], $0x1, s3, s25, $0xb8;
	[tilespmem:$0x1F120] =	vst v63  }
0xca: {  	_ =	swait.ge [sflag:s21], $0x80  }
0xcb: {  	[sflag:s21] =	ssyncset.done $0x0  }
0xcc: {  	[sflag:s21] =	ssyncadd.s32 $0xFFFFFF80  }
0xcd: {  	_ =	swait.ge [sflag:s18], $0x1000  }
0xce: {  	[sflag:s18] =	ssyncset.done $0x0  }
0xcf: {  	[sflag:s18] =	ssyncadd.s32 $0xFFFFF000  }
0xd0: {  	_ =	swait.ge [sflag:s18], $0x1000  }
0xd1: {  	[sflag:s18] =	ssyncset.done $0x0  }
0xd2: {  	[sflag:s18] =	ssyncadd.s32 $0xFFFFF000  }
0xd3: {  	[tilespmem:s20], [sflag:$0x1] =	stream.indirect.gather [hbm4b:s12+s25], $0x20, s16, s25, $0xb8;
	[tilespmem:$0x1F120] =	vst v63  }
0xd4: {  	_ = 	snop  }
0xd5: {  	[tilespmem:s28], [sflag:$0x1] =	stream.indirect.gather [hbm4b:s12+s25], $0x20, s24, s25, $0xb8;
	[tilespmem:$0x1F120] =	vst v63  }
0xd6: {  	_ =	swait.ge [sflag:s6], $0x1000  }
0xd7: {  	[sflag:s6] =	ssyncset.done $0x0  }
0xd8: {  	[sflag:s6] =	ssyncadd.s32 $0xFFFFF000  }
0xd9: {  	_ =	swait.ge [sflag:s6], $0x1000  }
0xda: {  	[sflag:s6] =	ssyncset.done $0x0  }
0xdb: {  	s19 =	simm.s32 $0x19F40;
	[sflag:s6] =	ssyncadd.s32 $0xFFFFF000  }
0xdc: {  	[spmem:s1] =	stream.indirect.scatter.add.f32 [tilespmem:s30], [sflag:$0x4], $0x20, s19, s25, $0xb8;
	[tilespmem:$0x1F120] =	vst v63  }
0xdd: {  	s26 =	simm.s32 $0x19FC0  }
0xde: {  	[spmem:s1] =	stream.indirect.scatter.add.f32 [tilespmem:s0], [sflag:$0x4], $0x20, s26, s25, $0xb8;
	[tilespmem:$0x1F120] =	vst v63  }
0xdf: {  	_ = 	snop  }
0xe0: {  	[spmem:s2] =	stream.indirect.scatter.add.f32 [tilespmem:s15], [sflag:$0x5], $0x1, s5, s25, $0xb8;
	[tilespmem:$0x1F120] =	vst v63  }
0xe1: {  	_ =	swait.ge [sflag:s21], $0x80  }
0xe2: {  	[sflag:s21] =	ssyncset.done $0x0  }
0xe3: {  	[sflag:s21] =	ssyncadd.s32 $0xFFFFFF80  }
0xe4: {  	[spmem:s2] =	stream.indirect.scatter.add.f32 [tilespmem:s15], [sflag:$0x5], $0x1, s4, s25, $0xb8;
	[tilespmem:$0x1F120] =	vst v63  }
0xe5: {  	_ =	swait.ge [sflag:s21], $0x80  }
0xe6: {  	[sflag:s21] =	ssyncset.done $0x0  }
0xe7: {  	[sflag:s21] =	ssyncadd.s32 $0xFFFFFF80  }
0xe8: {  	_ =	swait.ge [sflag:s9], $0x1000  }
0xe9: {  	[sflag:s9] =	ssyncset.done $0x0  }
0xea: {  	[sflag:s9] =	ssyncadd.s32 $0xFFFFF000  }
0xeb: {  	_ =	swait.ge [sflag:s9], $0x1000  }
0xec: {  	[sflag:s9] =	ssyncset.done $0x0  }
0xed: {  	[sflag:s9] =	ssyncadd.s32 $0xFFFFF000  }
0xee: {  	[tilespmem:s30], [sflag:$0x2] =	stream.indirect.gather [hbm4b:s12+s25], $0x20, s23, s25, $0xb8;
	[tilespmem:$0x1F120] =	vst v63  }
0xef: {  	s8 =	simm.s32 $0x199C0  }
0xf0: {  	[tilespmem:s0], [sflag:$0x2] =	stream.indirect.gather [hbm4b:s12+s25], $0x20, s8, s25, $0xb8;
	[tilespmem:$0x1F120] =	vst v63  }
0xf1: {  	_ =	swait.ge [sflag:s13], $0x1000  }
0xf2: {  	[sflag:s13] =	ssyncset.done $0x0  }
0xf3: {  	[sflag:s13] =	ssyncadd.s32 $0xFFFFF000  }
0xf4: {  	_ =	swait.ge [sflag:s13], $0x1000  }
0xf5: {  	[sflag:s13] =	ssyncset.done $0x0  }
0xf6: {  	s7 =	rddreg [dreg:$0x6];
	[sflag:s13] =	ssyncadd.s32 $0xFFFFF000  }
0xf7: {  	[spmem:s1] =	stream.indirect.scatter.add.f32 [tilespmem:s20], [sflag:$0x3], $0x20, s7, s25, $0xb8;
	[tilespmem:$0x1F120] =	vst v63  }
0xf8: {  	s29 =	rddreg [dreg:$0x7]  }
0xf9: {  	[spmem:s1] =	stream.indirect.scatter.add.f32 [tilespmem:s28], [sflag:$0x3], $0x20, s29, s25, $0xb8;
	[tilespmem:$0x1F120] =	vst v63  }
0xfa: {  	_ = 	snop  }
0xfb: {  	[spmem:s2] =	stream.indirect.scatter.add.f32 [tilespmem:s15], [sflag:$0x5], $0x1, s16, s25, $0xb8;
	[tilespmem:$0x1F120] =	vst v63  }
0xfc: {  	_ =	swait.ge [sflag:s21], $0x80  }
0xfd: {  	[sflag:s21] =	ssyncset.done $0x0  }
0xfe: {  	[sflag:s21] =	ssyncadd.s32 $0xFFFFFF80  }
0xff: {  	[spmem:s2] =	stream.indirect.scatter.add.f32 [tilespmem:s15], [sflag:$0x5], $0x1, s24, s25, $0xb8;
	[tilespmem:$0x1F120] =	vst v63  }
0x100: {  	_ =	swait.ge [sflag:s21], $0x80  }
0x101: {  	[sflag:s21] =	ssyncset.done $0x0  }
0x102: {  	[sflag:s21] =	ssyncadd.s32 $0xFFFFFF80  }
0x103: {  	_ =	swait.ge [sflag:s18], $0x1000  }
0x104: {  	[sflag:s18] =	ssyncset.done $0x0  }
0x105: {  	[sflag:s18] =	ssyncadd.s32 $0xFFFFF000  }
0x106: {  	_ =	swait.ge [sflag:s18], $0x1000  }
0x107: {  	[sflag:s18] =	ssyncset.done $0x0  }
0x108: {  	[sflag:s18] =	ssyncadd.s32 $0xFFFFF000  }
0x109: {  	[tilespmem:s20], [sflag:$0x1] =	stream.indirect.gather [hbm4b:s12+s25], $0x20, s14, s25, $0xb8;
	[tilespmem:$0x1F120] =	vst v63  }
0x10a: {  	s4 =	simm.s32 $0x19AC0  }
0x10b: {  	[tilespmem:s28], [sflag:$0x1] =	stream.indirect.gather [hbm4b:s12+s25], $0x20, s4, s25, $0xb8;
	[tilespmem:$0x1F120] =	vst v63  }
0x10c: {  	_ =	swait.ge [sflag:s6], $0x1000  }
0x10d: {  	[sflag:s6] =	ssyncset.done $0x0  }
0x10e: {  	[sflag:s6] =	ssyncadd.s32 $0xFFFFF000  }
0x10f: {  	_ =	swait.ge [sflag:s6], $0x1000  }
0x110: {  	[sflag:s6] =	ssyncset.done $0x0  }
0x111: {  	s10 =	rddreg [dreg:$0x8];
	[sflag:s6] =	ssyncadd.s32 $0xFFFFF000  }
0x112: {  	[spmem:s1] =	stream.indirect.scatter.add.f32 [tilespmem:s30], [sflag:$0x4], $0x20, s10, s25, $0xb8;
	[tilespmem:$0x1F120] =	vst v63  }
0x113: {  	s29 =	rddreg [dreg:$0x9]  }
0x114: {  	[spmem:s1] =	stream.indirect.scatter.add.f32 [tilespmem:s0], [sflag:$0x4], $0x20, s29, s25, $0xb8;
	[tilespmem:$0x1F120] =	vst v63  }
0x115: {  	_ = 	snop  }
0x116: {  	[spmem:s2] =	stream.indirect.scatter.add.f32 [tilespmem:s15], [sflag:$0x5], $0x1, s23, s25, $0xb8;
	[tilespmem:$0x1F120] =	vst v63  }
0x117: {  	_ =	swait.ge [sflag:s21], $0x80  }
0x118: {  	[sflag:s21] =	ssyncset.done $0x0  }
0x119: {  	[sflag:s21] =	ssyncadd.s32 $0xFFFFFF80  }
0x11a: {  	[spmem:s2] =	stream.indirect.scatter.add.f32 [tilespmem:s15], [sflag:$0x5], $0x1, s8, s25, $0xb8;
	[tilespmem:$0x1F120] =	vst v63  }
0x11b: {  	_ =	swait.ge [sflag:s21], $0x80  }
0x11c: {  	[sflag:s21] =	ssyncset.done $0x0  }
0x11d: {  	[sflag:s21] =	ssyncadd.s32 $0xFFFFFF80  }
0x11e: {  	_ =	swait.ge [sflag:s9], $0x1000  }
0x11f: {  	[sflag:s9] =	ssyncset.done $0x0  }
0x120: {  	[sflag:s9] =	ssyncadd.s32 $0xFFFFF000  }
0x121: {  	_ =	swait.ge [sflag:s9], $0x1000  }
0x122: {  	[sflag:s9] =	ssyncset.done $0x0  }
0x123: {  	s7 =	simm.s32 $0x19B40;
	[sflag:s9] =	ssyncadd.s32 $0xFFFFF000  }
0x124: {  	[tilespmem:s30], [sflag:$0x2] =	stream.indirect.gather [hbm4b:s12+s25], $0x20, s7, s25, $0xb8;
	[tilespmem:$0x1F120] =	vst v63  }
0x125: {  	_ = 	snop  }
0x126: {  	[tilespmem:s0], [sflag:$0x2] =	stream.indirect.gather [hbm4b:s12+s25], $0x20, s17, s25, $0xb8;
	[tilespmem:$0x1F120] =	vst v63  }
0x127: {  	_ =	swait.ge [sflag:s13], $0x1000  }
0x128: {  	[sflag:s13] =	ssyncset.done $0x0  }
0x129: {  	[sflag:s13] =	ssyncadd.s32 $0xFFFFF000  }
0x12a: {  	_ =	swait.ge [sflag:s13], $0x1000  }
0x12b: {  	[sflag:s13] =	ssyncset.done $0x0  }
0x12c: {  	s11 =	rddreg [dreg:$0xa];
	[sflag:s13] =	ssyncadd.s32 $0xFFFFF000  }
0x12d: {  	[spmem:s1] =	stream.indirect.scatter.add.f32 [tilespmem:s20], [sflag:$0x3], $0x20, s11, s25, $0xb8;
	[tilespmem:$0x1F120] =	vst v63  }
0x12e: {  	s29 =	rddreg [dreg:$0xb]  }
0x12f: {  	[spmem:s1] =	stream.indirect.scatter.add.f32 [tilespmem:s28], [sflag:$0x3], $0x20, s29, s25, $0xb8;
	[tilespmem:$0x1F120] =	vst v63  }
0x130: {  	_ = 	snop  }
0x131: {  	[spmem:s2] =	stream.indirect.scatter.add.f32 [tilespmem:s15], [sflag:$0x5], $0x1, s14, s25, $0xb8;
	[tilespmem:$0x1F120] =	vst v63  }
0x132: {  	_ =	swait.ge [sflag:s21], $0x80  }
0x133: {  	[sflag:s21] =	ssyncset.done $0x0  }
0x134: {  	[sflag:s21] =	ssyncadd.s32 $0xFFFFFF80  }
0x135: {  	[spmem:s2] =	stream.indirect.scatter.add.f32 [tilespmem:s15], [sflag:$0x5], $0x1, s4, s25, $0xb8;
	[tilespmem:$0x1F120] =	vst v63  }
0x136: {  	_ =	swait.ge [sflag:s21], $0x80  }
0x137: {  	[sflag:s21] =	ssyncset.done $0x0  }
0x138: {  	[sflag:s21] =	ssyncadd.s32 $0xFFFFFF80  }
0x139: {  	_ =	swait.ge [sflag:s6], $0x1000  }
0x13a: {  	[sflag:s6] =	ssyncset.done $0x0  }
0x13b: {  	[sflag:s6] =	ssyncadd.s32 $0xFFFFF000  }
0x13c: {  	_ =	swait.ge [sflag:s6], $0x1000  }
0x13d: {  	[sflag:s6] =	ssyncset.done $0x0  }
0x13e: {  	s19 =	rddreg [dreg:$0xc];
	[sflag:s6] =	ssyncadd.s32 $0xFFFFF000  }
0x13f: {  	[spmem:s1] =	stream.indirect.scatter.add.f32 [tilespmem:s30], [sflag:$0x4], $0x20, s19, s25, $0xb8;
	[tilespmem:$0x1F120] =	vst v63  }
0x140: {  	s29 =	rddreg [dreg:$0xd]  }
0x141: {  	[spmem:s1] =	stream.indirect.scatter.add.f32 [tilespmem:s0], [sflag:$0x4], $0x20, s29, s25, $0xb8;
	[tilespmem:$0x1F120] =	vst v63  }
0x142: {  	_ = 	snop  }
0x143: {  	[spmem:s2] =	stream.indirect.scatter.add.f32 [tilespmem:s15], [sflag:$0x5], $0x1, s7, s25, $0xb8;
	[tilespmem:$0x1F120] =	vst v63  }
0x144: {  	_ =	swait.ge [sflag:s21], $0x80  }
0x145: {  	[sflag:s21] =	ssyncset.done $0x0  }
0x146: {  	[sflag:s21] =	ssyncadd.s32 $0xFFFFFF80  }
0x147: {  	[spmem:s2] =	stream.indirect.scatter.add.f32 [tilespmem:s15], [sflag:$0x5], $0x1, s17, s25, $0xb8;
	[tilespmem:$0x1F120] =	vst v63  }
0x148: {  	_ =	swait.ge [sflag:s21], $0x80  }
0x149: {  	[sflag:s21] =	ssyncset.done $0x0  }
0x14a: {  	[sflag:s21] =	ssyncadd.s32 $0xFFFFFF80  }
0x14b: {  	_ =	swait.ge [sflag:s18], $0x1000  }
0x14c: {  	[sflag:s18] =	ssyncset.done $0x0  }
0x14d: {  	[sflag:s18] =	ssyncadd.s32 $0xFFFFF000  }
0x14e: {  	_ =	swait.ge [sflag:s18], $0x1000  }
0x14f: {  	[sflag:s18] =	ssyncset.done $0x0  }
0x150: {  	[sflag:s18] =	ssyncadd.s32 $0xFFFFF000  }
0x151: {  	_ =	swait.ge [sflag:s9], $0x1000  }
0x152: {  	[sflag:s9] =	ssyncset.done $0x0  }
0x153: {  	[sflag:s9] =	ssyncadd.s32 $0xFFFFF000  }
0x154: {  	s3 =	simm.s32 $0x19440;
	s26 =	simm.s32 $0x100;
	_ =	swait.ge [sflag:s9], $0x1000  }
0x155: {  	s29 =	simm.s32 $0x200;
	s31 =	rddreg [dreg:$0x5];
	[sflag:s9] =	ssyncset.done $0x0  }
.LBB2_6:
0x156: {  	[sflag:s9] =	ssyncadd.s32 $0xFFFFF000;
	s31 =	sadd.s32 s26, s31;
	s5 =	simm.s32 $0x0  }
0x157: {  	[tilespmem:s3], [sflag:$0x5] =	stream.linear.gather [hbm4b:s31+s5], $0x800, $0x38;
	[tilespmem:$0x1F120] =	vst v63  }
0x158: {  	_ =	swait.ge [sflag:s21], $0x800  }
0x159: {  	[sflag:s21] =	ssyncset.done $0x0  }
0x15a: {  	s11 =	sadd.s32 $0x186A0, s31;
	s31 =	simm.s32 $0x19C40;
	[sflag:s21] =	ssyncadd.s32 $0xFFFFF800  }
0x15b: {  	[tilespmem:s31], [sflag:$0x5] =	stream.linear.gather [hbm4b:s11+s5], $0x800, $0x38;
	[tilespmem:$0x1F120] =	vst v63  }
0x15c: {  	_ =	swait.ge [sflag:s21], $0x800  }
0x15d: {  	[sflag:s21] =	ssyncset.done $0x0  }
0x15e: {  	[sflag:s21] =	ssyncadd.s32 $0xFFFFF800  }
0x15f: {  	[tilespmem:s20], [sflag:$0x1] =	stream.indirect.gather [hbm4b:s12+s25], $0x20, s3, s25, $0xb8;
	[tilespmem:$0x1F120] =	vst v63  }
0x160: {  	s10 =	simm.s32 $0x194C0  }
0x161: {  	[tilespmem:s28], [sflag:$0x1] =	stream.indirect.gather [hbm4b:s12+s25], $0x20, s10, s25, $0xb8;
	[tilespmem:$0x1F120] =	vst v63  }
0x162: {  	s19 =	smov.u32 s29;
	s11 =	simm.s32 $0x19540  }
0x163: {  	[tilespmem:s30], [sflag:$0x2] =	stream.indirect.gather [hbm4b:s12+s25], $0x20, s11, s25, $0xb8;
	[tilespmem:$0x1F120] =	vst v63  }
0x164: {  	s26 =	smov.u32 s19;
	s19 =	simm.s32 $0x195C0  }
0x165: {  	[tilespmem:s0], [sflag:$0x2] =	stream.indirect.gather [hbm4b:s12+s25], $0x20, s19, s25, $0xb8;
	[tilespmem:$0x1F120] =	vst v63  }
0x166: {  	_ =	swait.ge [sflag:s13], $0x1000  }
0x167: {  	[sflag:s13] =	ssyncset.done $0x0  }
0x168: {  	[sflag:s13] =	ssyncadd.s32 $0xFFFFF000  }
0x169: {  	_ =	swait.ge [sflag:s13], $0x1000  }
0x16a: {  	[sflag:s13] =	ssyncset.done $0x0  }
0x16b: {  	[sflag:s13] =	ssyncadd.s32 $0xFFFFF000  }
0x16c: {  	[spmem:s1] =	stream.indirect.scatter.add.f32 [tilespmem:s20], [sflag:$0x3], $0x20, s31, s25, $0xb8;
	[tilespmem:$0x1F120] =	vst v63  }
0x16d: {  	s31 =	simm.s32 $0x19CC0  }
0x16e: {  	[spmem:s1] =	stream.indirect.scatter.add.f32 [tilespmem:s28], [sflag:$0x3], $0x20, s31, s25, $0xb8;
	[tilespmem:$0x1F120] =	vst v63  }
0x16f: {  	_ = 	snop  }
0x170: {  	[spmem:s2] =	stream.indirect.scatter.add.f32 [tilespmem:s15], [sflag:$0x5], $0x1, s3, s25, $0xb8;
	[tilespmem:$0x1F120] =	vst v63  }
0x171: {  	_ =	swait.ge [sflag:s21], $0x80  }
0x172: {  	[sflag:s21] =	ssyncset.done $0x0  }
0x173: {  	[sflag:s21] =	ssyncadd.s32 $0xFFFFFF80  }
0x174: {  	[spmem:s2] =	stream.indirect.scatter.add.f32 [tilespmem:s15], [sflag:$0x5], $0x1, s10, s25, $0xb8;
	[tilespmem:$0x1F120] =	vst v63  }
0x175: {  	_ =	swait.ge [sflag:s21], $0x80  }
0x176: {  	[sflag:s21] =	ssyncset.done $0x0  }
0x177: {  	[sflag:s21] =	ssyncadd.s32 $0xFFFFFF80  }
0x178: {  	_ =	swait.ge [sflag:s18], $0x1000  }
0x179: {  	[sflag:s18] =	ssyncset.done $0x0  }
0x17a: {  	[sflag:s18] =	ssyncadd.s32 $0xFFFFF000  }
0x17b: {  	_ =	swait.ge [sflag:s18], $0x1000  }
0x17c: {  	[sflag:s18] =	ssyncset.done $0x0  }
0x17d: {  	s10 =	simm.s32 $0x19640;
	[sflag:s18] =	ssyncadd.s32 $0xFFFFF000  }
0x17e: {  	[tilespmem:s20], [sflag:$0x1] =	stream.indirect.gather [hbm4b:s12+s25], $0x20, s10, s25, $0xb8;
	[tilespmem:$0x1F120] =	vst v63  }
0x17f: {  	s31 =	simm.s32 $0x196C0  }
0x180: {  	[tilespmem:s28], [sflag:$0x1] =	stream.indirect.gather [hbm4b:s12+s25], $0x20, s31, s25, $0xb8;
	[tilespmem:$0x1F120] =	vst v63  }
0x181: {  	_ =	swait.ge [sflag:s6], $0x1000  }
0x182: {  	[sflag:s6] =	ssyncset.done $0x0  }
0x183: {  	[sflag:s6] =	ssyncadd.s32 $0xFFFFF000  }
0x184: {  	_ =	swait.ge [sflag:s6], $0x1000  }
0x185: {  	[sflag:s6] =	ssyncset.done $0x0  }
0x186: {  	s5 =	simm.s32 $0x19D40;
	[sflag:s6] =	ssyncadd.s32 $0xFFFFF000  }
0x187: {  	[spmem:s1] =	stream.indirect.scatter.add.f32 [tilespmem:s30], [sflag:$0x4], $0x20, s5, s25, $0xb8;
	[tilespmem:$0x1F120] =	vst v63  }
0x188: {  	s5 =	simm.s32 $0x19DC0  }
0x189: {  	[spmem:s1] =	stream.indirect.scatter.add.f32 [tilespmem:s0], [sflag:$0x4], $0x20, s5, s25, $0xb8;
	[tilespmem:$0x1F120] =	vst v63  }
0x18a: {  	_ = 	snop  }
0x18b: {  	[spmem:s2] =	stream.indirect.scatter.add.f32 [tilespmem:s15], [sflag:$0x5], $0x1, s11, s25, $0xb8;
	[tilespmem:$0x1F120] =	vst v63  }
0x18c: {  	_ =	swait.ge [sflag:s21], $0x80  }
0x18d: {  	[sflag:s21] =	ssyncset.done $0x0  }
0x18e: {  	[sflag:s21] =	ssyncadd.s32 $0xFFFFFF80  }
0x18f: {  	[spmem:s2] =	stream.indirect.scatter.add.f32 [tilespmem:s15], [sflag:$0x5], $0x1, s19, s25, $0xb8;
	[tilespmem:$0x1F120] =	vst v63  }
0x190: {  	_ =	swait.ge [sflag:s21], $0x80  }
0x191: {  	[sflag:s21] =	ssyncset.done $0x0  }
0x192: {  	[sflag:s21] =	ssyncadd.s32 $0xFFFFFF80  }
0x193: {  	_ =	swait.ge [sflag:s9], $0x1000  }
0x194: {  	[sflag:s9] =	ssyncset.done $0x0  }
0x195: {  	[sflag:s9] =	ssyncadd.s32 $0xFFFFF000  }
0x196: {  	_ =	swait.ge [sflag:s9], $0x1000  }
0x197: {  	[sflag:s9] =	ssyncset.done $0x0  }
0x198: {  	s11 =	simm.s32 $0x19740;
	[sflag:s9] =	ssyncadd.s32 $0xFFFFF000  }
0x199: {  	[tilespmem:s30], [sflag:$0x2] =	stream.indirect.gather [hbm4b:s12+s25], $0x20, s11, s25, $0xb8;
	[tilespmem:$0x1F120] =	vst v63  }
0x19a: {  	s19 =	simm.s32 $0x197C0  }
0x19b: {  	[tilespmem:s0], [sflag:$0x2] =	stream.indirect.gather [hbm4b:s12+s25], $0x20, s19, s25, $0xb8;
	[tilespmem:$0x1F120] =	vst v63  }
0x19c: {  	_ =	swait.ge [sflag:s13], $0x1000  }
0x19d: {  	[sflag:s13] =	ssyncset.done $0x0  }
0x19e: {  	[sflag:s13] =	ssyncadd.s32 $0xFFFFF000  }
0x19f: {  	_ =	swait.ge [sflag:s13], $0x1000  }
0x1a0: {  	[sflag:s13] =	ssyncset.done $0x0  }
0x1a1: {  	s5 =	simm.s32 $0x19E40;
	[sflag:s13] =	ssyncadd.s32 $0xFFFFF000  }
0x1a2: {  	[spmem:s1] =	stream.indirect.scatter.add.f32 [tilespmem:s20], [sflag:$0x3], $0x20, s5, s25, $0xb8;
	[tilespmem:$0x1F120] =	vst v63  }
0x1a3: {  	s5 =	simm.s32 $0x19EC0  }
0x1a4: {  	[spmem:s1] =	stream.indirect.scatter.add.f32 [tilespmem:s28], [sflag:$0x3], $0x20, s5, s25, $0xb8;
	[tilespmem:$0x1F120] =	vst v63  }
0x1a5: {  	_ = 	snop  }
0x1a6: {  	[spmem:s2] =	stream.indirect.scatter.add.f32 [tilespmem:s15], [sflag:$0x5], $0x1, s10, s25, $0xb8;
	[tilespmem:$0x1F120] =	vst v63  }
0x1a7: {  	_ =	swait.ge [sflag:s21], $0x80  }
0x1a8: {  	[sflag:s21] =	ssyncset.done $0x0  }
0x1a9: {  	[sflag:s21] =	ssyncadd.s32 $0xFFFFFF80  }
0x1aa: {  	[spmem:s2] =	stream.indirect.scatter.add.f32 [tilespmem:s15], [sflag:$0x5], $0x1, s31, s25, $0xb8;
	[tilespmem:$0x1F120] =	vst v63  }
0x1ab: {  	_ =	swait.ge [sflag:s21], $0x80  }
0x1ac: {  	[sflag:s21] =	ssyncset.done $0x0  }
0x1ad: {  	[sflag:s21] =	ssyncadd.s32 $0xFFFFFF80  }
0x1ae: {  	_ =	swait.ge [sflag:s18], $0x1000  }
0x1af: {  	[sflag:s18] =	ssyncset.done $0x0  }
0x1b0: {  	[sflag:s18] =	ssyncadd.s32 $0xFFFFF000  }
0x1b1: {  	_ =	swait.ge [sflag:s18], $0x1000  }
0x1b2: {  	[sflag:s18] =	ssyncset.done $0x0  }
0x1b3: {  	[sflag:s18] =	ssyncadd.s32 $0xFFFFF000  }
0x1b4: {  	[tilespmem:s20], [sflag:$0x1] =	stream.indirect.gather [hbm4b:s12+s25], $0x20, s16, s25, $0xb8;
	[tilespmem:$0x1F120] =	vst v63  }
0x1b5: {  	_ = 	snop  }
0x1b6: {  	[tilespmem:s28], [sflag:$0x1] =	stream.indirect.gather [hbm4b:s12+s25], $0x20, s24, s25, $0xb8;
	[tilespmem:$0x1F120] =	vst v63  }
0x1b7: {  	_ =	swait.ge [sflag:s6], $0x1000  }
0x1b8: {  	[sflag:s6] =	ssyncset.done $0x0  }
0x1b9: {  	[sflag:s6] =	ssyncadd.s32 $0xFFFFF000  }
0x1ba: {  	_ =	swait.ge [sflag:s6], $0x1000  }
0x1bb: {  	[sflag:s6] =	ssyncset.done $0x0  }
0x1bc: {  	s10 =	simm.s32 $0x19F40;
	[sflag:s6] =	ssyncadd.s32 $0xFFFFF000  }
0x1bd: {  	[spmem:s1] =	stream.indirect.scatter.add.f32 [tilespmem:s30], [sflag:$0x4], $0x20, s10, s25, $0xb8;
	[tilespmem:$0x1F120] =	vst v63  }
0x1be: {  	s10 =	simm.s32 $0x19FC0  }
0x1bf: {  	[spmem:s1] =	stream.indirect.scatter.add.f32 [tilespmem:s0], [sflag:$0x4], $0x20, s10, s25, $0xb8;
	[tilespmem:$0x1F120] =	vst v63  }
0x1c0: {  	_ = 	snop  }
0x1c1: {  	[spmem:s2] =	stream.indirect.scatter.add.f32 [tilespmem:s15], [sflag:$0x5], $0x1, s11, s25, $0xb8;
	[tilespmem:$0x1F120] =	vst v63  }
0x1c2: {  	_ =	swait.ge [sflag:s21], $0x80  }
0x1c3: {  	[sflag:s21] =	ssyncset.done $0x0  }
0x1c4: {  	[sflag:s21] =	ssyncadd.s32 $0xFFFFFF80  }
0x1c5: {  	[spmem:s2] =	stream.indirect.scatter.add.f32 [tilespmem:s15], [sflag:$0x5], $0x1, s19, s25, $0xb8;
	[tilespmem:$0x1F120] =	vst v63  }
0x1c6: {  	_ =	swait.ge [sflag:s21], $0x80  }
0x1c7: {  	[sflag:s21] =	ssyncset.done $0x0  }
0x1c8: {  	[sflag:s21] =	ssyncadd.s32 $0xFFFFFF80  }
0x1c9: {  	_ =	swait.ge [sflag:s9], $0x1000  }
0x1ca: {  	[sflag:s9] =	ssyncset.done $0x0  }
0x1cb: {  	[sflag:s9] =	ssyncadd.s32 $0xFFFFF000  }
0x1cc: {  	_ =	swait.ge [sflag:s9], $0x1000  }
0x1cd: {  	[sflag:s9] =	ssyncset.done $0x0  }
0x1ce: {  	[sflag:s9] =	ssyncadd.s32 $0xFFFFF000  }
0x1cf: {  	[tilespmem:s30], [sflag:$0x2] =	stream.indirect.gather [hbm4b:s12+s25], $0x20, s23, s25, $0xb8;
	[tilespmem:$0x1F120] =	vst v63  }
0x1d0: {  	_ = 	snop  }
0x1d1: {  	[tilespmem:s0], [sflag:$0x2] =	stream.indirect.gather [hbm4b:s12+s25], $0x20, s8, s25, $0xb8;
	[tilespmem:$0x1F120] =	vst v63  }
0x1d2: {  	_ =	swait.ge [sflag:s13], $0x1000  }
0x1d3: {  	[sflag:s13] =	ssyncset.done $0x0  }
0x1d4: {  	[sflag:s13] =	ssyncadd.s32 $0xFFFFF000  }
0x1d5: {  	_ =	swait.ge [sflag:s13], $0x1000  }
0x1d6: {  	[sflag:s13] =	ssyncset.done $0x0  }
0x1d7: {  	s11 =	rddreg [dreg:$0x6];
	[sflag:s13] =	ssyncadd.s32 $0xFFFFF000  }
0x1d8: {  	[spmem:s1] =	stream.indirect.scatter.add.f32 [tilespmem:s20], [sflag:$0x3], $0x20, s11, s25, $0xb8;
	[tilespmem:$0x1F120] =	vst v63  }
0x1d9: {  	s31 =	rddreg [dreg:$0x7]  }
0x1da: {  	[spmem:s1] =	stream.indirect.scatter.add.f32 [tilespmem:s28], [sflag:$0x3], $0x20, s31, s25, $0xb8;
	[tilespmem:$0x1F120] =	vst v63  }
0x1db: {  	_ = 	snop  }
0x1dc: {  	[spmem:s2] =	stream.indirect.scatter.add.f32 [tilespmem:s15], [sflag:$0x5], $0x1, s16, s25, $0xb8;
	[tilespmem:$0x1F120] =	vst v63  }
0x1dd: {  	_ =	swait.ge [sflag:s21], $0x80  }
0x1de: {  	[sflag:s21] =	ssyncset.done $0x0  }
0x1df: {  	[sflag:s21] =	ssyncadd.s32 $0xFFFFFF80  }
0x1e0: {  	[spmem:s2] =	stream.indirect.scatter.add.f32 [tilespmem:s15], [sflag:$0x5], $0x1, s24, s25, $0xb8;
	[tilespmem:$0x1F120] =	vst v63  }
0x1e1: {  	_ =	swait.ge [sflag:s21], $0x80  }
0x1e2: {  	[sflag:s21] =	ssyncset.done $0x0  }
0x1e3: {  	[sflag:s21] =	ssyncadd.s32 $0xFFFFFF80  }
0x1e4: {  	_ =	swait.ge [sflag:s18], $0x1000  }
0x1e5: {  	[sflag:s18] =	ssyncset.done $0x0  }
0x1e6: {  	[sflag:s18] =	ssyncadd.s32 $0xFFFFF000  }
0x1e7: {  	_ =	swait.ge [sflag:s18], $0x1000  }
0x1e8: {  	[sflag:s18] =	ssyncset.done $0x0  }
0x1e9: {  	[sflag:s18] =	ssyncadd.s32 $0xFFFFF000  }
0x1ea: {  	[tilespmem:s20], [sflag:$0x1] =	stream.indirect.gather [hbm4b:s12+s25], $0x20, s14, s25, $0xb8;
	[tilespmem:$0x1F120] =	vst v63  }
0x1eb: {  	_ = 	snop  }
0x1ec: {  	[tilespmem:s28], [sflag:$0x1] =	stream.indirect.gather [hbm4b:s12+s25], $0x20, s4, s25, $0xb8;
	[tilespmem:$0x1F120] =	vst v63  }
0x1ed: {  	_ =	swait.ge [sflag:s6], $0x1000  }
0x1ee: {  	[sflag:s6] =	ssyncset.done $0x0  }
0x1ef: {  	[sflag:s6] =	ssyncadd.s32 $0xFFFFF000  }
0x1f0: {  	_ =	swait.ge [sflag:s6], $0x1000  }
0x1f1: {  	[sflag:s6] =	ssyncset.done $0x0  }
0x1f2: {  	s5 =	rddreg [dreg:$0x8];
	[sflag:s6] =	ssyncadd.s32 $0xFFFFF000  }
0x1f3: {  	[spmem:s1] =	stream.indirect.scatter.add.f32 [tilespmem:s30], [sflag:$0x4], $0x20, s5, s25, $0xb8;
	[tilespmem:$0x1F120] =	vst v63  }
0x1f4: {  	s31 =	rddreg [dreg:$0x9]  }
0x1f5: {  	[spmem:s1] =	stream.indirect.scatter.add.f32 [tilespmem:s0], [sflag:$0x4], $0x20, s31, s25, $0xb8;
	[tilespmem:$0x1F120] =	vst v63  }
0x1f6: {  	_ = 	snop  }
0x1f7: {  	[spmem:s2] =	stream.indirect.scatter.add.f32 [tilespmem:s15], [sflag:$0x5], $0x1, s23, s25, $0xb8;
	[tilespmem:$0x1F120] =	vst v63  }
0x1f8: {  	_ =	swait.ge [sflag:s21], $0x80  }
0x1f9: {  	[sflag:s21] =	ssyncset.done $0x0  }
0x1fa: {  	[sflag:s21] =	ssyncadd.s32 $0xFFFFFF80  }
0x1fb: {  	[spmem:s2] =	stream.indirect.scatter.add.f32 [tilespmem:s15], [sflag:$0x5], $0x1, s8, s25, $0xb8;
	[tilespmem:$0x1F120] =	vst v63  }
0x1fc: {  	_ =	swait.ge [sflag:s21], $0x80  }
0x1fd: {  	[sflag:s21] =	ssyncset.done $0x0  }
0x1fe: {  	[sflag:s21] =	ssyncadd.s32 $0xFFFFFF80  }
0x1ff: {  	_ =	swait.ge [sflag:s9], $0x1000  }
0x200: {  	[sflag:s9] =	ssyncset.done $0x0  }
0x201: {  	[sflag:s9] =	ssyncadd.s32 $0xFFFFF000  }
0x202: {  	_ =	swait.ge [sflag:s9], $0x1000  }
0x203: {  	[sflag:s9] =	ssyncset.done $0x0  }
0x204: {  	[sflag:s9] =	ssyncadd.s32 $0xFFFFF000  }
0x205: {  	[tilespmem:s30], [sflag:$0x2] =	stream.indirect.gather [hbm4b:s12+s25], $0x20, s7, s25, $0xb8;
	[tilespmem:$0x1F120] =	vst v63  }
0x206: {  	_ = 	snop  }
0x207: {  	[tilespmem:s0], [sflag:$0x2] =	stream.indirect.gather [hbm4b:s12+s25], $0x20, s17, s25, $0xb8;
	[tilespmem:$0x1F120] =	vst v63  }
0x208: {  	_ =	swait.ge [sflag:s13], $0x1000  }
0x209: {  	[sflag:s13] =	ssyncset.done $0x0  }
0x20a: {  	[sflag:s13] =	ssyncadd.s32 $0xFFFFF000  }
0x20b: {  	_ =	swait.ge [sflag:s13], $0x1000  }
0x20c: {  	[sflag:s13] =	ssyncset.done $0x0  }
0x20d: {  	s10 =	rddreg [dreg:$0xa];
	[sflag:s13] =	ssyncadd.s32 $0xFFFFF000  }
0x20e: {  	[spmem:s1] =	stream.indirect.scatter.add.f32 [tilespmem:s20], [sflag:$0x3], $0x20, s10, s25, $0xb8;
	[tilespmem:$0x1F120] =	vst v63  }
0x20f: {  	s31 =	rddreg [dreg:$0xb]  }
0x210: {  	[spmem:s1] =	stream.indirect.scatter.add.f32 [tilespmem:s28], [sflag:$0x3], $0x20, s31, s25, $0xb8;
	[tilespmem:$0x1F120] =	vst v63  }
0x211: {  	_ = 	snop  }
0x212: {  	[spmem:s2] =	stream.indirect.scatter.add.f32 [tilespmem:s15], [sflag:$0x5], $0x1, s14, s25, $0xb8;
	[tilespmem:$0x1F120] =	vst v63  }
0x213: {  	_ =	swait.ge [sflag:s21], $0x80  }
0x214: {  	[sflag:s21] =	ssyncset.done $0x0  }
0x215: {  	[sflag:s21] =	ssyncadd.s32 $0xFFFFFF80  }
0x216: {  	[spmem:s2] =	stream.indirect.scatter.add.f32 [tilespmem:s15], [sflag:$0x5], $0x1, s4, s25, $0xb8;
	[tilespmem:$0x1F120] =	vst v63  }
0x217: {  	_ =	swait.ge [sflag:s21], $0x80  }
0x218: {  	[sflag:s21] =	ssyncset.done $0x0  }
0x219: {  	[sflag:s21] =	ssyncadd.s32 $0xFFFFFF80  }
0x21a: {  	_ =	swait.ge [sflag:s6], $0x1000  }
0x21b: {  	[sflag:s6] =	ssyncset.done $0x0  }
0x21c: {  	[sflag:s6] =	ssyncadd.s32 $0xFFFFF000  }
0x21d: {  	_ =	swait.ge [sflag:s6], $0x1000  }
0x21e: {  	[sflag:s6] =	ssyncset.done $0x0  }
0x21f: {  	s11 =	rddreg [dreg:$0xc];
	[sflag:s6] =	ssyncadd.s32 $0xFFFFF000  }
0x220: {  	[spmem:s1] =	stream.indirect.scatter.add.f32 [tilespmem:s30], [sflag:$0x4], $0x20, s11, s25, $0xb8;
	[tilespmem:$0x1F120] =	vst v63  }
0x221: {  	s31 =	rddreg [dreg:$0xd]  }
0x222: {  	[spmem:s1] =	stream.indirect.scatter.add.f32 [tilespmem:s0], [sflag:$0x4], $0x20, s31, s25, $0xb8;
	[tilespmem:$0x1F120] =	vst v63  }
0x223: {  	_ = 	snop  }
0x224: {  	[spmem:s2] =	stream.indirect.scatter.add.f32 [tilespmem:s15], [sflag:$0x5], $0x1, s7, s25, $0xb8;
	[tilespmem:$0x1F120] =	vst v63  }
0x225: {  	_ =	swait.ge [sflag:s21], $0x80  }
0x226: {  	[sflag:s21] =	ssyncset.done $0x0  }
0x227: {  	[sflag:s21] =	ssyncadd.s32 $0xFFFFFF80  }
0x228: {  	[spmem:s2] =	stream.indirect.scatter.add.f32 [tilespmem:s15], [sflag:$0x5], $0x1, s17, s25, $0xb8;
	[tilespmem:$0x1F120] =	vst v63  }
0x229: {  	_ =	swait.ge [sflag:s21], $0x80  }
0x22a: {  	[sflag:s21] =	ssyncset.done $0x0  }
0x22b: {  	[sflag:s21] =	ssyncadd.s32 $0xFFFFFF80  }
0x22c: {  	_ =	swait.ge [sflag:s18], $0x1000  }
0x22d: {  	[sflag:s18] =	ssyncset.done $0x0  }
0x22e: {  	[sflag:s18] =	ssyncadd.s32 $0xFFFFF000  }
0x22f: {  	_ =	swait.ge [sflag:s18], $0x1000  }
0x230: {  	[sflag:s18] =	ssyncset.done $0x0  }
0x231: {  	p2 =	sne.s32 s29, $0x1700;
	[sflag:s18] =	ssyncadd.s32 $0xFFFFF000  }
.Ltmp4:
0x232: {  	_ =	swait.ge [sflag:s9], $0x1000;
	(pc) =	sbr.rel @p2 .LBB2_6-.Ltmp4, $4  }
0x233: {  	[sflag:s9] =	ssyncset.done $0x0  }
0x234: {  	[sflag:s9] =	ssyncadd.s32 $0xFFFFF000  }
0x235: {  	_ =	swait.ge [sflag:s9], $0x1000  }
0x236: {  	s29 =	sadd.s32 $0x100, s29;
	s31 =	rddreg [dreg:$0x5];
	[sflag:s9] =	ssyncset.done $0x0  }
0x237: {  	[sflag:s9] =	ssyncadd.s32 $0xFFFFF000;
	s19 =	sadd.s32 s26, s31;
	s5 =	simm.s32 $0x0  }
0x238: {  	[tilespmem:s3], [sflag:$0x5] =	stream.linear.gather [hbm4b:s19+s5], $0x800, $0x38;
	[tilespmem:$0x1F120] =	vst v63  }
0x239: {  	_ =	swait.ge [sflag:s21], $0x800  }
0x23a: {  	[sflag:s21] =	ssyncset.done $0x0  }
0x23b: {  	s11 =	simm.s32 $0x19C40;
	s19 =	sadd.s32 $0x186A0, s19;
	[sflag:s21] =	ssyncadd.s32 $0xFFFFF800  }
0x23c: {  	[tilespmem:s11], [sflag:$0x5] =	stream.linear.gather [hbm4b:s19+s5], $0x800, $0x38;
	[tilespmem:$0x1F120] =	vst v63  }
0x23d: {  	_ =	swait.ge [sflag:s21], $0x800  }
0x23e: {  	[sflag:s21] =	ssyncset.done $0x0  }
0x23f: {  	[sflag:s21] =	ssyncadd.s32 $0xFFFFF800  }
0x240: {  	[tilespmem:s20], [sflag:$0x1] =	stream.indirect.gather [hbm4b:s12+s25], $0x20, s3, s25, $0xb8;
	[tilespmem:$0x1F120] =	vst v63  }
0x241: {  	s29 =	simm.s32 $0x194C0  }
0x242: {  	[tilespmem:s28], [sflag:$0x1] =	stream.indirect.gather [hbm4b:s12+s25], $0x20, s29, s25, $0xb8;
	[tilespmem:$0x1F120] =	vst v63  }
0x243: {  	s31 =	simm.s32 $0x19540  }
0x244: {  	[tilespmem:s30], [sflag:$0x2] =	stream.indirect.gather [hbm4b:s12+s25], $0x20, s31, s25, $0xb8;
	[tilespmem:$0x1F120] =	vst v63  }
0x245: {  	s5 =	simm.s32 $0x195C0  }
0x246: {  	[tilespmem:s0], [sflag:$0x2] =	stream.indirect.gather [hbm4b:s12+s25], $0x20, s5, s25, $0xb8;
	[tilespmem:$0x1F120] =	vst v63  }
0x247: {  	_ =	swait.ge [sflag:s13], $0x1000  }
0x248: {  	[sflag:s13] =	ssyncset.done $0x0  }
0x249: {  	[sflag:s13] =	ssyncadd.s32 $0xFFFFF000  }
0x24a: {  	_ =	swait.ge [sflag:s13], $0x1000  }
0x24b: {  	[sflag:s13] =	ssyncset.done $0x0  }
0x24c: {  	[sflag:s13] =	ssyncadd.s32 $0xFFFFF000  }
0x24d: {  	[spmem:s1] =	stream.indirect.scatter.add.f32 [tilespmem:s20], [sflag:$0x3], $0x20, s11, s25, $0xb8;
	[tilespmem:$0x1F120] =	vst v63  }
0x24e: {  	s10 =	simm.s32 $0x19CC0  }
0x24f: {  	[spmem:s1] =	stream.indirect.scatter.add.f32 [tilespmem:s28], [sflag:$0x3], $0x20, s10, s25, $0xb8;
	[tilespmem:$0x1F120] =	vst v63  }
0x250: {  	_ = 	snop  }
0x251: {  	[spmem:s2] =	stream.indirect.scatter.add.f32 [tilespmem:s15], [sflag:$0x5], $0x1, s3, s25, $0xb8;
	[tilespmem:$0x1F120] =	vst v63  }
0x252: {  	_ =	swait.ge [sflag:s21], $0x80  }
0x253: {  	[sflag:s21] =	ssyncset.done $0x0  }
0x254: {  	[sflag:s21] =	ssyncadd.s32 $0xFFFFFF80  }
0x255: {  	[spmem:s2] =	stream.indirect.scatter.add.f32 [tilespmem:s15], [sflag:$0x5], $0x1, s29, s25, $0xb8;
	[tilespmem:$0x1F120] =	vst v63  }
0x256: {  	_ =	swait.ge [sflag:s21], $0x80  }
0x257: {  	[sflag:s21] =	ssyncset.done $0x0  }
0x258: {  	[sflag:s21] =	ssyncadd.s32 $0xFFFFFF80  }
0x259: {  	_ =	swait.ge [sflag:s18], $0x1000  }
0x25a: {  	[sflag:s18] =	ssyncset.done $0x0  }
0x25b: {  	[sflag:s18] =	ssyncadd.s32 $0xFFFFF000  }
0x25c: {  	_ =	swait.ge [sflag:s18], $0x1000  }
0x25d: {  	[sflag:s18] =	ssyncset.done $0x0  }
0x25e: {  	s19 =	simm.s32 $0x19640;
	[sflag:s18] =	ssyncadd.s32 $0xFFFFF000  }
0x25f: {  	[tilespmem:s20], [sflag:$0x1] =	stream.indirect.gather [hbm4b:s12+s25], $0x20, s19, s25, $0xb8;
	[tilespmem:$0x1F120] =	vst v63  }
0x260: {  	s10 =	simm.s32 $0x196C0  }
0x261: {  	[tilespmem:s28], [sflag:$0x1] =	stream.indirect.gather [hbm4b:s12+s25], $0x20, s10, s25, $0xb8;
	[tilespmem:$0x1F120] =	vst v63  }
0x262: {  	_ =	swait.ge [sflag:s6], $0x1000  }
0x263: {  	[sflag:s6] =	ssyncset.done $0x0  }
0x264: {  	[sflag:s6] =	ssyncadd.s32 $0xFFFFF000  }
0x265: {  	_ =	swait.ge [sflag:s6], $0x1000  }
0x266: {  	[sflag:s6] =	ssyncset.done $0x0  }
0x267: {  	s19 =	simm.s32 $0x19D40;
	[sflag:s6] =	ssyncadd.s32 $0xFFFFF000  }
0x268: {  	[spmem:s1] =	stream.indirect.scatter.add.f32 [tilespmem:s30], [sflag:$0x4], $0x20, s19, s25, $0xb8;
	[tilespmem:$0x1F120] =	vst v63  }
0x269: {  	s19 =	simm.s32 $0x19DC0  }
0x26a: {  	[spmem:s1] =	stream.indirect.scatter.add.f32 [tilespmem:s0], [sflag:$0x4], $0x20, s19, s25, $0xb8;
	[tilespmem:$0x1F120] =	vst v63  }
0x26b: {  	s31 =	simm.s32 $0x19540  }
0x26c: {  	[spmem:s2] =	stream.indirect.scatter.add.f32 [tilespmem:s15], [sflag:$0x5], $0x1, s31, s25, $0xb8;
	[tilespmem:$0x1F120] =	vst v63  }
0x26d: {  	_ =	swait.ge [sflag:s21], $0x80  }
0x26e: {  	[sflag:s21] =	ssyncset.done $0x0  }
0x26f: {  	s26 =	simm.s32 $0x195C0;
	[sflag:s21] =	ssyncadd.s32 $0xFFFFFF80  }
0x270: {  	[spmem:s2] =	stream.indirect.scatter.add.f32 [tilespmem:s15], [sflag:$0x5], $0x1, s26, s25, $0xb8;
	[tilespmem:$0x1F120] =	vst v63  }
0x271: {  	_ =	swait.ge [sflag:s21], $0x80  }
0x272: {  	[sflag:s21] =	ssyncset.done $0x0  }
0x273: {  	[sflag:s21] =	ssyncadd.s32 $0xFFFFFF80  }
0x274: {  	_ =	swait.ge [sflag:s9], $0x1000  }
0x275: {  	[sflag:s9] =	ssyncset.done $0x0  }
0x276: {  	[sflag:s9] =	ssyncadd.s32 $0xFFFFF000  }
0x277: {  	_ =	swait.ge [sflag:s9], $0x1000  }
0x278: {  	[sflag:s9] =	ssyncset.done $0x0  }
0x279: {  	s31 =	simm.s32 $0x19740;
	[sflag:s9] =	ssyncadd.s32 $0xFFFFF000  }
0x27a: {  	[tilespmem:s30], [sflag:$0x2] =	stream.indirect.gather [hbm4b:s12+s25], $0x20, s31, s25, $0xb8;
	[tilespmem:$0x1F120] =	vst v63  }
0x27b: {  	s26 =	simm.s32 $0x197C0  }
0x27c: {  	[tilespmem:s0], [sflag:$0x2] =	stream.indirect.gather [hbm4b:s12+s25], $0x20, s26, s25, $0xb8;
	[tilespmem:$0x1F120] =	vst v63  }
0x27d: {  	_ =	swait.ge [sflag:s13], $0x1000  }
0x27e: {  	[sflag:s13] =	ssyncset.done $0x0  }
0x27f: {  	[sflag:s13] =	ssyncadd.s32 $0xFFFFF000  }
0x280: {  	_ =	swait.ge [sflag:s13], $0x1000  }
0x281: {  	[sflag:s13] =	ssyncset.done $0x0  }
0x282: {  	s26 =	simm.s32 $0x19E40;
	[sflag:s13] =	ssyncadd.s32 $0xFFFFF000  }
0x283: {  	[spmem:s1] =	stream.indirect.scatter.add.f32 [tilespmem:s20], [sflag:$0x3], $0x20, s26, s25, $0xb8;
	[tilespmem:$0x1F120] =	vst v63  }
0x284: {  	s26 =	simm.s32 $0x19EC0  }
0x285: {  	[spmem:s1] =	stream.indirect.scatter.add.f32 [tilespmem:s28], [sflag:$0x3], $0x20, s26, s25, $0xb8;
	[tilespmem:$0x1F120] =	vst v63  }
0x286: {  	s5 =	simm.s32 $0x19640  }
0x287: {  	[spmem:s2] =	stream.indirect.scatter.add.f32 [tilespmem:s15], [sflag:$0x5], $0x1, s5, s25, $0xb8;
	[tilespmem:$0x1F120] =	vst v63  }
0x288: {  	_ =	swait.ge [sflag:s21], $0x80  }
0x289: {  	[sflag:s21] =	ssyncset.done $0x0  }
0x28a: {  	s10 =	simm.s32 $0x196C0;
	[sflag:s21] =	ssyncadd.s32 $0xFFFFFF80  }
0x28b: {  	[spmem:s2] =	stream.indirect.scatter.add.f32 [tilespmem:s15], [sflag:$0x5], $0x1, s10, s25, $0xb8;
	[tilespmem:$0x1F120] =	vst v63  }
0x28c: {  	_ =	swait.ge [sflag:s21], $0x80  }
0x28d: {  	[sflag:s21] =	ssyncset.done $0x0  }
0x28e: {  	[sflag:s21] =	ssyncadd.s32 $0xFFFFFF80  }
0x28f: {  	_ =	swait.ge [sflag:s18], $0x1000  }
0x290: {  	[sflag:s18] =	ssyncset.done $0x0  }
0x291: {  	[sflag:s18] =	ssyncadd.s32 $0xFFFFF000  }
0x292: {  	_ =	swait.ge [sflag:s18], $0x1000  }
0x293: {  	[sflag:s18] =	ssyncset.done $0x0  }
0x294: {  	[sflag:s18] =	ssyncadd.s32 $0xFFFFF000  }
0x295: {  	[tilespmem:s20], [sflag:$0x1] =	stream.indirect.gather [hbm4b:s12+s25], $0x20, s16, s25, $0xb8;
	[tilespmem:$0x1F120] =	vst v63  }
0x296: {  	_ = 	snop  }
0x297: {  	[tilespmem:s28], [sflag:$0x1] =	stream.indirect.gather [hbm4b:s12+s25], $0x20, s24, s25, $0xb8;
	[tilespmem:$0x1F120] =	vst v63  }
0x298: {  	_ =	swait.ge [sflag:s6], $0x1000  }
0x299: {  	[sflag:s6] =	ssyncset.done $0x0  }
0x29a: {  	[sflag:s6] =	ssyncadd.s32 $0xFFFFF000  }
0x29b: {  	_ =	swait.ge [sflag:s6], $0x1000  }
0x29c: {  	[sflag:s6] =	ssyncset.done $0x0  }
0x29d: {  	s10 =	simm.s32 $0x19F40;
	[sflag:s6] =	ssyncadd.s32 $0xFFFFF000  }
0x29e: {  	[spmem:s1] =	stream.indirect.scatter.add.f32 [tilespmem:s30], [sflag:$0x4], $0x20, s10, s25, $0xb8;
	[tilespmem:$0x1F120] =	vst v63  }
0x29f: {  	s26 =	simm.s32 $0x19FC0  }
0x2a0: {  	[spmem:s1] =	stream.indirect.scatter.add.f32 [tilespmem:s0], [sflag:$0x4], $0x20, s26, s25, $0xb8;
	[tilespmem:$0x1F120] =	vst v63  }
0x2a1: {  	_ = 	snop  }
0x2a2: {  	[spmem:s2] =	stream.indirect.scatter.add.f32 [tilespmem:s15], [sflag:$0x5], $0x1, s31, s25, $0xb8;
	[tilespmem:$0x1F120] =	vst v63  }
0x2a3: {  	_ =	swait.ge [sflag:s21], $0x80  }
0x2a4: {  	[sflag:s21] =	ssyncset.done $0x0  }
0x2a5: {  	s19 =	simm.s32 $0x197C0;
	[sflag:s21] =	ssyncadd.s32 $0xFFFFFF80  }
0x2a6: {  	[spmem:s2] =	stream.indirect.scatter.add.f32 [tilespmem:s15], [sflag:$0x5], $0x1, s19, s25, $0xb8;
	[tilespmem:$0x1F120] =	vst v63  }
0x2a7: {  	_ =	swait.ge [sflag:s21], $0x80  }
0x2a8: {  	[sflag:s21] =	ssyncset.done $0x0  }
0x2a9: {  	[sflag:s21] =	ssyncadd.s32 $0xFFFFFF80  }
0x2aa: {  	_ =	swait.ge [sflag:s9], $0x1000  }
0x2ab: {  	[sflag:s9] =	ssyncset.done $0x0  }
0x2ac: {  	[sflag:s9] =	ssyncadd.s32 $0xFFFFF000  }
0x2ad: {  	_ =	swait.ge [sflag:s9], $0x1000  }
0x2ae: {  	[sflag:s9] =	ssyncset.done $0x0  }
0x2af: {  	[sflag:s9] =	ssyncadd.s32 $0xFFFFF000  }
0x2b0: {  	[tilespmem:s30], [sflag:$0x2] =	stream.indirect.gather [hbm4b:s12+s25], $0x20, s23, s25, $0xb8;
	[tilespmem:$0x1F120] =	vst v63  }
0x2b1: {  	_ = 	snop  }
0x2b2: {  	[tilespmem:s0], [sflag:$0x2] =	stream.indirect.gather [hbm4b:s12+s25], $0x20, s8, s25, $0xb8;
	[tilespmem:$0x1F120] =	vst v63  }
0x2b3: {  	_ =	swait.ge [sflag:s13], $0x1000  }
0x2b4: {  	[sflag:s13] =	ssyncset.done $0x0  }
0x2b5: {  	[sflag:s13] =	ssyncadd.s32 $0xFFFFF000  }
0x2b6: {  	_ =	swait.ge [sflag:s13], $0x1000  }
0x2b7: {  	[sflag:s13] =	ssyncset.done $0x0  }
0x2b8: {  	s26 =	rddreg [dreg:$0x6];
	[sflag:s13] =	ssyncadd.s32 $0xFFFFF000  }
0x2b9: {  	[spmem:s1] =	stream.indirect.scatter.add.f32 [tilespmem:s20], [sflag:$0x3], $0x20, s26, s25, $0xb8;
	[tilespmem:$0x1F120] =	vst v63  }
0x2ba: {  	s5 =	rddreg [dreg:$0x7]  }
0x2bb: {  	[spmem:s1] =	stream.indirect.scatter.add.f32 [tilespmem:s28], [sflag:$0x3], $0x20, s5, s25, $0xb8;
	[tilespmem:$0x1F120] =	vst v63  }
0x2bc: {  	_ = 	snop  }
0x2bd: {  	[spmem:s2] =	stream.indirect.scatter.add.f32 [tilespmem:s15], [sflag:$0x5], $0x1, s16, s25, $0xb8;
	[tilespmem:$0x1F120] =	vst v63  }
0x2be: {  	_ =	swait.ge [sflag:s21], $0x80  }
0x2bf: {  	[sflag:s21] =	ssyncset.done $0x0  }
0x2c0: {  	[sflag:s21] =	ssyncadd.s32 $0xFFFFFF80  }
0x2c1: {  	[spmem:s2] =	stream.indirect.scatter.add.f32 [tilespmem:s15], [sflag:$0x5], $0x1, s24, s25, $0xb8;
	[tilespmem:$0x1F120] =	vst v63  }
0x2c2: {  	_ =	swait.ge [sflag:s21], $0x80  }
0x2c3: {  	[sflag:s21] =	ssyncset.done $0x0  }
0x2c4: {  	[sflag:s21] =	ssyncadd.s32 $0xFFFFFF80  }
0x2c5: {  	_ =	swait.ge [sflag:s18], $0x1000  }
0x2c6: {  	[sflag:s18] =	ssyncset.done $0x0  }
0x2c7: {  	[sflag:s18] =	ssyncadd.s32 $0xFFFFF000  }
0x2c8: {  	_ =	swait.ge [sflag:s18], $0x1000  }
0x2c9: {  	[sflag:s18] =	ssyncset.done $0x0  }
0x2ca: {  	[sflag:s18] =	ssyncadd.s32 $0xFFFFF000  }
0x2cb: {  	[tilespmem:s20], [sflag:$0x1] =	stream.indirect.gather [hbm4b:s12+s25], $0x20, s14, s25, $0xb8;
	[tilespmem:$0x1F120] =	vst v63  }
0x2cc: {  	_ = 	snop  }
0x2cd: {  	[tilespmem:s28], [sflag:$0x1] =	stream.indirect.gather [hbm4b:s12+s25], $0x20, s4, s25, $0xb8;
	[tilespmem:$0x1F120] =	vst v63  }
0x2ce: {  	_ =	swait.ge [sflag:s6], $0x1000  }
0x2cf: {  	[sflag:s6] =	ssyncset.done $0x0  }
0x2d0: {  	[sflag:s6] =	ssyncadd.s32 $0xFFFFF000  }
0x2d1: {  	_ =	swait.ge [sflag:s6], $0x1000  }
0x2d2: {  	[sflag:s6] =	ssyncset.done $0x0  }
0x2d3: {  	s26 =	rddreg [dreg:$0x8];
	[sflag:s6] =	ssyncadd.s32 $0xFFFFF000  }
0x2d4: {  	[spmem:s1] =	stream.indirect.scatter.add.f32 [tilespmem:s30], [sflag:$0x4], $0x20, s26, s25, $0xb8;
	[tilespmem:$0x1F120] =	vst v63  }
0x2d5: {  	s5 =	rddreg [dreg:$0x9]  }
0x2d6: {  	[spmem:s1] =	stream.indirect.scatter.add.f32 [tilespmem:s0], [sflag:$0x4], $0x20, s5, s25, $0xb8;
	[tilespmem:$0x1F120] =	vst v63  }
0x2d7: {  	_ = 	snop  }
0x2d8: {  	[spmem:s2] =	stream.indirect.scatter.add.f32 [tilespmem:s15], [sflag:$0x5], $0x1, s23, s25, $0xb8;
	[tilespmem:$0x1F120] =	vst v63  }
0x2d9: {  	_ =	swait.ge [sflag:s21], $0x80  }
0x2da: {  	[sflag:s21] =	ssyncset.done $0x0  }
0x2db: {  	[sflag:s21] =	ssyncadd.s32 $0xFFFFFF80  }
0x2dc: {  	[spmem:s2] =	stream.indirect.scatter.add.f32 [tilespmem:s15], [sflag:$0x5], $0x1, s8, s25, $0xb8;
	[tilespmem:$0x1F120] =	vst v63  }
0x2dd: {  	_ =	swait.ge [sflag:s21], $0x80  }
0x2de: {  	[sflag:s21] =	ssyncset.done $0x0  }
0x2df: {  	[sflag:s21] =	ssyncadd.s32 $0xFFFFFF80  }
0x2e0: {  	_ =	swait.ge [sflag:s9], $0x1000  }
0x2e1: {  	[sflag:s9] =	ssyncset.done $0x0  }
0x2e2: {  	[sflag:s9] =	ssyncadd.s32 $0xFFFFF000  }
0x2e3: {  	_ =	swait.ge [sflag:s9], $0x1000  }
0x2e4: {  	[sflag:s9] =	ssyncset.done $0x0  }
0x2e5: {  	[sflag:s9] =	ssyncadd.s32 $0xFFFFF000  }
0x2e6: {  	[tilespmem:s30], [sflag:$0x2] =	stream.indirect.gather [hbm4b:s12+s25], $0x20, s7, s25, $0xb8;
	[tilespmem:$0x1F120] =	vst v63  }
0x2e7: {  	_ = 	snop  }
0x2e8: {  	[tilespmem:s0], [sflag:$0x2] =	stream.indirect.gather [hbm4b:s12+s25], $0x20, s17, s25, $0xb8;
	[tilespmem:$0x1F120] =	vst v63  }
0x2e9: {  	_ =	swait.ge [sflag:s13], $0x1000  }
0x2ea: {  	[sflag:s13] =	ssyncset.done $0x0  }
0x2eb: {  	[sflag:s13] =	ssyncadd.s32 $0xFFFFF000  }
0x2ec: {  	_ =	swait.ge [sflag:s13], $0x1000  }
0x2ed: {  	[sflag:s13] =	ssyncset.done $0x0  }
0x2ee: {  	s5 =	rddreg [dreg:$0xa];
	[sflag:s13] =	ssyncadd.s32 $0xFFFFF000  }
0x2ef: {  	[spmem:s1] =	stream.indirect.scatter.add.f32 [tilespmem:s20], [sflag:$0x3], $0x20, s5, s25, $0xb8;
	[tilespmem:$0x1F120] =	vst v63  }
0x2f0: {  	s8 =	rddreg [dreg:$0xb]  }
0x2f1: {  	[spmem:s1] =	stream.indirect.scatter.add.f32 [tilespmem:s28], [sflag:$0x3], $0x20, s8, s25, $0xb8;
	[tilespmem:$0x1F120] =	vst v63  }
0x2f2: {  	_ = 	snop  }
0x2f3: {  	[spmem:s2] =	stream.indirect.scatter.add.f32 [tilespmem:s15], [sflag:$0x5], $0x1, s14, s25, $0xb8;
	[tilespmem:$0x1F120] =	vst v63  }
0x2f4: {  	_ =	swait.ge [sflag:s21], $0x80  }
0x2f5: {  	[sflag:s21] =	ssyncset.done $0x0  }
0x2f6: {  	[sflag:s21] =	ssyncadd.s32 $0xFFFFFF80  }
0x2f7: {  	[spmem:s2] =	stream.indirect.scatter.add.f32 [tilespmem:s15], [sflag:$0x5], $0x1, s4, s25, $0xb8;
	[tilespmem:$0x1F120] =	vst v63  }
0x2f8: {  	_ =	swait.ge [sflag:s21], $0x80  }
0x2f9: {  	[sflag:s21] =	ssyncset.done $0x0  }
0x2fa: {  	[sflag:s21] =	ssyncadd.s32 $0xFFFFFF80  }
0x2fb: {  	_ =	swait.ge [sflag:s6], $0x1000  }
0x2fc: {  	[sflag:s6] =	ssyncset.done $0x0  }
0x2fd: {  	[sflag:s6] =	ssyncadd.s32 $0xFFFFF000  }
0x2fe: {  	_ =	swait.ge [sflag:s6], $0x1000  }
0x2ff: {  	[sflag:s6] =	ssyncset.done $0x0  }
0x300: {  	s26 =	rddreg [dreg:$0xc];
	[sflag:s6] =	ssyncadd.s32 $0xFFFFF000  }
0x301: {  	[spmem:s1] =	stream.indirect.scatter.add.f32 [tilespmem:s30], [sflag:$0x4], $0x20, s26, s25, $0xb8;
	[tilespmem:$0x1F120] =	vst v63  }
0x302: {  	s4 =	rddreg [dreg:$0xd]  }
0x303: {  	[spmem:s1] =	stream.indirect.scatter.add.f32 [tilespmem:s0], [sflag:$0x4], $0x20, s4, s25, $0xb8;
	[tilespmem:$0x1F120] =	vst v63  }
0x304: {  	_ = 	snop  }
0x305: {  	[spmem:s2] =	stream.indirect.scatter.add.f32 [tilespmem:s15], [sflag:$0x5], $0x1, s7, s25, $0xb8;
	[tilespmem:$0x1F120] =	vst v63  }
0x306: {  	_ =	swait.ge [sflag:s21], $0x80  }
0x307: {  	[sflag:s21] =	ssyncset.done $0x0  }
0x308: {  	[sflag:s21] =	ssyncadd.s32 $0xFFFFFF80  }
0x309: {  	[spmem:s2] =	stream.indirect.scatter.add.f32 [tilespmem:s15], [sflag:$0x5], $0x1, s17, s25, $0xb8;
	[tilespmem:$0x1F120] =	vst v63  }
0x30a: {  	_ =	swait.ge [sflag:s21], $0x80  }
0x30b: {  	[sflag:s21] =	ssyncset.done $0x0  }
0x30c: {  	[sflag:s21] =	ssyncadd.s32 $0xFFFFFF80  }
0x30d: {  	_ =	swait.ge [sflag:s18], $0x1000  }
0x30e: {  	[sflag:s18] =	ssyncset.done $0x0  }
0x30f: {  	[sflag:s18] =	ssyncadd.s32 $0xFFFFF000  }
0x310: {  	_ =	swait.ge [sflag:s18], $0x1000  }
0x311: {  	[sflag:s18] =	ssyncset.done $0x0  }
0x312: {  	[sflag:s18] =	ssyncadd.s32 $0xFFFFF000  }
0x313: {  	_ =	swait.ge [sflag:s9], $0x1000  }
0x314: {  	[sflag:s9] =	ssyncset.done $0x0  }
0x315: {  	[sflag:s9] =	ssyncadd.s32 $0xFFFFF000  }
0x316: {  	_ =	swait.ge [sflag:s9], $0x1000  }
0x317: {  	[sflag:s9] =	ssyncset.done $0x0  }
0x318: {  	[sflag:s9] =	ssyncadd.s32 $0xFFFFF000  }
0x319: {  	[tilespmem:$0x19790] =	vst v2  }
0x31a: {  	[tilespmem:$0x19F90] =	vst v3  }
0x31b: {  	[tilespmem:$0x197A0] =	vst v2  }
0x31c: {  	[tilespmem:$0x19FA0] =	vst v3  }
0x31d: {  	[tilespmem:$0x197B0] =	vst v2  }
0x31e: {  	[tilespmem:$0x19FB0] =	vst v3  }
0x31f: {  	[tilespmem:$0x197C0] =	vst v2  }
0x320: {  	[tilespmem:$0x19FC0] =	vst v3  }
0x321: {  	[tilespmem:$0x197D0] =	vst v2  }
0x322: {  	[tilespmem:$0x19FD0] =	vst v3  }
0x323: {  	[tilespmem:$0x197E0] =	vst v2  }
0x324: {  	[tilespmem:$0x19FE0] =	vst v3  }
0x325: {  	[tilespmem:$0x197F0] =	vst v2  }
0x326: {  	[tilespmem:$0x19FF0] =	vst v3  }
0x327: {  	[tilespmem:$0x19800] =	vst v2  }
0x328: {  	[tilespmem:$0x1A000] =	vst v3  }
0x329: {  	[tilespmem:$0x19810] =	vst v2  }
0x32a: {  	[tilespmem:$0x1A010] =	vst v3  }
0x32b: {  	[tilespmem:$0x19820] =	vst v2  }
0x32c: {  	[tilespmem:$0x1A020] =	vst v3  }
0x32d: {  	[tilespmem:$0x19830] =	vst v2  }
0x32e: {  	s7 =	simm.s32 $0x0;
	s5 =	rddreg [dreg:$0x16];
	[tilespmem:$0x1A030] =	vst v3  }
0x32f: {  	[tilespmem:s3], [sflag:$0x5] =	stream.linear.gather [hbm4b:s5+s7], $0x350, $0x38;
	[tilespmem:$0x1F120] =	vst v63  }
0x330: {  	_ =	swait.ge [sflag:s21], $0x350  }
0x331: {  	[sflag:s21] =	ssyncset.done $0x0  }
0x332: {  	s8 =	rddreg [dreg:$0x17];
	[sflag:s21] =	ssyncadd.s32 $0xFFFFFCB0  }
0x333: {  	[tilespmem:s11], [sflag:$0x5] =	stream.linear.gather [hbm4b:s8+s7], $0x350, $0x38;
	[tilespmem:$0x1F120] =	vst v63  }
0x334: {  	_ =	swait.ge [sflag:s21], $0x350  }
0x335: {  	[sflag:s21] =	ssyncset.done $0x0  }
0x336: {  	[sflag:s21] =	ssyncadd.s32 $0xFFFFFCB0  }
0x337: {  	[tilespmem:s20], [sflag:$0x1] =	stream.indirect.gather [hbm4b:s12+s25], $0x20, s3, s25, $0xb8;
	[tilespmem:$0x1F120] =	vst v63  }
0x338: {  	_ = 	snop  }
0x339: {  	[tilespmem:s28], [sflag:$0x1] =	stream.indirect.gather [hbm4b:s12+s25], $0x20, s29, s25, $0xb8;
	[tilespmem:$0x1F120] =	vst v63  }
0x33a: {  	_ =	swait.ge [sflag:s13], $0x1000  }
0x33b: {  	[sflag:s13] =	ssyncset.done $0x0  }
0x33c: {  	[sflag:s13] =	ssyncadd.s32 $0xFFFFF000  }
0x33d: {  	_ =	swait.ge [sflag:s13], $0x1000  }
0x33e: {  	[sflag:s13] =	ssyncset.done $0x0  }
0x33f: {  	[sflag:s13] =	ssyncadd.s32 $0xFFFFF000  }
0x340: {  	[spmem:s1] =	stream.indirect.scatter.add.f32 [tilespmem:s20], [sflag:$0x3], $0x20, s11, s25, $0xb8;
	[tilespmem:$0x1F120] =	vst v63  }
0x341: {  	s11 =	simm.s32 $0x19CC0  }
0x342: {  	[spmem:s1] =	stream.indirect.scatter.add.f32 [tilespmem:s28], [sflag:$0x3], $0x20, s11, s25, $0xb8;
	[tilespmem:$0x1F120] =	vst v63  }
0x343: {  	_ =	swait.ge [sflag:s18], $0x1000  }
0x344: {  	[sflag:s18] =	ssyncset.done $0x0  }
0x345: {  	[sflag:s18] =	ssyncadd.s32 $0xFFFFF000  }
0x346: {  	_ =	swait.ge [sflag:s18], $0x1000  }
0x347: {  	[sflag:s18] =	ssyncset.done $0x0  }
0x348: {  	[sflag:s18] =	ssyncadd.s32 $0xFFFFF000  }
0x349: {  	[spmem:s2] =	stream.indirect.scatter.add.f32 [tilespmem:s15], [sflag:$0x5], $0x1, s3, s25, $0xb8;
	[tilespmem:$0x1F120] =	vst v63  }
0x34a: {  	_ =	swait.ge [sflag:s21], $0x80  }
0x34b: {  	[sflag:s21] =	ssyncset.done $0x0  }
0x34c: {  	[sflag:s21] =	ssyncadd.s32 $0xFFFFFF80  }
0x34d: {  	[spmem:s2] =	stream.indirect.scatter.add.f32 [tilespmem:s15], [sflag:$0x5], $0x1, s29, s25, $0xb8;
	[tilespmem:$0x1F120] =	vst v63  }
0x34e: {  	_ =	swait.ge [sflag:s21], $0x80  }
0x34f: {  	[sflag:s21] =	ssyncset.done $0x0  }
0x350: {  	s19 =	simm.s32 $0x19540;
	[sflag:s21] =	ssyncadd.s32 $0xFFFFFF80  }
0x351: {  	[tilespmem:s30], [sflag:$0x2] =	stream.indirect.gather [hbm4b:s12+s25], $0x20, s19, s25, $0xb8;
	[tilespmem:$0x1F120] =	vst v63  }
0x352: {  	s26 =	simm.s32 $0x195C0  }
0x353: {  	[tilespmem:s0], [sflag:$0x2] =	stream.indirect.gather [hbm4b:s12+s25], $0x20, s26, s25, $0xb8;
	[tilespmem:$0x1F120] =	vst v63  }
0x354: {  	_ =	swait.ge [sflag:s6], $0x1000  }
0x355: {  	[sflag:s6] =	ssyncset.done $0x0  }
0x356: {  	[sflag:s6] =	ssyncadd.s32 $0xFFFFF000  }
0x357: {  	_ =	swait.ge [sflag:s6], $0x1000  }
0x358: {  	[sflag:s6] =	ssyncset.done $0x0  }
0x359: {  	s8 =	simm.s32 $0x19D40;
	[sflag:s6] =	ssyncadd.s32 $0xFFFFF000  }
0x35a: {  	[spmem:s1] =	stream.indirect.scatter.add.f32 [tilespmem:s30], [sflag:$0x4], $0x20, s8, s25, $0xb8;
	[tilespmem:$0x1F120] =	vst v63  }
0x35b: {  	s11 =	simm.s32 $0x19DC0  }
0x35c: {  	[spmem:s1] =	stream.indirect.scatter.add.f32 [tilespmem:s0], [sflag:$0x4], $0x20, s11, s25, $0xb8;
	[tilespmem:$0x1F120] =	vst v63  }
0x35d: {  	_ =	swait.ge [sflag:s9], $0x1000  }
0x35e: {  	[sflag:s9] =	ssyncset.done $0x0  }
0x35f: {  	[sflag:s9] =	ssyncadd.s32 $0xFFFFF000  }
0x360: {  	_ =	swait.ge [sflag:s9], $0x1000  }
0x361: {  	[sflag:s9] =	ssyncset.done $0x0  }
0x362: {  	[sflag:s9] =	ssyncadd.s32 $0xFFFFF000  }
0x363: {  	[spmem:s2] =	stream.indirect.scatter.add.f32 [tilespmem:s15], [sflag:$0x5], $0x1, s19, s25, $0xb8;
	[tilespmem:$0x1F120] =	vst v63  }
0x364: {  	_ =	swait.ge [sflag:s21], $0x80  }
0x365: {  	[sflag:s21] =	ssyncset.done $0x0  }
0x366: {  	[sflag:s21] =	ssyncadd.s32 $0xFFFFFF80  }
0x367: {  	[spmem:s2] =	stream.indirect.scatter.add.f32 [tilespmem:s15], [sflag:$0x5], $0x1, s26, s25, $0xb8;
	[tilespmem:$0x1F120] =	vst v63  }
0x368: {  	_ =	swait.ge [sflag:s21], $0x80  }
0x369: {  	[sflag:s21] =	ssyncset.done $0x0  }
0x36a: {  	s19 =	simm.s32 $0x19640;
	[sflag:s21] =	ssyncadd.s32 $0xFFFFFF80  }
0x36b: {  	[tilespmem:s20], [sflag:$0x1] =	stream.indirect.gather [hbm4b:s12+s25], $0x20, s19, s25, $0xb8;
	[tilespmem:$0x1F120] =	vst v63  }
0x36c: {  	s26 =	simm.s32 $0x196C0  }
0x36d: {  	[tilespmem:s28], [sflag:$0x1] =	stream.indirect.gather [hbm4b:s12+s25], $0x20, s26, s25, $0xb8;
	[tilespmem:$0x1F120] =	vst v63  }
0x36e: {  	_ =	swait.ge [sflag:s13], $0x1000  }
0x36f: {  	[sflag:s13] =	ssyncset.done $0x0  }
0x370: {  	[sflag:s13] =	ssyncadd.s32 $0xFFFFF000  }
0x371: {  	_ =	swait.ge [sflag:s13], $0x1000  }
0x372: {  	[sflag:s13] =	ssyncset.done $0x0  }
0x373: {  	s8 =	simm.s32 $0x19E40;
	[sflag:s13] =	ssyncadd.s32 $0xFFFFF000  }
0x374: {  	[spmem:s1] =	stream.indirect.scatter.add.f32 [tilespmem:s20], [sflag:$0x3], $0x20, s8, s25, $0xb8;
	[tilespmem:$0x1F120] =	vst v63  }
0x375: {  	s11 =	simm.s32 $0x19EC0  }
0x376: {  	[spmem:s1] =	stream.indirect.scatter.add.f32 [tilespmem:s28], [sflag:$0x3], $0x20, s11, s25, $0xb8;
	[tilespmem:$0x1F120] =	vst v63  }
0x377: {  	_ =	swait.ge [sflag:s18], $0x1000  }
0x378: {  	[sflag:s18] =	ssyncset.done $0x0  }
0x379: {  	[sflag:s18] =	ssyncadd.s32 $0xFFFFF000  }
0x37a: {  	_ =	swait.ge [sflag:s18], $0x1000  }
0x37b: {  	[sflag:s18] =	ssyncset.done $0x0  }
0x37c: {  	[sflag:s18] =	ssyncadd.s32 $0xFFFFF000  }
0x37d: {  	[spmem:s2] =	stream.indirect.scatter.add.f32 [tilespmem:s15], [sflag:$0x5], $0x1, s19, s25, $0xb8;
	[tilespmem:$0x1F120] =	vst v63  }
0x37e: {  	_ =	swait.ge [sflag:s21], $0x80  }
0x37f: {  	[sflag:s21] =	ssyncset.done $0x0  }
0x380: {  	[sflag:s21] =	ssyncadd.s32 $0xFFFFFF80  }
0x381: {  	[spmem:s2] =	stream.indirect.scatter.add.f32 [tilespmem:s15], [sflag:$0x5], $0x1, s26, s25, $0xb8;
	[tilespmem:$0x1F120] =	vst v63  }
0x382: {  	_ =	swait.ge [sflag:s21], $0x80  }
0x383: {  	[sflag:s21] =	ssyncset.done $0x0  }
0x384: {  	[sflag:s21] =	ssyncadd.s32 $0xFFFFFF80  }
0x385: {  	[tilespmem:s30], [sflag:$0x2] =	stream.indirect.gather [hbm4b:s12+s25], $0x20, s31, s25, $0xb8;
	[tilespmem:$0x1F120] =	vst v63  }
0x386: {  	s19 =	simm.s32 $0x197C0  }
0x387: {  	[tilespmem:s0], [sflag:$0x2] =	stream.indirect.gather [hbm4b:s12+s25], $0x20, s19, s25, $0xb8;
	[tilespmem:$0x1F120] =	vst v63  }
0x388: {  	_ =	swait.ge [sflag:s6], $0x1000  }
0x389: {  	[sflag:s6] =	ssyncset.done $0x0  }
0x38a: {  	[sflag:s6] =	ssyncadd.s32 $0xFFFFF000  }
0x38b: {  	_ =	swait.ge [sflag:s6], $0x1000  }
0x38c: {  	[sflag:s6] =	ssyncset.done $0x0  }
0x38d: {  	[sflag:s6] =	ssyncadd.s32 $0xFFFFF000  }
0x38e: {  	[spmem:s1] =	stream.indirect.scatter.add.f32 [tilespmem:s30], [sflag:$0x4], $0x20, s10, s25, $0xb8;
	[tilespmem:$0x1F120] =	vst v63  }
0x38f: {  	s26 =	simm.s32 $0x19FC0  }
0x390: {  	[spmem:s1] =	stream.indirect.scatter.add.f32 [tilespmem:s0], [sflag:$0x4], $0x20, s26, s25, $0xb8;
	[tilespmem:$0x1F120] =	vst v63  }
0x391: {  	_ =	swait.ge [sflag:s9], $0x1000  }
0x392: {  	[sflag:s9] =	ssyncset.done $0x0  }
0x393: {  	[sflag:s9] =	ssyncadd.s32 $0xFFFFF000  }
0x394: {  	_ =	swait.ge [sflag:s9], $0x1000  }
0x395: {  	[sflag:s9] =	ssyncset.done $0x0  }
0x396: {  	[sflag:s9] =	ssyncadd.s32 $0xFFFFF000  }
0x397: {  	[spmem:s2] =	stream.indirect.scatter.add.f32 [tilespmem:s15], [sflag:$0x5], $0x1, s31, s25, $0xb8;
	[tilespmem:$0x1F120] =	vst v63  }
0x398: {  	_ =	swait.ge [sflag:s21], $0x80  }
0x399: {  	[sflag:s21] =	ssyncset.done $0x0  }
0x39a: {  	[sflag:s21] =	ssyncadd.s32 $0xFFFFFF80  }
0x39b: {  	[spmem:s2] =	stream.indirect.scatter.add.f32 [tilespmem:s15], [sflag:$0x5], $0x1, s19, s25, $0xb8;
	[tilespmem:$0x1F120] =	vst v63  }
0x39c: {  	_ =	swait.ge [sflag:s21], $0x80  }
0x39d: {  	[sflag:s21] =	ssyncset.done $0x0  }
0x39e: {  	[sflag:s21] =	ssyncadd.s32 $0xFFFFFF80  }
0x39f: {  	[bflag:$0x0] =	sbarrier.arrive $0xFFFF  }
0x3a0: {  	s5 =	rddreg [dreg:$0x15]  }
0x3a1: {  	[tilespmem:s22], [sflag:$0x5] =	stream.linear.gather [spmem:s5], $0xC40, $0x38;
	[tilespmem:$0x1F120] =	vst v63  }
0x3a2: {  	_ =	swait.ge [sflag:s21], $0xC40  }
0x3a3: {  	s4 =	simm.s32 $0x0;
	[sflag:s21] =	ssyncset.done $0x0  }
0x3a4: {  	s8 =	simm.s32 $0x1F100;
	s7 =	rddreg [dreg:$0x18];
	[sflag:s21] =	ssyncadd.s32 $0xFFFFF3C0  }
0x3a5: {  	[tilespmem:s8], [sflag:$0x5] =	stream.linear.gather [hbm4b:s7+s4], $0x20, $0x38;
	[tilespmem:$0x1F120] =	vst v63  }
0x3a6: {  	_ =	swait.ge [sflag:s21], $0x20  }
0x3a7: {  	[sflag:s21] =	ssyncset.done $0x0  }
0x3a8: {  	[sflag:s21] =	ssyncadd.s32 $0xFFFFFFE0  }
0x3a9: {  	v4 =	vld @!p0 [tilespmem:$0x1E4C0];
	_ =	sdelay $0x2  }
0x3aa: {  	v5 =	vimm.f32 @!p0 $-0.0e+00  }
0x3ab: {  	v5 =	vsel @!p0 vm0, $0xC5300000, v5  }
0x3ac: {  	v5 =	vadd.f32 @!p0 v5, v4;
	_ =	sdelay $0x1  }
0x3ad: {  	s10 =	rddreg [dreg:$0xe];
	v4 =	vld [tilespmem:$0x1F100];
	[tilespmem:$0x1E4C0] =	vst @!p0 v5  }
0x3ae: {  	v5 =	vld [tilespmem:$0x1F110];
	[tilespmem:s20], [sflag:$0x5] =	stream.linear.gather [spmem:s10], $0x4000, $0x38  }
0x3af: {  	s11 =	simm.s32 $0x0;
	_ =	swait.ge [sflag:s21], $0x4000  }
0x3b0: {  	v6 =	vmov s11;
	[sflag:s21] =	ssyncset.done $0x0  }
0x3b1: {  	s26 =	simm.s32 $0x1A450;
	[sflag:s21] =	ssyncadd.s32 $0xFFFFC000  }
0x3b2: {  	v7 =	vld [tilespmem:s26+$0x0]  }
0x3b3: {  	v8 =	vld [tilespmem:s26+$0xFFFFFFF0]  }
0x3b4: {  	s31 =	simm.s32 $0x1  }
0x3b5: {  	v11 =	vld.idx.msk [tilespmem:v6+s22+$0x0], $0xffff;
	v6 =	vmov s31;
	_ =	sdelay $0x1  }
0x3b6: {  	s26 =	simm.s32 $0x1A470;
	v12 =	vadd.f32 v7, v5  }
0x3b7: {  	v10 =	vld [tilespmem:s26+$0x0];
	v8 =	vadd.f32 v8, v4  }
0x3b8: {  	v9 =	vld [tilespmem:s26+$0xFFFFFFF0];
	v7 =	vimm.f32 $0.0e+00;
	v12 =	vmax.f32 v12, $0.0e+00  }
0x3b9: {  	s3 =	simm.s32 $0x19440;
	s29 =	simm.s32 $0x2;
	v6 =	vld.idx.msk [tilespmem:v6+s22+$0x0], $0xffff;
	v13 =	vmax.f32 v8, $0.0e+00;
	v8 =	vimm.f32 $0.0e+00;
	v12 =	vmul.f32 v12, v11  }
.LBB2_8:
0x3ba: {  	v14 =	vmov s29;
	p2 =	sne.s32 s29, $0x1FF;
	s29 =	sadd.s32 $0x1, s29;
	v11 =	vmul.f32 v13, v11  }
.Ltmp5:
0x3bb: {  	v7 =	vadd.f32 v12, v7;
	(pc) =	sbr.rel @p2 .LBB2_8-.Ltmp5, $4  }
0x3bc: {  	s26 =	sadd.s32 $0x20, s26;
	v12 =	vadd.f32 v10, v5;
	v8 =	vadd.f32 v11, v8  }
0x3bd: {  	v10 =	vld [tilespmem:s26+$0x0];
	v15 =	vadd.f32 v9, v4  }
0x3be: {  	v9 =	vld [tilespmem:s26+$0xFFFFFFF0];
	v12 =	vmax.f32 v12, $0.0e+00  }
0x3bf: {  	v11 =	vmov v6;
	v13 =	vmax.f32 v15, $0.0e+00;
	v12 =	vmul.f32 v12, v6;
	v6 =	vld.idx.msk [tilespmem:v14+s22+$0x0], $0xffff  }
0x3c0: {  	s5 =	rddreg [dreg:$0xf]  }
0x3c1: {  	[tilespmem:s20], [sflag:$0x5] =	stream.linear.gather [spmem:s5], $0x4000, $0x38;
	[tilespmem:$0x1F120] =	vst v63  }
0x3c2: {  	s19 =	simm.s32 $0x200;
	_ =	swait.ge [sflag:s21], $0x4000  }
0x3c3: {  	v14 =	vmov s19;
	[sflag:s21] =	ssyncset.done $0x0  }
0x3c4: {  	s11 =	simm.s32 $0x1A450;
	[sflag:s21] =	ssyncadd.s32 $0xFFFFC000  }
0x3c5: {  	v15 =	vld [tilespmem:s11+$0x0]  }
0x3c6: {  	v16 =	vld [tilespmem:s11+$0xFFFFFFF0]  }
0x3c7: {  	s26 =	simm.s32 $0x201;
	v10 =	vadd.f32 v10, v5  }
0x3c8: {  	v17 =	vadd.f32 v9, v4;
	v9 =	vld.idx.msk [tilespmem:v14+s22+$0x0], $0xffff;
	v14 =	vmov s26  }
0x3c9: {  	v11 =	vmul.f32 v13, v11;
	v7 =	vadd.f32 v12, v7;
	v10 =	vmax.f32 v10, $0.0e+00  }
0x3ca: {  	v12 =	vmax.f32 v17, $0.0e+00;
	v10 =	vmul.f32 v10, v6;
	s26 =	simm.s32 $0x1A470;
	v13 =	vadd.f32 v15, v5  }
0x3cb: {  	v6 =	vmul.f32 v12, v6;
	v15 =	vadd.f32 v11, v8;
	v11 =	vld [tilespmem:s26+$0x0];
	v12 =	vadd.f32 v16, v4  }
0x3cc: {  	s31 =	rddreg [dreg:$0x19];
	v8 =	vadd.f32 v10, v7;
	v10 =	vld [tilespmem:s26+$0xFFFFFFF0];
	v63 =	vmax.f32 v13, $0.0e+00  }
0x3cd: {  	s29 =	simm.s32 $0x202;
	s4 =	rddreg [dreg:$0x1d];
	v7 =	vld.idx.msk [tilespmem:v14+s22+$0x0], $0xffff;
	v6 =	vadd.f32 v6, v15;
	v13 =	vmax.f32 v12, $0.0e+00;
	v12 =	vmul.f32 v63, v9  }
.LBB2_10:
0x3ce: {  	v14 =	vmov s29;
	p2 =	sne.s32 s29, $0x3FF;
	s29 =	sadd.s32 $0x1, s29;
	v9 =	vmul.f32 v13, v9  }
.Ltmp6:
0x3cf: {  	v8 =	vadd.f32 v12, v8;
	(pc) =	sbr.rel @p2 .LBB2_10-.Ltmp6, $4  }
0x3d0: {  	s26 =	sadd.s32 $0x20, s26;
	v12 =	vadd.f32 v11, v5;
	v6 =	vadd.f32 v9, v6  }
0x3d1: {  	v11 =	vld [tilespmem:s26+$0x0];
	v15 =	vadd.f32 v10, v4  }
0x3d2: {  	v10 =	vld [tilespmem:s26+$0xFFFFFFF0];
	v12 =	vmax.f32 v12, $0.0e+00  }
0x3d3: {  	v9 =	vmov v7;
	v13 =	vmax.f32 v15, $0.0e+00;
	v12 =	vmul.f32 v12, v7;
	v7 =	vld.idx.msk [tilespmem:v14+s22+$0x0], $0xffff  }
0x3d4: {  	s5 =	rddreg [dreg:$0x10]  }
0x3d5: {  	[tilespmem:s20], [sflag:$0x5] =	stream.linear.gather [spmem:s5], $0x4000, $0x38;
	[tilespmem:$0x1F120] =	vst v63  }
0x3d6: {  	s19 =	simm.s32 $0x400;
	_ =	swait.ge [sflag:s21], $0x4000  }
0x3d7: {  	v14 =	vmov s19;
	[sflag:s21] =	ssyncset.done $0x0  }
0x3d8: {  	s11 =	simm.s32 $0x1A450;
	[sflag:s21] =	ssyncadd.s32 $0xFFFFC000  }
0x3d9: {  	v15 =	vld [tilespmem:s11+$0x0]  }
0x3da: {  	v16 =	vld [tilespmem:s11+$0xFFFFFFF0]  }
0x3db: {  	s26 =	simm.s32 $0x401;
	v11 =	vadd.f32 v11, v5  }
0x3dc: {  	v17 =	vadd.f32 v10, v4;
	v10 =	vld.idx.msk [tilespmem:v14+s22+$0x0], $0xffff;
	v14 =	vmov s26  }
0x3dd: {  	v9 =	vmul.f32 v13, v9;
	v8 =	vadd.f32 v12, v8;
	v11 =	vmax.f32 v11, $0.0e+00  }
0x3de: {  	v12 =	vmax.f32 v17, $0.0e+00;
	v13 =	vmul.f32 v11, v7;
	s26 =	simm.s32 $0x1A470;
	v15 =	vadd.f32 v15, v5  }
0x3df: {  	v6 =	vadd.f32 v9, v6;
	v7 =	vmul.f32 v12, v7;
	v11 =	vld [tilespmem:s26+$0x0];
	v12 =	vadd.f32 v16, v4  }
0x3e0: {  	v8 =	vadd.f32 v13, v8;
	v9 =	vld [tilespmem:s26+$0xFFFFFFF0];
	v15 =	vmax.f32 v15, $0.0e+00  }
0x3e1: {  	s29 =	simm.s32 $0x402;
	v6 =	vadd.f32 v7, v6;
	v7 =	vld.idx.msk [tilespmem:v14+s22+$0x0], $0xffff;
	v13 =	vmax.f32 v12, $0.0e+00;
	v12 =	vmul.f32 v15, v10  }
.LBB2_12:
0x3e2: {  	v14 =	vmov s29;
	p2 =	sne.s32 s29, $0x5FF;
	s29 =	sadd.s32 $0x1, s29;
	v10 =	vmul.f32 v13, v10  }
.Ltmp7:
0x3e3: {  	v8 =	vadd.f32 v12, v8;
	(pc) =	sbr.rel @p2 .LBB2_12-.Ltmp7, $4  }
0x3e4: {  	s26 =	sadd.s32 $0x20, s26;
	v12 =	vadd.f32 v11, v5;
	v6 =	vadd.f32 v10, v6  }
0x3e5: {  	v11 =	vld [tilespmem:s26+$0x0];
	v15 =	vadd.f32 v9, v4  }
0x3e6: {  	v9 =	vld [tilespmem:s26+$0xFFFFFFF0];
	v12 =	vmax.f32 v12, $0.0e+00  }
0x3e7: {  	v10 =	vmov v7;
	v13 =	vmax.f32 v15, $0.0e+00;
	v12 =	vmul.f32 v12, v7;
	v7 =	vld.idx.msk [tilespmem:v14+s22+$0x0], $0xffff  }
0x3e8: {  	s5 =	rddreg [dreg:$0x11]  }
0x3e9: {  	[tilespmem:s20], [sflag:$0x5] =	stream.linear.gather [spmem:s5], $0x4000, $0x38;
	[tilespmem:$0x1F120] =	vst v63  }
0x3ea: {  	s19 =	simm.s32 $0x600;
	_ =	swait.ge [sflag:s21], $0x4000  }
0x3eb: {  	v14 =	vmov s19;
	[sflag:s21] =	ssyncset.done $0x0  }
0x3ec: {  	s11 =	simm.s32 $0x1A450;
	[sflag:s21] =	ssyncadd.s32 $0xFFFFC000  }
0x3ed: {  	v15 =	vld [tilespmem:s11+$0x0]  }
0x3ee: {  	v16 =	vld [tilespmem:s11+$0xFFFFFFF0]  }
0x3ef: {  	s26 =	simm.s32 $0x601;
	v11 =	vadd.f32 v11, v5  }
0x3f0: {  	v17 =	vadd.f32 v9, v4;
	v9 =	vld.idx.msk [tilespmem:v14+s22+$0x0], $0xffff;
	v14 =	vmov s26  }
0x3f1: {  	v10 =	vmul.f32 v13, v10;
	v8 =	vadd.f32 v12, v8;
	v11 =	vmax.f32 v11, $0.0e+00  }
0x3f2: {  	v12 =	vmax.f32 v17, $0.0e+00;
	v13 =	vmul.f32 v11, v7;
	s26 =	simm.s32 $0x1A470;
	v15 =	vadd.f32 v15, v5  }
0x3f3: {  	v6 =	vadd.f32 v10, v6;
	v7 =	vmul.f32 v12, v7;
	v11 =	vld [tilespmem:s26+$0x0];
	v12 =	vadd.f32 v16, v4  }
0x3f4: {  	v8 =	vadd.f32 v13, v8;
	v10 =	vld [tilespmem:s26+$0xFFFFFFF0];
	v15 =	vmax.f32 v15, $0.0e+00  }
0x3f5: {  	s29 =	simm.s32 $0x602;
	v6 =	vadd.f32 v7, v6;
	v7 =	vld.idx.msk [tilespmem:v14+s22+$0x0], $0xffff;
	v13 =	vmax.f32 v12, $0.0e+00;
	v12 =	vmul.f32 v15, v9  }
.LBB2_14:
0x3f6: {  	v14 =	vmov s29;
	p2 =	sne.s32 s29, $0x7FF;
	s29 =	sadd.s32 $0x1, s29;
	v9 =	vmul.f32 v13, v9  }
.Ltmp8:
0x3f7: {  	v8 =	vadd.f32 v12, v8;
	(pc) =	sbr.rel @p2 .LBB2_14-.Ltmp8, $4  }
0x3f8: {  	s26 =	sadd.s32 $0x20, s26;
	v12 =	vadd.f32 v11, v5;
	v6 =	vadd.f32 v9, v6  }
0x3f9: {  	v11 =	vld [tilespmem:s26+$0x0];
	v15 =	vadd.f32 v10, v4  }
0x3fa: {  	v10 =	vld [tilespmem:s26+$0xFFFFFFF0];
	v12 =	vmax.f32 v12, $0.0e+00  }
0x3fb: {  	v9 =	vmov v7;
	v13 =	vmax.f32 v15, $0.0e+00;
	v12 =	vmul.f32 v12, v7;
	v7 =	vld.idx.msk [tilespmem:v14+s22+$0x0], $0xffff  }
0x3fc: {  	s5 =	rddreg [dreg:$0x12]  }
0x3fd: {  	[tilespmem:s20], [sflag:$0x5] =	stream.linear.gather [spmem:s5], $0x4000, $0x38;
	[tilespmem:$0x1F120] =	vst v63  }
0x3fe: {  	s19 =	simm.s32 $0x800;
	_ =	swait.ge [sflag:s21], $0x4000  }
0x3ff: {  	v14 =	vmov s19;
	[sflag:s21] =	ssyncset.done $0x0  }
0x400: {  	s11 =	simm.s32 $0x1A450;
	[sflag:s21] =	ssyncadd.s32 $0xFFFFC000  }
0x401: {  	v15 =	vld [tilespmem:s11+$0x0]  }
0x402: {  	v16 =	vld [tilespmem:s11+$0xFFFFFFF0]  }
0x403: {  	s26 =	simm.s32 $0x801;
	v11 =	vadd.f32 v11, v5  }
0x404: {  	v17 =	vadd.f32 v10, v4;
	v10 =	vld.idx.msk [tilespmem:v14+s22+$0x0], $0xffff;
	v14 =	vmov s26  }
0x405: {  	v9 =	vmul.f32 v13, v9;
	v8 =	vadd.f32 v12, v8;
	v11 =	vmax.f32 v11, $0.0e+00  }
0x406: {  	v12 =	vmax.f32 v17, $0.0e+00;
	v11 =	vmul.f32 v11, v7;
	s26 =	simm.s32 $0x1A470;
	v13 =	vadd.f32 v15, v5  }
0x407: {  	v6 =	vadd.f32 v9, v6;
	v12 =	vmul.f32 v12, v7;
	v9 =	vld [tilespmem:s26+$0x0];
	v15 =	vadd.f32 v16, v4  }
0x408: {  	v7 =	vadd.f32 v11, v8;
	v11 =	vld [tilespmem:s26+$0xFFFFFFF0];
	v63 =	vmax.f32 v13, $0.0e+00  }
0x409: {  	s29 =	simm.s32 $0x802;
	v6 =	vadd.f32 v12, v6;
	v8 =	vld.idx.msk [tilespmem:v14+s22+$0x0], $0xffff;
	v13 =	vmax.f32 v15, $0.0e+00;
	v12 =	vmul.f32 v63, v10  }
.LBB2_16:
0x40a: {  	v14 =	vmov s29;
	p2 =	sne.s32 s29, $0x9FF;
	s29 =	sadd.s32 $0x1, s29;
	v10 =	vmul.f32 v13, v10  }
.Ltmp9:
0x40b: {  	v7 =	vadd.f32 v12, v7;
	(pc) =	sbr.rel @p2 .LBB2_16-.Ltmp9, $4  }
0x40c: {  	s26 =	sadd.s32 $0x20, s26;
	v12 =	vadd.f32 v9, v5;
	v6 =	vadd.f32 v10, v6  }
0x40d: {  	v9 =	vld [tilespmem:s26+$0x0];
	v15 =	vadd.f32 v11, v4  }
0x40e: {  	v11 =	vld [tilespmem:s26+$0xFFFFFFF0];
	v12 =	vmax.f32 v12, $0.0e+00  }
0x40f: {  	v10 =	vmov v8;
	v13 =	vmax.f32 v15, $0.0e+00;
	v12 =	vmul.f32 v12, v8;
	v8 =	vld.idx.msk [tilespmem:v14+s22+$0x0], $0xffff  }
0x410: {  	_ =	sdelay $0x2  }
0x411: {  	p4 =	sne.s32 s31, $0xA01;
	v9 =	vadd.f32 v9, v5;
	v11 =	vadd.f32 v11, v4  }
.Ltmp10:
0x412: {  	s5 =	rddreg [dreg:$0x13];
	v10 =	vmul.f32 v13, v10;
	(pc) =	sbr.rel @!p4 .LBB2_18-.Ltmp10, $4  }
0x413: {  	[tilespmem:s20], [sflag:$0x5] =	stream.linear.gather [spmem:s5], $0x4000, $0x38;
	v7 =	vadd.f32 v12, v7;
	v9 =	vmax.f32 v9, $0.0e+00;
	v11 =	vmax.f32 v11, $0.0e+00;
	[tilespmem:$0x1F120] =	vst v63  }
0x414: {  	s19 =	simm.s32 $0xA00;
	_ =	swait.ge [sflag:s21], $0x4000;
	v10 =	vadd.f32 v10, v6;
	v6 =	vmul.f32 v9, v8;
	v8 =	vmul.f32 v11, v8  }
0x415: {  	s26 =	simm.s32 $0xA01;
	p2 =	por $0x0, $0x0;
	[sflag:s21] =	ssyncset.done $0x0  }
0x416: {  	p3 =	por $0x0, $0x0;
	s5 =	simm.s32 $0x1A450;
	[sflag:s21] =	ssyncadd.s32 $0xFFFFC000;
	v6 =	vadd.f32 v6, v7;
	v7 =	vadd.f32 v8, v10;
	v8 =	vmov s19  }
0x417: {  	p4 =	sne.s32 s31, $0xA02  }
.Ltmp11:
0x418: {  	_ = 	snop;
	(pc) =	sbr.rel @!p4 .LBB2_20-.Ltmp11, $4  }
0x419: {  	_ = 	snop  }
0x41a: {  	v15 =	vld [tilespmem:s5+$0x0]  }
0x41b: {  	v14 =	vld.idx.msk [tilespmem:v8+s22+$0x0], $0xffff  }
0x41c: {  	s7 =	simm.s32 $0xA02;
	v9 =	vld [tilespmem:s5+$0xFFFFFFF0];
	v8 =	vmov s26;
	p2 =	por $0x1, $0x1  }
0x41d: {  	_ =	sdelay $0x3  }
0x41e: {  	p4 =	sne.s32 s31, $0xA03;
	v10 =	vadd.f32 v15, v5;
	v9 =	vadd.f32 v9, v4  }
.Ltmp12:
0x41f: {  	s29 =	simm.s32 $0x1A470;
	(pc) =	sbr.rel @!p4 .LBB2_22-.Ltmp12, $3  }
0x420: {  	v15 =	vld [tilespmem:s29+$0x0];
	v10 =	vmax.f32 v10, $0.0e+00;
	v11 =	vmax.f32 v9, $0.0e+00  }
0x421: {  	v9 =	vld [tilespmem:s29+$0xFFFFFFF0];
	_ =	sdelay $0x1  }
0x422: {  	v16 =	vld.idx.msk [tilespmem:v8+s22+$0x0], $0xffff;
	s26 =	simm.s32 $0xA03;
	v8 =	vmov s7;
	p3 =	por $0x1, $0x1;
	v13 =	vmul.f32 v10, v14;
	v12 =	vmul.f32 v11, v14;
	v10 =	vmovc v7;
	v11 =	vmovc v6  }
.LBB2_23:
0x423: {  	s19 =	smov.u32 s26;
	s26 =	sadd.s32 $0x1, s26  }
0x424: {  	s29 =	sadd.s32 $0x20, s29;
	v10 =	vadd.f32 v12, v10;
	v11 =	vadd.f32 v13, v11;
	p4 =	sne.s32 s31, s26  }
.Ltmp13:
0x425: {  	v13 =	vadd.f32 v15, v5;
	v12 =	vadd.f32 v9, v4;
	v15 =	vld [tilespmem:s29+$0x0];
	(pc) =	sbr.rel @p4 .LBB2_23-.Ltmp13, $4  }
0x426: {  	v9 =	vld [tilespmem:s29+$0xFFFFFFF0]  }
0x427: {  	v13 =	vmax.f32 v13, $0.0e+00;
	v12 =	vmax.f32 v12, $0.0e+00  }
0x428: {  	v13 =	vmul.f32 v13, v16;
	v12 =	vmul.f32 v12, v16;
	v16 =	vld.idx.msk [tilespmem:v8+s22+$0x0], $0xffff  }
0x429: {  	v8 =	vmov s19  }
0x42a: {  	_ =	sdelay $0x2  }
0x42b: {  	v14 =	vmov v16  }
.LBB2_25:
0x42c: {  	s19 =	sadd.s32 @p2 $0x20, s29  }
0x42d: {  	s5 =	smov.u32 @p2 s19  }
0x42e: {  	v16 =	vld [tilespmem:s5+$0x0]  }
0x42f: {  	v9 =	vadd.f32 @p2 v9, v4;
	v17 =	vld [tilespmem:s5+$0xFFFFFFF0]  }
0x430: {  	v15 =	vadd.f32 @p2 v15, v5  }
0x431: {  	v10 =	vadd.f32 @p3 v12, v10;
	v9 =	vmax.f32 @p2 v9, $0.0e+00  }
0x432: {  	v8 =	vld.idx.msk [tilespmem:v8+s22+$0x0], $0xffff;
	v12 =	vmax.f32 @p2 v15, $0.0e+00;
	v9 =	vmul.f32 @p2 v9, v14  }
0x433: {  	v11 =	vadd.f32 @p3 v13, v11;
	v10 =	vpsel p3, v10, v7;
	v12 =	vmul.f32 @p2 v12, v14  }
0x434: {  	v9 =	vpsel p2, v9, v0;
	v59 =	vadd.f32 v17, v4;
	v60 =	vadd.f32 v16, v5  }
0x435: {  	v11 =	vpsel p3, v11, v6;
	v12 =	vpsel p2, v12, v0;
	v9 =	vadd.f32 @p2 v9, v10  }
.Ltmp14:
0x436: {  	s31 =	rddreg [dreg:$0x14];
	v10 =	vadd.f32 @p2 v12, v11;
	v61 =	vmax.f32 v59, $0.0e+00;
	v62 =	vmax.f32 v60, $0.0e+00;
	(pc) =	sbr.rel @p1 .LBB2_35-.Ltmp14, $4  }
0x437: {  	[tilespmem:s20], [sflag:$0x5] =	stream.linear.gather [spmem:s31], $0x800, $0x38;
	v11 =	vmul.f32 v61, v8;
	v8 =	vmul.f32 v62, v8;
	[tilespmem:$0x1F120] =	vst v63  }
0x438: {  	_ =	swait.ge [sflag:s21], $0x800;
	v7 =	vpsel p2, v9, v7;
	v63 =	vpsel p2, v10, v6  }
0x439: {  	[sflag:s21] =	ssyncset.done $0x0;
	v6 =	vadd.f32 v11, v7;
	v7 =	vadd.f32 v8, v63  }
0x43a: {  	[sflag:s21] =	ssyncadd.s32 $0xFFFFF800  }
0x43b: {  	s5 =	rddreg [dreg:$0x1a]  }
0x43c: {  	p4 =	sne.s32 s5, $0xC01  }
.Ltmp15:
0x43d: {  	_ = 	snop;
	(pc) =	sbr.rel @!p4 .LBB2_27-.Ltmp15, $3  }
0x43e: {  	_ =	sdelay $0x1  }
0x43f: {  	s19 =	simm.s32 $0xC00;
	s7 =	simm.s32 $0x1A450  }
0x440: {  	s26 =	simm.s32 $0xC01;
	p2 =	por $0x0, $0x0;
	p3 =	por $0x0, $0x0;
	v8 =	vmov s19  }
0x441: {  	p4 =	sne.s32 s5, $0xC02  }
.Ltmp16:
0x442: {  	_ = 	snop;
	(pc) =	sbr.rel @!p4 .LBB2_29-.Ltmp16, $4  }
0x443: {  	_ = 	snop  }
0x444: {  	v15 =	vld [tilespmem:s7+$0x0]  }
0x445: {  	v9 =	vld [tilespmem:s7+$0xFFFFFFF0]  }
0x446: {  	v14 =	vld.idx.msk [tilespmem:v8+s22+$0x0], $0xffff;
	s8 =	simm.s32 $0xC02;
	v8 =	vmov s26;
	p2 =	por $0x1, $0x1  }
0x447: {  	_ =	sdelay $0x2  }
0x448: {  	p4 =	sne.s32 s5, $0xC03;
	v10 =	vadd.f32 v15, v5;
	v9 =	vadd.f32 v9, v4  }
.Ltmp17:
0x449: {  	s29 =	simm.s32 $0x1A470;
	(pc) =	sbr.rel @!p4 .LBB2_31-.Ltmp17, $3  }
0x44a: {  	v15 =	vld [tilespmem:s29+$0x0];
	v10 =	vmax.f32 v10, $0.0e+00;
	v11 =	vmax.f32 v9, $0.0e+00  }
0x44b: {  	v9 =	vld [tilespmem:s29+$0xFFFFFFF0];
	_ =	sdelay $0x1  }
0x44c: {  	v16 =	vld.idx.msk [tilespmem:v8+s22+$0x0], $0xffff;
	s26 =	simm.s32 $0xC03;
	v8 =	vmov s8;
	p3 =	por $0x1, $0x1;
	v13 =	vmul.f32 v10, v14;
	v12 =	vmul.f32 v11, v14;
	v10 =	vmovc v6;
	v11 =	vmovc v7  }
.LBB2_32:
0x44d: {  	s19 =	smov.u32 s26;
	s26 =	sadd.s32 $0x1, s26  }
0x44e: {  	s29 =	sadd.s32 $0x20, s29;
	v10 =	vadd.f32 v12, v10;
	v11 =	vadd.f32 v13, v11;
	p4 =	sne.s32 s5, s26  }
.Ltmp18:
0x44f: {  	v13 =	vadd.f32 v15, v5;
	v12 =	vadd.f32 v9, v4;
	v15 =	vld [tilespmem:s29+$0x0];
	(pc) =	sbr.rel @p4 .LBB2_32-.Ltmp18, $4  }
0x450: {  	v9 =	vld [tilespmem:s29+$0xFFFFFFF0]  }
0x451: {  	v13 =	vmax.f32 v13, $0.0e+00;
	v12 =	vmax.f32 v12, $0.0e+00  }
0x452: {  	v13 =	vmul.f32 v13, v16;
	v12 =	vmul.f32 v12, v16;
	v16 =	vld.idx.msk [tilespmem:v8+s22+$0x0], $0xffff  }
0x453: {  	v8 =	vmov s19  }
.Ltmp19:
0x454: {  	(pc) =	sbr.rel .LBB2_34-.Ltmp19, $2  }
0x455: {  	_ =	sdelay $0x2  }
0x456: {  	v14 =	vmov v16  }
.LBB2_18:
.Ltmp20:
0x457: {  	(pc) =	sbr.rel .LBB2_25-.Ltmp20, $2  }
0x458: {  	_ =	sdelay $0x2  }
0x459: {  	s29 =	simm.s32 $0x1A450;
	v10 =	vmov v7;
	v11 =	vmov v6  }
.LBB2_20:
.Ltmp21:
0x45a: {  	(pc) =	sbr.rel .LBB2_25-.Ltmp21, $2  }
0x45b: {  	_ =	sdelay $0x2  }
0x45c: {  	s29 =	simm.s32 $0x1A450;
	v10 =	vmov v7;
	v11 =	vmov v6  }
.LBB2_22:
.Ltmp22:
0x45d: {  	_ = 	snop;
	(pc) =	sbr.rel .LBB2_25-.Ltmp22, $2  }
0x45e: {  	_ =	sdelay $0x2  }
0x45f: {  	v10 =	vmov v7;
	v11 =	vmov v6;
	v14 =	vmov v16  }
.LBB2_29:
.Ltmp23:
0x460: {  	(pc) =	sbr.rel .LBB2_34-.Ltmp23, $2  }
0x461: {  	_ =	sdelay $0x2  }
0x462: {  	s29 =	simm.s32 $0x1A450;
	v10 =	vmov v6;
	v11 =	vmov v7  }
.LBB2_31:
.Ltmp24:
0x463: {  	_ = 	snop;
	(pc) =	sbr.rel .LBB2_34-.Ltmp24, $2  }
0x464: {  	_ =	sdelay $0x2  }
0x465: {  	v10 =	vmov v6;
	v11 =	vmov v7;
	v14 =	vmov v16  }
.LBB2_36:
0x466: {  	_ =	sfence.sel $0x180000  }
0x467: {  	[bflag:$0x0] =	sbarrier.arrive $0xFFFF  }
0x468: {  	_ =	strace $0x90000047  }
0x469: {  	[bflag:$0x2] =	sbarrier.arrive $0xFFFF  }
0x46a: {  	s0 =	rddreg [dreg:$0x4]  }
0x46b: {  	s0 =	sadd.s32 @!p0 $0x100000, s0  }
0x46c: {  	[sflag:s0] =	ssyncadd.tile.s32 @!p0 $0x1;
	_ =	shalt  }
.Lfunc_end2:
_tile_overlayer_lowered:
.L_overlay_start_2:
0x46d: {  	(tag) =	ssettag $0x2  }
0x46e: {  	s0 =	rddreg [dreg:$0x0];
	s2 =	stileid.u32  }
0x46f: {  	s1 =	rddreg [dreg:$0x1];
	p0 =	sne.s32 s2, $0x0  }
0x470: {  	s3 =	rddreg [dreg:$0x2];
	[bflag:$0x3] =	sbarrier.arrive $0xFFFF;
	s2 =	simm.s32 @!p0 $0x1C05  }
0x471: {  	[timem:s3], [sflag:s2] =	dma.local @!p0 [hbm:s0], s1  }
0x472: {  	s0 =	simm.s32 @!p0 $0x5  }
0x473: {  	_ =	swait.ge @!p0 [sflag:s0], s1  }
0x474: {  	s1 =	ssub.s32 @!p0 $0x0, s1;
	[sflag:s0] =	ssyncset.done @!p0 $0x0  }
0x475: {  	[sflag:s0] =	ssyncadd.s32 @!p0 s1  }
0x476: {  	[bflag:$0x3] =	sbarrier.arrive $0xFFFF  }
0x477: {  	_ =	shalt  }

</sc_bundles>
